<compile_context>
chip_gen: v7x
topology: tpu7x:2x2x1
jax: 0.10.2.dev20260603
libtpu: 0.0.44.dev20260713+nightly
codegen_flags: <defaults>
</compile_context>

<pallas_src>
import jax
import jax.numpy as jnp
from jax import lax
from jax.experimental import pallas as pl
from jax.experimental.pallas import tpu as pltpu
from jax.experimental.pallas import tpu_sc as plsc

NUM_ROWS = 16384
NUM_COLS = 1000

NC = 2
NS = 16
L = 16
NW = NC * NS

COLS_PER_W = NUM_ROWS // NW
CHUNK_COLS = 128
NCHUNK = COLS_PER_W // CHUNK_COLS
SPLIT = 512


def _body(idx_hbm, out_hbm, idx_v, buf_a, buf_b, sem_a, sem_b):
    wid = lax.axis_index("s") * NC + lax.axis_index("c")
    base = wid * COLS_PER_W

    idx_copy = pltpu.make_async_copy(
        idx_hbm.at[pl.ds(base, COLS_PER_W)], idx_v, sem_a
    )
    idx_copy.start()

    zeros16 = jnp.zeros((L,), jnp.float32)
    ones16 = jnp.ones((L,), jnp.float32)
    lanes = lax.iota(jnp.int32, L)

    def _zero_rows(buf, r_lo, r_hi):
        def body(i, carry):
            for r in range(2):
                for u in range(CHUNK_COLS // L):
                    buf[r_lo + i * 2 + r, pl.ds(u * L, L)] = zeros16
            return carry

        lax.fori_loop(0, (r_hi - r_lo) // 2, body, 0)

    def _scatter(buf, lo, c, val, slab=None):
        for g in range(CHUNK_COLS // L):
            rows = idx_v[pl.ds(c * CHUNK_COLS + g * L, L)]
            cols = lanes + g * L
            local = rows - lo if lo else rows
            if slab is None:
                s_lo, s_hi = 0, buf.shape[0]
            else:
                s_lo, s_hi = slab
            mask = (local >= s_lo) & (local < s_hi)
            plsc.store_scatter(buf, [local, cols], val, mask=mask)

    def _dst(lo, nrows, c):
        return out_hbm.at[
            pl.ds(lo, nrows), pl.ds(base + c * CHUNK_COLS, CHUNK_COLS)
        ]

    halves = (
        (buf_a, sem_a, 0, SPLIT),
        (buf_b, sem_b, SPLIT, NUM_COLS - SPLIT),
    )

    first = True
    for buf, sem, lo, nrows in halves:
        for s_lo in range(0, nrows, 128):
            s_hi = min(s_lo + 128, nrows)
            _zero_rows(buf, s_lo, s_hi)
            if first:
                idx_copy.wait()
                first = False
            _scatter(buf, lo, 0, ones16, slab=(s_lo, s_hi))
            pltpu.async_copy(
                buf.at[pl.ds(s_lo, s_hi - s_lo)],
                out_hbm.at[
                    pl.ds(lo + s_lo, s_hi - s_lo), pl.ds(base, CHUNK_COLS)
                ],
                sem,
            )
    for c in range(1, NCHUNK):
        for buf, sem, lo, nrows in halves:
            pltpu.make_async_copy(buf, _dst(lo, nrows, c - 1), sem).wait()
            _scatter(buf, lo, c - 1, zeros16)
            _scatter(buf, lo, c, ones16)
            pltpu.async_copy(buf, _dst(lo, nrows, c), sem)
    for buf, sem, lo, nrows in halves:
        pltpu.make_async_copy(buf, _dst(lo, nrows, NCHUNK - 1), sem).wait()


@jax.jit
def kernel(indices):
    flat_idx = indices.reshape(NUM_ROWS).astype(jnp.int32)
    mesh = plsc.VectorSubcoreMesh(core_axis_name="c", subcore_axis_name="s")
    out_t = pl.kernel(
        _body,
        mesh=mesh,
        compiler_params=pltpu.CompilerParams(needs_layout_passes=False),
        out_type=jax.ShapeDtypeStruct((NUM_COLS, NUM_ROWS), jnp.float32),
        scratch_types=[
            pltpu.VMEM((COLS_PER_W,), jnp.int32),
            pltpu.VMEM((SPLIT, CHUNK_COLS), jnp.float32),
            pltpu.VMEM((NUM_COLS - SPLIT, CHUNK_COLS), jnp.float32),
            pltpu.SemaphoreType.DMA,
            pltpu.SemaphoreType.DMA,
        ],
    )(flat_idx)
    return out_t.T

# --- scband reference (transcript-rebuilt; emitter-appended) ---
"""Pipeline reference for scband-my-model-61933428414142 (READ-ONLY COPY).

The authoritative reference and input builder live on the scoring server;
editing this copy changes nothing except your own understanding.
"""

import jax, jax.numpy as jnp
import numpy as np

NUM_CLASSES = 1000

def setup_inputs(seed: int = 0) -> dict:
    key = jax.random.key(seed)
    indices = jax.random.randint(key, (16384, 1), 0, NUM_CLASSES, dtype=jnp.int64 if jax.config.jax_enable_x64 else jnp.int32)
    return {"indices": indices}

def reference(indices):
    # Faithful translation of MyModel.forward:
    #   eye = torch.eye(num_classes); flat = indices.squeeze(-1); return eye[flat]
    eye = jnp.eye(NUM_CLASSES, dtype=jnp.float32)
    flat_indices = jnp.squeeze(indices, axis=-1)
    return jnp.take(eye, flat_indices, axis=0)

if __name__ == "__main__":
    import jax
    _d = setup_inputs()
    print(jax.jit(kernel)(*tuple(_d.values())))

</pallas_src>

<mosaic_0001>
#map = affine_map<(d0, d1) -> (0)>
#map1 = affine_map<(d0, d1) -> (0, 0)>
module attributes {stable_mosaic.version = 14 : i64} {
  func.func @_body(%arg0: i32, %arg1: i32, %arg2: memref<16384xi32, #tpu.memory_space<hbm>>, %arg3: memref<1000x16384xf32, #tpu.memory_space<hbm>>, %arg4: memref<512xi32, #tpu.memory_space<vmem>>, %arg5: memref<512x128xf32, #tpu.memory_space<vmem>>, %arg6: memref<488x128xf32, #tpu.memory_space<vmem>>, %arg7: memref<!tpu.dma_semaphore, #tpu.memory_space<semaphore_mem>>, %arg8: memref<!tpu.dma_semaphore, #tpu.memory_space<semaphore_mem>>) attributes {dimension_semantics = [#tpu.dimension_semantics<core_parallel>, #tpu.dimension_semantics<subcore_parallel>], iteration_bounds = array<i64: 2, 16>, scalar_prefetch = 0 : i64, scratch_operands = 5 : i64, tpu.core_type = #tpu.core_type<sc_vector_subcore>, window_params = [{transform_indices = #map}, {transform_indices = #map1}]} {
    %mul3A = arith.constant 2 : i32
    %mul3A_0 = arith.muli %arg1, %mul3A : i32
    %add3A = arith.addi %mul3A_0, %arg0 : i32
    %mul3A_1 = arith.constant 512 : i32
    %mul3A_2 = arith.muli %add3A, %mul3A_1 : i32
    %dma_start3A = tpu.memref_slice %arg2[%mul3A_2] : memref<16384xi32, #tpu.memory_space<hbm>> -> memref<512xi32, #tpu.memory_space<hbm>>
    %dma_start3A_3 = tpu.memref_slice %arg2[%mul3A_2] : memref<16384xi32, #tpu.memory_space<hbm>> -> memref<512xi32, #tpu.memory_space<hbm>>
    tpu.enqueue_dma source(%dma_start3A_3 : memref<512xi32, #tpu.memory_space<hbm>>) target(%arg4 : memref<512xi32, #tpu.memory_space<vmem>>) target_semaphore(%arg7 : memref<!tpu.dma_semaphore, #tpu.memory_space<semaphore_mem>>)
    %broadcast_in_dim3A = arith.constant 0.000000e+00 : f32
    %broadcast_in_dim3A_4 = vector.broadcast %broadcast_in_dim3A : f32 to vector<16xf32>
    %broadcast_in_dim3A_5 = arith.constant 1.000000e+00 : f32
    %broadcast_in_dim3A_6 = vector.broadcast %broadcast_in_dim3A_5 : f32 to vector<16xf32>
    %iota3A = tpu.iota {dimensions = array<i32: 0>} : vector<16xi32>
    %scan3A = arith.constant 0 : i32
    %scan3A_7 = arith.constant 0 : i32
    %scan3A_8 = arith.constant 64 : i32
    %scan3A_9 = arith.addi %scan3A_7, %scan3A_8 : i32
    %scan3A_10 = arith.constant 1 : i32
    scf.for %scan3A_2374 = %scan3A_7 to %scan3A_9 step %scan3A_10  : i32 {
      %mul3A_2375 = arith.constant 2 : i32
      %mul3A_2376 = arith.muli %scan3A_2374, %mul3A_2375 : i32
      %add3A_2377 = arith.constant 0 : i32
      %add3A_2378 = arith.addi %add3A_2377, %mul3A_2376 : i32
      %add3A_2379 = arith.constant 0 : i32
      %add3A_2380 = arith.addi %add3A_2378, %add3A_2379 : i32
      %swap3A = arith.index_cast %add3A_2380 : i32 to index
      %swap3A_2381 = arith.constant 0 : index
      %swap3A_2382 = tpu.vector_load %arg5[%swap3A, %swap3A_2381] {strides = array<i32>} : memref<512x128xf32, #tpu.memory_space<vmem>>, vector<16xf32>,
      tpu.vector_store %arg5[%swap3A, %swap3A_2381], %broadcast_in_dim3A_4 {strides = array<i32>} : memref<512x128xf32, #tpu.memory_space<vmem>>, vector<16xf32>,
      %mul3A_2383 = arith.constant 2 : i32
      %mul3A_2384 = arith.muli %scan3A_2374, %mul3A_2383 : i32
      %add3A_2385 = arith.constant 0 : i32
      %add3A_2386 = arith.addi %add3A_2385, %mul3A_2384 : i32
      %add3A_2387 = arith.constant 0 : i32
      %add3A_2388 = arith.addi %add3A_2386, %add3A_2387 : i32
      %swap3A_2389 = arith.index_cast %add3A_2388 : i32 to index
      %swap3A_2390 = arith.constant 16 : index
      %swap3A_2391 = tpu.vector_load %arg5[%swap3A_2389, %swap3A_2390] {strides = array<i32>} : memref<512x128xf32, #tpu.memory_space<vmem>>, vector<16xf32>,
      tpu.vector_store %arg5[%swap3A_2389, %swap3A_2390], %broadcast_in_dim3A_4 {strides = array<i32>} : memref<512x128xf32, #tpu.memory_space<vmem>>, vector<16xf32>,
      %mul3A_2392 = arith.constant 2 : i32
      %mul3A_2393 = arith.muli %scan3A_2374, %mul3A_2392 : i32
      %add3A_2394 = arith.constant 0 : i32
      %add3A_2395 = arith.addi %add3A_2394, %mul3A_2393 : i32
      %add3A_2396 = arith.constant 0 : i32
      %add3A_2397 = arith.addi %add3A_2395, %add3A_2396 : i32
      %swap3A_2398 = arith.index_cast %add3A_2397 : i32 to index
      %swap3A_2399 = arith.constant 32 : index
      %swap3A_2400 = tpu.vector_load %arg5[%swap3A_2398, %swap3A_2399] {strides = array<i32>} : memref<512x128xf32, #tpu.memory_space<vmem>>, vector<16xf32>,
      tpu.vector_store %arg5[%swap3A_2398, %swap3A_2399], %broadcast_in_dim3A_4 {strides = array<i32>} : memref<512x128xf32, #tpu.memory_space<vmem>>, vector<16xf32>,
      %mul3A_2401 = arith.constant 2 : i32
      %mul3A_2402 = arith.muli %scan3A_2374, %mul3A_2401 : i32
      %add3A_2403 = arith.constant 0 : i32
      %add3A_2404 = arith.addi %add3A_2403, %mul3A_2402 : i32
      %add3A_2405 = arith.constant 0 : i32
      %add3A_2406 = arith.addi %add3A_2404, %add3A_2405 : i32
      %swap3A_2407 = arith.index_cast %add3A_2406 : i32 to index
      %swap3A_2408 = arith.constant 48 : index
      %swap3A_2409 = tpu.vector_load %arg5[%swap3A_2407, %swap3A_2408] {strides = array<i32>} : memref<512x128xf32, #tpu.memory_space<vmem>>, vector<16xf32>,
      tpu.vector_store %arg5[%swap3A_2407, %swap3A_2408], %broadcast_in_dim3A_4 {strides = array<i32>} : memref<512x128xf32, #tpu.memory_space<vmem>>, vector<16xf32>,
      %mul3A_2410 = arith.constant 2 : i32
      %mul3A_2411 = arith.muli %scan3A_2374, %mul3A_2410 : i32
      %add3A_2412 = arith.constant 0 : i32
      %add3A_2413 = arith.addi %add3A_2412, %mul3A_2411 : i32
      %add3A_2414 = arith.constant 0 : i32
      %add3A_2415 = arith.addi %add3A_2413, %add3A_2414 : i32
      %swap3A_2416 = arith.index_cast %add3A_2415 : i32 to index
      %swap3A_2417 = arith.constant 64 : index
      %swap3A_2418 = tpu.vector_load %arg5[%swap3A_2416, %swap3A_2417] {strides = array<i32>} : memref<512x128xf32, #tpu.memory_space<vmem>>, vector<16xf32>,
      tpu.vector_store %arg5[%swap3A_2416, %swap3A_2417], %broadcast_in_dim3A_4 {strides = array<i32>} : memref<512x128xf32, #tpu.memory_space<vmem>>, vector<16xf32>,
      %mul3A_2419 = arith.constant 2 : i32
      %mul3A_2420 = arith.muli %scan3A_2374, %mul3A_2419 : i32
      %add3A_2421 = arith.constant 0 : i32
      %add3A_2422 = arith.addi %add3A_2421, %mul3A_2420 : i32
      %add3A_2423 = arith.constant 0 : i32
      %add3A_2424 = arith.addi %add3A_2422, %add3A_2423 : i32
      %swap3A_2425 = arith.index_cast %add3A_2424 : i32 to index
      %swap3A_2426 = arith.constant 80 : index
      %swap3A_2427 = tpu.vector_load %arg5[%swap3A_2425, %swap3A_2426] {strides = array<i32>} : memref<512x128xf32, #tpu.memory_space<vmem>>, vector<16xf32>,
      tpu.vector_store %arg5[%swap3A_2425, %swap3A_2426], %broadcast_in_dim3A_4 {strides = array<i32>} : memref<512x128xf32, #tpu.memory_space<vmem>>, vector<16xf32>,
      %mul3A_2428 = arith.constant 2 : i32
      %mul3A_2429 = arith.muli %scan3A_2374, %mul3A_2428 : i32
      %add3A_2430 = arith.constant 0 : i32
      %add3A_2431 = arith.addi %add3A_2430, %mul3A_2429 : i32
      %add3A_2432 = arith.constant 0 : i32
      %add3A_2433 = arith.addi %add3A_2431, %add3A_2432 : i32
      %swap3A_2434 = arith.index_cast %add3A_2433 : i32 to index
      %swap3A_2435 = arith.constant 96 : index
      %swap3A_2436 = tpu.vector_load %arg5[%swap3A_2434, %swap3A_2435] {strides = array<i32>} : memref<512x128xf32, #tpu.memory_space<vmem>>, vector<16xf32>,
      tpu.vector_store %arg5[%swap3A_2434, %swap3A_2435], %broadcast_in_dim3A_4 {strides = array<i32>} : memref<512x128xf32, #tpu.memory_space<vmem>>, vector<16xf32>,
      %mul3A_2437 = arith.constant 2 : i32
      %mul3A_2438 = arith.muli %scan3A_2374, %mul3A_2437 : i32
      %add3A_2439 = arith.constant 0 : i32
      %add3A_2440 = arith.addi %add3A_2439, %mul3A_2438 : i32
      %add3A_2441 = arith.constant 0 : i32
      %add3A_2442 = arith.addi %add3A_2440, %add3A_2441 : i32
      %swap3A_2443 = arith.index_cast %add3A_2442 : i32 to index
      %swap3A_2444 = arith.constant 112 : index
      %swap3A_2445 = tpu.vector_load %arg5[%swap3A_2443, %swap3A_2444] {strides = array<i32>} : memref<512x128xf32, #tpu.memory_space<vmem>>, vector<16xf32>,
      tpu.vector_store %arg5[%swap3A_2443, %swap3A_2444], %broadcast_in_dim3A_4 {strides = array<i32>} : memref<512x128xf32, #tpu.memory_space<vmem>>, vector<16xf32>,
      %mul3A_2446 = arith.constant 2 : i32
      %mul3A_2447 = arith.muli %scan3A_2374, %mul3A_2446 : i32
      %add3A_2448 = arith.constant 0 : i32
      %add3A_2449 = arith.addi %add3A_2448, %mul3A_2447 : i32
      %add3A_2450 = arith.constant 1 : i32
      %add3A_2451 = arith.addi %add3A_2449, %add3A_2450 : i32
      %swap3A_2452 = arith.index_cast %add3A_2451 : i32 to index
      %swap3A_2453 = arith.constant 0 : index
      %swap3A_2454 = tpu.vector_load %arg5[%swap3A_2452, %swap3A_2453] {strides = array<i32>} : memref<512x128xf32, #tpu.memory_space<vmem>>, vector<16xf32>,
      tpu.vector_store %arg5[%swap3A_2452, %swap3A_2453], %broadcast_in_dim3A_4 {strides = array<i32>} : memref<512x128xf32, #tpu.memory_space<vmem>>, vector<16xf32>,
      %mul3A_2455 = arith.constant 2 : i32
      %mul3A_2456 = arith.muli %scan3A_2374, %mul3A_2455 : i32
      %add3A_2457 = arith.constant 0 : i32
      %add3A_2458 = arith.addi %add3A_2457, %mul3A_2456 : i32
      %add3A_2459 = arith.constant 1 : i32
      %add3A_2460 = arith.addi %add3A_2458, %add3A_2459 : i32
      %swap3A_2461 = arith.index_cast %add3A_2460 : i32 to index
      %swap3A_2462 = arith.constant 16 : index
      %swap3A_2463 = tpu.vector_load %arg5[%swap3A_2461, %swap3A_2462] {strides = array<i32>} : memref<512x128xf32, #tpu.memory_space<vmem>>, vector<16xf32>,
      tpu.vector_store %arg5[%swap3A_2461, %swap3A_2462], %broadcast_in_dim3A_4 {strides = array<i32>} : memref<512x128xf32, #tpu.memory_space<vmem>>, vector<16xf32>,
      %mul3A_2464 = arith.constant 2 : i32
      %mul3A_2465 = arith.muli %scan3A_2374, %mul3A_2464 : i32
      %add3A_2466 = arith.constant 0 : i32
      %add3A_2467 = arith.addi %add3A_2466, %mul3A_2465 : i32
      %add3A_2468 = arith.constant 1 : i32
      %add3A_2469 = arith.addi %add3A_2467, %add3A_2468 : i32
      %swap3A_2470 = arith.index_cast %add3A_2469 : i32 to index
      %swap3A_2471 = arith.constant 32 : index
      %swap3A_2472 = tpu.vector_load %arg5[%swap3A_2470, %swap3A_2471] {strides = array<i32>} : memref<512x128xf32, #tpu.memory_space<vmem>>, vector<16xf32>,
      tpu.vector_store %arg5[%swap3A_2470, %swap3A_2471], %broadcast_in_dim3A_4 {strides = array<i32>} : memref<512x128xf32, #tpu.memory_space<vmem>>, vector<16xf32>,
      %mul3A_2473 = arith.constant 2 : i32
      %mul3A_2474 = arith.muli %scan3A_2374, %mul3A_2473 : i32
      %add3A_2475 = arith.constant 0 : i32
      %add3A_2476 = arith.addi %add3A_2475, %mul3A_2474 : i32
      %add3A_2477 = arith.constant 1 : i32
      %add3A_2478 = arith.addi %add3A_2476, %add3A_2477 : i32
      %swap3A_2479 = arith.index_cast %add3A_2478 : i32 to index
      %swap3A_2480 = arith.constant 48 : index
      %swap3A_2481 = tpu.vector_load %arg5[%swap3A_2479, %swap3A_2480] {strides = array<i32>} : memref<512x128xf32, #tpu.memory_space<vmem>>, vector<16xf32>,
      tpu.vector_store %arg5[%swap3A_2479, %swap3A_2480], %broadcast_in_dim3A_4 {strides = array<i32>} : memref<512x128xf32, #tpu.memory_space<vmem>>, vector<16xf32>,
      %mul3A_2482 = arith.constant 2 : i32
      %mul3A_2483 = arith.muli %scan3A_2374, %mul3A_2482 : i32
      %add3A_2484 = arith.constant 0 : i32
      %add3A_2485 = arith.addi %add3A_2484, %mul3A_2483 : i32
      %add3A_2486 = arith.constant 1 : i32
      %add3A_2487 = arith.addi %add3A_2485, %add3A_2486 : i32
      %swap3A_2488 = arith.index_cast %add3A_2487 : i32 to index
      %swap3A_2489 = arith.constant 64 : index
      %swap3A_2490 = tpu.vector_load %arg5[%swap3A_2488, %swap3A_2489] {strides = array<i32>} : memref<512x128xf32, #tpu.memory_space<vmem>>, vector<16xf32>,
      tpu.vector_store %arg5[%swap3A_2488, %swap3A_2489], %broadcast_in_dim3A_4 {strides = array<i32>} : memref<512x128xf32, #tpu.memory_space<vmem>>, vector<16xf32>,
      %mul3A_2491 = arith.constant 2 : i32
      %mul3A_2492 = arith.muli %scan3A_2374, %mul3A_2491 : i32
      %add3A_2493 = arith.constant 0 : i32
      %add3A_2494 = arith.addi %add3A_2493, %mul3A_2492 : i32
      %add3A_2495 = arith.constant 1 : i32
      %add3A_2496 = arith.addi %add3A_2494, %add3A_2495 : i32
      %swap3A_2497 = arith.index_cast %add3A_2496 : i32 to index
      %swap3A_2498 = arith.constant 80 : index
      %swap3A_2499 = tpu.vector_load %arg5[%swap3A_2497, %swap3A_2498] {strides = array<i32>} : memref<512x128xf32, #tpu.memory_space<vmem>>, vector<16xf32>,
      tpu.vector_store %arg5[%swap3A_2497, %swap3A_2498], %broadcast_in_dim3A_4 {strides = array<i32>} : memref<512x128xf32, #tpu.memory_space<vmem>>, vector<16xf32>,
      %mul3A_2500 = arith.constant 2 : i32
      %mul3A_2501 = arith.muli %scan3A_2374, %mul3A_2500 : i32
      %add3A_2502 = arith.constant 0 : i32
      %add3A_2503 = arith.addi %add3A_2502, %mul3A_2501 : i32
      %add3A_2504 = arith.constant 1 : i32
      %add3A_2505 = arith.addi %add3A_2503, %add3A_2504 : i32
      %swap3A_2506 = arith.index_cast %add3A_2505 : i32 to index
      %swap3A_2507 = arith.constant 96 : index
      %swap3A_2508 = tpu.vector_load %arg5[%swap3A_2506, %swap3A_2507] {strides = array<i32>} : memref<512x128xf32, #tpu.memory_space<vmem>>, vector<16xf32>,
      tpu.vector_store %arg5[%swap3A_2506, %swap3A_2507], %broadcast_in_dim3A_4 {strides = array<i32>} : memref<512x128xf32, #tpu.memory_space<vmem>>, vector<16xf32>,
      %mul3A_2509 = arith.constant 2 : i32
      %mul3A_2510 = arith.muli %scan3A_2374, %mul3A_2509 : i32
      %add3A_2511 = arith.constant 0 : i32
      %add3A_2512 = arith.addi %add3A_2511, %mul3A_2510 : i32
      %add3A_2513 = arith.constant 1 : i32
      %add3A_2514 = arith.addi %add3A_2512, %add3A_2513 : i32
      %swap3A_2515 = arith.index_cast %add3A_2514 : i32 to index
      %swap3A_2516 = arith.constant 112 : index
      %swap3A_2517 = tpu.vector_load %arg5[%swap3A_2515, %swap3A_2516] {strides = array<i32>} : memref<512x128xf32, #tpu.memory_space<vmem>>, vector<16xf32>,
      tpu.vector_store %arg5[%swap3A_2515, %swap3A_2516], %broadcast_in_dim3A_4 {strides = array<i32>} : memref<512x128xf32, #tpu.memory_space<vmem>>, vector<16xf32>,
    }
    %scan3A_11 = arith.constant 64 : i32
    %dma_wait3A = tpu.memref_slice %arg2[%mul3A_2] : memref<16384xi32, #tpu.memory_space<hbm>> -> memref<512xi32, #tpu.memory_space<hbm>>
    %dma_wait3A_12 = tpu.memref_slice %arg2[%mul3A_2] : memref<16384xi32, #tpu.memory_space<hbm>> -> memref<512xi32, #tpu.memory_space<hbm>>
    tpu.wait_dma2 semaphore(%arg7 : memref<!tpu.dma_semaphore, #tpu.memory_space<semaphore_mem>>) src(%dma_wait3A_12 : memref<512xi32, #tpu.memory_space<hbm>>) dst(%arg4 : memref<512xi32, #tpu.memory_space<vmem>>)
    %get3A = arith.constant 0 : index
    %get3A_13 = tpu.vector_load %arg4[%get3A] {strides = array<i32>} : memref<512xi32, #tpu.memory_space<vmem>>, vector<16xi32>,
    %add3A_14 = arith.constant 0 : i32
    %add3A_15 = vector.broadcast %add3A_14 : i32 to vector<16xi32>
    %add3A_16 = arith.addi %iota3A, %add3A_15 : vector<16xi32>
    %ge3A = arith.constant 0 : i32
    %ge3A_17 = vector.broadcast %ge3A : i32 to vector<16xi32>
    %ge3A_18 = arith.cmpi sge, %get3A_13, %ge3A_17 : vector<16xi32>
    %lt3A = arith.constant 128 : i32
    %lt3A_19 = vector.broadcast %lt3A : i32 to vector<16xi32>
    %lt3A_20 = arith.cmpi slt, %get3A_13, %lt3A_19 : vector<16xi32>
    %and3A = arith.andi %ge3A_18, %lt3A_20 : vector<16xi1>
    tpu.vector_store_idx %arg5[%get3A_13, %add3A_16], %broadcast_in_dim3A_6 masked %and3A : memref<512x128xf32, #tpu.memory_space<vmem>>[vector<16xi32>, vector<16xi32>], vector<16xf32>, vector<16xi1>
    %get3A_21 = arith.constant 16 : index
    %get3A_22 = tpu.vector_load %arg4[%get3A_21] {strides = array<i32>} : memref<512xi32, #tpu.memory_space<vmem>>, vector<16xi32>,
    %add3A_23 = arith.constant 16 : i32
    %add3A_24 = vector.broadcast %add3A_23 : i32 to vector<16xi32>
    %add3A_25 = arith.addi %iota3A, %add3A_24 : vector<16xi32>
    %ge3A_26 = arith.constant 0 : i32
    %ge3A_27 = vector.broadcast %ge3A_26 : i32 to vector<16xi32>
    %ge3A_28 = arith.cmpi sge, %get3A_22, %ge3A_27 : vector<16xi32>
    %lt3A_29 = arith.constant 128 : i32
    %lt3A_30 = vector.broadcast %lt3A_29 : i32 to vector<16xi32>
    %lt3A_31 = arith.cmpi slt, %get3A_22, %lt3A_30 : vector<16xi32>
    %and3A_32 = arith.andi %ge3A_28, %lt3A_31 : vector<16xi1>
    tpu.vector_store_idx %arg5[%get3A_22, %add3A_25], %broadcast_in_dim3A_6 masked %and3A_32 : memref<512x128xf32, #tpu.memory_space<vmem>>[vector<16xi32>, vector<16xi32>], vector<16xf32>, vector<16xi1>
    %get3A_33 = arith.constant 32 : index
    %get3A_34 = tpu.vector_load %arg4[%get3A_33] {strides = array<i32>} : memref<512xi32, #tpu.memory_space<vmem>>, vector<16xi32>,
    %add3A_35 = arith.constant 32 : i32
    %add3A_36 = vector.broadcast %add3A_35 : i32 to vector<16xi32>
    %add3A_37 = arith.addi %iota3A, %add3A_36 : vector<16xi32>
    %ge3A_38 = arith.constant 0 : i32
    %ge3A_39 = vector.broadcast %ge3A_38 : i32 to vector<16xi32>
    %ge3A_40 = arith.cmpi sge, %get3A_34, %ge3A_39 : vector<16xi32>
    %lt3A_41 = arith.constant 128 : i32
    %lt3A_42 = vector.broadcast %lt3A_41 : i32 to vector<16xi32>
    %lt3A_43 = arith.cmpi slt, %get3A_34, %lt3A_42 : vector<16xi32>
    %and3A_44 = arith.andi %ge3A_40, %lt3A_43 : vector<16xi1>
    tpu.vector_store_idx %arg5[%get3A_34, %add3A_37], %broadcast_in_dim3A_6 masked %and3A_44 : memref<512x128xf32, #tpu.memory_space<vmem>>[vector<16xi32>, vector<16xi32>], vector<16xf32>, vector<16xi1>
    %get3A_45 = arith.constant 48 : index
    %get3A_46 = tpu.vector_load %arg4[%get3A_45] {strides = array<i32>} : memref<512xi32, #tpu.memory_space<vmem>>, vector<16xi32>,
    %add3A_47 = arith.constant 48 : i32
    %add3A_48 = vector.broadcast %add3A_47 : i32 to vector<16xi32>
    %add3A_49 = arith.addi %iota3A, %add3A_48 : vector<16xi32>
    %ge3A_50 = arith.constant 0 : i32
    %ge3A_51 = vector.broadcast %ge3A_50 : i32 to vector<16xi32>
    %ge3A_52 = arith.cmpi sge, %get3A_46, %ge3A_51 : vector<16xi32>
    %lt3A_53 = arith.constant 128 : i32
    %lt3A_54 = vector.broadcast %lt3A_53 : i32 to vector<16xi32>
    %lt3A_55 = arith.cmpi slt, %get3A_46, %lt3A_54 : vector<16xi32>
    %and3A_56 = arith.andi %ge3A_52, %lt3A_55 : vector<16xi1>
    tpu.vector_store_idx %arg5[%get3A_46, %add3A_49], %broadcast_in_dim3A_6 masked %and3A_56 : memref<512x128xf32, #tpu.memory_space<vmem>>[vector<16xi32>, vector<16xi32>], vector<16xf32>, vector<16xi1>
    %get3A_57 = arith.constant 64 : index
    %get3A_58 = tpu.vector_load %arg4[%get3A_57] {strides = array<i32>} : memref<512xi32, #tpu.memory_space<vmem>>, vector<16xi32>,
    %add3A_59 = arith.constant 64 : i32
    %add3A_60 = vector.broadcast %add3A_59 : i32 to vector<16xi32>
    %add3A_61 = arith.addi %iota3A, %add3A_60 : vector<16xi32>
    %ge3A_62 = arith.constant 0 : i32
    %ge3A_63 = vector.broadcast %ge3A_62 : i32 to vector<16xi32>
    %ge3A_64 = arith.cmpi sge, %get3A_58, %ge3A_63 : vector<16xi32>
    %lt3A_65 = arith.constant 128 : i32
    %lt3A_66 = vector.broadcast %lt3A_65 : i32 to vector<16xi32>
    %lt3A_67 = arith.cmpi slt, %get3A_58, %lt3A_66 : vector<16xi32>
    %and3A_68 = arith.andi %ge3A_64, %lt3A_67 : vector<16xi1>
    tpu.vector_store_idx %arg5[%get3A_58, %add3A_61], %broadcast_in_dim3A_6 masked %and3A_68 : memref<512x128xf32, #tpu.memory_space<vmem>>[vector<16xi32>, vector<16xi32>], vector<16xf32>, vector<16xi1>
    %get3A_69 = arith.constant 80 : index
    %get3A_70 = tpu.vector_load %arg4[%get3A_69] {strides = array<i32>} : memref<512xi32, #tpu.memory_space<vmem>>, vector<16xi32>,
    %add3A_71 = arith.constant 80 : i32
    %add3A_72 = vector.broadcast %add3A_71 : i32 to vector<16xi32>
    %add3A_73 = arith.addi %iota3A, %add3A_72 : vector<16xi32>
    %ge3A_74 = arith.constant 0 : i32
    %ge3A_75 = vector.broadcast %ge3A_74 : i32 to vector<16xi32>
    %ge3A_76 = arith.cmpi sge, %get3A_70, %ge3A_75 : vector<16xi32>
    %lt3A_77 = arith.constant 128 : i32
    %lt3A_78 = vector.broadcast %lt3A_77 : i32 to vector<16xi32>
    %lt3A_79 = arith.cmpi slt, %get3A_70, %lt3A_78 : vector<16xi32>
    %and3A_80 = arith.andi %ge3A_76, %lt3A_79 : vector<16xi1>
    tpu.vector_store_idx %arg5[%get3A_70, %add3A_73], %broadcast_in_dim3A_6 masked %and3A_80 : memref<512x128xf32, #tpu.memory_space<vmem>>[vector<16xi32>, vector<16xi32>], vector<16xf32>, vector<16xi1>
    %get3A_81 = arith.constant 96 : index
    %get3A_82 = tpu.vector_load %arg4[%get3A_81] {strides = array<i32>} : memref<512xi32, #tpu.memory_space<vmem>>, vector<16xi32>,
    %add3A_83 = arith.constant 96 : i32
    %add3A_84 = vector.broadcast %add3A_83 : i32 to vector<16xi32>
    %add3A_85 = arith.addi %iota3A, %add3A_84 : vector<16xi32>
    %ge3A_86 = arith.constant 0 : i32
    %ge3A_87 = vector.broadcast %ge3A_86 : i32 to vector<16xi32>
    %ge3A_88 = arith.cmpi sge, %get3A_82, %ge3A_87 : vector<16xi32>
    %lt3A_89 = arith.constant 128 : i32
    %lt3A_90 = vector.broadcast %lt3A_89 : i32 to vector<16xi32>
    %lt3A_91 = arith.cmpi slt, %get3A_82, %lt3A_90 : vector<16xi32>
    %and3A_92 = arith.andi %ge3A_88, %lt3A_91 : vector<16xi1>
    tpu.vector_store_idx %arg5[%get3A_82, %add3A_85], %broadcast_in_dim3A_6 masked %and3A_92 : memref<512x128xf32, #tpu.memory_space<vmem>>[vector<16xi32>, vector<16xi32>], vector<16xf32>, vector<16xi1>
    %get3A_93 = arith.constant 112 : index
    %get3A_94 = tpu.vector_load %arg4[%get3A_93] {strides = array<i32>} : memref<512xi32, #tpu.memory_space<vmem>>, vector<16xi32>,
    %add3A_95 = arith.constant 112 : i32
    %add3A_96 = vector.broadcast %add3A_95 : i32 to vector<16xi32>
    %add3A_97 = arith.addi %iota3A, %add3A_96 : vector<16xi32>
    %ge3A_98 = arith.constant 0 : i32
    %ge3A_99 = vector.broadcast %ge3A_98 : i32 to vector<16xi32>
    %ge3A_100 = arith.cmpi sge, %get3A_94, %ge3A_99 : vector<16xi32>
    %lt3A_101 = arith.constant 128 : i32
    %lt3A_102 = vector.broadcast %lt3A_101 : i32 to vector<16xi32>
    %lt3A_103 = arith.cmpi slt, %get3A_94, %lt3A_102 : vector<16xi32>
    %and3A_104 = arith.andi %ge3A_100, %lt3A_103 : vector<16xi1>
    tpu.vector_store_idx %arg5[%get3A_94, %add3A_97], %broadcast_in_dim3A_6 masked %and3A_104 : memref<512x128xf32, #tpu.memory_space<vmem>>[vector<16xi32>, vector<16xi32>], vector<16xf32>, vector<16xi1>
    %dma_start3A_105 = arith.constant 0 : i32
    %dma_start3A_106 = arith.constant 0 : i32
    %dma_start3A_107 = tpu.memref_slice %arg5[%dma_start3A_105, %dma_start3A_106] : memref<512x128xf32, #tpu.memory_space<vmem>> -> memref<128x128xf32, #tpu.memory_space<vmem>>
    %dma_start3A_108 = arith.constant 0 : i32
    %dma_start3A_109 = tpu.memref_slice %arg3[%dma_start3A_108, %mul3A_2] : memref<1000x16384xf32, #tpu.memory_space<hbm>> -> memref<128x128xf32, #tpu.memory_space<hbm>>
    %dma_start3A_110 = arith.constant 0 : i32
    %dma_start3A_111 = tpu.memref_slice %arg3[%dma_start3A_110, %mul3A_2] : memref<1000x16384xf32, #tpu.memory_space<hbm>> -> memref<128x128xf32, #tpu.memory_space<hbm>>
    %dma_start3A_112 = arith.constant 0 : i32
    %dma_start3A_113 = arith.constant 0 : i32
    %dma_start3A_114 = tpu.memref_slice %arg5[%dma_start3A_112, %dma_start3A_113] : memref<512x128xf32, #tpu.memory_space<vmem>> -> memref<128x128xf32, #tpu.memory_space<vmem>>
    tpu.enqueue_dma source(%dma_start3A_114 : memref<128x128xf32, #tpu.memory_space<vmem>>) target(%dma_start3A_111 : memref<128x128xf32, #tpu.memory_space<hbm>>) target_semaphore(%arg7 : memref<!tpu.dma_semaphore, #tpu.memory_space<semaphore_mem>>)
    %scan3A_115 = arith.constant 0 : i32
    %scan3A_116 = arith.constant 0 : i32
    %scan3A_117 = arith.constant 64 : i32
    %scan3A_118 = arith.addi %scan3A_116, %scan3A_117 : i32
    %scan3A_119 = arith.constant 1 : i32
    scf.for %scan3A_2374 = %scan3A_116 to %scan3A_118 step %scan3A_119  : i32 {
      %mul3A_2375 = arith.constant 2 : i32
      %mul3A_2376 = arith.muli %scan3A_2374, %mul3A_2375 : i32
      %add3A_2377 = arith.constant 128 : i32
      %add3A_2378 = arith.addi %add3A_2377, %mul3A_2376 : i32
      %add3A_2379 = arith.constant 0 : i32
      %add3A_2380 = arith.addi %add3A_2378, %add3A_2379 : i32
      %swap3A = arith.index_cast %add3A_2380 : i32 to index
      %swap3A_2381 = arith.constant 0 : index
      %swap3A_2382 = tpu.vector_load %arg5[%swap3A, %swap3A_2381] {strides = array<i32>} : memref<512x128xf32, #tpu.memory_space<vmem>>, vector<16xf32>,
      tpu.vector_store %arg5[%swap3A, %swap3A_2381], %broadcast_in_dim3A_4 {strides = array<i32>} : memref<512x128xf32, #tpu.memory_space<vmem>>, vector<16xf32>,
      %mul3A_2383 = arith.constant 2 : i32
      %mul3A_2384 = arith.muli %scan3A_2374, %mul3A_2383 : i32
      %add3A_2385 = arith.constant 128 : i32
      %add3A_2386 = arith.addi %add3A_2385, %mul3A_2384 : i32
      %add3A_2387 = arith.constant 0 : i32
      %add3A_2388 = arith.addi %add3A_2386, %add3A_2387 : i32
      %swap3A_2389 = arith.index_cast %add3A_2388 : i32 to index
      %swap3A_2390 = arith.constant 16 : index
      %swap3A_2391 = tpu.vector_load %arg5[%swap3A_2389, %swap3A_2390] {strides = array<i32>} : memref<512x128xf32, #tpu.memory_space<vmem>>, vector<16xf32>,
      tpu.vector_store %arg5[%swap3A_2389, %swap3A_2390], %broadcast_in_dim3A_4 {strides = array<i32>} : memref<512x128xf32, #tpu.memory_space<vmem>>, vector<16xf32>,
      %mul3A_2392 = arith.constant 2 : i32
      %mul3A_2393 = arith.muli %scan3A_2374, %mul3A_2392 : i32
      %add3A_2394 = arith.constant 128 : i32
      %add3A_2395 = arith.addi %add3A_2394, %mul3A_2393 : i32
      %add3A_2396 = arith.constant 0 : i32
      %add3A_2397 = arith.addi %add3A_2395, %add3A_2396 : i32
      %swap3A_2398 = arith.index_cast %add3A_2397 : i32 to index
      %swap3A_2399 = arith.constant 32 : index
      %swap3A_2400 = tpu.vector_load %arg5[%swap3A_2398, %swap3A_2399] {strides = array<i32>} : memref<512x128xf32, #tpu.memory_space<vmem>>, vector<16xf32>,
      tpu.vector_store %arg5[%swap3A_2398, %swap3A_2399], %broadcast_in_dim3A_4 {strides = array<i32>} : memref<512x128xf32, #tpu.memory_space<vmem>>, vector<16xf32>,
      %mul3A_2401 = arith.constant 2 : i32
      %mul3A_2402 = arith.muli %scan3A_2374, %mul3A_2401 : i32
      %add3A_2403 = arith.constant 128 : i32
      %add3A_2404 = arith.addi %add3A_2403, %mul3A_2402 : i32
      %add3A_2405 = arith.constant 0 : i32
      %add3A_2406 = arith.addi %add3A_2404, %add3A_2405 : i32
      %swap3A_2407 = arith.index_cast %add3A_2406 : i32 to index
      %swap3A_2408 = arith.constant 48 : index
      %swap3A_2409 = tpu.vector_load %arg5[%swap3A_2407, %swap3A_2408] {strides = array<i32>} : memref<512x128xf32, #tpu.memory_space<vmem>>, vector<16xf32>,
      tpu.vector_store %arg5[%swap3A_2407, %swap3A_2408], %broadcast_in_dim3A_4 {strides = array<i32>} : memref<512x128xf32, #tpu.memory_space<vmem>>, vector<16xf32>,
      %mul3A_2410 = arith.constant 2 : i32
      %mul3A_2411 = arith.muli %scan3A_2374, %mul3A_2410 : i32
      %add3A_2412 = arith.constant 128 : i32
      %add3A_2413 = arith.addi %add3A_2412, %mul3A_2411 : i32
      %add3A_2414 = arith.constant 0 : i32
      %add3A_2415 = arith.addi %add3A_2413, %add3A_2414 : i32
      %swap3A_2416 = arith.index_cast %add3A_2415 : i32 to index
      %swap3A_2417 = arith.constant 64 : index
      %swap3A_2418 = tpu.vector_load %arg5[%swap3A_2416, %swap3A_2417] {strides = array<i32>} : memref<512x128xf32, #tpu.memory_space<vmem>>, vector<16xf32>,
      tpu.vector_store %arg5[%swap3A_2416, %swap3A_2417], %broadcast_in_dim3A_4 {strides = array<i32>} : memref<512x128xf32, #tpu.memory_space<vmem>>, vector<16xf32>,
      %mul3A_2419 = arith.constant 2 : i32
      %mul3A_2420 = arith.muli %scan3A_2374, %mul3A_2419 : i32
      %add3A_2421 = arith.constant 128 : i32
      %add3A_2422 = arith.addi %add3A_2421, %mul3A_2420 : i32
      %add3A_2423 = arith.constant 0 : i32
      %add3A_2424 = arith.addi %add3A_2422, %add3A_2423 : i32
      %swap3A_2425 = arith.index_cast %add3A_2424 : i32 to index
      %swap3A_2426 = arith.constant 80 : index
      %swap3A_2427 = tpu.vector_load %arg5[%swap3A_2425, %swap3A_2426] {strides = array<i32>} : memref<512x128xf32, #tpu.memory_space<vmem>>, vector<16xf32>,
      tpu.vector_store %arg5[%swap3A_2425, %swap3A_2426], %broadcast_in_dim3A_4 {strides = array<i32>} : memref<512x128xf32, #tpu.memory_space<vmem>>, vector<16xf32>,
      %mul3A_2428 = arith.constant 2 : i32
      %mul3A_2429 = arith.muli %scan3A_2374, %mul3A_2428 : i32
      %add3A_2430 = arith.constant 128 : i32
      %add3A_2431 = arith.addi %add3A_2430, %mul3A_2429 : i32
      %add3A_2432 = arith.constant 0 : i32
      %add3A_2433 = arith.addi %add3A_2431, %add3A_2432 : i32
      %swap3A_2434 = arith.index_cast %add3A_2433 : i32 to index
      %swap3A_2435 = arith.constant 96 : index
      %swap3A_2436 = tpu.vector_load %arg5[%swap3A_2434, %swap3A_2435] {strides = array<i32>} : memref<512x128xf32, #tpu.memory_space<vmem>>, vector<16xf32>,
      tpu.vector_store %arg5[%swap3A_2434, %swap3A_2435], %broadcast_in_dim3A_4 {strides = array<i32>} : memref<512x128xf32, #tpu.memory_space<vmem>>, vector<16xf32>,
      %mul3A_2437 = arith.constant 2 : i32
      %mul3A_2438 = arith.muli %scan3A_2374, %mul3A_2437 : i32
      %add3A_2439 = arith.constant 128 : i32
      %add3A_2440 = arith.addi %add3A_2439, %mul3A_2438 : i32
      %add3A_2441 = arith.constant 0 : i32
      %add3A_2442 = arith.addi %add3A_2440, %add3A_2441 : i32
      %swap3A_2443 = arith.index_cast %add3A_2442 : i32 to index
      %swap3A_2444 = arith.constant 112 : index
      %swap3A_2445 = tpu.vector_load %arg5[%swap3A_2443, %swap3A_2444] {strides = array<i32>} : memref<512x128xf32, #tpu.memory_space<vmem>>, vector<16xf32>,
      tpu.vector_store %arg5[%swap3A_2443, %swap3A_2444], %broadcast_in_dim3A_4 {strides = array<i32>} : memref<512x128xf32, #tpu.memory_space<vmem>>, vector<16xf32>,
      %mul3A_2446 = arith.constant 2 : i32
      %mul3A_2447 = arith.muli %scan3A_2374, %mul3A_2446 : i32
      %add3A_2448 = arith.constant 128 : i32
      %add3A_2449 = arith.addi %add3A_2448, %mul3A_2447 : i32
      %add3A_2450 = arith.constant 1 : i32
      %add3A_2451 = arith.addi %add3A_2449, %add3A_2450 : i32
      %swap3A_2452 = arith.index_cast %add3A_2451 : i32 to index
      %swap3A_2453 = arith.constant 0 : index
      %swap3A_2454 = tpu.vector_load %arg5[%swap3A_2452, %swap3A_2453] {strides = array<i32>} : memref<512x128xf32, #tpu.memory_space<vmem>>, vector<16xf32>,
      tpu.vector_store %arg5[%swap3A_2452, %swap3A_2453], %broadcast_in_dim3A_4 {strides = array<i32>} : memref<512x128xf32, #tpu.memory_space<vmem>>, vector<16xf32>,
      %mul3A_2455 = arith.constant 2 : i32
      %mul3A_2456 = arith.muli %scan3A_2374, %mul3A_2455 : i32
      %add3A_2457 = arith.constant 128 : i32
      %add3A_2458 = arith.addi %add3A_2457, %mul3A_2456 : i32
      %add3A_2459 = arith.constant 1 : i32
      %add3A_2460 = arith.addi %add3A_2458, %add3A_2459 : i32
      %swap3A_2461 = arith.index_cast %add3A_2460 : i32 to index
      %swap3A_2462 = arith.constant 16 : index
      %swap3A_2463 = tpu.vector_load %arg5[%swap3A_2461, %swap3A_2462] {strides = array<i32>} : memref<512x128xf32, #tpu.memory_space<vmem>>, vector<16xf32>,
      tpu.vector_store %arg5[%swap3A_2461, %swap3A_2462], %broadcast_in_dim3A_4 {strides = array<i32>} : memref<512x128xf32, #tpu.memory_space<vmem>>, vector<16xf32>,
      %mul3A_2464 = arith.constant 2 : i32
      %mul3A_2465 = arith.muli %scan3A_2374, %mul3A_2464 : i32
      %add3A_2466 = arith.constant 128 : i32
      %add3A_2467 = arith.addi %add3A_2466, %mul3A_2465 : i32
      %add3A_2468 = arith.constant 1 : i32
      %add3A_2469 = arith.addi %add3A_2467, %add3A_2468 : i32
      %swap3A_2470 = arith.index_cast %add3A_2469 : i32 to index
      %swap3A_2471 = arith.constant 32 : index
      %swap3A_2472 = tpu.vector_load %arg5[%swap3A_2470, %swap3A_2471] {strides = array<i32>} : memref<512x128xf32, #tpu.memory_space<vmem>>, vector<16xf32>,
      tpu.vector_store %arg5[%swap3A_2470, %swap3A_2471], %broadcast_in_dim3A_4 {strides = array<i32>} : memref<512x128xf32, #tpu.memory_space<vmem>>, vector<16xf32>,
      %mul3A_2473 = arith.constant 2 : i32
      %mul3A_2474 = arith.muli %scan3A_2374, %mul3A_2473 : i32
      %add3A_2475 = arith.constant 128 : i32
      %add3A_2476 = arith.addi %add3A_2475, %mul3A_2474 : i32
      %add3A_2477 = arith.constant 1 : i32
      %add3A_2478 = arith.addi %add3A_2476, %add3A_2477 : i32
      %swap3A_2479 = arith.index_cast %add3A_2478 : i32 to index
      %swap3A_2480 = arith.constant 48 : index
      %swap3A_2481 = tpu.vector_load %arg5[%swap3A_2479, %swap3A_2480] {strides = array<i32>} : memref<512x128xf32, #tpu.memory_space<vmem>>, vector<16xf32>,
      tpu.vector_store %arg5[%swap3A_2479, %swap3A_2480], %broadcast_in_dim3A_4 {strides = array<i32>} : memref<512x128xf32, #tpu.memory_space<vmem>>, vector<16xf32>,
      %mul3A_2482 = arith.constant 2 : i32
      %mul3A_2483 = arith.muli %scan3A_2374, %mul3A_2482 : i32
      %add3A_2484 = arith.constant 128 : i32
      %add3A_2485 = arith.addi %add3A_2484, %mul3A_2483 : i32
      %add3A_2486 = arith.constant 1 : i32
      %add3A_2487 = arith.addi %add3A_2485, %add3A_2486 : i32
      %swap3A_2488 = arith.index_cast %add3A_2487 : i32 to index
      %swap3A_2489 = arith.constant 64 : index
      %swap3A_2490 = tpu.vector_load %arg5[%swap3A_2488, %swap3A_2489] {strides = array<i32>} : memref<512x128xf32, #tpu.memory_space<vmem>>, vector<16xf32>,
      tpu.vector_store %arg5[%swap3A_2488, %swap3A_2489], %broadcast_in_dim3A_4 {strides = array<i32>} : memref<512x128xf32, #tpu.memory_space<vmem>>, vector<16xf32>,
      %mul3A_2491 = arith.constant 2 : i32
      %mul3A_2492 = arith.muli %scan3A_2374, %mul3A_2491 : i32
      %add3A_2493 = arith.constant 128 : i32
      %add3A_2494 = arith.addi %add3A_2493, %mul3A_2492 : i32
      %add3A_2495 = arith.constant 1 : i32
      %add3A_2496 = arith.addi %add3A_2494, %add3A_2495 : i32
      %swap3A_2497 = arith.index_cast %add3A_2496 : i32 to index
      %swap3A_2498 = arith.constant 80 : index
      %swap3A_2499 = tpu.vector_load %arg5[%swap3A_2497, %swap3A_2498] {strides = array<i32>} : memref<512x128xf32, #tpu.memory_space<vmem>>, vector<16xf32>,
      tpu.vector_store %arg5[%swap3A_2497, %swap3A_2498], %broadcast_in_dim3A_4 {strides = array<i32>} : memref<512x128xf32, #tpu.memory_space<vmem>>, vector<16xf32>,
      %mul3A_2500 = arith.constant 2 : i32
      %mul3A_2501 = arith.muli %scan3A_2374, %mul3A_2500 : i32
      %add3A_2502 = arith.constant 128 : i32
      %add3A_2503 = arith.addi %add3A_2502, %mul3A_2501 : i32
      %add3A_2504 = arith.constant 1 : i32
      %add3A_2505 = arith.addi %add3A_2503, %add3A_2504 : i32
      %swap3A_2506 = arith.index_cast %add3A_2505 : i32 to index
      %swap3A_2507 = arith.constant 96 : index
      %swap3A_2508 = tpu.vector_load %arg5[%swap3A_2506, %swap3A_2507] {strides = array<i32>} : memref<512x128xf32, #tpu.memory_space<vmem>>, vector<16xf32>,
      tpu.vector_store %arg5[%swap3A_2506, %swap3A_2507], %broadcast_in_dim3A_4 {strides = array<i32>} : memref<512x128xf32, #tpu.memory_space<vmem>>, vector<16xf32>,
      %mul3A_2509 = arith.constant 2 : i32
      %mul3A_2510 = arith.muli %scan3A_2374, %mul3A_2509 : i32
      %add3A_2511 = arith.constant 128 : i32
      %add3A_2512 = arith.addi %add3A_2511, %mul3A_2510 : i32
      %add3A_2513 = arith.constant 1 : i32
      %add3A_2514 = arith.addi %add3A_2512, %add3A_2513 : i32
      %swap3A_2515 = arith.index_cast %add3A_2514 : i32 to index
      %swap3A_2516 = arith.constant 112 : index
      %swap3A_2517 = tpu.vector_load %arg5[%swap3A_2515, %swap3A_2516] {strides = array<i32>} : memref<512x128xf32, #tpu.memory_space<vmem>>, vector<16xf32>,
      tpu.vector_store %arg5[%swap3A_2515, %swap3A_2516], %broadcast_in_dim3A_4 {strides = array<i32>} : memref<512x128xf32, #tpu.memory_space<vmem>>, vector<16xf32>,
    }
    %scan3A_120 = arith.constant 64 : i32
    %get3A_121 = arith.constant 0 : index
    %get3A_122 = tpu.vector_load %arg4[%get3A_121] {strides = array<i32>} : memref<512xi32, #tpu.memory_space<vmem>>, vector<16xi32>,
    %add3A_123 = arith.constant 0 : i32
    %add3A_124 = vector.broadcast %add3A_123 : i32 to vector<16xi32>
    %add3A_125 = arith.addi %iota3A, %add3A_124 : vector<16xi32>
    %ge3A_126 = arith.constant 128 : i32
    %ge3A_127 = vector.broadcast %ge3A_126 : i32 to vector<16xi32>
    %ge3A_128 = arith.cmpi sge, %get3A_122, %ge3A_127 : vector<16xi32>
    %lt3A_129 = arith.constant 256 : i32
    %lt3A_130 = vector.broadcast %lt3A_129 : i32 to vector<16xi32>
    %lt3A_131 = arith.cmpi slt, %get3A_122, %lt3A_130 : vector<16xi32>
    %and3A_132 = arith.andi %ge3A_128, %lt3A_131 : vector<16xi1>
    tpu.vector_store_idx %arg5[%get3A_122, %add3A_125], %broadcast_in_dim3A_6 masked %and3A_132 : memref<512x128xf32, #tpu.memory_space<vmem>>[vector<16xi32>, vector<16xi32>], vector<16xf32>, vector<16xi1>
    %get3A_133 = arith.constant 16 : index
    %get3A_134 = tpu.vector_load %arg4[%get3A_133] {strides = array<i32>} : memref<512xi32, #tpu.memory_space<vmem>>, vector<16xi32>,
    %add3A_135 = arith.constant 16 : i32
    %add3A_136 = vector.broadcast %add3A_135 : i32 to vector<16xi32>
    %add3A_137 = arith.addi %iota3A, %add3A_136 : vector<16xi32>
    %ge3A_138 = arith.constant 128 : i32
    %ge3A_139 = vector.broadcast %ge3A_138 : i32 to vector<16xi32>
    %ge3A_140 = arith.cmpi sge, %get3A_134, %ge3A_139 : vector<16xi32>
    %lt3A_141 = arith.constant 256 : i32
    %lt3A_142 = vector.broadcast %lt3A_141 : i32 to vector<16xi32>
    %lt3A_143 = arith.cmpi slt, %get3A_134, %lt3A_142 : vector<16xi32>
    %and3A_144 = arith.andi %ge3A_140, %lt3A_143 : vector<16xi1>
    tpu.vector_store_idx %arg5[%get3A_134, %add3A_137], %broadcast_in_dim3A_6 masked %and3A_144 : memref<512x128xf32, #tpu.memory_space<vmem>>[vector<16xi32>, vector<16xi32>], vector<16xf32>, vector<16xi1>
    %get3A_145 = arith.constant 32 : index
    %get3A_146 = tpu.vector_load %arg4[%get3A_145] {strides = array<i32>} : memref<512xi32, #tpu.memory_space<vmem>>, vector<16xi32>,
    %add3A_147 = arith.constant 32 : i32
    %add3A_148 = vector.broadcast %add3A_147 : i32 to vector<16xi32>
    %add3A_149 = arith.addi %iota3A, %add3A_148 : vector<16xi32>
    %ge3A_150 = arith.constant 128 : i32
    %ge3A_151 = vector.broadcast %ge3A_150 : i32 to vector<16xi32>
    %ge3A_152 = arith.cmpi sge, %get3A_146, %ge3A_151 : vector<16xi32>
    %lt3A_153 = arith.constant 256 : i32
    %lt3A_154 = vector.broadcast %lt3A_153 : i32 to vector<16xi32>
    %lt3A_155 = arith.cmpi slt, %get3A_146, %lt3A_154 : vector<16xi32>
    %and3A_156 = arith.andi %ge3A_152, %lt3A_155 : vector<16xi1>
    tpu.vector_store_idx %arg5[%get3A_146, %add3A_149], %broadcast_in_dim3A_6 masked %and3A_156 : memref<512x128xf32, #tpu.memory_space<vmem>>[vector<16xi32>, vector<16xi32>], vector<16xf32>, vector<16xi1>
    %get3A_157 = arith.constant 48 : index
    %get3A_158 = tpu.vector_load %arg4[%get3A_157] {strides = array<i32>} : memref<512xi32, #tpu.memory_space<vmem>>, vector<16xi32>,
    %add3A_159 = arith.constant 48 : i32
    %add3A_160 = vector.broadcast %add3A_159 : i32 to vector<16xi32>
    %add3A_161 = arith.addi %iota3A, %add3A_160 : vector<16xi32>
    %ge3A_162 = arith.constant 128 : i32
    %ge3A_163 = vector.broadcast %ge3A_162 : i32 to vector<16xi32>
    %ge3A_164 = arith.cmpi sge, %get3A_158, %ge3A_163 : vector<16xi32>
    %lt3A_165 = arith.constant 256 : i32
    %lt3A_166 = vector.broadcast %lt3A_165 : i32 to vector<16xi32>
    %lt3A_167 = arith.cmpi slt, %get3A_158, %lt3A_166 : vector<16xi32>
    %and3A_168 = arith.andi %ge3A_164, %lt3A_167 : vector<16xi1>
    tpu.vector_store_idx %arg5[%get3A_158, %add3A_161], %broadcast_in_dim3A_6 masked %and3A_168 : memref<512x128xf32, #tpu.memory_space<vmem>>[vector<16xi32>, vector<16xi32>], vector<16xf32>, vector<16xi1>
    %get3A_169 = arith.constant 64 : index
    %get3A_170 = tpu.vector_load %arg4[%get3A_169] {strides = array<i32>} : memref<512xi32, #tpu.memory_space<vmem>>, vector<16xi32>,
    %add3A_171 = arith.constant 64 : i32
    %add3A_172 = vector.broadcast %add3A_171 : i32 to vector<16xi32>
    %add3A_173 = arith.addi %iota3A, %add3A_172 : vector<16xi32>
    %ge3A_174 = arith.constant 128 : i32
    %ge3A_175 = vector.broadcast %ge3A_174 : i32 to vector<16xi32>
    %ge3A_176 = arith.cmpi sge, %get3A_170, %ge3A_175 : vector<16xi32>
    %lt3A_177 = arith.constant 256 : i32
    %lt3A_178 = vector.broadcast %lt3A_177 : i32 to vector<16xi32>
    %lt3A_179 = arith.cmpi slt, %get3A_170, %lt3A_178 : vector<16xi32>
    %and3A_180 = arith.andi %ge3A_176, %lt3A_179 : vector<16xi1>
    tpu.vector_store_idx %arg5[%get3A_170, %add3A_173], %broadcast_in_dim3A_6 masked %and3A_180 : memref<512x128xf32, #tpu.memory_space<vmem>>[vector<16xi32>, vector<16xi32>], vector<16xf32>, vector<16xi1>
    %get3A_181 = arith.constant 80 : index
    %get3A_182 = tpu.vector_load %arg4[%get3A_181] {strides = array<i32>} : memref<512xi32, #tpu.memory_space<vmem>>, vector<16xi32>,
    %add3A_183 = arith.constant 80 : i32
    %add3A_184 = vector.broadcast %add3A_183 : i32 to vector<16xi32>
    %add3A_185 = arith.addi %iota3A, %add3A_184 : vector<16xi32>
    %ge3A_186 = arith.constant 128 : i32
    %ge3A_187 = vector.broadcast %ge3A_186 : i32 to vector<16xi32>
    %ge3A_188 = arith.cmpi sge, %get3A_182, %ge3A_187 : vector<16xi32>
    %lt3A_189 = arith.constant 256 : i32
    %lt3A_190 = vector.broadcast %lt3A_189 : i32 to vector<16xi32>
    %lt3A_191 = arith.cmpi slt, %get3A_182, %lt3A_190 : vector<16xi32>
    %and3A_192 = arith.andi %ge3A_188, %lt3A_191 : vector<16xi1>
    tpu.vector_store_idx %arg5[%get3A_182, %add3A_185], %broadcast_in_dim3A_6 masked %and3A_192 : memref<512x128xf32, #tpu.memory_space<vmem>>[vector<16xi32>, vector<16xi32>], vector<16xf32>, vector<16xi1>
    %get3A_193 = arith.constant 96 : index
    %get3A_194 = tpu.vector_load %arg4[%get3A_193] {strides = array<i32>} : memref<512xi32, #tpu.memory_space<vmem>>, vector<16xi32>,
    %add3A_195 = arith.constant 96 : i32
    %add3A_196 = vector.broadcast %add3A_195 : i32 to vector<16xi32>
    %add3A_197 = arith.addi %iota3A, %add3A_196 : vector<16xi32>
    %ge3A_198 = arith.constant 128 : i32
    %ge3A_199 = vector.broadcast %ge3A_198 : i32 to vector<16xi32>
    %ge3A_200 = arith.cmpi sge, %get3A_194, %ge3A_199 : vector<16xi32>
    %lt3A_201 = arith.constant 256 : i32
    %lt3A_202 = vector.broadcast %lt3A_201 : i32 to vector<16xi32>
    %lt3A_203 = arith.cmpi slt, %get3A_194, %lt3A_202 : vector<16xi32>
    %and3A_204 = arith.andi %ge3A_200, %lt3A_203 : vector<16xi1>
    tpu.vector_store_idx %arg5[%get3A_194, %add3A_197], %broadcast_in_dim3A_6 masked %and3A_204 : memref<512x128xf32, #tpu.memory_space<vmem>>[vector<16xi32>, vector<16xi32>], vector<16xf32>, vector<16xi1>
    %get3A_205 = arith.constant 112 : index
    %get3A_206 = tpu.vector_load %arg4[%get3A_205] {strides = array<i32>} : memref<512xi32, #tpu.memory_space<vmem>>, vector<16xi32>,
    %add3A_207 = arith.constant 112 : i32
    %add3A_208 = vector.broadcast %add3A_207 : i32 to vector<16xi32>
    %add3A_209 = arith.addi %iota3A, %add3A_208 : vector<16xi32>
    %ge3A_210 = arith.constant 128 : i32
    %ge3A_211 = vector.broadcast %ge3A_210 : i32 to vector<16xi32>
    %ge3A_212 = arith.cmpi sge, %get3A_206, %ge3A_211 : vector<16xi32>
    %lt3A_213 = arith.constant 256 : i32
    %lt3A_214 = vector.broadcast %lt3A_213 : i32 to vector<16xi32>
    %lt3A_215 = arith.cmpi slt, %get3A_206, %lt3A_214 : vector<16xi32>
    %and3A_216 = arith.andi %ge3A_212, %lt3A_215 : vector<16xi1>
    tpu.vector_store_idx %arg5[%get3A_206, %add3A_209], %broadcast_in_dim3A_6 masked %and3A_216 : memref<512x128xf32, #tpu.memory_space<vmem>>[vector<16xi32>, vector<16xi32>], vector<16xf32>, vector<16xi1>
    %dma_start3A_217 = arith.constant 128 : i32
    %dma_start3A_218 = arith.constant 0 : i32
    %dma_start3A_219 = tpu.memref_slice %arg5[%dma_start3A_217, %dma_start3A_218] : memref<512x128xf32, #tpu.memory_space<vmem>> -> memref<128x128xf32, #tpu.memory_space<vmem>>
    %dma_start3A_220 = arith.constant 128 : i32
    %dma_start3A_221 = tpu.memref_slice %arg3[%dma_start3A_220, %mul3A_2] : memref<1000x16384xf32, #tpu.memory_space<hbm>> -> memref<128x128xf32, #tpu.memory_space<hbm>>
    %dma_start3A_222 = arith.constant 128 : i32
    %dma_start3A_223 = tpu.memref_slice %arg3[%dma_start3A_222, %mul3A_2] : memref<1000x16384xf32, #tpu.memory_space<hbm>> -> memref<128x128xf32, #tpu.memory_space<hbm>>
    %dma_start3A_224 = arith.constant 128 : i32
    %dma_start3A_225 = arith.constant 0 : i32
    %dma_start3A_226 = tpu.memref_slice %arg5[%dma_start3A_224, %dma_start3A_225] : memref<512x128xf32, #tpu.memory_space<vmem>> -> memref<128x128xf32, #tpu.memory_space<vmem>>
    tpu.enqueue_dma source(%dma_start3A_226 : memref<128x128xf32, #tpu.memory_space<vmem>>) target(%dma_start3A_223 : memref<128x128xf32, #tpu.memory_space<hbm>>) target_semaphore(%arg7 : memref<!tpu.dma_semaphore, #tpu.memory_space<semaphore_mem>>)
    %scan3A_227 = arith.constant 0 : i32
    %scan3A_228 = arith.constant 0 : i32
    %scan3A_229 = arith.constant 64 : i32
    %scan3A_230 = arith.addi %scan3A_228, %scan3A_229 : i32
    %scan3A_231 = arith.constant 1 : i32
    scf.for %scan3A_2374 = %scan3A_228 to %scan3A_230 step %scan3A_231  : i32 {
      %mul3A_2375 = arith.constant 2 : i32
      %mul3A_2376 = arith.muli %scan3A_2374, %mul3A_2375 : i32
      %add3A_2377 = arith.constant 256 : i32
      %add3A_2378 = arith.addi %add3A_2377, %mul3A_2376 : i32
      %add3A_2379 = arith.constant 0 : i32
      %add3A_2380 = arith.addi %add3A_2378, %add3A_2379 : i32
      %swap3A = arith.index_cast %add3A_2380 : i32 to index
      %swap3A_2381 = arith.constant 0 : index
      %swap3A_2382 = tpu.vector_load %arg5[%swap3A, %swap3A_2381] {strides = array<i32>} : memref<512x128xf32, #tpu.memory_space<vmem>>, vector<16xf32>,
      tpu.vector_store %arg5[%swap3A, %swap3A_2381], %broadcast_in_dim3A_4 {strides = array<i32>} : memref<512x128xf32, #tpu.memory_space<vmem>>, vector<16xf32>,
      %mul3A_2383 = arith.constant 2 : i32
      %mul3A_2384 = arith.muli %scan3A_2374, %mul3A_2383 : i32
      %add3A_2385 = arith.constant 256 : i32
      %add3A_2386 = arith.addi %add3A_2385, %mul3A_2384 : i32
      %add3A_2387 = arith.constant 0 : i32
      %add3A_2388 = arith.addi %add3A_2386, %add3A_2387 : i32
      %swap3A_2389 = arith.index_cast %add3A_2388 : i32 to index
      %swap3A_2390 = arith.constant 16 : index
      %swap3A_2391 = tpu.vector_load %arg5[%swap3A_2389, %swap3A_2390] {strides = array<i32>} : memref<512x128xf32, #tpu.memory_space<vmem>>, vector<16xf32>,
      tpu.vector_store %arg5[%swap3A_2389, %swap3A_2390], %broadcast_in_dim3A_4 {strides = array<i32>} : memref<512x128xf32, #tpu.memory_space<vmem>>, vector<16xf32>,
      %mul3A_2392 = arith.constant 2 : i32
      %mul3A_2393 = arith.muli %scan3A_2374, %mul3A_2392 : i32
      %add3A_2394 = arith.constant 256 : i32
      %add3A_2395 = arith.addi %add3A_2394, %mul3A_2393 : i32
      %add3A_2396 = arith.constant 0 : i32
      %add3A_2397 = arith.addi %add3A_2395, %add3A_2396 : i32
      %swap3A_2398 = arith.index_cast %add3A_2397 : i32 to index
      %swap3A_2399 = arith.constant 32 : index
      %swap3A_2400 = tpu.vector_load %arg5[%swap3A_2398, %swap3A_2399] {strides = array<i32>} : memref<512x128xf32, #tpu.memory_space<vmem>>, vector<16xf32>,
      tpu.vector_store %arg5[%swap3A_2398, %swap3A_2399], %broadcast_in_dim3A_4 {strides = array<i32>} : memref<512x128xf32, #tpu.memory_space<vmem>>, vector<16xf32>,
      %mul3A_2401 = arith.constant 2 : i32
      %mul3A_2402 = arith.muli %scan3A_2374, %mul3A_2401 : i32
      %add3A_2403 = arith.constant 256 : i32
      %add3A_2404 = arith.addi %add3A_2403, %mul3A_2402 : i32
      %add3A_2405 = arith.constant 0 : i32
      %add3A_2406 = arith.addi %add3A_2404, %add3A_2405 : i32
      %swap3A_2407 = arith.index_cast %add3A_2406 : i32 to index
      %swap3A_2408 = arith.constant 48 : index
      %swap3A_2409 = tpu.vector_load %arg5[%swap3A_2407, %swap3A_2408] {strides = array<i32>} : memref<512x128xf32, #tpu.memory_space<vmem>>, vector<16xf32>,
      tpu.vector_store %arg5[%swap3A_2407, %swap3A_2408], %broadcast_in_dim3A_4 {strides = array<i32>} : memref<512x128xf32, #tpu.memory_space<vmem>>, vector<16xf32>,
      %mul3A_2410 = arith.constant 2 : i32
      %mul3A_2411 = arith.muli %scan3A_2374, %mul3A_2410 : i32
      %add3A_2412 = arith.constant 256 : i32
      %add3A_2413 = arith.addi %add3A_2412, %mul3A_2411 : i32
      %add3A_2414 = arith.constant 0 : i32
      %add3A_2415 = arith.addi %add3A_2413, %add3A_2414 : i32
      %swap3A_2416 = arith.index_cast %add3A_2415 : i32 to index
      %swap3A_2417 = arith.constant 64 : index
      %swap3A_2418 = tpu.vector_load %arg5[%swap3A_2416, %swap3A_2417] {strides = array<i32>} : memref<512x128xf32, #tpu.memory_space<vmem>>, vector<16xf32>,
      tpu.vector_store %arg5[%swap3A_2416, %swap3A_2417], %broadcast_in_dim3A_4 {strides = array<i32>} : memref<512x128xf32, #tpu.memory_space<vmem>>, vector<16xf32>,
      %mul3A_2419 = arith.constant 2 : i32
      %mul3A_2420 = arith.muli %scan3A_2374, %mul3A_2419 : i32
      %add3A_2421 = arith.constant 256 : i32
      %add3A_2422 = arith.addi %add3A_2421, %mul3A_2420 : i32
      %add3A_2423 = arith.constant 0 : i32
      %add3A_2424 = arith.addi %add3A_2422, %add3A_2423 : i32
      %swap3A_2425 = arith.index_cast %add3A_2424 : i32 to index
      %swap3A_2426 = arith.constant 80 : index
      %swap3A_2427 = tpu.vector_load %arg5[%swap3A_2425, %swap3A_2426] {strides = array<i32>} : memref<512x128xf32, #tpu.memory_space<vmem>>, vector<16xf32>,
      tpu.vector_store %arg5[%swap3A_2425, %swap3A_2426], %broadcast_in_dim3A_4 {strides = array<i32>} : memref<512x128xf32, #tpu.memory_space<vmem>>, vector<16xf32>,
      %mul3A_2428 = arith.constant 2 : i32
      %mul3A_2429 = arith.muli %scan3A_2374, %mul3A_2428 : i32
      %add3A_2430 = arith.constant 256 : i32
      %add3A_2431 = arith.addi %add3A_2430, %mul3A_2429 : i32
      %add3A_2432 = arith.constant 0 : i32
      %add3A_2433 = arith.addi %add3A_2431, %add3A_2432 : i32
      %swap3A_2434 = arith.index_cast %add3A_2433 : i32 to index
      %swap3A_2435 = arith.constant 96 : index
      %swap3A_2436 = tpu.vector_load %arg5[%swap3A_2434, %swap3A_2435] {strides = array<i32>} : memref<512x128xf32, #tpu.memory_space<vmem>>, vector<16xf32>,
      tpu.vector_store %arg5[%swap3A_2434, %swap3A_2435], %broadcast_in_dim3A_4 {strides = array<i32>} : memref<512x128xf32, #tpu.memory_space<vmem>>, vector<16xf32>,
      %mul3A_2437 = arith.constant 2 : i32
      %mul3A_2438 = arith.muli %scan3A_2374, %mul3A_2437 : i32
      %add3A_2439 = arith.constant 256 : i32
      %add3A_2440 = arith.addi %add3A_2439, %mul3A_2438 : i32
      %add3A_2441 = arith.constant 0 : i32
      %add3A_2442 = arith.addi %add3A_2440, %add3A_2441 : i32
      %swap3A_2443 = arith.index_cast %add3A_2442 : i32 to index
      %swap3A_2444 = arith.constant 112 : index
      %swap3A_2445 = tpu.vector_load %arg5[%swap3A_2443, %swap3A_2444] {strides = array<i32>} : memref<512x128xf32, #tpu.memory_space<vmem>>, vector<16xf32>,
      tpu.vector_store %arg5[%swap3A_2443, %swap3A_2444], %broadcast_in_dim3A_4 {strides = array<i32>} : memref<512x128xf32, #tpu.memory_space<vmem>>, vector<16xf32>,
      %mul3A_2446 = arith.constant 2 : i32
      %mul3A_2447 = arith.muli %scan3A_2374, %mul3A_2446 : i32
      %add3A_2448 = arith.constant 256 : i32
      %add3A_2449 = arith.addi %add3A_2448, %mul3A_2447 : i32
      %add3A_2450 = arith.constant 1 : i32
      %add3A_2451 = arith.addi %add3A_2449, %add3A_2450 : i32
      %swap3A_2452 = arith.index_cast %add3A_2451 : i32 to index
      %swap3A_2453 = arith.constant 0 : index
      %swap3A_2454 = tpu.vector_load %arg5[%swap3A_2452, %swap3A_2453] {strides = array<i32>} : memref<512x128xf32, #tpu.memory_space<vmem>>, vector<16xf32>,
      tpu.vector_store %arg5[%swap3A_2452, %swap3A_2453], %broadcast_in_dim3A_4 {strides = array<i32>} : memref<512x128xf32, #tpu.memory_space<vmem>>, vector<16xf32>,
      %mul3A_2455 = arith.constant 2 : i32
      %mul3A_2456 = arith.muli %scan3A_2374, %mul3A_2455 : i32
      %add3A_2457 = arith.constant 256 : i32
      %add3A_2458 = arith.addi %add3A_2457, %mul3A_2456 : i32
      %add3A_2459 = arith.constant 1 : i32
      %add3A_2460 = arith.addi %add3A_2458, %add3A_2459 : i32
      %swap3A_2461 = arith.index_cast %add3A_2460 : i32 to index
      %swap3A_2462 = arith.constant 16 : index
      %swap3A_2463 = tpu.vector_load %arg5[%swap3A_2461, %swap3A_2462] {strides = array<i32>} : memref<512x128xf32, #tpu.memory_space<vmem>>, vector<16xf32>,
      tpu.vector_store %arg5[%swap3A_2461, %swap3A_2462], %broadcast_in_dim3A_4 {strides = array<i32>} : memref<512x128xf32, #tpu.memory_space<vmem>>, vector<16xf32>,
      %mul3A_2464 = arith.constant 2 : i32
      %mul3A_2465 = arith.muli %scan3A_2374, %mul3A_2464 : i32
      %add3A_2466 = arith.constant 256 : i32
      %add3A_2467 = arith.addi %add3A_2466, %mul3A_2465 : i32
      %add3A_2468 = arith.constant 1 : i32
      %add3A_2469 = arith.addi %add3A_2467, %add3A_2468 : i32
      %swap3A_2470 = arith.index_cast %add3A_2469 : i32 to index
      %swap3A_2471 = arith.constant 32 : index
      %swap3A_2472 = tpu.vector_load %arg5[%swap3A_2470, %swap3A_2471] {strides = array<i32>} : memref<512x128xf32, #tpu.memory_space<vmem>>, vector<16xf32>,
      tpu.vector_store %arg5[%swap3A_2470, %swap3A_2471], %broadcast_in_dim3A_4 {strides = array<i32>} : memref<512x128xf32, #tpu.memory_space<vmem>>, vector<16xf32>,
      %mul3A_2473 = arith.constant 2 : i32
      %mul3A_2474 = arith.muli %scan3A_2374, %mul3A_2473 : i32
      %add3A_2475 = arith.constant 256 : i32
      %add3A_2476 = arith.addi %add3A_2475, %mul3A_2474 : i32
      %add3A_2477 = arith.constant 1 : i32
      %add3A_2478 = arith.addi %add3A_2476, %add3A_2477 : i32
      %swap3A_2479 = arith.index_cast %add3A_2478 : i32 to index
      %swap3A_2480 = arith.constant 48 : index
      %swap3A_2481 = tpu.vector_load %arg5[%swap3A_2479, %swap3A_2480] {strides = array<i32>} : memref<512x128xf32, #tpu.memory_space<vmem>>, vector<16xf32>,
      tpu.vector_store %arg5[%swap3A_2479, %swap3A_2480], %broadcast_in_dim3A_4 {strides = array<i32>} : memref<512x128xf32, #tpu.memory_space<vmem>>, vector<16xf32>,
      %mul3A_2482 = arith.constant 2 : i32
      %mul3A_2483 = arith.muli %scan3A_2374, %mul3A_2482 : i32
      %add3A_2484 = arith.constant 256 : i32
      %add3A_2485 = arith.addi %add3A_2484, %mul3A_2483 : i32
      %add3A_2486 = arith.constant 1 : i32
      %add3A_2487 = arith.addi %add3A_2485, %add3A_2486 : i32
      %swap3A_2488 = arith.index_cast %add3A_2487 : i32 to index
      %swap3A_2489 = arith.constant 64 : index
      %swap3A_2490 = tpu.vector_load %arg5[%swap3A_2488, %swap3A_2489] {strides = array<i32>} : memref<512x128xf32, #tpu.memory_space<vmem>>, vector<16xf32>,
      tpu.vector_store %arg5[%swap3A_2488, %swap3A_2489], %broadcast_in_dim3A_4 {strides = array<i32>} : memref<512x128xf32, #tpu.memory_space<vmem>>, vector<16xf32>,
      %mul3A_2491 = arith.constant 2 : i32
      %mul3A_2492 = arith.muli %scan3A_2374, %mul3A_2491 : i32
      %add3A_2493 = arith.constant 256 : i32
      %add3A_2494 = arith.addi %add3A_2493, %mul3A_2492 : i32
      %add3A_2495 = arith.constant 1 : i32
      %add3A_2496 = arith.addi %add3A_2494, %add3A_2495 : i32
      %swap3A_2497 = arith.index_cast %add3A_2496 : i32 to index
      %swap3A_2498 = arith.constant 80 : index
      %swap3A_2499 = tpu.vector_load %arg5[%swap3A_2497, %swap3A_2498] {strides = array<i32>} : memref<512x128xf32, #tpu.memory_space<vmem>>, vector<16xf32>,
      tpu.vector_store %arg5[%swap3A_2497, %swap3A_2498], %broadcast_in_dim3A_4 {strides = array<i32>} : memref<512x128xf32, #tpu.memory_space<vmem>>, vector<16xf32>,
      %mul3A_2500 = arith.constant 2 : i32
      %mul3A_2501 = arith.muli %scan3A_2374, %mul3A_2500 : i32
      %add3A_2502 = arith.constant 256 : i32
      %add3A_2503 = arith.addi %add3A_2502, %mul3A_2501 : i32
      %add3A_2504 = arith.constant 1 : i32
      %add3A_2505 = arith.addi %add3A_2503, %add3A_2504 : i32
      %swap3A_2506 = arith.index_cast %add3A_2505 : i32 to index
      %swap3A_2507 = arith.constant 96 : index
      %swap3A_2508 = tpu.vector_load %arg5[%swap3A_2506, %swap3A_2507] {strides = array<i32>} : memref<512x128xf32, #tpu.memory_space<vmem>>, vector<16xf32>,
      tpu.vector_store %arg5[%swap3A_2506, %swap3A_2507], %broadcast_in_dim3A_4 {strides = array<i32>} : memref<512x128xf32, #tpu.memory_space<vmem>>, vector<16xf32>,
      %mul3A_2509 = arith.constant 2 : i32
      %mul3A_2510 = arith.muli %scan3A_2374, %mul3A_2509 : i32
      %add3A_2511 = arith.constant 256 : i32
      %add3A_2512 = arith.addi %add3A_2511, %mul3A_2510 : i32
      %add3A_2513 = arith.constant 1 : i32
      %add3A_2514 = arith.addi %add3A_2512, %add3A_2513 : i32
      %swap3A_2515 = arith.index_cast %add3A_2514 : i32 to index
      %swap3A_2516 = arith.constant 112 : index
      %swap3A_2517 = tpu.vector_load %arg5[%swap3A_2515, %swap3A_2516] {strides = array<i32>} : memref<512x128xf32, #tpu.memory_space<vmem>>, vector<16xf32>,
      tpu.vector_store %arg5[%swap3A_2515, %swap3A_2516], %broadcast_in_dim3A_4 {strides = array<i32>} : memref<512x128xf32, #tpu.memory_space<vmem>>, vector<16xf32>,
    }
    %scan3A_232 = arith.constant 64 : i32
    %get3A_233 = arith.constant 0 : index
    %get3A_234 = tpu.vector_load %arg4[%get3A_233] {strides = array<i32>} : memref<512xi32, #tpu.memory_space<vmem>>, vector<16xi32>,
    %add3A_235 = arith.constant 0 : i32
    %add3A_236 = vector.broadcast %add3A_235 : i32 to vector<16xi32>
    %add3A_237 = arith.addi %iota3A, %add3A_236 : vector<16xi32>
    %ge3A_238 = arith.constant 256 : i32
    %ge3A_239 = vector.broadcast %ge3A_238 : i32 to vector<16xi32>
    %ge3A_240 = arith.cmpi sge, %get3A_234, %ge3A_239 : vector<16xi32>
    %lt3A_241 = arith.constant 384 : i32
    %lt3A_242 = vector.broadcast %lt3A_241 : i32 to vector<16xi32>
    %lt3A_243 = arith.cmpi slt, %get3A_234, %lt3A_242 : vector<16xi32>
    %and3A_244 = arith.andi %ge3A_240, %lt3A_243 : vector<16xi1>
    tpu.vector_store_idx %arg5[%get3A_234, %add3A_237], %broadcast_in_dim3A_6 masked %and3A_244 : memref<512x128xf32, #tpu.memory_space<vmem>>[vector<16xi32>, vector<16xi32>], vector<16xf32>, vector<16xi1>
    %get3A_245 = arith.constant 16 : index
    %get3A_246 = tpu.vector_load %arg4[%get3A_245] {strides = array<i32>} : memref<512xi32, #tpu.memory_space<vmem>>, vector<16xi32>,
    %add3A_247 = arith.constant 16 : i32
    %add3A_248 = vector.broadcast %add3A_247 : i32 to vector<16xi32>
    %add3A_249 = arith.addi %iota3A, %add3A_248 : vector<16xi32>
    %ge3A_250 = arith.constant 256 : i32
    %ge3A_251 = vector.broadcast %ge3A_250 : i32 to vector<16xi32>
    %ge3A_252 = arith.cmpi sge, %get3A_246, %ge3A_251 : vector<16xi32>
    %lt3A_253 = arith.constant 384 : i32
    %lt3A_254 = vector.broadcast %lt3A_253 : i32 to vector<16xi32>
    %lt3A_255 = arith.cmpi slt, %get3A_246, %lt3A_254 : vector<16xi32>
    %and3A_256 = arith.andi %ge3A_252, %lt3A_255 : vector<16xi1>
    tpu.vector_store_idx %arg5[%get3A_246, %add3A_249], %broadcast_in_dim3A_6 masked %and3A_256 : memref<512x128xf32, #tpu.memory_space<vmem>>[vector<16xi32>, vector<16xi32>], vector<16xf32>, vector<16xi1>
    %get3A_257 = arith.constant 32 : index
    %get3A_258 = tpu.vector_load %arg4[%get3A_257] {strides = array<i32>} : memref<512xi32, #tpu.memory_space<vmem>>, vector<16xi32>,
    %add3A_259 = arith.constant 32 : i32
    %add3A_260 = vector.broadcast %add3A_259 : i32 to vector<16xi32>
    %add3A_261 = arith.addi %iota3A, %add3A_260 : vector<16xi32>
    %ge3A_262 = arith.constant 256 : i32
    %ge3A_263 = vector.broadcast %ge3A_262 : i32 to vector<16xi32>
    %ge3A_264 = arith.cmpi sge, %get3A_258, %ge3A_263 : vector<16xi32>
    %lt3A_265 = arith.constant 384 : i32
    %lt3A_266 = vector.broadcast %lt3A_265 : i32 to vector<16xi32>
    %lt3A_267 = arith.cmpi slt, %get3A_258, %lt3A_266 : vector<16xi32>
    %and3A_268 = arith.andi %ge3A_264, %lt3A_267 : vector<16xi1>
    tpu.vector_store_idx %arg5[%get3A_258, %add3A_261], %broadcast_in_dim3A_6 masked %and3A_268 : memref<512x128xf32, #tpu.memory_space<vmem>>[vector<16xi32>, vector<16xi32>], vector<16xf32>, vector<16xi1>
    %get3A_269 = arith.constant 48 : index
    %get3A_270 = tpu.vector_load %arg4[%get3A_269] {strides = array<i32>} : memref<512xi32, #tpu.memory_space<vmem>>, vector<16xi32>,
    %add3A_271 = arith.constant 48 : i32
    %add3A_272 = vector.broadcast %add3A_271 : i32 to vector<16xi32>
    %add3A_273 = arith.addi %iota3A, %add3A_272 : vector<16xi32>
    %ge3A_274 = arith.constant 256 : i32
    %ge3A_275 = vector.broadcast %ge3A_274 : i32 to vector<16xi32>
    %ge3A_276 = arith.cmpi sge, %get3A_270, %ge3A_275 : vector<16xi32>
    %lt3A_277 = arith.constant 384 : i32
    %lt3A_278 = vector.broadcast %lt3A_277 : i32 to vector<16xi32>
    %lt3A_279 = arith.cmpi slt, %get3A_270, %lt3A_278 : vector<16xi32>
    %and3A_280 = arith.andi %ge3A_276, %lt3A_279 : vector<16xi1>
    tpu.vector_store_idx %arg5[%get3A_270, %add3A_273], %broadcast_in_dim3A_6 masked %and3A_280 : memref<512x128xf32, #tpu.memory_space<vmem>>[vector<16xi32>, vector<16xi32>], vector<16xf32>, vector<16xi1>
    %get3A_281 = arith.constant 64 : index
    %get3A_282 = tpu.vector_load %arg4[%get3A_281] {strides = array<i32>} : memref<512xi32, #tpu.memory_space<vmem>>, vector<16xi32>,
    %add3A_283 = arith.constant 64 : i32
    %add3A_284 = vector.broadcast %add3A_283 : i32 to vector<16xi32>
    %add3A_285 = arith.addi %iota3A, %add3A_284 : vector<16xi32>
    %ge3A_286 = arith.constant 256 : i32
    %ge3A_287 = vector.broadcast %ge3A_286 : i32 to vector<16xi32>
    %ge3A_288 = arith.cmpi sge, %get3A_282, %ge3A_287 : vector<16xi32>
    %lt3A_289 = arith.constant 384 : i32
    %lt3A_290 = vector.broadcast %lt3A_289 : i32 to vector<16xi32>
    %lt3A_291 = arith.cmpi slt, %get3A_282, %lt3A_290 : vector<16xi32>
    %and3A_292 = arith.andi %ge3A_288, %lt3A_291 : vector<16xi1>
    tpu.vector_store_idx %arg5[%get3A_282, %add3A_285], %broadcast_in_dim3A_6 masked %and3A_292 : memref<512x128xf32, #tpu.memory_space<vmem>>[vector<16xi32>, vector<16xi32>], vector<16xf32>, vector<16xi1>
    %get3A_293 = arith.constant 80 : index
    %get3A_294 = tpu.vector_load %arg4[%get3A_293] {strides = array<i32>} : memref<512xi32, #tpu.memory_space<vmem>>, vector<16xi32>,
    %add3A_295 = arith.constant 80 : i32
    %add3A_296 = vector.broadcast %add3A_295 : i32 to vector<16xi32>
    %add3A_297 = arith.addi %iota3A, %add3A_296 : vector<16xi32>
    %ge3A_298 = arith.constant 256 : i32
    %ge3A_299 = vector.broadcast %ge3A_298 : i32 to vector<16xi32>
    %ge3A_300 = arith.cmpi sge, %get3A_294, %ge3A_299 : vector<16xi32>
    %lt3A_301 = arith.constant 384 : i32
    %lt3A_302 = vector.broadcast %lt3A_301 : i32 to vector<16xi32>
    %lt3A_303 = arith.cmpi slt, %get3A_294, %lt3A_302 : vector<16xi32>
    %and3A_304 = arith.andi %ge3A_300, %lt3A_303 : vector<16xi1>
    tpu.vector_store_idx %arg5[%get3A_294, %add3A_297], %broadcast_in_dim3A_6 masked %and3A_304 : memref<512x128xf32, #tpu.memory_space<vmem>>[vector<16xi32>, vector<16xi32>], vector<16xf32>, vector<16xi1>
    %get3A_305 = arith.constant 96 : index
    %get3A_306 = tpu.vector_load %arg4[%get3A_305] {strides = array<i32>} : memref<512xi32, #tpu.memory_space<vmem>>, vector<16xi32>,
    %add3A_307 = arith.constant 96 : i32
    %add3A_308 = vector.broadcast %add3A_307 : i32 to vector<16xi32>
    %add3A_309 = arith.addi %iota3A, %add3A_308 : vector<16xi32>
    %ge3A_310 = arith.constant 256 : i32
    %ge3A_311 = vector.broadcast %ge3A_310 : i32 to vector<16xi32>
    %ge3A_312 = arith.cmpi sge, %get3A_306, %ge3A_311 : vector<16xi32>
    %lt3A_313 = arith.constant 384 : i32
    %lt3A_314 = vector.broadcast %lt3A_313 : i32 to vector<16xi32>
    %lt3A_315 = arith.cmpi slt, %get3A_306, %lt3A_314 : vector<16xi32>
    %and3A_316 = arith.andi %ge3A_312, %lt3A_315 : vector<16xi1>
    tpu.vector_store_idx %arg5[%get3A_306, %add3A_309], %broadcast_in_dim3A_6 masked %and3A_316 : memref<512x128xf32, #tpu.memory_space<vmem>>[vector<16xi32>, vector<16xi32>], vector<16xf32>, vector<16xi1>
    %get3A_317 = arith.constant 112 : index
    %get3A_318 = tpu.vector_load %arg4[%get3A_317] {strides = array<i32>} : memref<512xi32, #tpu.memory_space<vmem>>, vector<16xi32>,
    %add3A_319 = arith.constant 112 : i32
    %add3A_320 = vector.broadcast %add3A_319 : i32 to vector<16xi32>
    %add3A_321 = arith.addi %iota3A, %add3A_320 : vector<16xi32>
    %ge3A_322 = arith.constant 256 : i32
    %ge3A_323 = vector.broadcast %ge3A_322 : i32 to vector<16xi32>
    %ge3A_324 = arith.cmpi sge, %get3A_318, %ge3A_323 : vector<16xi32>
    %lt3A_325 = arith.constant 384 : i32
    %lt3A_326 = vector.broadcast %lt3A_325 : i32 to vector<16xi32>
    %lt3A_327 = arith.cmpi slt, %get3A_318, %lt3A_326 : vector<16xi32>
    %and3A_328 = arith.andi %ge3A_324, %lt3A_327 : vector<16xi1>
    tpu.vector_store_idx %arg5[%get3A_318, %add3A_321], %broadcast_in_dim3A_6 masked %and3A_328 : memref<512x128xf32, #tpu.memory_space<vmem>>[vector<16xi32>, vector<16xi32>], vector<16xf32>, vector<16xi1>
    %dma_start3A_329 = arith.constant 256 : i32
    %dma_start3A_330 = arith.constant 0 : i32
    %dma_start3A_331 = tpu.memref_slice %arg5[%dma_start3A_329, %dma_start3A_330] : memref<512x128xf32, #tpu.memory_space<vmem>> -> memref<128x128xf32, #tpu.memory_space<vmem>>
    %dma_start3A_332 = arith.constant 256 : i32
    %dma_start3A_333 = tpu.memref_slice %arg3[%dma_start3A_332, %mul3A_2] : memref<1000x16384xf32, #tpu.memory_space<hbm>> -> memref<128x128xf32, #tpu.memory_space<hbm>>
    %dma_start3A_334 = arith.constant 256 : i32
    %dma_start3A_335 = tpu.memref_slice %arg3[%dma_start3A_334, %mul3A_2] : memref<1000x16384xf32, #tpu.memory_space<hbm>> -> memref<128x128xf32, #tpu.memory_space<hbm>>
    %dma_start3A_336 = arith.constant 256 : i32
    %dma_start3A_337 = arith.constant 0 : i32
    %dma_start3A_338 = tpu.memref_slice %arg5[%dma_start3A_336, %dma_start3A_337] : memref<512x128xf32, #tpu.memory_space<vmem>> -> memref<128x128xf32, #tpu.memory_space<vmem>>
    tpu.enqueue_dma source(%dma_start3A_338 : memref<128x128xf32, #tpu.memory_space<vmem>>) target(%dma_start3A_335 : memref<128x128xf32, #tpu.memory_space<hbm>>) target_semaphore(%arg7 : memref<!tpu.dma_semaphore, #tpu.memory_space<semaphore_mem>>)
    %scan3A_339 = arith.constant 0 : i32
    %scan3A_340 = arith.constant 0 : i32
    %scan3A_341 = arith.constant 64 : i32
    %scan3A_342 = arith.addi %scan3A_340, %scan3A_341 : i32
    %scan3A_343 = arith.constant 1 : i32
    scf.for %scan3A_2374 = %scan3A_340 to %scan3A_342 step %scan3A_343  : i32 {
      %mul3A_2375 = arith.constant 2 : i32
      %mul3A_2376 = arith.muli %scan3A_2374, %mul3A_2375 : i32
      %add3A_2377 = arith.constant 384 : i32
      %add3A_2378 = arith.addi %add3A_2377, %mul3A_2376 : i32
      %add3A_2379 = arith.constant 0 : i32
      %add3A_2380 = arith.addi %add3A_2378, %add3A_2379 : i32
      %swap3A = arith.index_cast %add3A_2380 : i32 to index
      %swap3A_2381 = arith.constant 0 : index
      %swap3A_2382 = tpu.vector_load %arg5[%swap3A, %swap3A_2381] {strides = array<i32>} : memref<512x128xf32, #tpu.memory_space<vmem>>, vector<16xf32>,
      tpu.vector_store %arg5[%swap3A, %swap3A_2381], %broadcast_in_dim3A_4 {strides = array<i32>} : memref<512x128xf32, #tpu.memory_space<vmem>>, vector<16xf32>,
      %mul3A_2383 = arith.constant 2 : i32
      %mul3A_2384 = arith.muli %scan3A_2374, %mul3A_2383 : i32
      %add3A_2385 = arith.constant 384 : i32
      %add3A_2386 = arith.addi %add3A_2385, %mul3A_2384 : i32
      %add3A_2387 = arith.constant 0 : i32
      %add3A_2388 = arith.addi %add3A_2386, %add3A_2387 : i32
      %swap3A_2389 = arith.index_cast %add3A_2388 : i32 to index
      %swap3A_2390 = arith.constant 16 : index
      %swap3A_2391 = tpu.vector_load %arg5[%swap3A_2389, %swap3A_2390] {strides = array<i32>} : memref<512x128xf32, #tpu.memory_space<vmem>>, vector<16xf32>,
      tpu.vector_store %arg5[%swap3A_2389, %swap3A_2390], %broadcast_in_dim3A_4 {strides = array<i32>} : memref<512x128xf32, #tpu.memory_space<vmem>>, vector<16xf32>,
      %mul3A_2392 = arith.constant 2 : i32
      %mul3A_2393 = arith.muli %scan3A_2374, %mul3A_2392 : i32
      %add3A_2394 = arith.constant 384 : i32
      %add3A_2395 = arith.addi %add3A_2394, %mul3A_2393 : i32
      %add3A_2396 = arith.constant 0 : i32
      %add3A_2397 = arith.addi %add3A_2395, %add3A_2396 : i32
      %swap3A_2398 = arith.index_cast %add3A_2397 : i32 to index
      %swap3A_2399 = arith.constant 32 : index
      %swap3A_2400 = tpu.vector_load %arg5[%swap3A_2398, %swap3A_2399] {strides = array<i32>} : memref<512x128xf32, #tpu.memory_space<vmem>>, vector<16xf32>,
      tpu.vector_store %arg5[%swap3A_2398, %swap3A_2399], %broadcast_in_dim3A_4 {strides = array<i32>} : memref<512x128xf32, #tpu.memory_space<vmem>>, vector<16xf32>,
      %mul3A_2401 = arith.constant 2 : i32
      %mul3A_2402 = arith.muli %scan3A_2374, %mul3A_2401 : i32
      %add3A_2403 = arith.constant 384 : i32
      %add3A_2404 = arith.addi %add3A_2403, %mul3A_2402 : i32
      %add3A_2405 = arith.constant 0 : i32
      %add3A_2406 = arith.addi %add3A_2404, %add3A_2405 : i32
      %swap3A_2407 = arith.index_cast %add3A_2406 : i32 to index
      %swap3A_2408 = arith.constant 48 : index
      %swap3A_2409 = tpu.vector_load %arg5[%swap3A_2407, %swap3A_2408] {strides = array<i32>} : memref<512x128xf32, #tpu.memory_space<vmem>>, vector<16xf32>,
      tpu.vector_store %arg5[%swap3A_2407, %swap3A_2408], %broadcast_in_dim3A_4 {strides = array<i32>} : memref<512x128xf32, #tpu.memory_space<vmem>>, vector<16xf32>,
      %mul3A_2410 = arith.constant 2 : i32
      %mul3A_2411 = arith.muli %scan3A_2374, %mul3A_2410 : i32
      %add3A_2412 = arith.constant 384 : i32
      %add3A_2413 = arith.addi %add3A_2412, %mul3A_2411 : i32
      %add3A_2414 = arith.constant 0 : i32
      %add3A_2415 = arith.addi %add3A_2413, %add3A_2414 : i32
      %swap3A_2416 = arith.index_cast %add3A_2415 : i32 to index
      %swap3A_2417 = arith.constant 64 : index
      %swap3A_2418 = tpu.vector_load %arg5[%swap3A_2416, %swap3A_2417] {strides = array<i32>} : memref<512x128xf32, #tpu.memory_space<vmem>>, vector<16xf32>,
      tpu.vector_store %arg5[%swap3A_2416, %swap3A_2417], %broadcast_in_dim3A_4 {strides = array<i32>} : memref<512x128xf32, #tpu.memory_space<vmem>>, vector<16xf32>,
      %mul3A_2419 = arith.constant 2 : i32
      %mul3A_2420 = arith.muli %scan3A_2374, %mul3A_2419 : i32
      %add3A_2421 = arith.constant 384 : i32
      %add3A_2422 = arith.addi %add3A_2421, %mul3A_2420 : i32
      %add3A_2423 = arith.constant 0 : i32
      %add3A_2424 = arith.addi %add3A_2422, %add3A_2423 : i32
      %swap3A_2425 = arith.index_cast %add3A_2424 : i32 to index
      %swap3A_2426 = arith.constant 80 : index
      %swap3A_2427 = tpu.vector_load %arg5[%swap3A_2425, %swap3A_2426] {strides = array<i32>} : memref<512x128xf32, #tpu.memory_space<vmem>>, vector<16xf32>,
      tpu.vector_store %arg5[%swap3A_2425, %swap3A_2426], %broadcast_in_dim3A_4 {strides = array<i32>} : memref<512x128xf32, #tpu.memory_space<vmem>>, vector<16xf32>,
      %mul3A_2428 = arith.constant 2 : i32
      %mul3A_2429 = arith.muli %scan3A_2374, %mul3A_2428 : i32
      %add3A_2430 = arith.constant 384 : i32
      %add3A_2431 = arith.addi %add3A_2430, %mul3A_2429 : i32
      %add3A_2432 = arith.constant 0 : i32
      %add3A_2433 = arith.addi %add3A_2431, %add3A_2432 : i32
      %swap3A_2434 = arith.index_cast %add3A_2433 : i32 to index
      %swap3A_2435 = arith.constant 96 : index
      %swap3A_2436 = tpu.vector_load %arg5[%swap3A_2434, %swap3A_2435] {strides = array<i32>} : memref<512x128xf32, #tpu.memory_space<vmem>>, vector<16xf32>,
      tpu.vector_store %arg5[%swap3A_2434, %swap3A_2435], %broadcast_in_dim3A_4 {strides = array<i32>} : memref<512x128xf32, #tpu.memory_space<vmem>>, vector<16xf32>,
      %mul3A_2437 = arith.constant 2 : i32
      %mul3A_2438 = arith.muli %scan3A_2374, %mul3A_2437 : i32
      %add3A_2439 = arith.constant 384 : i32
      %add3A_2440 = arith.addi %add3A_2439, %mul3A_2438 : i32
      %add3A_2441 = arith.constant 0 : i32
      %add3A_2442 = arith.addi %add3A_2440, %add3A_2441 : i32
      %swap3A_2443 = arith.index_cast %add3A_2442 : i32 to index
      %swap3A_2444 = arith.constant 112 : index
      %swap3A_2445 = tpu.vector_load %arg5[%swap3A_2443, %swap3A_2444] {strides = array<i32>} : memref<512x128xf32, #tpu.memory_space<vmem>>, vector<16xf32>,
      tpu.vector_store %arg5[%swap3A_2443, %swap3A_2444], %broadcast_in_dim3A_4 {strides = array<i32>} : memref<512x128xf32, #tpu.memory_space<vmem>>, vector<16xf32>,
      %mul3A_2446 = arith.constant 2 : i32
      %mul3A_2447 = arith.muli %scan3A_2374, %mul3A_2446 : i32
      %add3A_2448 = arith.constant 384 : i32
      %add3A_2449 = arith.addi %add3A_2448, %mul3A_2447 : i32
      %add3A_2450 = arith.constant 1 : i32
      %add3A_2451 = arith.addi %add3A_2449, %add3A_2450 : i32
      %swap3A_2452 = arith.index_cast %add3A_2451 : i32 to index
      %swap3A_2453 = arith.constant 0 : index
      %swap3A_2454 = tpu.vector_load %arg5[%swap3A_2452, %swap3A_2453] {strides = array<i32>} : memref<512x128xf32, #tpu.memory_space<vmem>>, vector<16xf32>,
      tpu.vector_store %arg5[%swap3A_2452, %swap3A_2453], %broadcast_in_dim3A_4 {strides = array<i32>} : memref<512x128xf32, #tpu.memory_space<vmem>>, vector<16xf32>,
      %mul3A_2455 = arith.constant 2 : i32
      %mul3A_2456 = arith.muli %scan3A_2374, %mul3A_2455 : i32
      %add3A_2457 = arith.constant 384 : i32
      %add3A_2458 = arith.addi %add3A_2457, %mul3A_2456 : i32
      %add3A_2459 = arith.constant 1 : i32
      %add3A_2460 = arith.addi %add3A_2458, %add3A_2459 : i32
      %swap3A_2461 = arith.index_cast %add3A_2460 : i32 to index
      %swap3A_2462 = arith.constant 16 : index
      %swap3A_2463 = tpu.vector_load %arg5[%swap3A_2461, %swap3A_2462] {strides = array<i32>} : memref<512x128xf32, #tpu.memory_space<vmem>>, vector<16xf32>,
      tpu.vector_store %arg5[%swap3A_2461, %swap3A_2462], %broadcast_in_dim3A_4 {strides = array<i32>} : memref<512x128xf32, #tpu.memory_space<vmem>>, vector<16xf32>,
      %mul3A_2464 = arith.constant 2 : i32
      %mul3A_2465 = arith.muli %scan3A_2374, %mul3A_2464 : i32
      %add3A_2466 = arith.constant 384 : i32
      %add3A_2467 = arith.addi %add3A_2466, %mul3A_2465 : i32
      %add3A_2468 = arith.constant 1 : i32
      %add3A_2469 = arith.addi %add3A_2467, %add3A_2468 : i32
      %swap3A_2470 = arith.index_cast %add3A_2469 : i32 to index
      %swap3A_2471 = arith.constant 32 : index
      %swap3A_2472 = tpu.vector_load %arg5[%swap3A_2470, %swap3A_2471] {strides = array<i32>} : memref<512x128xf32, #tpu.memory_space<vmem>>, vector<16xf32>,
      tpu.vector_store %arg5[%swap3A_2470, %swap3A_2471], %broadcast_in_dim3A_4 {strides = array<i32>} : memref<512x128xf32, #tpu.memory_space<vmem>>, vector<16xf32>,
      %mul3A_2473 = arith.constant 2 : i32
      %mul3A_2474 = arith.muli %scan3A_2374, %mul3A_2473 : i32
      %add3A_2475 = arith.constant 384 : i32
      %add3A_2476 = arith.addi %add3A_2475, %mul3A_2474 : i32
      %add3A_2477 = arith.constant 1 : i32
      %add3A_2478 = arith.addi %add3A_2476, %add3A_2477 : i32
      %swap3A_2479 = arith.index_cast %add3A_2478 : i32 to index
      %swap3A_2480 = arith.constant 48 : index
      %swap3A_2481 = tpu.vector_load %arg5[%swap3A_2479, %swap3A_2480] {strides = array<i32>} : memref<512x128xf32, #tpu.memory_space<vmem>>, vector<16xf32>,
      tpu.vector_store %arg5[%swap3A_2479, %swap3A_2480], %broadcast_in_dim3A_4 {strides = array<i32>} : memref<512x128xf32, #tpu.memory_space<vmem>>, vector<16xf32>,
      %mul3A_2482 = arith.constant 2 : i32
      %mul3A_2483 = arith.muli %scan3A_2374, %mul3A_2482 : i32
      %add3A_2484 = arith.constant 384 : i32
      %add3A_2485 = arith.addi %add3A_2484, %mul3A_2483 : i32
      %add3A_2486 = arith.constant 1 : i32
      %add3A_2487 = arith.addi %add3A_2485, %add3A_2486 : i32
      %swap3A_2488 = arith.index_cast %add3A_2487 : i32 to index
      %swap3A_2489 = arith.constant 64 : index
      %swap3A_2490 = tpu.vector_load %arg5[%swap3A_2488, %swap3A_2489] {strides = array<i32>} : memref<512x128xf32, #tpu.memory_space<vmem>>, vector<16xf32>,
      tpu.vector_store %arg5[%swap3A_2488, %swap3A_2489], %broadcast_in_dim3A_4 {strides = array<i32>} : memref<512x128xf32, #tpu.memory_space<vmem>>, vector<16xf32>,
      %mul3A_2491 = arith.constant 2 : i32
      %mul3A_2492 = arith.muli %scan3A_2374, %mul3A_2491 : i32
      %add3A_2493 = arith.constant 384 : i32
      %add3A_2494 = arith.addi %add3A_2493, %mul3A_2492 : i32
      %add3A_2495 = arith.constant 1 : i32
      %add3A_2496 = arith.addi %add3A_2494, %add3A_2495 : i32
      %swap3A_2497 = arith.index_cast %add3A_2496 : i32 to index
      %swap3A_2498 = arith.constant 80 : index
      %swap3A_2499 = tpu.vector_load %arg5[%swap3A_2497, %swap3A_2498] {strides = array<i32>} : memref<512x128xf32, #tpu.memory_space<vmem>>, vector<16xf32>,
      tpu.vector_store %arg5[%swap3A_2497, %swap3A_2498], %broadcast_in_dim3A_4 {strides = array<i32>} : memref<512x128xf32, #tpu.memory_space<vmem>>, vector<16xf32>,
      %mul3A_2500 = arith.constant 2 : i32
      %mul3A_2501 = arith.muli %scan3A_2374, %mul3A_2500 : i32
      %add3A_2502 = arith.constant 384 : i32
      %add3A_2503 = arith.addi %add3A_2502, %mul3A_2501 : i32
      %add3A_2504 = arith.constant 1 : i32
      %add3A_2505 = arith.addi %add3A_2503, %add3A_2504 : i32
      %swap3A_2506 = arith.index_cast %add3A_2505 : i32 to index
      %swap3A_2507 = arith.constant 96 : index
      %swap3A_2508 = tpu.vector_load %arg5[%swap3A_2506, %swap3A_2507] {strides = array<i32>} : memref<512x128xf32, #tpu.memory_space<vmem>>, vector<16xf32>,
      tpu.vector_store %arg5[%swap3A_2506, %swap3A_2507], %broadcast_in_dim3A_4 {strides = array<i32>} : memref<512x128xf32, #tpu.memory_space<vmem>>, vector<16xf32>,
      %mul3A_2509 = arith.constant 2 : i32
      %mul3A_2510 = arith.muli %scan3A_2374, %mul3A_2509 : i32
      %add3A_2511 = arith.constant 384 : i32
      %add3A_2512 = arith.addi %add3A_2511, %mul3A_2510 : i32
      %add3A_2513 = arith.constant 1 : i32
      %add3A_2514 = arith.addi %add3A_2512, %add3A_2513 : i32
      %swap3A_2515 = arith.index_cast %add3A_2514 : i32 to index
      %swap3A_2516 = arith.constant 112 : index
      %swap3A_2517 = tpu.vector_load %arg5[%swap3A_2515, %swap3A_2516] {strides = array<i32>} : memref<512x128xf32, #tpu.memory_space<vmem>>, vector<16xf32>,
      tpu.vector_store %arg5[%swap3A_2515, %swap3A_2516], %broadcast_in_dim3A_4 {strides = array<i32>} : memref<512x128xf32, #tpu.memory_space<vmem>>, vector<16xf32>,
    }
    %scan3A_344 = arith.constant 64 : i32
    %get3A_345 = arith.constant 0 : index
    %get3A_346 = tpu.vector_load %arg4[%get3A_345] {strides = array<i32>} : memref<512xi32, #tpu.memory_space<vmem>>, vector<16xi32>,
    %add3A_347 = arith.constant 0 : i32
    %add3A_348 = vector.broadcast %add3A_347 : i32 to vector<16xi32>
    %add3A_349 = arith.addi %iota3A, %add3A_348 : vector<16xi32>
    %ge3A_350 = arith.constant 384 : i32
    %ge3A_351 = vector.broadcast %ge3A_350 : i32 to vector<16xi32>
    %ge3A_352 = arith.cmpi sge, %get3A_346, %ge3A_351 : vector<16xi32>
    %lt3A_353 = arith.constant 512 : i32
    %lt3A_354 = vector.broadcast %lt3A_353 : i32 to vector<16xi32>
    %lt3A_355 = arith.cmpi slt, %get3A_346, %lt3A_354 : vector<16xi32>
    %and3A_356 = arith.andi %ge3A_352, %lt3A_355 : vector<16xi1>
    tpu.vector_store_idx %arg5[%get3A_346, %add3A_349], %broadcast_in_dim3A_6 masked %and3A_356 : memref<512x128xf32, #tpu.memory_space<vmem>>[vector<16xi32>, vector<16xi32>], vector<16xf32>, vector<16xi1>
    %get3A_357 = arith.constant 16 : index
    %get3A_358 = tpu.vector_load %arg4[%get3A_357] {strides = array<i32>} : memref<512xi32, #tpu.memory_space<vmem>>, vector<16xi32>,
    %add3A_359 = arith.constant 16 : i32
    %add3A_360 = vector.broadcast %add3A_359 : i32 to vector<16xi32>
    %add3A_361 = arith.addi %iota3A, %add3A_360 : vector<16xi32>
    %ge3A_362 = arith.constant 384 : i32
    %ge3A_363 = vector.broadcast %ge3A_362 : i32 to vector<16xi32>
    %ge3A_364 = arith.cmpi sge, %get3A_358, %ge3A_363 : vector<16xi32>
    %lt3A_365 = arith.constant 512 : i32
    %lt3A_366 = vector.broadcast %lt3A_365 : i32 to vector<16xi32>
    %lt3A_367 = arith.cmpi slt, %get3A_358, %lt3A_366 : vector<16xi32>
    %and3A_368 = arith.andi %ge3A_364, %lt3A_367 : vector<16xi1>
    tpu.vector_store_idx %arg5[%get3A_358, %add3A_361], %broadcast_in_dim3A_6 masked %and3A_368 : memref<512x128xf32, #tpu.memory_space<vmem>>[vector<16xi32>, vector<16xi32>], vector<16xf32>, vector<16xi1>
    %get3A_369 = arith.constant 32 : index
    %get3A_370 = tpu.vector_load %arg4[%get3A_369] {strides = array<i32>} : memref<512xi32, #tpu.memory_space<vmem>>, vector<16xi32>,
    %add3A_371 = arith.constant 32 : i32
    %add3A_372 = vector.broadcast %add3A_371 : i32 to vector<16xi32>
    %add3A_373 = arith.addi %iota3A, %add3A_372 : vector<16xi32>
    %ge3A_374 = arith.constant 384 : i32
    %ge3A_375 = vector.broadcast %ge3A_374 : i32 to vector<16xi32>
    %ge3A_376 = arith.cmpi sge, %get3A_370, %ge3A_375 : vector<16xi32>
    %lt3A_377 = arith.constant 512 : i32
    %lt3A_378 = vector.broadcast %lt3A_377 : i32 to vector<16xi32>
    %lt3A_379 = arith.cmpi slt, %get3A_370, %lt3A_378 : vector<16xi32>
    %and3A_380 = arith.andi %ge3A_376, %lt3A_379 : vector<16xi1>
    tpu.vector_store_idx %arg5[%get3A_370, %add3A_373], %broadcast_in_dim3A_6 masked %and3A_380 : memref<512x128xf32, #tpu.memory_space<vmem>>[vector<16xi32>, vector<16xi32>], vector<16xf32>, vector<16xi1>
    %get3A_381 = arith.constant 48 : index
    %get3A_382 = tpu.vector_load %arg4[%get3A_381] {strides = array<i32>} : memref<512xi32, #tpu.memory_space<vmem>>, vector<16xi32>,
    %add3A_383 = arith.constant 48 : i32
    %add3A_384 = vector.broadcast %add3A_383 : i32 to vector<16xi32>
    %add3A_385 = arith.addi %iota3A, %add3A_384 : vector<16xi32>
    %ge3A_386 = arith.constant 384 : i32
    %ge3A_387 = vector.broadcast %ge3A_386 : i32 to vector<16xi32>
    %ge3A_388 = arith.cmpi sge, %get3A_382, %ge3A_387 : vector<16xi32>
    %lt3A_389 = arith.constant 512 : i32
    %lt3A_390 = vector.broadcast %lt3A_389 : i32 to vector<16xi32>
    %lt3A_391 = arith.cmpi slt, %get3A_382, %lt3A_390 : vector<16xi32>
    %and3A_392 = arith.andi %ge3A_388, %lt3A_391 : vector<16xi1>
    tpu.vector_store_idx %arg5[%get3A_382, %add3A_385], %broadcast_in_dim3A_6 masked %and3A_392 : memref<512x128xf32, #tpu.memory_space<vmem>>[vector<16xi32>, vector<16xi32>], vector<16xf32>, vector<16xi1>
    %get3A_393 = arith.constant 64 : index
    %get3A_394 = tpu.vector_load %arg4[%get3A_393] {strides = array<i32>} : memref<512xi32, #tpu.memory_space<vmem>>, vector<16xi32>,
    %add3A_395 = arith.constant 64 : i32
    %add3A_396 = vector.broadcast %add3A_395 : i32 to vector<16xi32>
    %add3A_397 = arith.addi %iota3A, %add3A_396 : vector<16xi32>
    %ge3A_398 = arith.constant 384 : i32
    %ge3A_399 = vector.broadcast %ge3A_398 : i32 to vector<16xi32>
    %ge3A_400 = arith.cmpi sge, %get3A_394, %ge3A_399 : vector<16xi32>
    %lt3A_401 = arith.constant 512 : i32
    %lt3A_402 = vector.broadcast %lt3A_401 : i32 to vector<16xi32>
    %lt3A_403 = arith.cmpi slt, %get3A_394, %lt3A_402 : vector<16xi32>
    %and3A_404 = arith.andi %ge3A_400, %lt3A_403 : vector<16xi1>
    tpu.vector_store_idx %arg5[%get3A_394, %add3A_397], %broadcast_in_dim3A_6 masked %and3A_404 : memref<512x128xf32, #tpu.memory_space<vmem>>[vector<16xi32>, vector<16xi32>], vector<16xf32>, vector<16xi1>
    %get3A_405 = arith.constant 80 : index
    %get3A_406 = tpu.vector_load %arg4[%get3A_405] {strides = array<i32>} : memref<512xi32, #tpu.memory_space<vmem>>, vector<16xi32>,
    %add3A_407 = arith.constant 80 : i32
    %add3A_408 = vector.broadcast %add3A_407 : i32 to vector<16xi32>
    %add3A_409 = arith.addi %iota3A, %add3A_408 : vector<16xi32>
    %ge3A_410 = arith.constant 384 : i32
    %ge3A_411 = vector.broadcast %ge3A_410 : i32 to vector<16xi32>
    %ge3A_412 = arith.cmpi sge, %get3A_406, %ge3A_411 : vector<16xi32>
    %lt3A_413 = arith.constant 512 : i32
    %lt3A_414 = vector.broadcast %lt3A_413 : i32 to vector<16xi32>
    %lt3A_415 = arith.cmpi slt, %get3A_406, %lt3A_414 : vector<16xi32>
    %and3A_416 = arith.andi %ge3A_412, %lt3A_415 : vector<16xi1>
    tpu.vector_store_idx %arg5[%get3A_406, %add3A_409], %broadcast_in_dim3A_6 masked %and3A_416 : memref<512x128xf32, #tpu.memory_space<vmem>>[vector<16xi32>, vector<16xi32>], vector<16xf32>, vector<16xi1>
    %get3A_417 = arith.constant 96 : index
    %get3A_418 = tpu.vector_load %arg4[%get3A_417] {strides = array<i32>} : memref<512xi32, #tpu.memory_space<vmem>>, vector<16xi32>,
    %add3A_419 = arith.constant 96 : i32
    %add3A_420 = vector.broadcast %add3A_419 : i32 to vector<16xi32>
    %add3A_421 = arith.addi %iota3A, %add3A_420 : vector<16xi32>
    %ge3A_422 = arith.constant 384 : i32
    %ge3A_423 = vector.broadcast %ge3A_422 : i32 to vector<16xi32>
    %ge3A_424 = arith.cmpi sge, %get3A_418, %ge3A_423 : vector<16xi32>
    %lt3A_425 = arith.constant 512 : i32
    %lt3A_426 = vector.broadcast %lt3A_425 : i32 to vector<16xi32>
    %lt3A_427 = arith.cmpi slt, %get3A_418, %lt3A_426 : vector<16xi32>
    %and3A_428 = arith.andi %ge3A_424, %lt3A_427 : vector<16xi1>
    tpu.vector_store_idx %arg5[%get3A_418, %add3A_421], %broadcast_in_dim3A_6 masked %and3A_428 : memref<512x128xf32, #tpu.memory_space<vmem>>[vector<16xi32>, vector<16xi32>], vector<16xf32>, vector<16xi1>
    %get3A_429 = arith.constant 112 : index
    %get3A_430 = tpu.vector_load %arg4[%get3A_429] {strides = array<i32>} : memref<512xi32, #tpu.memory_space<vmem>>, vector<16xi32>,
    %add3A_431 = arith.constant 112 : i32
    %add3A_432 = vector.broadcast %add3A_431 : i32 to vector<16xi32>
    %add3A_433 = arith.addi %iota3A, %add3A_432 : vector<16xi32>
    %ge3A_434 = arith.constant 384 : i32
    %ge3A_435 = vector.broadcast %ge3A_434 : i32 to vector<16xi32>
    %ge3A_436 = arith.cmpi sge, %get3A_430, %ge3A_435 : vector<16xi32>
    %lt3A_437 = arith.constant 512 : i32
    %lt3A_438 = vector.broadcast %lt3A_437 : i32 to vector<16xi32>
    %lt3A_439 = arith.cmpi slt, %get3A_430, %lt3A_438 : vector<16xi32>
    %and3A_440 = arith.andi %ge3A_436, %lt3A_439 : vector<16xi1>
    tpu.vector_store_idx %arg5[%get3A_430, %add3A_433], %broadcast_in_dim3A_6 masked %and3A_440 : memref<512x128xf32, #tpu.memory_space<vmem>>[vector<16xi32>, vector<16xi32>], vector<16xf32>, vector<16xi1>
    %dma_start3A_441 = arith.constant 384 : i32
    %dma_start3A_442 = arith.constant 0 : i32
    %dma_start3A_443 = tpu.memref_slice %arg5[%dma_start3A_441, %dma_start3A_442] : memref<512x128xf32, #tpu.memory_space<vmem>> -> memref<128x128xf32, #tpu.memory_space<vmem>>
    %dma_start3A_444 = arith.constant 384 : i32
    %dma_start3A_445 = tpu.memref_slice %arg3[%dma_start3A_444, %mul3A_2] : memref<1000x16384xf32, #tpu.memory_space<hbm>> -> memref<128x128xf32, #tpu.memory_space<hbm>>
    %dma_start3A_446 = arith.constant 384 : i32
    %dma_start3A_447 = tpu.memref_slice %arg3[%dma_start3A_446, %mul3A_2] : memref<1000x16384xf32, #tpu.memory_space<hbm>> -> memref<128x128xf32, #tpu.memory_space<hbm>>
    %dma_start3A_448 = arith.constant 384 : i32
    %dma_start3A_449 = arith.constant 0 : i32
    %dma_start3A_450 = tpu.memref_slice %arg5[%dma_start3A_448, %dma_start3A_449] : memref<512x128xf32, #tpu.memory_space<vmem>> -> memref<128x128xf32, #tpu.memory_space<vmem>>
    tpu.enqueue_dma source(%dma_start3A_450 : memref<128x128xf32, #tpu.memory_space<vmem>>) target(%dma_start3A_447 : memref<128x128xf32, #tpu.memory_space<hbm>>) target_semaphore(%arg7 : memref<!tpu.dma_semaphore, #tpu.memory_space<semaphore_mem>>)
    %scan3A_451 = arith.constant 0 : i32
    %scan3A_452 = arith.constant 0 : i32
    %scan3A_453 = arith.constant 64 : i32
    %scan3A_454 = arith.addi %scan3A_452, %scan3A_453 : i32
    %scan3A_455 = arith.constant 1 : i32
    scf.for %scan3A_2374 = %scan3A_452 to %scan3A_454 step %scan3A_455  : i32 {
      %mul3A_2375 = arith.constant 2 : i32
      %mul3A_2376 = arith.muli %scan3A_2374, %mul3A_2375 : i32
      %add3A_2377 = arith.constant 0 : i32
      %add3A_2378 = arith.addi %add3A_2377, %mul3A_2376 : i32
      %add3A_2379 = arith.constant 0 : i32
      %add3A_2380 = arith.addi %add3A_2378, %add3A_2379 : i32
      %swap3A = arith.index_cast %add3A_2380 : i32 to index
      %swap3A_2381 = arith.constant 0 : index
      %swap3A_2382 = tpu.vector_load %arg6[%swap3A, %swap3A_2381] {strides = array<i32>} : memref<488x128xf32, #tpu.memory_space<vmem>>, vector<16xf32>,
      tpu.vector_store %arg6[%swap3A, %swap3A_2381], %broadcast_in_dim3A_4 {strides = array<i32>} : memref<488x128xf32, #tpu.memory_space<vmem>>, vector<16xf32>,
      %mul3A_2383 = arith.constant 2 : i32
      %mul3A_2384 = arith.muli %scan3A_2374, %mul3A_2383 : i32
      %add3A_2385 = arith.constant 0 : i32
      %add3A_2386 = arith.addi %add3A_2385, %mul3A_2384 : i32
      %add3A_2387 = arith.constant 0 : i32
      %add3A_2388 = arith.addi %add3A_2386, %add3A_2387 : i32
      %swap3A_2389 = arith.index_cast %add3A_2388 : i32 to index
      %swap3A_2390 = arith.constant 16 : index
      %swap3A_2391 = tpu.vector_load %arg6[%swap3A_2389, %swap3A_2390] {strides = array<i32>} : memref<488x128xf32, #tpu.memory_space<vmem>>, vector<16xf32>,
      tpu.vector_store %arg6[%swap3A_2389, %swap3A_2390], %broadcast_in_dim3A_4 {strides = array<i32>} : memref<488x128xf32, #tpu.memory_space<vmem>>, vector<16xf32>,
      %mul3A_2392 = arith.constant 2 : i32
      %mul3A_2393 = arith.muli %scan3A_2374, %mul3A_2392 : i32
      %add3A_2394 = arith.constant 0 : i32
      %add3A_2395 = arith.addi %add3A_2394, %mul3A_2393 : i32
      %add3A_2396 = arith.constant 0 : i32
      %add3A_2397 = arith.addi %add3A_2395, %add3A_2396 : i32
      %swap3A_2398 = arith.index_cast %add3A_2397 : i32 to index
      %swap3A_2399 = arith.constant 32 : index
      %swap3A_2400 = tpu.vector_load %arg6[%swap3A_2398, %swap3A_2399] {strides = array<i32>} : memref<488x128xf32, #tpu.memory_space<vmem>>, vector<16xf32>,
      tpu.vector_store %arg6[%swap3A_2398, %swap3A_2399], %broadcast_in_dim3A_4 {strides = array<i32>} : memref<488x128xf32, #tpu.memory_space<vmem>>, vector<16xf32>,
      %mul3A_2401 = arith.constant 2 : i32
      %mul3A_2402 = arith.muli %scan3A_2374, %mul3A_2401 : i32
      %add3A_2403 = arith.constant 0 : i32
      %add3A_2404 = arith.addi %add3A_2403, %mul3A_2402 : i32
      %add3A_2405 = arith.constant 0 : i32
      %add3A_2406 = arith.addi %add3A_2404, %add3A_2405 : i32
      %swap3A_2407 = arith.index_cast %add3A_2406 : i32 to index
      %swap3A_2408 = arith.constant 48 : index
      %swap3A_2409 = tpu.vector_load %arg6[%swap3A_2407, %swap3A_2408] {strides = array<i32>} : memref<488x128xf32, #tpu.memory_space<vmem>>, vector<16xf32>,
      tpu.vector_store %arg6[%swap3A_2407, %swap3A_2408], %broadcast_in_dim3A_4 {strides = array<i32>} : memref<488x128xf32, #tpu.memory_space<vmem>>, vector<16xf32>,
      %mul3A_2410 = arith.constant 2 : i32
      %mul3A_2411 = arith.muli %scan3A_2374, %mul3A_2410 : i32
      %add3A_2412 = arith.constant 0 : i32
      %add3A_2413 = arith.addi %add3A_2412, %mul3A_2411 : i32
      %add3A_2414 = arith.constant 0 : i32
      %add3A_2415 = arith.addi %add3A_2413, %add3A_2414 : i32
      %swap3A_2416 = arith.index_cast %add3A_2415 : i32 to index
      %swap3A_2417 = arith.constant 64 : index
      %swap3A_2418 = tpu.vector_load %arg6[%swap3A_2416, %swap3A_2417] {strides = array<i32>} : memref<488x128xf32, #tpu.memory_space<vmem>>, vector<16xf32>,
      tpu.vector_store %arg6[%swap3A_2416, %swap3A_2417], %broadcast_in_dim3A_4 {strides = array<i32>} : memref<488x128xf32, #tpu.memory_space<vmem>>, vector<16xf32>,
      %mul3A_2419 = arith.constant 2 : i32
      %mul3A_2420 = arith.muli %scan3A_2374, %mul3A_2419 : i32
      %add3A_2421 = arith.constant 0 : i32
      %add3A_2422 = arith.addi %add3A_2421, %mul3A_2420 : i32
      %add3A_2423 = arith.constant 0 : i32
      %add3A_2424 = arith.addi %add3A_2422, %add3A_2423 : i32
      %swap3A_2425 = arith.index_cast %add3A_2424 : i32 to index
      %swap3A_2426 = arith.constant 80 : index
      %swap3A_2427 = tpu.vector_load %arg6[%swap3A_2425, %swap3A_2426] {strides = array<i32>} : memref<488x128xf32, #tpu.memory_space<vmem>>, vector<16xf32>,
      tpu.vector_store %arg6[%swap3A_2425, %swap3A_2426], %broadcast_in_dim3A_4 {strides = array<i32>} : memref<488x128xf32, #tpu.memory_space<vmem>>, vector<16xf32>,
      %mul3A_2428 = arith.constant 2 : i32
      %mul3A_2429 = arith.muli %scan3A_2374, %mul3A_2428 : i32
      %add3A_2430 = arith.constant 0 : i32
      %add3A_2431 = arith.addi %add3A_2430, %mul3A_2429 : i32
      %add3A_2432 = arith.constant 0 : i32
      %add3A_2433 = arith.addi %add3A_2431, %add3A_2432 : i32
      %swap3A_2434 = arith.index_cast %add3A_2433 : i32 to index
      %swap3A_2435 = arith.constant 96 : index
      %swap3A_2436 = tpu.vector_load %arg6[%swap3A_2434, %swap3A_2435] {strides = array<i32>} : memref<488x128xf32, #tpu.memory_space<vmem>>, vector<16xf32>,
      tpu.vector_store %arg6[%swap3A_2434, %swap3A_2435], %broadcast_in_dim3A_4 {strides = array<i32>} : memref<488x128xf32, #tpu.memory_space<vmem>>, vector<16xf32>,
      %mul3A_2437 = arith.constant 2 : i32
      %mul3A_2438 = arith.muli %scan3A_2374, %mul3A_2437 : i32
      %add3A_2439 = arith.constant 0 : i32
      %add3A_2440 = arith.addi %add3A_2439, %mul3A_2438 : i32
      %add3A_2441 = arith.constant 0 : i32
      %add3A_2442 = arith.addi %add3A_2440, %add3A_2441 : i32
      %swap3A_2443 = arith.index_cast %add3A_2442 : i32 to index
      %swap3A_2444 = arith.constant 112 : index
      %swap3A_2445 = tpu.vector_load %arg6[%swap3A_2443, %swap3A_2444] {strides = array<i32>} : memref<488x128xf32, #tpu.memory_space<vmem>>, vector<16xf32>,
      tpu.vector_store %arg6[%swap3A_2443, %swap3A_2444], %broadcast_in_dim3A_4 {strides = array<i32>} : memref<488x128xf32, #tpu.memory_space<vmem>>, vector<16xf32>,
      %mul3A_2446 = arith.constant 2 : i32
      %mul3A_2447 = arith.muli %scan3A_2374, %mul3A_2446 : i32
      %add3A_2448 = arith.constant 0 : i32
      %add3A_2449 = arith.addi %add3A_2448, %mul3A_2447 : i32
      %add3A_2450 = arith.constant 1 : i32
      %add3A_2451 = arith.addi %add3A_2449, %add3A_2450 : i32
      %swap3A_2452 = arith.index_cast %add3A_2451 : i32 to index
      %swap3A_2453 = arith.constant 0 : index
      %swap3A_2454 = tpu.vector_load %arg6[%swap3A_2452, %swap3A_2453] {strides = array<i32>} : memref<488x128xf32, #tpu.memory_space<vmem>>, vector<16xf32>,
      tpu.vector_store %arg6[%swap3A_2452, %swap3A_2453], %broadcast_in_dim3A_4 {strides = array<i32>} : memref<488x128xf32, #tpu.memory_space<vmem>>, vector<16xf32>,
      %mul3A_2455 = arith.constant 2 : i32
      %mul3A_2456 = arith.muli %scan3A_2374, %mul3A_2455 : i32
      %add3A_2457 = arith.constant 0 : i32
      %add3A_2458 = arith.addi %add3A_2457, %mul3A_2456 : i32
      %add3A_2459 = arith.constant 1 : i32
      %add3A_2460 = arith.addi %add3A_2458, %add3A_2459 : i32
      %swap3A_2461 = arith.index_cast %add3A_2460 : i32 to index
      %swap3A_2462 = arith.constant 16 : index
      %swap3A_2463 = tpu.vector_load %arg6[%swap3A_2461, %swap3A_2462] {strides = array<i32>} : memref<488x128xf32, #tpu.memory_space<vmem>>, vector<16xf32>,
      tpu.vector_store %arg6[%swap3A_2461, %swap3A_2462], %broadcast_in_dim3A_4 {strides = array<i32>} : memref<488x128xf32, #tpu.memory_space<vmem>>, vector<16xf32>,
      %mul3A_2464 = arith.constant 2 : i32
      %mul3A_2465 = arith.muli %scan3A_2374, %mul3A_2464 : i32
      %add3A_2466 = arith.constant 0 : i32
      %add3A_2467 = arith.addi %add3A_2466, %mul3A_2465 : i32
      %add3A_2468 = arith.constant 1 : i32
      %add3A_2469 = arith.addi %add3A_2467, %add3A_2468 : i32
      %swap3A_2470 = arith.index_cast %add3A_2469 : i32 to index
      %swap3A_2471 = arith.constant 32 : index
      %swap3A_2472 = tpu.vector_load %arg6[%swap3A_2470, %swap3A_2471] {strides = array<i32>} : memref<488x128xf32, #tpu.memory_space<vmem>>, vector<16xf32>,
      tpu.vector_store %arg6[%swap3A_2470, %swap3A_2471], %broadcast_in_dim3A_4 {strides = array<i32>} : memref<488x128xf32, #tpu.memory_space<vmem>>, vector<16xf32>,
      %mul3A_2473 = arith.constant 2 : i32
      %mul3A_2474 = arith.muli %scan3A_2374, %mul3A_2473 : i32
      %add3A_2475 = arith.constant 0 : i32
      %add3A_2476 = arith.addi %add3A_2475, %mul3A_2474 : i32
      %add3A_2477 = arith.constant 1 : i32
      %add3A_2478 = arith.addi %add3A_2476, %add3A_2477 : i32
      %swap3A_2479 = arith.index_cast %add3A_2478 : i32 to index
      %swap3A_2480 = arith.constant 48 : index
      %swap3A_2481 = tpu.vector_load %arg6[%swap3A_2479, %swap3A_2480] {strides = array<i32>} : memref<488x128xf32, #tpu.memory_space<vmem>>, vector<16xf32>,
      tpu.vector_store %arg6[%swap3A_2479, %swap3A_2480], %broadcast_in_dim3A_4 {strides = array<i32>} : memref<488x128xf32, #tpu.memory_space<vmem>>, vector<16xf32>,
      %mul3A_2482 = arith.constant 2 : i32
      %mul3A_2483 = arith.muli %scan3A_2374, %mul3A_2482 : i32
      %add3A_2484 = arith.constant 0 : i32
      %add3A_2485 = arith.addi %add3A_2484, %mul3A_2483 : i32
      %add3A_2486 = arith.constant 1 : i32
      %add3A_2487 = arith.addi %add3A_2485, %add3A_2486 : i32
      %swap3A_2488 = arith.index_cast %add3A_2487 : i32 to index
      %swap3A_2489 = arith.constant 64 : index
      %swap3A_2490 = tpu.vector_load %arg6[%swap3A_2488, %swap3A_2489] {strides = array<i32>} : memref<488x128xf32, #tpu.memory_space<vmem>>, vector<16xf32>,
      tpu.vector_store %arg6[%swap3A_2488, %swap3A_2489], %broadcast_in_dim3A_4 {strides = array<i32>} : memref<488x128xf32, #tpu.memory_space<vmem>>, vector<16xf32>,
      %mul3A_2491 = arith.constant 2 : i32
      %mul3A_2492 = arith.muli %scan3A_2374, %mul3A_2491 : i32
      %add3A_2493 = arith.constant 0 : i32
      %add3A_2494 = arith.addi %add3A_2493, %mul3A_2492 : i32
      %add3A_2495 = arith.constant 1 : i32
      %add3A_2496 = arith.addi %add3A_2494, %add3A_2495 : i32
      %swap3A_2497 = arith.index_cast %add3A_2496 : i32 to index
      %swap3A_2498 = arith.constant 80 : index
      %swap3A_2499 = tpu.vector_load %arg6[%swap3A_2497, %swap3A_2498] {strides = array<i32>} : memref<488x128xf32, #tpu.memory_space<vmem>>, vector<16xf32>,
      tpu.vector_store %arg6[%swap3A_2497, %swap3A_2498], %broadcast_in_dim3A_4 {strides = array<i32>} : memref<488x128xf32, #tpu.memory_space<vmem>>, vector<16xf32>,
      %mul3A_2500 = arith.constant 2 : i32
      %mul3A_2501 = arith.muli %scan3A_2374, %mul3A_2500 : i32
      %add3A_2502 = arith.constant 0 : i32
      %add3A_2503 = arith.addi %add3A_2502, %mul3A_2501 : i32
      %add3A_2504 = arith.constant 1 : i32
      %add3A_2505 = arith.addi %add3A_2503, %add3A_2504 : i32
      %swap3A_2506 = arith.index_cast %add3A_2505 : i32 to index
      %swap3A_2507 = arith.constant 96 : index
      %swap3A_2508 = tpu.vector_load %arg6[%swap3A_2506, %swap3A_2507] {strides = array<i32>} : memref<488x128xf32, #tpu.memory_space<vmem>>, vector<16xf32>,
      tpu.vector_store %arg6[%swap3A_2506, %swap3A_2507], %broadcast_in_dim3A_4 {strides = array<i32>} : memref<488x128xf32, #tpu.memory_space<vmem>>, vector<16xf32>,
      %mul3A_2509 = arith.constant 2 : i32
      %mul3A_2510 = arith.muli %scan3A_2374, %mul3A_2509 : i32
      %add3A_2511 = arith.constant 0 : i32
      %add3A_2512 = arith.addi %add3A_2511, %mul3A_2510 : i32
      %add3A_2513 = arith.constant 1 : i32
      %add3A_2514 = arith.addi %add3A_2512, %add3A_2513 : i32
      %swap3A_2515 = arith.index_cast %add3A_2514 : i32 to index
      %swap3A_2516 = arith.constant 112 : index
      %swap3A_2517 = tpu.vector_load %arg6[%swap3A_2515, %swap3A_2516] {strides = array<i32>} : memref<488x128xf32, #tpu.memory_space<vmem>>, vector<16xf32>,
      tpu.vector_store %arg6[%swap3A_2515, %swap3A_2516], %broadcast_in_dim3A_4 {strides = array<i32>} : memref<488x128xf32, #tpu.memory_space<vmem>>, vector<16xf32>,
    }
    %scan3A_456 = arith.constant 64 : i32
    %get3A_457 = arith.constant 0 : index
    %get3A_458 = tpu.vector_load %arg4[%get3A_457] {strides = array<i32>} : memref<512xi32, #tpu.memory_space<vmem>>, vector<16xi32>,
    %add3A_459 = arith.constant 0 : i32
    %add3A_460 = vector.broadcast %add3A_459 : i32 to vector<16xi32>
    %add3A_461 = arith.addi %iota3A, %add3A_460 : vector<16xi32>
    %sub3A = arith.constant 512 : i32
    %sub3A_462 = vector.broadcast %sub3A : i32 to vector<16xi32>
    %sub3A_463 = arith.subi %get3A_458, %sub3A_462 : vector<16xi32>
    %ge3A_464 = arith.constant 0 : i32
    %ge3A_465 = vector.broadcast %ge3A_464 : i32 to vector<16xi32>
    %ge3A_466 = arith.cmpi sge, %sub3A_463, %ge3A_465 : vector<16xi32>
    %lt3A_467 = arith.constant 128 : i32
    %lt3A_468 = vector.broadcast %lt3A_467 : i32 to vector<16xi32>
    %lt3A_469 = arith.cmpi slt, %sub3A_463, %lt3A_468 : vector<16xi32>
    %and3A_470 = arith.andi %ge3A_466, %lt3A_469 : vector<16xi1>
    tpu.vector_store_idx %arg6[%sub3A_463, %add3A_461], %broadcast_in_dim3A_6 masked %and3A_470 : memref<488x128xf32, #tpu.memory_space<vmem>>[vector<16xi32>, vector<16xi32>], vector<16xf32>, vector<16xi1>
    %get3A_471 = arith.constant 16 : index
    %get3A_472 = tpu.vector_load %arg4[%get3A_471] {strides = array<i32>} : memref<512xi32, #tpu.memory_space<vmem>>, vector<16xi32>,
    %add3A_473 = arith.constant 16 : i32
    %add3A_474 = vector.broadcast %add3A_473 : i32 to vector<16xi32>
    %add3A_475 = arith.addi %iota3A, %add3A_474 : vector<16xi32>
    %sub3A_476 = arith.constant 512 : i32
    %sub3A_477 = vector.broadcast %sub3A_476 : i32 to vector<16xi32>
    %sub3A_478 = arith.subi %get3A_472, %sub3A_477 : vector<16xi32>
    %ge3A_479 = arith.constant 0 : i32
    %ge3A_480 = vector.broadcast %ge3A_479 : i32 to vector<16xi32>
    %ge3A_481 = arith.cmpi sge, %sub3A_478, %ge3A_480 : vector<16xi32>
    %lt3A_482 = arith.constant 128 : i32
    %lt3A_483 = vector.broadcast %lt3A_482 : i32 to vector<16xi32>
    %lt3A_484 = arith.cmpi slt, %sub3A_478, %lt3A_483 : vector<16xi32>
    %and3A_485 = arith.andi %ge3A_481, %lt3A_484 : vector<16xi1>
    tpu.vector_store_idx %arg6[%sub3A_478, %add3A_475], %broadcast_in_dim3A_6 masked %and3A_485 : memref<488x128xf32, #tpu.memory_space<vmem>>[vector<16xi32>, vector<16xi32>], vector<16xf32>, vector<16xi1>
    %get3A_486 = arith.constant 32 : index
    %get3A_487 = tpu.vector_load %arg4[%get3A_486] {strides = array<i32>} : memref<512xi32, #tpu.memory_space<vmem>>, vector<16xi32>,
    %add3A_488 = arith.constant 32 : i32
    %add3A_489 = vector.broadcast %add3A_488 : i32 to vector<16xi32>
    %add3A_490 = arith.addi %iota3A, %add3A_489 : vector<16xi32>
    %sub3A_491 = arith.constant 512 : i32
    %sub3A_492 = vector.broadcast %sub3A_491 : i32 to vector<16xi32>
    %sub3A_493 = arith.subi %get3A_487, %sub3A_492 : vector<16xi32>
    %ge3A_494 = arith.constant 0 : i32
    %ge3A_495 = vector.broadcast %ge3A_494 : i32 to vector<16xi32>
    %ge3A_496 = arith.cmpi sge, %sub3A_493, %ge3A_495 : vector<16xi32>
    %lt3A_497 = arith.constant 128 : i32
    %lt3A_498 = vector.broadcast %lt3A_497 : i32 to vector<16xi32>
    %lt3A_499 = arith.cmpi slt, %sub3A_493, %lt3A_498 : vector<16xi32>
    %and3A_500 = arith.andi %ge3A_496, %lt3A_499 : vector<16xi1>
    tpu.vector_store_idx %arg6[%sub3A_493, %add3A_490], %broadcast_in_dim3A_6 masked %and3A_500 : memref<488x128xf32, #tpu.memory_space<vmem>>[vector<16xi32>, vector<16xi32>], vector<16xf32>, vector<16xi1>
    %get3A_501 = arith.constant 48 : index
    %get3A_502 = tpu.vector_load %arg4[%get3A_501] {strides = array<i32>} : memref<512xi32, #tpu.memory_space<vmem>>, vector<16xi32>,
    %add3A_503 = arith.constant 48 : i32
    %add3A_504 = vector.broadcast %add3A_503 : i32 to vector<16xi32>
    %add3A_505 = arith.addi %iota3A, %add3A_504 : vector<16xi32>
    %sub3A_506 = arith.constant 512 : i32
    %sub3A_507 = vector.broadcast %sub3A_506 : i32 to vector<16xi32>
    %sub3A_508 = arith.subi %get3A_502, %sub3A_507 : vector<16xi32>
    %ge3A_509 = arith.constant 0 : i32
    %ge3A_510 = vector.broadcast %ge3A_509 : i32 to vector<16xi32>
    %ge3A_511 = arith.cmpi sge, %sub3A_508, %ge3A_510 : vector<16xi32>
    %lt3A_512 = arith.constant 128 : i32
    %lt3A_513 = vector.broadcast %lt3A_512 : i32 to vector<16xi32>
    %lt3A_514 = arith.cmpi slt, %sub3A_508, %lt3A_513 : vector<16xi32>
    %and3A_515 = arith.andi %ge3A_511, %lt3A_514 : vector<16xi1>
    tpu.vector_store_idx %arg6[%sub3A_508, %add3A_505], %broadcast_in_dim3A_6 masked %and3A_515 : memref<488x128xf32, #tpu.memory_space<vmem>>[vector<16xi32>, vector<16xi32>], vector<16xf32>, vector<16xi1>
    %get3A_516 = arith.constant 64 : index
    %get3A_517 = tpu.vector_load %arg4[%get3A_516] {strides = array<i32>} : memref<512xi32, #tpu.memory_space<vmem>>, vector<16xi32>,
    %add3A_518 = arith.constant 64 : i32
    %add3A_519 = vector.broadcast %add3A_518 : i32 to vector<16xi32>
    %add3A_520 = arith.addi %iota3A, %add3A_519 : vector<16xi32>
    %sub3A_521 = arith.constant 512 : i32
    %sub3A_522 = vector.broadcast %sub3A_521 : i32 to vector<16xi32>
    %sub3A_523 = arith.subi %get3A_517, %sub3A_522 : vector<16xi32>
    %ge3A_524 = arith.constant 0 : i32
    %ge3A_525 = vector.broadcast %ge3A_524 : i32 to vector<16xi32>
    %ge3A_526 = arith.cmpi sge, %sub3A_523, %ge3A_525 : vector<16xi32>
    %lt3A_527 = arith.constant 128 : i32
    %lt3A_528 = vector.broadcast %lt3A_527 : i32 to vector<16xi32>
    %lt3A_529 = arith.cmpi slt, %sub3A_523, %lt3A_528 : vector<16xi32>
    %and3A_530 = arith.andi %ge3A_526, %lt3A_529 : vector<16xi1>
    tpu.vector_store_idx %arg6[%sub3A_523, %add3A_520], %broadcast_in_dim3A_6 masked %and3A_530 : memref<488x128xf32, #tpu.memory_space<vmem>>[vector<16xi32>, vector<16xi32>], vector<16xf32>, vector<16xi1>
    %get3A_531 = arith.constant 80 : index
    %get3A_532 = tpu.vector_load %arg4[%get3A_531] {strides = array<i32>} : memref<512xi32, #tpu.memory_space<vmem>>, vector<16xi32>,
    %add3A_533 = arith.constant 80 : i32
    %add3A_534 = vector.broadcast %add3A_533 : i32 to vector<16xi32>
    %add3A_535 = arith.addi %iota3A, %add3A_534 : vector<16xi32>
    %sub3A_536 = arith.constant 512 : i32
    %sub3A_537 = vector.broadcast %sub3A_536 : i32 to vector<16xi32>
    %sub3A_538 = arith.subi %get3A_532, %sub3A_537 : vector<16xi32>
    %ge3A_539 = arith.constant 0 : i32
    %ge3A_540 = vector.broadcast %ge3A_539 : i32 to vector<16xi32>
    %ge3A_541 = arith.cmpi sge, %sub3A_538, %ge3A_540 : vector<16xi32>
    %lt3A_542 = arith.constant 128 : i32
    %lt3A_543 = vector.broadcast %lt3A_542 : i32 to vector<16xi32>
    %lt3A_544 = arith.cmpi slt, %sub3A_538, %lt3A_543 : vector<16xi32>
    %and3A_545 = arith.andi %ge3A_541, %lt3A_544 : vector<16xi1>
    tpu.vector_store_idx %arg6[%sub3A_538, %add3A_535], %broadcast_in_dim3A_6 masked %and3A_545 : memref<488x128xf32, #tpu.memory_space<vmem>>[vector<16xi32>, vector<16xi32>], vector<16xf32>, vector<16xi1>
    %get3A_546 = arith.constant 96 : index
    %get3A_547 = tpu.vector_load %arg4[%get3A_546] {strides = array<i32>} : memref<512xi32, #tpu.memory_space<vmem>>, vector<16xi32>,
    %add3A_548 = arith.constant 96 : i32
    %add3A_549 = vector.broadcast %add3A_548 : i32 to vector<16xi32>
    %add3A_550 = arith.addi %iota3A, %add3A_549 : vector<16xi32>
    %sub3A_551 = arith.constant 512 : i32
    %sub3A_552 = vector.broadcast %sub3A_551 : i32 to vector<16xi32>
    %sub3A_553 = arith.subi %get3A_547, %sub3A_552 : vector<16xi32>
    %ge3A_554 = arith.constant 0 : i32
    %ge3A_555 = vector.broadcast %ge3A_554 : i32 to vector<16xi32>
    %ge3A_556 = arith.cmpi sge, %sub3A_553, %ge3A_555 : vector<16xi32>
    %lt3A_557 = arith.constant 128 : i32
    %lt3A_558 = vector.broadcast %lt3A_557 : i32 to vector<16xi32>
    %lt3A_559 = arith.cmpi slt, %sub3A_553, %lt3A_558 : vector<16xi32>
    %and3A_560 = arith.andi %ge3A_556, %lt3A_559 : vector<16xi1>
    tpu.vector_store_idx %arg6[%sub3A_553, %add3A_550], %broadcast_in_dim3A_6 masked %and3A_560 : memref<488x128xf32, #tpu.memory_space<vmem>>[vector<16xi32>, vector<16xi32>], vector<16xf32>, vector<16xi1>
    %get3A_561 = arith.constant 112 : index
    %get3A_562 = tpu.vector_load %arg4[%get3A_561] {strides = array<i32>} : memref<512xi32, #tpu.memory_space<vmem>>, vector<16xi32>,
    %add3A_563 = arith.constant 112 : i32
    %add3A_564 = vector.broadcast %add3A_563 : i32 to vector<16xi32>
    %add3A_565 = arith.addi %iota3A, %add3A_564 : vector<16xi32>
    %sub3A_566 = arith.constant 512 : i32
    %sub3A_567 = vector.broadcast %sub3A_566 : i32 to vector<16xi32>
    %sub3A_568 = arith.subi %get3A_562, %sub3A_567 : vector<16xi32>
    %ge3A_569 = arith.constant 0 : i32
    %ge3A_570 = vector.broadcast %ge3A_569 : i32 to vector<16xi32>
    %ge3A_571 = arith.cmpi sge, %sub3A_568, %ge3A_570 : vector<16xi32>
    %lt3A_572 = arith.constant 128 : i32
    %lt3A_573 = vector.broadcast %lt3A_572 : i32 to vector<16xi32>
    %lt3A_574 = arith.cmpi slt, %sub3A_568, %lt3A_573 : vector<16xi32>
    %and3A_575 = arith.andi %ge3A_571, %lt3A_574 : vector<16xi1>
    tpu.vector_store_idx %arg6[%sub3A_568, %add3A_565], %broadcast_in_dim3A_6 masked %and3A_575 : memref<488x128xf32, #tpu.memory_space<vmem>>[vector<16xi32>, vector<16xi32>], vector<16xf32>, vector<16xi1>
    %dma_start3A_576 = arith.constant 0 : i32
    %dma_start3A_577 = arith.constant 0 : i32
    %dma_start3A_578 = tpu.memref_slice %arg6[%dma_start3A_576, %dma_start3A_577] : memref<488x128xf32, #tpu.memory_space<vmem>> -> memref<128x128xf32, #tpu.memory_space<vmem>>
    %dma_start3A_579 = arith.constant 512 : i32
    %dma_start3A_580 = tpu.memref_slice %arg3[%dma_start3A_579, %mul3A_2] : memref<1000x16384xf32, #tpu.memory_space<hbm>> -> memref<128x128xf32, #tpu.memory_space<hbm>>
    %dma_start3A_581 = arith.constant 512 : i32
    %dma_start3A_582 = tpu.memref_slice %arg3[%dma_start3A_581, %mul3A_2] : memref<1000x16384xf32, #tpu.memory_space<hbm>> -> memref<128x128xf32, #tpu.memory_space<hbm>>
    %dma_start3A_583 = arith.constant 0 : i32
    %dma_start3A_584 = arith.constant 0 : i32
    %dma_start3A_585 = tpu.memref_slice %arg6[%dma_start3A_583, %dma_start3A_584] : memref<488x128xf32, #tpu.memory_space<vmem>> -> memref<128x128xf32, #tpu.memory_space<vmem>>
    tpu.enqueue_dma source(%dma_start3A_585 : memref<128x128xf32, #tpu.memory_space<vmem>>) target(%dma_start3A_582 : memref<128x128xf32, #tpu.memory_space<hbm>>) target_semaphore(%arg8 : memref<!tpu.dma_semaphore, #tpu.memory_space<semaphore_mem>>)
    %scan3A_586 = arith.constant 0 : i32
    %scan3A_587 = arith.constant 0 : i32
    %scan3A_588 = arith.constant 64 : i32
    %scan3A_589 = arith.addi %scan3A_587, %scan3A_588 : i32
    %scan3A_590 = arith.constant 1 : i32
    scf.for %scan3A_2374 = %scan3A_587 to %scan3A_589 step %scan3A_590  : i32 {
      %mul3A_2375 = arith.constant 2 : i32
      %mul3A_2376 = arith.muli %scan3A_2374, %mul3A_2375 : i32
      %add3A_2377 = arith.constant 128 : i32
      %add3A_2378 = arith.addi %add3A_2377, %mul3A_2376 : i32
      %add3A_2379 = arith.constant 0 : i32
      %add3A_2380 = arith.addi %add3A_2378, %add3A_2379 : i32
      %swap3A = arith.index_cast %add3A_2380 : i32 to index
      %swap3A_2381 = arith.constant 0 : index
      %swap3A_2382 = tpu.vector_load %arg6[%swap3A, %swap3A_2381] {strides = array<i32>} : memref<488x128xf32, #tpu.memory_space<vmem>>, vector<16xf32>,
      tpu.vector_store %arg6[%swap3A, %swap3A_2381], %broadcast_in_dim3A_4 {strides = array<i32>} : memref<488x128xf32, #tpu.memory_space<vmem>>, vector<16xf32>,
      %mul3A_2383 = arith.constant 2 : i32
      %mul3A_2384 = arith.muli %scan3A_2374, %mul3A_2383 : i32
      %add3A_2385 = arith.constant 128 : i32
      %add3A_2386 = arith.addi %add3A_2385, %mul3A_2384 : i32
      %add3A_2387 = arith.constant 0 : i32
      %add3A_2388 = arith.addi %add3A_2386, %add3A_2387 : i32
      %swap3A_2389 = arith.index_cast %add3A_2388 : i32 to index
      %swap3A_2390 = arith.constant 16 : index
      %swap3A_2391 = tpu.vector_load %arg6[%swap3A_2389, %swap3A_2390] {strides = array<i32>} : memref<488x128xf32, #tpu.memory_space<vmem>>, vector<16xf32>,
      tpu.vector_store %arg6[%swap3A_2389, %swap3A_2390], %broadcast_in_dim3A_4 {strides = array<i32>} : memref<488x128xf32, #tpu.memory_space<vmem>>, vector<16xf32>,
      %mul3A_2392 = arith.constant 2 : i32
      %mul3A_2393 = arith.muli %scan3A_2374, %mul3A_2392 : i32
      %add3A_2394 = arith.constant 128 : i32
      %add3A_2395 = arith.addi %add3A_2394, %mul3A_2393 : i32
      %add3A_2396 = arith.constant 0 : i32
      %add3A_2397 = arith.addi %add3A_2395, %add3A_2396 : i32
      %swap3A_2398 = arith.index_cast %add3A_2397 : i32 to index
      %swap3A_2399 = arith.constant 32 : index
      %swap3A_2400 = tpu.vector_load %arg6[%swap3A_2398, %swap3A_2399] {strides = array<i32>} : memref<488x128xf32, #tpu.memory_space<vmem>>, vector<16xf32>,
      tpu.vector_store %arg6[%swap3A_2398, %swap3A_2399], %broadcast_in_dim3A_4 {strides = array<i32>} : memref<488x128xf32, #tpu.memory_space<vmem>>, vector<16xf32>,
      %mul3A_2401 = arith.constant 2 : i32
      %mul3A_2402 = arith.muli %scan3A_2374, %mul3A_2401 : i32
      %add3A_2403 = arith.constant 128 : i32
      %add3A_2404 = arith.addi %add3A_2403, %mul3A_2402 : i32
      %add3A_2405 = arith.constant 0 : i32
      %add3A_2406 = arith.addi %add3A_2404, %add3A_2405 : i32
      %swap3A_2407 = arith.index_cast %add3A_2406 : i32 to index
      %swap3A_2408 = arith.constant 48 : index
      %swap3A_2409 = tpu.vector_load %arg6[%swap3A_2407, %swap3A_2408] {strides = array<i32>} : memref<488x128xf32, #tpu.memory_space<vmem>>, vector<16xf32>,
      tpu.vector_store %arg6[%swap3A_2407, %swap3A_2408], %broadcast_in_dim3A_4 {strides = array<i32>} : memref<488x128xf32, #tpu.memory_space<vmem>>, vector<16xf32>,
      %mul3A_2410 = arith.constant 2 : i32
      %mul3A_2411 = arith.muli %scan3A_2374, %mul3A_2410 : i32
      %add3A_2412 = arith.constant 128 : i32
      %add3A_2413 = arith.addi %add3A_2412, %mul3A_2411 : i32
      %add3A_2414 = arith.constant 0 : i32
      %add3A_2415 = arith.addi %add3A_2413, %add3A_2414 : i32
      %swap3A_2416 = arith.index_cast %add3A_2415 : i32 to index
      %swap3A_2417 = arith.constant 64 : index
      %swap3A_2418 = tpu.vector_load %arg6[%swap3A_2416, %swap3A_2417] {strides = array<i32>} : memref<488x128xf32, #tpu.memory_space<vmem>>, vector<16xf32>,
      tpu.vector_store %arg6[%swap3A_2416, %swap3A_2417], %broadcast_in_dim3A_4 {strides = array<i32>} : memref<488x128xf32, #tpu.memory_space<vmem>>, vector<16xf32>,
      %mul3A_2419 = arith.constant 2 : i32
      %mul3A_2420 = arith.muli %scan3A_2374, %mul3A_2419 : i32
      %add3A_2421 = arith.constant 128 : i32
      %add3A_2422 = arith.addi %add3A_2421, %mul3A_2420 : i32
      %add3A_2423 = arith.constant 0 : i32
      %add3A_2424 = arith.addi %add3A_2422, %add3A_2423 : i32
      %swap3A_2425 = arith.index_cast %add3A_2424 : i32 to index
      %swap3A_2426 = arith.constant 80 : index
      %swap3A_2427 = tpu.vector_load %arg6[%swap3A_2425, %swap3A_2426] {strides = array<i32>} : memref<488x128xf32, #tpu.memory_space<vmem>>, vector<16xf32>,
      tpu.vector_store %arg6[%swap3A_2425, %swap3A_2426], %broadcast_in_dim3A_4 {strides = array<i32>} : memref<488x128xf32, #tpu.memory_space<vmem>>, vector<16xf32>,
      %mul3A_2428 = arith.constant 2 : i32
      %mul3A_2429 = arith.muli %scan3A_2374, %mul3A_2428 : i32
      %add3A_2430 = arith.constant 128 : i32
      %add3A_2431 = arith.addi %add3A_2430, %mul3A_2429 : i32
      %add3A_2432 = arith.constant 0 : i32
      %add3A_2433 = arith.addi %add3A_2431, %add3A_2432 : i32
      %swap3A_2434 = arith.index_cast %add3A_2433 : i32 to index
      %swap3A_2435 = arith.constant 96 : index
      %swap3A_2436 = tpu.vector_load %arg6[%swap3A_2434, %swap3A_2435] {strides = array<i32>} : memref<488x128xf32, #tpu.memory_space<vmem>>, vector<16xf32>,
      tpu.vector_store %arg6[%swap3A_2434, %swap3A_2435], %broadcast_in_dim3A_4 {strides = array<i32>} : memref<488x128xf32, #tpu.memory_space<vmem>>, vector<16xf32>,
      %mul3A_2437 = arith.constant 2 : i32
      %mul3A_2438 = arith.muli %scan3A_2374, %mul3A_2437 : i32
      %add3A_2439 = arith.constant 128 : i32
      %add3A_2440 = arith.addi %add3A_2439, %mul3A_2438 : i32
      %add3A_2441 = arith.constant 0 : i32
      %add3A_2442 = arith.addi %add3A_2440, %add3A_2441 : i32
      %swap3A_2443 = arith.index_cast %add3A_2442 : i32 to index
      %swap3A_2444 = arith.constant 112 : index
      %swap3A_2445 = tpu.vector_load %arg6[%swap3A_2443, %swap3A_2444] {strides = array<i32>} : memref<488x128xf32, #tpu.memory_space<vmem>>, vector<16xf32>,
      tpu.vector_store %arg6[%swap3A_2443, %swap3A_2444], %broadcast_in_dim3A_4 {strides = array<i32>} : memref<488x128xf32, #tpu.memory_space<vmem>>, vector<16xf32>,
      %mul3A_2446 = arith.constant 2 : i32
      %mul3A_2447 = arith.muli %scan3A_2374, %mul3A_2446 : i32
      %add3A_2448 = arith.constant 128 : i32
      %add3A_2449 = arith.addi %add3A_2448, %mul3A_2447 : i32
      %add3A_2450 = arith.constant 1 : i32
      %add3A_2451 = arith.addi %add3A_2449, %add3A_2450 : i32
      %swap3A_2452 = arith.index_cast %add3A_2451 : i32 to index
      %swap3A_2453 = arith.constant 0 : index
      %swap3A_2454 = tpu.vector_load %arg6[%swap3A_2452, %swap3A_2453] {strides = array<i32>} : memref<488x128xf32, #tpu.memory_space<vmem>>, vector<16xf32>,
      tpu.vector_store %arg6[%swap3A_2452, %swap3A_2453], %broadcast_in_dim3A_4 {strides = array<i32>} : memref<488x128xf32, #tpu.memory_space<vmem>>, vector<16xf32>,
      %mul3A_2455 = arith.constant 2 : i32
      %mul3A_2456 = arith.muli %scan3A_2374, %mul3A_2455 : i32
      %add3A_2457 = arith.constant 128 : i32
      %add3A_2458 = arith.addi %add3A_2457, %mul3A_2456 : i32
      %add3A_2459 = arith.constant 1 : i32
      %add3A_2460 = arith.addi %add3A_2458, %add3A_2459 : i32
      %swap3A_2461 = arith.index_cast %add3A_2460 : i32 to index
      %swap3A_2462 = arith.constant 16 : index
      %swap3A_2463 = tpu.vector_load %arg6[%swap3A_2461, %swap3A_2462] {strides = array<i32>} : memref<488x128xf32, #tpu.memory_space<vmem>>, vector<16xf32>,
      tpu.vector_store %arg6[%swap3A_2461, %swap3A_2462], %broadcast_in_dim3A_4 {strides = array<i32>} : memref<488x128xf32, #tpu.memory_space<vmem>>, vector<16xf32>,
      %mul3A_2464 = arith.constant 2 : i32
      %mul3A_2465 = arith.muli %scan3A_2374, %mul3A_2464 : i32
      %add3A_2466 = arith.constant 128 : i32
      %add3A_2467 = arith.addi %add3A_2466, %mul3A_2465 : i32
      %add3A_2468 = arith.constant 1 : i32
      %add3A_2469 = arith.addi %add3A_2467, %add3A_2468 : i32
      %swap3A_2470 = arith.index_cast %add3A_2469 : i32 to index
      %swap3A_2471 = arith.constant 32 : index
      %swap3A_2472 = tpu.vector_load %arg6[%swap3A_2470, %swap3A_2471] {strides = array<i32>} : memref<488x128xf32, #tpu.memory_space<vmem>>, vector<16xf32>,
      tpu.vector_store %arg6[%swap3A_2470, %swap3A_2471], %broadcast_in_dim3A_4 {strides = array<i32>} : memref<488x128xf32, #tpu.memory_space<vmem>>, vector<16xf32>,
      %mul3A_2473 = arith.constant 2 : i32
      %mul3A_2474 = arith.muli %scan3A_2374, %mul3A_2473 : i32
      %add3A_2475 = arith.constant 128 : i32
      %add3A_2476 = arith.addi %add3A_2475, %mul3A_2474 : i32
      %add3A_2477 = arith.constant 1 : i32
      %add3A_2478 = arith.addi %add3A_2476, %add3A_2477 : i32
      %swap3A_2479 = arith.index_cast %add3A_2478 : i32 to index
      %swap3A_2480 = arith.constant 48 : index
      %swap3A_2481 = tpu.vector_load %arg6[%swap3A_2479, %swap3A_2480] {strides = array<i32>} : memref<488x128xf32, #tpu.memory_space<vmem>>, vector<16xf32>,
      tpu.vector_store %arg6[%swap3A_2479, %swap3A_2480], %broadcast_in_dim3A_4 {strides = array<i32>} : memref<488x128xf32, #tpu.memory_space<vmem>>, vector<16xf32>,
      %mul3A_2482 = arith.constant 2 : i32
      %mul3A_2483 = arith.muli %scan3A_2374, %mul3A_2482 : i32
      %add3A_2484 = arith.constant 128 : i32
      %add3A_2485 = arith.addi %add3A_2484, %mul3A_2483 : i32
      %add3A_2486 = arith.constant 1 : i32
      %add3A_2487 = arith.addi %add3A_2485, %add3A_2486 : i32
      %swap3A_2488 = arith.index_cast %add3A_2487 : i32 to index
      %swap3A_2489 = arith.constant 64 : index
      %swap3A_2490 = tpu.vector_load %arg6[%swap3A_2488, %swap3A_2489] {strides = array<i32>} : memref<488x128xf32, #tpu.memory_space<vmem>>, vector<16xf32>,
      tpu.vector_store %arg6[%swap3A_2488, %swap3A_2489], %broadcast_in_dim3A_4 {strides = array<i32>} : memref<488x128xf32, #tpu.memory_space<vmem>>, vector<16xf32>,
      %mul3A_2491 = arith.constant 2 : i32
      %mul3A_2492 = arith.muli %scan3A_2374, %mul3A_2491 : i32
      %add3A_2493 = arith.constant 128 : i32
      %add3A_2494 = arith.addi %add3A_2493, %mul3A_2492 : i32
      %add3A_2495 = arith.constant 1 : i32
      %add3A_2496 = arith.addi %add3A_2494, %add3A_2495 : i32
      %swap3A_2497 = arith.index_cast %add3A_2496 : i32 to index
      %swap3A_2498 = arith.constant 80 : index
      %swap3A_2499 = tpu.vector_load %arg6[%swap3A_2497, %swap3A_2498] {strides = array<i32>} : memref<488x128xf32, #tpu.memory_space<vmem>>, vector<16xf32>,
      tpu.vector_store %arg6[%swap3A_2497, %swap3A_2498], %broadcast_in_dim3A_4 {strides = array<i32>} : memref<488x128xf32, #tpu.memory_space<vmem>>, vector<16xf32>,
      %mul3A_2500 = arith.constant 2 : i32
      %mul3A_2501 = arith.muli %scan3A_2374, %mul3A_2500 : i32
      %add3A_2502 = arith.constant 128 : i32
      %add3A_2503 = arith.addi %add3A_2502, %mul3A_2501 : i32
      %add3A_2504 = arith.constant 1 : i32
      %add3A_2505 = arith.addi %add3A_2503, %add3A_2504 : i32
      %swap3A_2506 = arith.index_cast %add3A_2505 : i32 to index
      %swap3A_2507 = arith.constant 96 : index
      %swap3A_2508 = tpu.vector_load %arg6[%swap3A_2506, %swap3A_2507] {strides = array<i32>} : memref<488x128xf32, #tpu.memory_space<vmem>>, vector<16xf32>,
      tpu.vector_store %arg6[%swap3A_2506, %swap3A_2507], %broadcast_in_dim3A_4 {strides = array<i32>} : memref<488x128xf32, #tpu.memory_space<vmem>>, vector<16xf32>,
      %mul3A_2509 = arith.constant 2 : i32
      %mul3A_2510 = arith.muli %scan3A_2374, %mul3A_2509 : i32
      %add3A_2511 = arith.constant 128 : i32
      %add3A_2512 = arith.addi %add3A_2511, %mul3A_2510 : i32
      %add3A_2513 = arith.constant 1 : i32
      %add3A_2514 = arith.addi %add3A_2512, %add3A_2513 : i32
      %swap3A_2515 = arith.index_cast %add3A_2514 : i32 to index
      %swap3A_2516 = arith.constant 112 : index
      %swap3A_2517 = tpu.vector_load %arg6[%swap3A_2515, %swap3A_2516] {strides = array<i32>} : memref<488x128xf32, #tpu.memory_space<vmem>>, vector<16xf32>,
      tpu.vector_store %arg6[%swap3A_2515, %swap3A_2516], %broadcast_in_dim3A_4 {strides = array<i32>} : memref<488x128xf32, #tpu.memory_space<vmem>>, vector<16xf32>,
    }
    %scan3A_591 = arith.constant 64 : i32
    %get3A_592 = arith.constant 0 : index
    %get3A_593 = tpu.vector_load %arg4[%get3A_592] {strides = array<i32>} : memref<512xi32, #tpu.memory_space<vmem>>, vector<16xi32>,
    %add3A_594 = arith.constant 0 : i32
    %add3A_595 = vector.broadcast %add3A_594 : i32 to vector<16xi32>
    %add3A_596 = arith.addi %iota3A, %add3A_595 : vector<16xi32>
    %sub3A_597 = arith.constant 512 : i32
    %sub3A_598 = vector.broadcast %sub3A_597 : i32 to vector<16xi32>
    %sub3A_599 = arith.subi %get3A_593, %sub3A_598 : vector<16xi32>
    %ge3A_600 = arith.constant 128 : i32
    %ge3A_601 = vector.broadcast %ge3A_600 : i32 to vector<16xi32>
    %ge3A_602 = arith.cmpi sge, %sub3A_599, %ge3A_601 : vector<16xi32>
    %lt3A_603 = arith.constant 256 : i32
    %lt3A_604 = vector.broadcast %lt3A_603 : i32 to vector<16xi32>
    %lt3A_605 = arith.cmpi slt, %sub3A_599, %lt3A_604 : vector<16xi32>
    %and3A_606 = arith.andi %ge3A_602, %lt3A_605 : vector<16xi1>
    tpu.vector_store_idx %arg6[%sub3A_599, %add3A_596], %broadcast_in_dim3A_6 masked %and3A_606 : memref<488x128xf32, #tpu.memory_space<vmem>>[vector<16xi32>, vector<16xi32>], vector<16xf32>, vector<16xi1>
    %get3A_607 = arith.constant 16 : index
    %get3A_608 = tpu.vector_load %arg4[%get3A_607] {strides = array<i32>} : memref<512xi32, #tpu.memory_space<vmem>>, vector<16xi32>,
    %add3A_609 = arith.constant 16 : i32
    %add3A_610 = vector.broadcast %add3A_609 : i32 to vector<16xi32>
    %add3A_611 = arith.addi %iota3A, %add3A_610 : vector<16xi32>
    %sub3A_612 = arith.constant 512 : i32
    %sub3A_613 = vector.broadcast %sub3A_612 : i32 to vector<16xi32>
    %sub3A_614 = arith.subi %get3A_608, %sub3A_613 : vector<16xi32>
    %ge3A_615 = arith.constant 128 : i32
    %ge3A_616 = vector.broadcast %ge3A_615 : i32 to vector<16xi32>
    %ge3A_617 = arith.cmpi sge, %sub3A_614, %ge3A_616 : vector<16xi32>
    %lt3A_618 = arith.constant 256 : i32
    %lt3A_619 = vector.broadcast %lt3A_618 : i32 to vector<16xi32>
    %lt3A_620 = arith.cmpi slt, %sub3A_614, %lt3A_619 : vector<16xi32>
    %and3A_621 = arith.andi %ge3A_617, %lt3A_620 : vector<16xi1>
    tpu.vector_store_idx %arg6[%sub3A_614, %add3A_611], %broadcast_in_dim3A_6 masked %and3A_621 : memref<488x128xf32, #tpu.memory_space<vmem>>[vector<16xi32>, vector<16xi32>], vector<16xf32>, vector<16xi1>
    %get3A_622 = arith.constant 32 : index
    %get3A_623 = tpu.vector_load %arg4[%get3A_622] {strides = array<i32>} : memref<512xi32, #tpu.memory_space<vmem>>, vector<16xi32>,
    %add3A_624 = arith.constant 32 : i32
    %add3A_625 = vector.broadcast %add3A_624 : i32 to vector<16xi32>
    %add3A_626 = arith.addi %iota3A, %add3A_625 : vector<16xi32>
    %sub3A_627 = arith.constant 512 : i32
    %sub3A_628 = vector.broadcast %sub3A_627 : i32 to vector<16xi32>
    %sub3A_629 = arith.subi %get3A_623, %sub3A_628 : vector<16xi32>
    %ge3A_630 = arith.constant 128 : i32
    %ge3A_631 = vector.broadcast %ge3A_630 : i32 to vector<16xi32>
    %ge3A_632 = arith.cmpi sge, %sub3A_629, %ge3A_631 : vector<16xi32>
    %lt3A_633 = arith.constant 256 : i32
    %lt3A_634 = vector.broadcast %lt3A_633 : i32 to vector<16xi32>
    %lt3A_635 = arith.cmpi slt, %sub3A_629, %lt3A_634 : vector<16xi32>
    %and3A_636 = arith.andi %ge3A_632, %lt3A_635 : vector<16xi1>
    tpu.vector_store_idx %arg6[%sub3A_629, %add3A_626], %broadcast_in_dim3A_6 masked %and3A_636 : memref<488x128xf32, #tpu.memory_space<vmem>>[vector<16xi32>, vector<16xi32>], vector<16xf32>, vector<16xi1>
    %get3A_637 = arith.constant 48 : index
    %get3A_638 = tpu.vector_load %arg4[%get3A_637] {strides = array<i32>} : memref<512xi32, #tpu.memory_space<vmem>>, vector<16xi32>,
    %add3A_639 = arith.constant 48 : i32
    %add3A_640 = vector.broadcast %add3A_639 : i32 to vector<16xi32>
    %add3A_641 = arith.addi %iota3A, %add3A_640 : vector<16xi32>
    %sub3A_642 = arith.constant 512 : i32
    %sub3A_643 = vector.broadcast %sub3A_642 : i32 to vector<16xi32>
    %sub3A_644 = arith.subi %get3A_638, %sub3A_643 : vector<16xi32>
    %ge3A_645 = arith.constant 128 : i32
    %ge3A_646 = vector.broadcast %ge3A_645 : i32 to vector<16xi32>
    %ge3A_647 = arith.cmpi sge, %sub3A_644, %ge3A_646 : vector<16xi32>
    %lt3A_648 = arith.constant 256 : i32
    %lt3A_649 = vector.broadcast %lt3A_648 : i32 to vector<16xi32>
    %lt3A_650 = arith.cmpi slt, %sub3A_644, %lt3A_649 : vector<16xi32>
    %and3A_651 = arith.andi %ge3A_647, %lt3A_650 : vector<16xi1>
    tpu.vector_store_idx %arg6[%sub3A_644, %add3A_641], %broadcast_in_dim3A_6 masked %and3A_651 : memref<488x128xf32, #tpu.memory_space<vmem>>[vector<16xi32>, vector<16xi32>], vector<16xf32>, vector<16xi1>
    %get3A_652 = arith.constant 64 : index
    %get3A_653 = tpu.vector_load %arg4[%get3A_652] {strides = array<i32>} : memref<512xi32, #tpu.memory_space<vmem>>, vector<16xi32>,
    %add3A_654 = arith.constant 64 : i32
    %add3A_655 = vector.broadcast %add3A_654 : i32 to vector<16xi32>
    %add3A_656 = arith.addi %iota3A, %add3A_655 : vector<16xi32>
    %sub3A_657 = arith.constant 512 : i32
    %sub3A_658 = vector.broadcast %sub3A_657 : i32 to vector<16xi32>
    %sub3A_659 = arith.subi %get3A_653, %sub3A_658 : vector<16xi32>
    %ge3A_660 = arith.constant 128 : i32
    %ge3A_661 = vector.broadcast %ge3A_660 : i32 to vector<16xi32>
    %ge3A_662 = arith.cmpi sge, %sub3A_659, %ge3A_661 : vector<16xi32>
    %lt3A_663 = arith.constant 256 : i32
    %lt3A_664 = vector.broadcast %lt3A_663 : i32 to vector<16xi32>
    %lt3A_665 = arith.cmpi slt, %sub3A_659, %lt3A_664 : vector<16xi32>
    %and3A_666 = arith.andi %ge3A_662, %lt3A_665 : vector<16xi1>
    tpu.vector_store_idx %arg6[%sub3A_659, %add3A_656], %broadcast_in_dim3A_6 masked %and3A_666 : memref<488x128xf32, #tpu.memory_space<vmem>>[vector<16xi32>, vector<16xi32>], vector<16xf32>, vector<16xi1>
    %get3A_667 = arith.constant 80 : index
    %get3A_668 = tpu.vector_load %arg4[%get3A_667] {strides = array<i32>} : memref<512xi32, #tpu.memory_space<vmem>>, vector<16xi32>,
    %add3A_669 = arith.constant 80 : i32
    %add3A_670 = vector.broadcast %add3A_669 : i32 to vector<16xi32>
    %add3A_671 = arith.addi %iota3A, %add3A_670 : vector<16xi32>
    %sub3A_672 = arith.constant 512 : i32
    %sub3A_673 = vector.broadcast %sub3A_672 : i32 to vector<16xi32>
    %sub3A_674 = arith.subi %get3A_668, %sub3A_673 : vector<16xi32>
    %ge3A_675 = arith.constant 128 : i32
    %ge3A_676 = vector.broadcast %ge3A_675 : i32 to vector<16xi32>
    %ge3A_677 = arith.cmpi sge, %sub3A_674, %ge3A_676 : vector<16xi32>
    %lt3A_678 = arith.constant 256 : i32
    %lt3A_679 = vector.broadcast %lt3A_678 : i32 to vector<16xi32>
    %lt3A_680 = arith.cmpi slt, %sub3A_674, %lt3A_679 : vector<16xi32>
    %and3A_681 = arith.andi %ge3A_677, %lt3A_680 : vector<16xi1>
    tpu.vector_store_idx %arg6[%sub3A_674, %add3A_671], %broadcast_in_dim3A_6 masked %and3A_681 : memref<488x128xf32, #tpu.memory_space<vmem>>[vector<16xi32>, vector<16xi32>], vector<16xf32>, vector<16xi1>
    %get3A_682 = arith.constant 96 : index
    %get3A_683 = tpu.vector_load %arg4[%get3A_682] {strides = array<i32>} : memref<512xi32, #tpu.memory_space<vmem>>, vector<16xi32>,
    %add3A_684 = arith.constant 96 : i32
    %add3A_685 = vector.broadcast %add3A_684 : i32 to vector<16xi32>
    %add3A_686 = arith.addi %iota3A, %add3A_685 : vector<16xi32>
    %sub3A_687 = arith.constant 512 : i32
    %sub3A_688 = vector.broadcast %sub3A_687 : i32 to vector<16xi32>
    %sub3A_689 = arith.subi %get3A_683, %sub3A_688 : vector<16xi32>
    %ge3A_690 = arith.constant 128 : i32
    %ge3A_691 = vector.broadcast %ge3A_690 : i32 to vector<16xi32>
    %ge3A_692 = arith.cmpi sge, %sub3A_689, %ge3A_691 : vector<16xi32>
    %lt3A_693 = arith.constant 256 : i32
    %lt3A_694 = vector.broadcast %lt3A_693 : i32 to vector<16xi32>
    %lt3A_695 = arith.cmpi slt, %sub3A_689, %lt3A_694 : vector<16xi32>
    %and3A_696 = arith.andi %ge3A_692, %lt3A_695 : vector<16xi1>
    tpu.vector_store_idx %arg6[%sub3A_689, %add3A_686], %broadcast_in_dim3A_6 masked %and3A_696 : memref<488x128xf32, #tpu.memory_space<vmem>>[vector<16xi32>, vector<16xi32>], vector<16xf32>, vector<16xi1>
    %get3A_697 = arith.constant 112 : index
    %get3A_698 = tpu.vector_load %arg4[%get3A_697] {strides = array<i32>} : memref<512xi32, #tpu.memory_space<vmem>>, vector<16xi32>,
    %add3A_699 = arith.constant 112 : i32
    %add3A_700 = vector.broadcast %add3A_699 : i32 to vector<16xi32>
    %add3A_701 = arith.addi %iota3A, %add3A_700 : vector<16xi32>
    %sub3A_702 = arith.constant 512 : i32
    %sub3A_703 = vector.broadcast %sub3A_702 : i32 to vector<16xi32>
    %sub3A_704 = arith.subi %get3A_698, %sub3A_703 : vector<16xi32>
    %ge3A_705 = arith.constant 128 : i32
    %ge3A_706 = vector.broadcast %ge3A_705 : i32 to vector<16xi32>
    %ge3A_707 = arith.cmpi sge, %sub3A_704, %ge3A_706 : vector<16xi32>
    %lt3A_708 = arith.constant 256 : i32
    %lt3A_709 = vector.broadcast %lt3A_708 : i32 to vector<16xi32>
    %lt3A_710 = arith.cmpi slt, %sub3A_704, %lt3A_709 : vector<16xi32>
    %and3A_711 = arith.andi %ge3A_707, %lt3A_710 : vector<16xi1>
    tpu.vector_store_idx %arg6[%sub3A_704, %add3A_701], %broadcast_in_dim3A_6 masked %and3A_711 : memref<488x128xf32, #tpu.memory_space<vmem>>[vector<16xi32>, vector<16xi32>], vector<16xf32>, vector<16xi1>
    %dma_start3A_712 = arith.constant 128 : i32
    %dma_start3A_713 = arith.constant 0 : i32
    %dma_start3A_714 = tpu.memref_slice %arg6[%dma_start3A_712, %dma_start3A_713] : memref<488x128xf32, #tpu.memory_space<vmem>> -> memref<128x128xf32, #tpu.memory_space<vmem>>
    %dma_start3A_715 = arith.constant 640 : i32
    %dma_start3A_716 = tpu.memref_slice %arg3[%dma_start3A_715, %mul3A_2] : memref<1000x16384xf32, #tpu.memory_space<hbm>> -> memref<128x128xf32, #tpu.memory_space<hbm>>
    %dma_start3A_717 = arith.constant 640 : i32
    %dma_start3A_718 = tpu.memref_slice %arg3[%dma_start3A_717, %mul3A_2] : memref<1000x16384xf32, #tpu.memory_space<hbm>> -> memref<128x128xf32, #tpu.memory_space<hbm>>
    %dma_start3A_719 = arith.constant 128 : i32
    %dma_start3A_720 = arith.constant 0 : i32
    %dma_start3A_721 = tpu.memref_slice %arg6[%dma_start3A_719, %dma_start3A_720] : memref<488x128xf32, #tpu.memory_space<vmem>> -> memref<128x128xf32, #tpu.memory_space<vmem>>
    tpu.enqueue_dma source(%dma_start3A_721 : memref<128x128xf32, #tpu.memory_space<vmem>>) target(%dma_start3A_718 : memref<128x128xf32, #tpu.memory_space<hbm>>) target_semaphore(%arg8 : memref<!tpu.dma_semaphore, #tpu.memory_space<semaphore_mem>>)
    %scan3A_722 = arith.constant 0 : i32
    %scan3A_723 = arith.constant 0 : i32
    %scan3A_724 = arith.constant 64 : i32
    %scan3A_725 = arith.addi %scan3A_723, %scan3A_724 : i32
    %scan3A_726 = arith.constant 1 : i32
    scf.for %scan3A_2374 = %scan3A_723 to %scan3A_725 step %scan3A_726  : i32 {
      %mul3A_2375 = arith.constant 2 : i32
      %mul3A_2376 = arith.muli %scan3A_2374, %mul3A_2375 : i32
      %add3A_2377 = arith.constant 256 : i32
      %add3A_2378 = arith.addi %add3A_2377, %mul3A_2376 : i32
      %add3A_2379 = arith.constant 0 : i32
      %add3A_2380 = arith.addi %add3A_2378, %add3A_2379 : i32
      %swap3A = arith.index_cast %add3A_2380 : i32 to index
      %swap3A_2381 = arith.constant 0 : index
      %swap3A_2382 = tpu.vector_load %arg6[%swap3A, %swap3A_2381] {strides = array<i32>} : memref<488x128xf32, #tpu.memory_space<vmem>>, vector<16xf32>,
      tpu.vector_store %arg6[%swap3A, %swap3A_2381], %broadcast_in_dim3A_4 {strides = array<i32>} : memref<488x128xf32, #tpu.memory_space<vmem>>, vector<16xf32>,
      %mul3A_2383 = arith.constant 2 : i32
      %mul3A_2384 = arith.muli %scan3A_2374, %mul3A_2383 : i32
      %add3A_2385 = arith.constant 256 : i32
      %add3A_2386 = arith.addi %add3A_2385, %mul3A_2384 : i32
      %add3A_2387 = arith.constant 0 : i32
      %add3A_2388 = arith.addi %add3A_2386, %add3A_2387 : i32
      %swap3A_2389 = arith.index_cast %add3A_2388 : i32 to index
      %swap3A_2390 = arith.constant 16 : index
      %swap3A_2391 = tpu.vector_load %arg6[%swap3A_2389, %swap3A_2390] {strides = array<i32>} : memref<488x128xf32, #tpu.memory_space<vmem>>, vector<16xf32>,
      tpu.vector_store %arg6[%swap3A_2389, %swap3A_2390], %broadcast_in_dim3A_4 {strides = array<i32>} : memref<488x128xf32, #tpu.memory_space<vmem>>, vector<16xf32>,
      %mul3A_2392 = arith.constant 2 : i32
      %mul3A_2393 = arith.muli %scan3A_2374, %mul3A_2392 : i32
      %add3A_2394 = arith.constant 256 : i32
      %add3A_2395 = arith.addi %add3A_2394, %mul3A_2393 : i32
      %add3A_2396 = arith.constant 0 : i32
      %add3A_2397 = arith.addi %add3A_2395, %add3A_2396 : i32
      %swap3A_2398 = arith.index_cast %add3A_2397 : i32 to index
      %swap3A_2399 = arith.constant 32 : index
      %swap3A_2400 = tpu.vector_load %arg6[%swap3A_2398, %swap3A_2399] {strides = array<i32>} : memref<488x128xf32, #tpu.memory_space<vmem>>, vector<16xf32>,
      tpu.vector_store %arg6[%swap3A_2398, %swap3A_2399], %broadcast_in_dim3A_4 {strides = array<i32>} : memref<488x128xf32, #tpu.memory_space<vmem>>, vector<16xf32>,
      %mul3A_2401 = arith.constant 2 : i32
      %mul3A_2402 = arith.muli %scan3A_2374, %mul3A_2401 : i32
      %add3A_2403 = arith.constant 256 : i32
      %add3A_2404 = arith.addi %add3A_2403, %mul3A_2402 : i32
      %add3A_2405 = arith.constant 0 : i32
      %add3A_2406 = arith.addi %add3A_2404, %add3A_2405 : i32
      %swap3A_2407 = arith.index_cast %add3A_2406 : i32 to index
      %swap3A_2408 = arith.constant 48 : index
      %swap3A_2409 = tpu.vector_load %arg6[%swap3A_2407, %swap3A_2408] {strides = array<i32>} : memref<488x128xf32, #tpu.memory_space<vmem>>, vector<16xf32>,
      tpu.vector_store %arg6[%swap3A_2407, %swap3A_2408], %broadcast_in_dim3A_4 {strides = array<i32>} : memref<488x128xf32, #tpu.memory_space<vmem>>, vector<16xf32>,
      %mul3A_2410 = arith.constant 2 : i32
      %mul3A_2411 = arith.muli %scan3A_2374, %mul3A_2410 : i32
      %add3A_2412 = arith.constant 256 : i32
      %add3A_2413 = arith.addi %add3A_2412, %mul3A_2411 : i32
      %add3A_2414 = arith.constant 0 : i32
      %add3A_2415 = arith.addi %add3A_2413, %add3A_2414 : i32
      %swap3A_2416 = arith.index_cast %add3A_2415 : i32 to index
      %swap3A_2417 = arith.constant 64 : index
      %swap3A_2418 = tpu.vector_load %arg6[%swap3A_2416, %swap3A_2417] {strides = array<i32>} : memref<488x128xf32, #tpu.memory_space<vmem>>, vector<16xf32>,
      tpu.vector_store %arg6[%swap3A_2416, %swap3A_2417], %broadcast_in_dim3A_4 {strides = array<i32>} : memref<488x128xf32, #tpu.memory_space<vmem>>, vector<16xf32>,
      %mul3A_2419 = arith.constant 2 : i32
      %mul3A_2420 = arith.muli %scan3A_2374, %mul3A_2419 : i32
      %add3A_2421 = arith.constant 256 : i32
      %add3A_2422 = arith.addi %add3A_2421, %mul3A_2420 : i32
      %add3A_2423 = arith.constant 0 : i32
      %add3A_2424 = arith.addi %add3A_2422, %add3A_2423 : i32
      %swap3A_2425 = arith.index_cast %add3A_2424 : i32 to index
      %swap3A_2426 = arith.constant 80 : index
      %swap3A_2427 = tpu.vector_load %arg6[%swap3A_2425, %swap3A_2426] {strides = array<i32>} : memref<488x128xf32, #tpu.memory_space<vmem>>, vector<16xf32>,
      tpu.vector_store %arg6[%swap3A_2425, %swap3A_2426], %broadcast_in_dim3A_4 {strides = array<i32>} : memref<488x128xf32, #tpu.memory_space<vmem>>, vector<16xf32>,
      %mul3A_2428 = arith.constant 2 : i32
      %mul3A_2429 = arith.muli %scan3A_2374, %mul3A_2428 : i32
      %add3A_2430 = arith.constant 256 : i32
      %add3A_2431 = arith.addi %add3A_2430, %mul3A_2429 : i32
      %add3A_2432 = arith.constant 0 : i32
      %add3A_2433 = arith.addi %add3A_2431, %add3A_2432 : i32
      %swap3A_2434 = arith.index_cast %add3A_2433 : i32 to index
      %swap3A_2435 = arith.constant 96 : index
      %swap3A_2436 = tpu.vector_load %arg6[%swap3A_2434, %swap3A_2435] {strides = array<i32>} : memref<488x128xf32, #tpu.memory_space<vmem>>, vector<16xf32>,
      tpu.vector_store %arg6[%swap3A_2434, %swap3A_2435], %broadcast_in_dim3A_4 {strides = array<i32>} : memref<488x128xf32, #tpu.memory_space<vmem>>, vector<16xf32>,
      %mul3A_2437 = arith.constant 2 : i32
      %mul3A_2438 = arith.muli %scan3A_2374, %mul3A_2437 : i32
      %add3A_2439 = arith.constant 256 : i32
      %add3A_2440 = arith.addi %add3A_2439, %mul3A_2438 : i32
      %add3A_2441 = arith.constant 0 : i32
      %add3A_2442 = arith.addi %add3A_2440, %add3A_2441 : i32
      %swap3A_2443 = arith.index_cast %add3A_2442 : i32 to index
      %swap3A_2444 = arith.constant 112 : index
      %swap3A_2445 = tpu.vector_load %arg6[%swap3A_2443, %swap3A_2444] {strides = array<i32>} : memref<488x128xf32, #tpu.memory_space<vmem>>, vector<16xf32>,
      tpu.vector_store %arg6[%swap3A_2443, %swap3A_2444], %broadcast_in_dim3A_4 {strides = array<i32>} : memref<488x128xf32, #tpu.memory_space<vmem>>, vector<16xf32>,
      %mul3A_2446 = arith.constant 2 : i32
      %mul3A_2447 = arith.muli %scan3A_2374, %mul3A_2446 : i32
      %add3A_2448 = arith.constant 256 : i32
      %add3A_2449 = arith.addi %add3A_2448, %mul3A_2447 : i32
      %add3A_2450 = arith.constant 1 : i32
      %add3A_2451 = arith.addi %add3A_2449, %add3A_2450 : i32
      %swap3A_2452 = arith.index_cast %add3A_2451 : i32 to index
      %swap3A_2453 = arith.constant 0 : index
      %swap3A_2454 = tpu.vector_load %arg6[%swap3A_2452, %swap3A_2453] {strides = array<i32>} : memref<488x128xf32, #tpu.memory_space<vmem>>, vector<16xf32>,
      tpu.vector_store %arg6[%swap3A_2452, %swap3A_2453], %broadcast_in_dim3A_4 {strides = array<i32>} : memref<488x128xf32, #tpu.memory_space<vmem>>, vector<16xf32>,
      %mul3A_2455 = arith.constant 2 : i32
      %mul3A_2456 = arith.muli %scan3A_2374, %mul3A_2455 : i32
      %add3A_2457 = arith.constant 256 : i32
      %add3A_2458 = arith.addi %add3A_2457, %mul3A_2456 : i32
      %add3A_2459 = arith.constant 1 : i32
      %add3A_2460 = arith.addi %add3A_2458, %add3A_2459 : i32
      %swap3A_2461 = arith.index_cast %add3A_2460 : i32 to index
      %swap3A_2462 = arith.constant 16 : index
      %swap3A_2463 = tpu.vector_load %arg6[%swap3A_2461, %swap3A_2462] {strides = array<i32>} : memref<488x128xf32, #tpu.memory_space<vmem>>, vector<16xf32>,
      tpu.vector_store %arg6[%swap3A_2461, %swap3A_2462], %broadcast_in_dim3A_4 {strides = array<i32>} : memref<488x128xf32, #tpu.memory_space<vmem>>, vector<16xf32>,
      %mul3A_2464 = arith.constant 2 : i32
      %mul3A_2465 = arith.muli %scan3A_2374, %mul3A_2464 : i32
      %add3A_2466 = arith.constant 256 : i32
      %add3A_2467 = arith.addi %add3A_2466, %mul3A_2465 : i32
      %add3A_2468 = arith.constant 1 : i32
      %add3A_2469 = arith.addi %add3A_2467, %add3A_2468 : i32
      %swap3A_2470 = arith.index_cast %add3A_2469 : i32 to index
      %swap3A_2471 = arith.constant 32 : index
      %swap3A_2472 = tpu.vector_load %arg6[%swap3A_2470, %swap3A_2471] {strides = array<i32>} : memref<488x128xf32, #tpu.memory_space<vmem>>, vector<16xf32>,
      tpu.vector_store %arg6[%swap3A_2470, %swap3A_2471], %broadcast_in_dim3A_4 {strides = array<i32>} : memref<488x128xf32, #tpu.memory_space<vmem>>, vector<16xf32>,
      %mul3A_2473 = arith.constant 2 : i32
      %mul3A_2474 = arith.muli %scan3A_2374, %mul3A_2473 : i32
      %add3A_2475 = arith.constant 256 : i32
      %add3A_2476 = arith.addi %add3A_2475, %mul3A_2474 : i32
      %add3A_2477 = arith.constant 1 : i32
      %add3A_2478 = arith.addi %add3A_2476, %add3A_2477 : i32
      %swap3A_2479 = arith.index_cast %add3A_2478 : i32 to index
      %swap3A_2480 = arith.constant 48 : index
      %swap3A_2481 = tpu.vector_load %arg6[%swap3A_2479, %swap3A_2480] {strides = array<i32>} : memref<488x128xf32, #tpu.memory_space<vmem>>, vector<16xf32>,
      tpu.vector_store %arg6[%swap3A_2479, %swap3A_2480], %broadcast_in_dim3A_4 {strides = array<i32>} : memref<488x128xf32, #tpu.memory_space<vmem>>, vector<16xf32>,
      %mul3A_2482 = arith.constant 2 : i32
      %mul3A_2483 = arith.muli %scan3A_2374, %mul3A_2482 : i32
      %add3A_2484 = arith.constant 256 : i32
      %add3A_2485 = arith.addi %add3A_2484, %mul3A_2483 : i32
      %add3A_2486 = arith.constant 1 : i32
      %add3A_2487 = arith.addi %add3A_2485, %add3A_2486 : i32
      %swap3A_2488 = arith.index_cast %add3A_2487 : i32 to index
      %swap3A_2489 = arith.constant 64 : index
      %swap3A_2490 = tpu.vector_load %arg6[%swap3A_2488, %swap3A_2489] {strides = array<i32>} : memref<488x128xf32, #tpu.memory_space<vmem>>, vector<16xf32>,
      tpu.vector_store %arg6[%swap3A_2488, %swap3A_2489], %broadcast_in_dim3A_4 {strides = array<i32>} : memref<488x128xf32, #tpu.memory_space<vmem>>, vector<16xf32>,
      %mul3A_2491 = arith.constant 2 : i32
      %mul3A_2492 = arith.muli %scan3A_2374, %mul3A_2491 : i32
      %add3A_2493 = arith.constant 256 : i32
      %add3A_2494 = arith.addi %add3A_2493, %mul3A_2492 : i32
      %add3A_2495 = arith.constant 1 : i32
      %add3A_2496 = arith.addi %add3A_2494, %add3A_2495 : i32
      %swap3A_2497 = arith.index_cast %add3A_2496 : i32 to index
      %swap3A_2498 = arith.constant 80 : index
      %swap3A_2499 = tpu.vector_load %arg6[%swap3A_2497, %swap3A_2498] {strides = array<i32>} : memref<488x128xf32, #tpu.memory_space<vmem>>, vector<16xf32>,
      tpu.vector_store %arg6[%swap3A_2497, %swap3A_2498], %broadcast_in_dim3A_4 {strides = array<i32>} : memref<488x128xf32, #tpu.memory_space<vmem>>, vector<16xf32>,
      %mul3A_2500 = arith.constant 2 : i32
      %mul3A_2501 = arith.muli %scan3A_2374, %mul3A_2500 : i32
      %add3A_2502 = arith.constant 256 : i32
      %add3A_2503 = arith.addi %add3A_2502, %mul3A_2501 : i32
      %add3A_2504 = arith.constant 1 : i32
      %add3A_2505 = arith.addi %add3A_2503, %add3A_2504 : i32
      %swap3A_2506 = arith.index_cast %add3A_2505 : i32 to index
      %swap3A_2507 = arith.constant 96 : index
      %swap3A_2508 = tpu.vector_load %arg6[%swap3A_2506, %swap3A_2507] {strides = array<i32>} : memref<488x128xf32, #tpu.memory_space<vmem>>, vector<16xf32>,
      tpu.vector_store %arg6[%swap3A_2506, %swap3A_2507], %broadcast_in_dim3A_4 {strides = array<i32>} : memref<488x128xf32, #tpu.memory_space<vmem>>, vector<16xf32>,
      %mul3A_2509 = arith.constant 2 : i32
      %mul3A_2510 = arith.muli %scan3A_2374, %mul3A_2509 : i32
      %add3A_2511 = arith.constant 256 : i32
      %add3A_2512 = arith.addi %add3A_2511, %mul3A_2510 : i32
      %add3A_2513 = arith.constant 1 : i32
      %add3A_2514 = arith.addi %add3A_2512, %add3A_2513 : i32
      %swap3A_2515 = arith.index_cast %add3A_2514 : i32 to index
      %swap3A_2516 = arith.constant 112 : index
      %swap3A_2517 = tpu.vector_load %arg6[%swap3A_2515, %swap3A_2516] {strides = array<i32>} : memref<488x128xf32, #tpu.memory_space<vmem>>, vector<16xf32>,
      tpu.vector_store %arg6[%swap3A_2515, %swap3A_2516], %broadcast_in_dim3A_4 {strides = array<i32>} : memref<488x128xf32, #tpu.memory_space<vmem>>, vector<16xf32>,
    }
    %scan3A_727 = arith.constant 64 : i32
    %get3A_728 = arith.constant 0 : index
    %get3A_729 = tpu.vector_load %arg4[%get3A_728] {strides = array<i32>} : memref<512xi32, #tpu.memory_space<vmem>>, vector<16xi32>,
    %add3A_730 = arith.constant 0 : i32
    %add3A_731 = vector.broadcast %add3A_730 : i32 to vector<16xi32>
    %add3A_732 = arith.addi %iota3A, %add3A_731 : vector<16xi32>
    %sub3A_733 = arith.constant 512 : i32
    %sub3A_734 = vector.broadcast %sub3A_733 : i32 to vector<16xi32>
    %sub3A_735 = arith.subi %get3A_729, %sub3A_734 : vector<16xi32>
    %ge3A_736 = arith.constant 256 : i32
    %ge3A_737 = vector.broadcast %ge3A_736 : i32 to vector<16xi32>
    %ge3A_738 = arith.cmpi sge, %sub3A_735, %ge3A_737 : vector<16xi32>
    %lt3A_739 = arith.constant 384 : i32
    %lt3A_740 = vector.broadcast %lt3A_739 : i32 to vector<16xi32>
    %lt3A_741 = arith.cmpi slt, %sub3A_735, %lt3A_740 : vector<16xi32>
    %and3A_742 = arith.andi %ge3A_738, %lt3A_741 : vector<16xi1>
    tpu.vector_store_idx %arg6[%sub3A_735, %add3A_732], %broadcast_in_dim3A_6 masked %and3A_742 : memref<488x128xf32, #tpu.memory_space<vmem>>[vector<16xi32>, vector<16xi32>], vector<16xf32>, vector<16xi1>
    %get3A_743 = arith.constant 16 : index
    %get3A_744 = tpu.vector_load %arg4[%get3A_743] {strides = array<i32>} : memref<512xi32, #tpu.memory_space<vmem>>, vector<16xi32>,
    %add3A_745 = arith.constant 16 : i32
    %add3A_746 = vector.broadcast %add3A_745 : i32 to vector<16xi32>
    %add3A_747 = arith.addi %iota3A, %add3A_746 : vector<16xi32>
    %sub3A_748 = arith.constant 512 : i32
    %sub3A_749 = vector.broadcast %sub3A_748 : i32 to vector<16xi32>
    %sub3A_750 = arith.subi %get3A_744, %sub3A_749 : vector<16xi32>
    %ge3A_751 = arith.constant 256 : i32
    %ge3A_752 = vector.broadcast %ge3A_751 : i32 to vector<16xi32>
    %ge3A_753 = arith.cmpi sge, %sub3A_750, %ge3A_752 : vector<16xi32>
    %lt3A_754 = arith.constant 384 : i32
    %lt3A_755 = vector.broadcast %lt3A_754 : i32 to vector<16xi32>
    %lt3A_756 = arith.cmpi slt, %sub3A_750, %lt3A_755 : vector<16xi32>
    %and3A_757 = arith.andi %ge3A_753, %lt3A_756 : vector<16xi1>
    tpu.vector_store_idx %arg6[%sub3A_750, %add3A_747], %broadcast_in_dim3A_6 masked %and3A_757 : memref<488x128xf32, #tpu.memory_space<vmem>>[vector<16xi32>, vector<16xi32>], vector<16xf32>, vector<16xi1>
    %get3A_758 = arith.constant 32 : index
    %get3A_759 = tpu.vector_load %arg4[%get3A_758] {strides = array<i32>} : memref<512xi32, #tpu.memory_space<vmem>>, vector<16xi32>,
    %add3A_760 = arith.constant 32 : i32
    %add3A_761 = vector.broadcast %add3A_760 : i32 to vector<16xi32>
    %add3A_762 = arith.addi %iota3A, %add3A_761 : vector<16xi32>
    %sub3A_763 = arith.constant 512 : i32
    %sub3A_764 = vector.broadcast %sub3A_763 : i32 to vector<16xi32>
    %sub3A_765 = arith.subi %get3A_759, %sub3A_764 : vector<16xi32>
    %ge3A_766 = arith.constant 256 : i32
    %ge3A_767 = vector.broadcast %ge3A_766 : i32 to vector<16xi32>
    %ge3A_768 = arith.cmpi sge, %sub3A_765, %ge3A_767 : vector<16xi32>
    %lt3A_769 = arith.constant 384 : i32
    %lt3A_770 = vector.broadcast %lt3A_769 : i32 to vector<16xi32>
    %lt3A_771 = arith.cmpi slt, %sub3A_765, %lt3A_770 : vector<16xi32>
    %and3A_772 = arith.andi %ge3A_768, %lt3A_771 : vector<16xi1>
    tpu.vector_store_idx %arg6[%sub3A_765, %add3A_762], %broadcast_in_dim3A_6 masked %and3A_772 : memref<488x128xf32, #tpu.memory_space<vmem>>[vector<16xi32>, vector<16xi32>], vector<16xf32>, vector<16xi1>
    %get3A_773 = arith.constant 48 : index
    %get3A_774 = tpu.vector_load %arg4[%get3A_773] {strides = array<i32>} : memref<512xi32, #tpu.memory_space<vmem>>, vector<16xi32>,
    %add3A_775 = arith.constant 48 : i32
    %add3A_776 = vector.broadcast %add3A_775 : i32 to vector<16xi32>
    %add3A_777 = arith.addi %iota3A, %add3A_776 : vector<16xi32>
    %sub3A_778 = arith.constant 512 : i32
    %sub3A_779 = vector.broadcast %sub3A_778 : i32 to vector<16xi32>
    %sub3A_780 = arith.subi %get3A_774, %sub3A_779 : vector<16xi32>
    %ge3A_781 = arith.constant 256 : i32
    %ge3A_782 = vector.broadcast %ge3A_781 : i32 to vector<16xi32>
    %ge3A_783 = arith.cmpi sge, %sub3A_780, %ge3A_782 : vector<16xi32>
    %lt3A_784 = arith.constant 384 : i32
    %lt3A_785 = vector.broadcast %lt3A_784 : i32 to vector<16xi32>
    %lt3A_786 = arith.cmpi slt, %sub3A_780, %lt3A_785 : vector<16xi32>
    %and3A_787 = arith.andi %ge3A_783, %lt3A_786 : vector<16xi1>
    tpu.vector_store_idx %arg6[%sub3A_780, %add3A_777], %broadcast_in_dim3A_6 masked %and3A_787 : memref<488x128xf32, #tpu.memory_space<vmem>>[vector<16xi32>, vector<16xi32>], vector<16xf32>, vector<16xi1>
    %get3A_788 = arith.constant 64 : index
    %get3A_789 = tpu.vector_load %arg4[%get3A_788] {strides = array<i32>} : memref<512xi32, #tpu.memory_space<vmem>>, vector<16xi32>,
    %add3A_790 = arith.constant 64 : i32
    %add3A_791 = vector.broadcast %add3A_790 : i32 to vector<16xi32>
    %add3A_792 = arith.addi %iota3A, %add3A_791 : vector<16xi32>
    %sub3A_793 = arith.constant 512 : i32
    %sub3A_794 = vector.broadcast %sub3A_793 : i32 to vector<16xi32>
    %sub3A_795 = arith.subi %get3A_789, %sub3A_794 : vector<16xi32>
    %ge3A_796 = arith.constant 256 : i32
    %ge3A_797 = vector.broadcast %ge3A_796 : i32 to vector<16xi32>
    %ge3A_798 = arith.cmpi sge, %sub3A_795, %ge3A_797 : vector<16xi32>
    %lt3A_799 = arith.constant 384 : i32
    %lt3A_800 = vector.broadcast %lt3A_799 : i32 to vector<16xi32>
    %lt3A_801 = arith.cmpi slt, %sub3A_795, %lt3A_800 : vector<16xi32>
    %and3A_802 = arith.andi %ge3A_798, %lt3A_801 : vector<16xi1>
    tpu.vector_store_idx %arg6[%sub3A_795, %add3A_792], %broadcast_in_dim3A_6 masked %and3A_802 : memref<488x128xf32, #tpu.memory_space<vmem>>[vector<16xi32>, vector<16xi32>], vector<16xf32>, vector<16xi1>
    %get3A_803 = arith.constant 80 : index
    %get3A_804 = tpu.vector_load %arg4[%get3A_803] {strides = array<i32>} : memref<512xi32, #tpu.memory_space<vmem>>, vector<16xi32>,
    %add3A_805 = arith.constant 80 : i32
    %add3A_806 = vector.broadcast %add3A_805 : i32 to vector<16xi32>
    %add3A_807 = arith.addi %iota3A, %add3A_806 : vector<16xi32>
    %sub3A_808 = arith.constant 512 : i32
    %sub3A_809 = vector.broadcast %sub3A_808 : i32 to vector<16xi32>
    %sub3A_810 = arith.subi %get3A_804, %sub3A_809 : vector<16xi32>
    %ge3A_811 = arith.constant 256 : i32
    %ge3A_812 = vector.broadcast %ge3A_811 : i32 to vector<16xi32>
    %ge3A_813 = arith.cmpi sge, %sub3A_810, %ge3A_812 : vector<16xi32>
    %lt3A_814 = arith.constant 384 : i32
    %lt3A_815 = vector.broadcast %lt3A_814 : i32 to vector<16xi32>
    %lt3A_816 = arith.cmpi slt, %sub3A_810, %lt3A_815 : vector<16xi32>
    %and3A_817 = arith.andi %ge3A_813, %lt3A_816 : vector<16xi1>
    tpu.vector_store_idx %arg6[%sub3A_810, %add3A_807], %broadcast_in_dim3A_6 masked %and3A_817 : memref<488x128xf32, #tpu.memory_space<vmem>>[vector<16xi32>, vector<16xi32>], vector<16xf32>, vector<16xi1>
    %get3A_818 = arith.constant 96 : index
    %get3A_819 = tpu.vector_load %arg4[%get3A_818] {strides = array<i32>} : memref<512xi32, #tpu.memory_space<vmem>>, vector<16xi32>,
    %add3A_820 = arith.constant 96 : i32
    %add3A_821 = vector.broadcast %add3A_820 : i32 to vector<16xi32>
    %add3A_822 = arith.addi %iota3A, %add3A_821 : vector<16xi32>
    %sub3A_823 = arith.constant 512 : i32
    %sub3A_824 = vector.broadcast %sub3A_823 : i32 to vector<16xi32>
    %sub3A_825 = arith.subi %get3A_819, %sub3A_824 : vector<16xi32>
    %ge3A_826 = arith.constant 256 : i32
    %ge3A_827 = vector.broadcast %ge3A_826 : i32 to vector<16xi32>
    %ge3A_828 = arith.cmpi sge, %sub3A_825, %ge3A_827 : vector<16xi32>
    %lt3A_829 = arith.constant 384 : i32
    %lt3A_830 = vector.broadcast %lt3A_829 : i32 to vector<16xi32>
    %lt3A_831 = arith.cmpi slt, %sub3A_825, %lt3A_830 : vector<16xi32>
    %and3A_832 = arith.andi %ge3A_828, %lt3A_831 : vector<16xi1>
    tpu.vector_store_idx %arg6[%sub3A_825, %add3A_822], %broadcast_in_dim3A_6 masked %and3A_832 : memref<488x128xf32, #tpu.memory_space<vmem>>[vector<16xi32>, vector<16xi32>], vector<16xf32>, vector<16xi1>
    %get3A_833 = arith.constant 112 : index
    %get3A_834 = tpu.vector_load %arg4[%get3A_833] {strides = array<i32>} : memref<512xi32, #tpu.memory_space<vmem>>, vector<16xi32>,
    %add3A_835 = arith.constant 112 : i32
    %add3A_836 = vector.broadcast %add3A_835 : i32 to vector<16xi32>
    %add3A_837 = arith.addi %iota3A, %add3A_836 : vector<16xi32>
    %sub3A_838 = arith.constant 512 : i32
    %sub3A_839 = vector.broadcast %sub3A_838 : i32 to vector<16xi32>
    %sub3A_840 = arith.subi %get3A_834, %sub3A_839 : vector<16xi32>
    %ge3A_841 = arith.constant 256 : i32
    %ge3A_842 = vector.broadcast %ge3A_841 : i32 to vector<16xi32>
    %ge3A_843 = arith.cmpi sge, %sub3A_840, %ge3A_842 : vector<16xi32>
    %lt3A_844 = arith.constant 384 : i32
    %lt3A_845 = vector.broadcast %lt3A_844 : i32 to vector<16xi32>
    %lt3A_846 = arith.cmpi slt, %sub3A_840, %lt3A_845 : vector<16xi32>
    %and3A_847 = arith.andi %ge3A_843, %lt3A_846 : vector<16xi1>
    tpu.vector_store_idx %arg6[%sub3A_840, %add3A_837], %broadcast_in_dim3A_6 masked %and3A_847 : memref<488x128xf32, #tpu.memory_space<vmem>>[vector<16xi32>, vector<16xi32>], vector<16xf32>, vector<16xi1>
    %dma_start3A_848 = arith.constant 256 : i32
    %dma_start3A_849 = arith.constant 0 : i32
    %dma_start3A_850 = tpu.memref_slice %arg6[%dma_start3A_848, %dma_start3A_849] : memref<488x128xf32, #tpu.memory_space<vmem>> -> memref<128x128xf32, #tpu.memory_space<vmem>>
    %dma_start3A_851 = arith.constant 768 : i32
    %dma_start3A_852 = tpu.memref_slice %arg3[%dma_start3A_851, %mul3A_2] : memref<1000x16384xf32, #tpu.memory_space<hbm>> -> memref<128x128xf32, #tpu.memory_space<hbm>>
    %dma_start3A_853 = arith.constant 768 : i32
    %dma_start3A_854 = tpu.memref_slice %arg3[%dma_start3A_853, %mul3A_2] : memref<1000x16384xf32, #tpu.memory_space<hbm>> -> memref<128x128xf32, #tpu.memory_space<hbm>>
    %dma_start3A_855 = arith.constant 256 : i32
    %dma_start3A_856 = arith.constant 0 : i32
    %dma_start3A_857 = tpu.memref_slice %arg6[%dma_start3A_855, %dma_start3A_856] : memref<488x128xf32, #tpu.memory_space<vmem>> -> memref<128x128xf32, #tpu.memory_space<vmem>>
    tpu.enqueue_dma source(%dma_start3A_857 : memref<128x128xf32, #tpu.memory_space<vmem>>) target(%dma_start3A_854 : memref<128x128xf32, #tpu.memory_space<hbm>>) target_semaphore(%arg8 : memref<!tpu.dma_semaphore, #tpu.memory_space<semaphore_mem>>)
    %scan3A_858 = arith.constant 0 : i32
    %scan3A_859 = arith.constant 0 : i32
    %scan3A_860 = arith.constant 52 : i32
    %scan3A_861 = arith.addi %scan3A_859, %scan3A_860 : i32
    %scan3A_862 = arith.constant 1 : i32
    scf.for %scan3A_2374 = %scan3A_859 to %scan3A_861 step %scan3A_862  : i32 {
      %mul3A_2375 = arith.constant 2 : i32
      %mul3A_2376 = arith.muli %scan3A_2374, %mul3A_2375 : i32
      %add3A_2377 = arith.constant 384 : i32
      %add3A_2378 = arith.addi %add3A_2377, %mul3A_2376 : i32
      %add3A_2379 = arith.constant 0 : i32
      %add3A_2380 = arith.addi %add3A_2378, %add3A_2379 : i32
      %swap3A = arith.index_cast %add3A_2380 : i32 to index
      %swap3A_2381 = arith.constant 0 : index
      %swap3A_2382 = tpu.vector_load %arg6[%swap3A, %swap3A_2381] {strides = array<i32>} : memref<488x128xf32, #tpu.memory_space<vmem>>, vector<16xf32>,
      tpu.vector_store %arg6[%swap3A, %swap3A_2381], %broadcast_in_dim3A_4 {strides = array<i32>} : memref<488x128xf32, #tpu.memory_space<vmem>>, vector<16xf32>,
      %mul3A_2383 = arith.constant 2 : i32
      %mul3A_2384 = arith.muli %scan3A_2374, %mul3A_2383 : i32
      %add3A_2385 = arith.constant 384 : i32
      %add3A_2386 = arith.addi %add3A_2385, %mul3A_2384 : i32
      %add3A_2387 = arith.constant 0 : i32
      %add3A_2388 = arith.addi %add3A_2386, %add3A_2387 : i32
      %swap3A_2389 = arith.index_cast %add3A_2388 : i32 to index
      %swap3A_2390 = arith.constant 16 : index
      %swap3A_2391 = tpu.vector_load %arg6[%swap3A_2389, %swap3A_2390] {strides = array<i32>} : memref<488x128xf32, #tpu.memory_space<vmem>>, vector<16xf32>,
      tpu.vector_store %arg6[%swap3A_2389, %swap3A_2390], %broadcast_in_dim3A_4 {strides = array<i32>} : memref<488x128xf32, #tpu.memory_space<vmem>>, vector<16xf32>,
      %mul3A_2392 = arith.constant 2 : i32
      %mul3A_2393 = arith.muli %scan3A_2374, %mul3A_2392 : i32
      %add3A_2394 = arith.constant 384 : i32
      %add3A_2395 = arith.addi %add3A_2394, %mul3A_2393 : i32
      %add3A_2396 = arith.constant 0 : i32
      %add3A_2397 = arith.addi %add3A_2395, %add3A_2396 : i32
      %swap3A_2398 = arith.index_cast %add3A_2397 : i32 to index
      %swap3A_2399 = arith.constant 32 : index
      %swap3A_2400 = tpu.vector_load %arg6[%swap3A_2398, %swap3A_2399] {strides = array<i32>} : memref<488x128xf32, #tpu.memory_space<vmem>>, vector<16xf32>,
      tpu.vector_store %arg6[%swap3A_2398, %swap3A_2399], %broadcast_in_dim3A_4 {strides = array<i32>} : memref<488x128xf32, #tpu.memory_space<vmem>>, vector<16xf32>,
      %mul3A_2401 = arith.constant 2 : i32
      %mul3A_2402 = arith.muli %scan3A_2374, %mul3A_2401 : i32
      %add3A_2403 = arith.constant 384 : i32
      %add3A_2404 = arith.addi %add3A_2403, %mul3A_2402 : i32
      %add3A_2405 = arith.constant 0 : i32
      %add3A_2406 = arith.addi %add3A_2404, %add3A_2405 : i32
      %swap3A_2407 = arith.index_cast %add3A_2406 : i32 to index
      %swap3A_2408 = arith.constant 48 : index
      %swap3A_2409 = tpu.vector_load %arg6[%swap3A_2407, %swap3A_2408] {strides = array<i32>} : memref<488x128xf32, #tpu.memory_space<vmem>>, vector<16xf32>,
      tpu.vector_store %arg6[%swap3A_2407, %swap3A_2408], %broadcast_in_dim3A_4 {strides = array<i32>} : memref<488x128xf32, #tpu.memory_space<vmem>>, vector<16xf32>,
      %mul3A_2410 = arith.constant 2 : i32
      %mul3A_2411 = arith.muli %scan3A_2374, %mul3A_2410 : i32
      %add3A_2412 = arith.constant 384 : i32
      %add3A_2413 = arith.addi %add3A_2412, %mul3A_2411 : i32
      %add3A_2414 = arith.constant 0 : i32
      %add3A_2415 = arith.addi %add3A_2413, %add3A_2414 : i32
      %swap3A_2416 = arith.index_cast %add3A_2415 : i32 to index
      %swap3A_2417 = arith.constant 64 : index
      %swap3A_2418 = tpu.vector_load %arg6[%swap3A_2416, %swap3A_2417] {strides = array<i32>} : memref<488x128xf32, #tpu.memory_space<vmem>>, vector<16xf32>,
      tpu.vector_store %arg6[%swap3A_2416, %swap3A_2417], %broadcast_in_dim3A_4 {strides = array<i32>} : memref<488x128xf32, #tpu.memory_space<vmem>>, vector<16xf32>,
      %mul3A_2419 = arith.constant 2 : i32
      %mul3A_2420 = arith.muli %scan3A_2374, %mul3A_2419 : i32
      %add3A_2421 = arith.constant 384 : i32
      %add3A_2422 = arith.addi %add3A_2421, %mul3A_2420 : i32
      %add3A_2423 = arith.constant 0 : i32
      %add3A_2424 = arith.addi %add3A_2422, %add3A_2423 : i32
      %swap3A_2425 = arith.index_cast %add3A_2424 : i32 to index
      %swap3A_2426 = arith.constant 80 : index
      %swap3A_2427 = tpu.vector_load %arg6[%swap3A_2425, %swap3A_2426] {strides = array<i32>} : memref<488x128xf32, #tpu.memory_space<vmem>>, vector<16xf32>,
      tpu.vector_store %arg6[%swap3A_2425, %swap3A_2426], %broadcast_in_dim3A_4 {strides = array<i32>} : memref<488x128xf32, #tpu.memory_space<vmem>>, vector<16xf32>,
      %mul3A_2428 = arith.constant 2 : i32
      %mul3A_2429 = arith.muli %scan3A_2374, %mul3A_2428 : i32
      %add3A_2430 = arith.constant 384 : i32
      %add3A_2431 = arith.addi %add3A_2430, %mul3A_2429 : i32
      %add3A_2432 = arith.constant 0 : i32
      %add3A_2433 = arith.addi %add3A_2431, %add3A_2432 : i32
      %swap3A_2434 = arith.index_cast %add3A_2433 : i32 to index
      %swap3A_2435 = arith.constant 96 : index
      %swap3A_2436 = tpu.vector_load %arg6[%swap3A_2434, %swap3A_2435] {strides = array<i32>} : memref<488x128xf32, #tpu.memory_space<vmem>>, vector<16xf32>,
      tpu.vector_store %arg6[%swap3A_2434, %swap3A_2435], %broadcast_in_dim3A_4 {strides = array<i32>} : memref<488x128xf32, #tpu.memory_space<vmem>>, vector<16xf32>,
      %mul3A_2437 = arith.constant 2 : i32
      %mul3A_2438 = arith.muli %scan3A_2374, %mul3A_2437 : i32
      %add3A_2439 = arith.constant 384 : i32
      %add3A_2440 = arith.addi %add3A_2439, %mul3A_2438 : i32
      %add3A_2441 = arith.constant 0 : i32
      %add3A_2442 = arith.addi %add3A_2440, %add3A_2441 : i32
      %swap3A_2443 = arith.index_cast %add3A_2442 : i32 to index
      %swap3A_2444 = arith.constant 112 : index
      %swap3A_2445 = tpu.vector_load %arg6[%swap3A_2443, %swap3A_2444] {strides = array<i32>} : memref<488x128xf32, #tpu.memory_space<vmem>>, vector<16xf32>,
      tpu.vector_store %arg6[%swap3A_2443, %swap3A_2444], %broadcast_in_dim3A_4 {strides = array<i32>} : memref<488x128xf32, #tpu.memory_space<vmem>>, vector<16xf32>,
      %mul3A_2446 = arith.constant 2 : i32
      %mul3A_2447 = arith.muli %scan3A_2374, %mul3A_2446 : i32
      %add3A_2448 = arith.constant 384 : i32
      %add3A_2449 = arith.addi %add3A_2448, %mul3A_2447 : i32
      %add3A_2450 = arith.constant 1 : i32
      %add3A_2451 = arith.addi %add3A_2449, %add3A_2450 : i32
      %swap3A_2452 = arith.index_cast %add3A_2451 : i32 to index
      %swap3A_2453 = arith.constant 0 : index
      %swap3A_2454 = tpu.vector_load %arg6[%swap3A_2452, %swap3A_2453] {strides = array<i32>} : memref<488x128xf32, #tpu.memory_space<vmem>>, vector<16xf32>,
      tpu.vector_store %arg6[%swap3A_2452, %swap3A_2453], %broadcast_in_dim3A_4 {strides = array<i32>} : memref<488x128xf32, #tpu.memory_space<vmem>>, vector<16xf32>,
      %mul3A_2455 = arith.constant 2 : i32
      %mul3A_2456 = arith.muli %scan3A_2374, %mul3A_2455 : i32
      %add3A_2457 = arith.constant 384 : i32
      %add3A_2458 = arith.addi %add3A_2457, %mul3A_2456 : i32
      %add3A_2459 = arith.constant 1 : i32
      %add3A_2460 = arith.addi %add3A_2458, %add3A_2459 : i32
      %swap3A_2461 = arith.index_cast %add3A_2460 : i32 to index
      %swap3A_2462 = arith.constant 16 : index
      %swap3A_2463 = tpu.vector_load %arg6[%swap3A_2461, %swap3A_2462] {strides = array<i32>} : memref<488x128xf32, #tpu.memory_space<vmem>>, vector<16xf32>,
      tpu.vector_store %arg6[%swap3A_2461, %swap3A_2462], %broadcast_in_dim3A_4 {strides = array<i32>} : memref<488x128xf32, #tpu.memory_space<vmem>>, vector<16xf32>,
      %mul3A_2464 = arith.constant 2 : i32
      %mul3A_2465 = arith.muli %scan3A_2374, %mul3A_2464 : i32
      %add3A_2466 = arith.constant 384 : i32
      %add3A_2467 = arith.addi %add3A_2466, %mul3A_2465 : i32
      %add3A_2468 = arith.constant 1 : i32
      %add3A_2469 = arith.addi %add3A_2467, %add3A_2468 : i32
      %swap3A_2470 = arith.index_cast %add3A_2469 : i32 to index
      %swap3A_2471 = arith.constant 32 : index
      %swap3A_2472 = tpu.vector_load %arg6[%swap3A_2470, %swap3A_2471] {strides = array<i32>} : memref<488x128xf32, #tpu.memory_space<vmem>>, vector<16xf32>,
      tpu.vector_store %arg6[%swap3A_2470, %swap3A_2471], %broadcast_in_dim3A_4 {strides = array<i32>} : memref<488x128xf32, #tpu.memory_space<vmem>>, vector<16xf32>,
      %mul3A_2473 = arith.constant 2 : i32
      %mul3A_2474 = arith.muli %scan3A_2374, %mul3A_2473 : i32
      %add3A_2475 = arith.constant 384 : i32
      %add3A_2476 = arith.addi %add3A_2475, %mul3A_2474 : i32
      %add3A_2477 = arith.constant 1 : i32
      %add3A_2478 = arith.addi %add3A_2476, %add3A_2477 : i32
      %swap3A_2479 = arith.index_cast %add3A_2478 : i32 to index
      %swap3A_2480 = arith.constant 48 : index
      %swap3A_2481 = tpu.vector_load %arg6[%swap3A_2479, %swap3A_2480] {strides = array<i32>} : memref<488x128xf32, #tpu.memory_space<vmem>>, vector<16xf32>,
      tpu.vector_store %arg6[%swap3A_2479, %swap3A_2480], %broadcast_in_dim3A_4 {strides = array<i32>} : memref<488x128xf32, #tpu.memory_space<vmem>>, vector<16xf32>,
      %mul3A_2482 = arith.constant 2 : i32
      %mul3A_2483 = arith.muli %scan3A_2374, %mul3A_2482 : i32
      %add3A_2484 = arith.constant 384 : i32
      %add3A_2485 = arith.addi %add3A_2484, %mul3A_2483 : i32
      %add3A_2486 = arith.constant 1 : i32
      %add3A_2487 = arith.addi %add3A_2485, %add3A_2486 : i32
      %swap3A_2488 = arith.index_cast %add3A_2487 : i32 to index
      %swap3A_2489 = arith.constant 64 : index
      %swap3A_2490 = tpu.vector_load %arg6[%swap3A_2488, %swap3A_2489] {strides = array<i32>} : memref<488x128xf32, #tpu.memory_space<vmem>>, vector<16xf32>,
      tpu.vector_store %arg6[%swap3A_2488, %swap3A_2489], %broadcast_in_dim3A_4 {strides = array<i32>} : memref<488x128xf32, #tpu.memory_space<vmem>>, vector<16xf32>,
      %mul3A_2491 = arith.constant 2 : i32
      %mul3A_2492 = arith.muli %scan3A_2374, %mul3A_2491 : i32
      %add3A_2493 = arith.constant 384 : i32
      %add3A_2494 = arith.addi %add3A_2493, %mul3A_2492 : i32
      %add3A_2495 = arith.constant 1 : i32
      %add3A_2496 = arith.addi %add3A_2494, %add3A_2495 : i32
      %swap3A_2497 = arith.index_cast %add3A_2496 : i32 to index
      %swap3A_2498 = arith.constant 80 : index
      %swap3A_2499 = tpu.vector_load %arg6[%swap3A_2497, %swap3A_2498] {strides = array<i32>} : memref<488x128xf32, #tpu.memory_space<vmem>>, vector<16xf32>,
      tpu.vector_store %arg6[%swap3A_2497, %swap3A_2498], %broadcast_in_dim3A_4 {strides = array<i32>} : memref<488x128xf32, #tpu.memory_space<vmem>>, vector<16xf32>,
      %mul3A_2500 = arith.constant 2 : i32
      %mul3A_2501 = arith.muli %scan3A_2374, %mul3A_2500 : i32
      %add3A_2502 = arith.constant 384 : i32
      %add3A_2503 = arith.addi %add3A_2502, %mul3A_2501 : i32
      %add3A_2504 = arith.constant 1 : i32
      %add3A_2505 = arith.addi %add3A_2503, %add3A_2504 : i32
      %swap3A_2506 = arith.index_cast %add3A_2505 : i32 to index
      %swap3A_2507 = arith.constant 96 : index
      %swap3A_2508 = tpu.vector_load %arg6[%swap3A_2506, %swap3A_2507] {strides = array<i32>} : memref<488x128xf32, #tpu.memory_space<vmem>>, vector<16xf32>,
      tpu.vector_store %arg6[%swap3A_2506, %swap3A_2507], %broadcast_in_dim3A_4 {strides = array<i32>} : memref<488x128xf32, #tpu.memory_space<vmem>>, vector<16xf32>,
      %mul3A_2509 = arith.constant 2 : i32
      %mul3A_2510 = arith.muli %scan3A_2374, %mul3A_2509 : i32
      %add3A_2511 = arith.constant 384 : i32
      %add3A_2512 = arith.addi %add3A_2511, %mul3A_2510 : i32
      %add3A_2513 = arith.constant 1 : i32
      %add3A_2514 = arith.addi %add3A_2512, %add3A_2513 : i32
      %swap3A_2515 = arith.index_cast %add3A_2514 : i32 to index
      %swap3A_2516 = arith.constant 112 : index
      %swap3A_2517 = tpu.vector_load %arg6[%swap3A_2515, %swap3A_2516] {strides = array<i32>} : memref<488x128xf32, #tpu.memory_space<vmem>>, vector<16xf32>,
      tpu.vector_store %arg6[%swap3A_2515, %swap3A_2516], %broadcast_in_dim3A_4 {strides = array<i32>} : memref<488x128xf32, #tpu.memory_space<vmem>>, vector<16xf32>,
    }
    %scan3A_863 = arith.constant 52 : i32
    %get3A_864 = arith.constant 0 : index
    %get3A_865 = tpu.vector_load %arg4[%get3A_864] {strides = array<i32>} : memref<512xi32, #tpu.memory_space<vmem>>, vector<16xi32>,
    %add3A_866 = arith.constant 0 : i32
    %add3A_867 = vector.broadcast %add3A_866 : i32 to vector<16xi32>
    %add3A_868 = arith.addi %iota3A, %add3A_867 : vector<16xi32>
    %sub3A_869 = arith.constant 512 : i32
    %sub3A_870 = vector.broadcast %sub3A_869 : i32 to vector<16xi32>
    %sub3A_871 = arith.subi %get3A_865, %sub3A_870 : vector<16xi32>
    %ge3A_872 = arith.constant 384 : i32
    %ge3A_873 = vector.broadcast %ge3A_872 : i32 to vector<16xi32>
    %ge3A_874 = arith.cmpi sge, %sub3A_871, %ge3A_873 : vector<16xi32>
    %lt3A_875 = arith.constant 488 : i32
    %lt3A_876 = vector.broadcast %lt3A_875 : i32 to vector<16xi32>
    %lt3A_877 = arith.cmpi slt, %sub3A_871, %lt3A_876 : vector<16xi32>
    %and3A_878 = arith.andi %ge3A_874, %lt3A_877 : vector<16xi1>
    tpu.vector_store_idx %arg6[%sub3A_871, %add3A_868], %broadcast_in_dim3A_6 masked %and3A_878 : memref<488x128xf32, #tpu.memory_space<vmem>>[vector<16xi32>, vector<16xi32>], vector<16xf32>, vector<16xi1>
    %get3A_879 = arith.constant 16 : index
    %get3A_880 = tpu.vector_load %arg4[%get3A_879] {strides = array<i32>} : memref<512xi32, #tpu.memory_space<vmem>>, vector<16xi32>,
    %add3A_881 = arith.constant 16 : i32
    %add3A_882 = vector.broadcast %add3A_881 : i32 to vector<16xi32>
    %add3A_883 = arith.addi %iota3A, %add3A_882 : vector<16xi32>
    %sub3A_884 = arith.constant 512 : i32
    %sub3A_885 = vector.broadcast %sub3A_884 : i32 to vector<16xi32>
    %sub3A_886 = arith.subi %get3A_880, %sub3A_885 : vector<16xi32>
    %ge3A_887 = arith.constant 384 : i32
    %ge3A_888 = vector.broadcast %ge3A_887 : i32 to vector<16xi32>
    %ge3A_889 = arith.cmpi sge, %sub3A_886, %ge3A_888 : vector<16xi32>
    %lt3A_890 = arith.constant 488 : i32
    %lt3A_891 = vector.broadcast %lt3A_890 : i32 to vector<16xi32>
    %lt3A_892 = arith.cmpi slt, %sub3A_886, %lt3A_891 : vector<16xi32>
    %and3A_893 = arith.andi %ge3A_889, %lt3A_892 : vector<16xi1>
    tpu.vector_store_idx %arg6[%sub3A_886, %add3A_883], %broadcast_in_dim3A_6 masked %and3A_893 : memref<488x128xf32, #tpu.memory_space<vmem>>[vector<16xi32>, vector<16xi32>], vector<16xf32>, vector<16xi1>
    %get3A_894 = arith.constant 32 : index
    %get3A_895 = tpu.vector_load %arg4[%get3A_894] {strides = array<i32>} : memref<512xi32, #tpu.memory_space<vmem>>, vector<16xi32>,
    %add3A_896 = arith.constant 32 : i32
    %add3A_897 = vector.broadcast %add3A_896 : i32 to vector<16xi32>
    %add3A_898 = arith.addi %iota3A, %add3A_897 : vector<16xi32>
    %sub3A_899 = arith.constant 512 : i32
    %sub3A_900 = vector.broadcast %sub3A_899 : i32 to vector<16xi32>
    %sub3A_901 = arith.subi %get3A_895, %sub3A_900 : vector<16xi32>
    %ge3A_902 = arith.constant 384 : i32
    %ge3A_903 = vector.broadcast %ge3A_902 : i32 to vector<16xi32>
    %ge3A_904 = arith.cmpi sge, %sub3A_901, %ge3A_903 : vector<16xi32>
    %lt3A_905 = arith.constant 488 : i32
    %lt3A_906 = vector.broadcast %lt3A_905 : i32 to vector<16xi32>
    %lt3A_907 = arith.cmpi slt, %sub3A_901, %lt3A_906 : vector<16xi32>
    %and3A_908 = arith.andi %ge3A_904, %lt3A_907 : vector<16xi1>
    tpu.vector_store_idx %arg6[%sub3A_901, %add3A_898], %broadcast_in_dim3A_6 masked %and3A_908 : memref<488x128xf32, #tpu.memory_space<vmem>>[vector<16xi32>, vector<16xi32>], vector<16xf32>, vector<16xi1>
    %get3A_909 = arith.constant 48 : index
    %get3A_910 = tpu.vector_load %arg4[%get3A_909] {strides = array<i32>} : memref<512xi32, #tpu.memory_space<vmem>>, vector<16xi32>,
    %add3A_911 = arith.constant 48 : i32
    %add3A_912 = vector.broadcast %add3A_911 : i32 to vector<16xi32>
    %add3A_913 = arith.addi %iota3A, %add3A_912 : vector<16xi32>
    %sub3A_914 = arith.constant 512 : i32
    %sub3A_915 = vector.broadcast %sub3A_914 : i32 to vector<16xi32>
    %sub3A_916 = arith.subi %get3A_910, %sub3A_915 : vector<16xi32>
    %ge3A_917 = arith.constant 384 : i32
    %ge3A_918 = vector.broadcast %ge3A_917 : i32 to vector<16xi32>
    %ge3A_919 = arith.cmpi sge, %sub3A_916, %ge3A_918 : vector<16xi32>
    %lt3A_920 = arith.constant 488 : i32
    %lt3A_921 = vector.broadcast %lt3A_920 : i32 to vector<16xi32>
    %lt3A_922 = arith.cmpi slt, %sub3A_916, %lt3A_921 : vector<16xi32>
    %and3A_923 = arith.andi %ge3A_919, %lt3A_922 : vector<16xi1>
    tpu.vector_store_idx %arg6[%sub3A_916, %add3A_913], %broadcast_in_dim3A_6 masked %and3A_923 : memref<488x128xf32, #tpu.memory_space<vmem>>[vector<16xi32>, vector<16xi32>], vector<16xf32>, vector<16xi1>
    %get3A_924 = arith.constant 64 : index
    %get3A_925 = tpu.vector_load %arg4[%get3A_924] {strides = array<i32>} : memref<512xi32, #tpu.memory_space<vmem>>, vector<16xi32>,
    %add3A_926 = arith.constant 64 : i32
    %add3A_927 = vector.broadcast %add3A_926 : i32 to vector<16xi32>
    %add3A_928 = arith.addi %iota3A, %add3A_927 : vector<16xi32>
    %sub3A_929 = arith.constant 512 : i32
    %sub3A_930 = vector.broadcast %sub3A_929 : i32 to vector<16xi32>
    %sub3A_931 = arith.subi %get3A_925, %sub3A_930 : vector<16xi32>
    %ge3A_932 = arith.constant 384 : i32
    %ge3A_933 = vector.broadcast %ge3A_932 : i32 to vector<16xi32>
    %ge3A_934 = arith.cmpi sge, %sub3A_931, %ge3A_933 : vector<16xi32>
    %lt3A_935 = arith.constant 488 : i32
    %lt3A_936 = vector.broadcast %lt3A_935 : i32 to vector<16xi32>
    %lt3A_937 = arith.cmpi slt, %sub3A_931, %lt3A_936 : vector<16xi32>
    %and3A_938 = arith.andi %ge3A_934, %lt3A_937 : vector<16xi1>
    tpu.vector_store_idx %arg6[%sub3A_931, %add3A_928], %broadcast_in_dim3A_6 masked %and3A_938 : memref<488x128xf32, #tpu.memory_space<vmem>>[vector<16xi32>, vector<16xi32>], vector<16xf32>, vector<16xi1>
    %get3A_939 = arith.constant 80 : index
    %get3A_940 = tpu.vector_load %arg4[%get3A_939] {strides = array<i32>} : memref<512xi32, #tpu.memory_space<vmem>>, vector<16xi32>,
    %add3A_941 = arith.constant 80 : i32
    %add3A_942 = vector.broadcast %add3A_941 : i32 to vector<16xi32>
    %add3A_943 = arith.addi %iota3A, %add3A_942 : vector<16xi32>
    %sub3A_944 = arith.constant 512 : i32
    %sub3A_945 = vector.broadcast %sub3A_944 : i32 to vector<16xi32>
    %sub3A_946 = arith.subi %get3A_940, %sub3A_945 : vector<16xi32>
    %ge3A_947 = arith.constant 384 : i32
    %ge3A_948 = vector.broadcast %ge3A_947 : i32 to vector<16xi32>
    %ge3A_949 = arith.cmpi sge, %sub3A_946, %ge3A_948 : vector<16xi32>
    %lt3A_950 = arith.constant 488 : i32
    %lt3A_951 = vector.broadcast %lt3A_950 : i32 to vector<16xi32>
    %lt3A_952 = arith.cmpi slt, %sub3A_946, %lt3A_951 : vector<16xi32>
    %and3A_953 = arith.andi %ge3A_949, %lt3A_952 : vector<16xi1>
    tpu.vector_store_idx %arg6[%sub3A_946, %add3A_943], %broadcast_in_dim3A_6 masked %and3A_953 : memref<488x128xf32, #tpu.memory_space<vmem>>[vector<16xi32>, vector<16xi32>], vector<16xf32>, vector<16xi1>
    %get3A_954 = arith.constant 96 : index
    %get3A_955 = tpu.vector_load %arg4[%get3A_954] {strides = array<i32>} : memref<512xi32, #tpu.memory_space<vmem>>, vector<16xi32>,
    %add3A_956 = arith.constant 96 : i32
    %add3A_957 = vector.broadcast %add3A_956 : i32 to vector<16xi32>
    %add3A_958 = arith.addi %iota3A, %add3A_957 : vector<16xi32>
    %sub3A_959 = arith.constant 512 : i32
    %sub3A_960 = vector.broadcast %sub3A_959 : i32 to vector<16xi32>
    %sub3A_961 = arith.subi %get3A_955, %sub3A_960 : vector<16xi32>
    %ge3A_962 = arith.constant 384 : i32
    %ge3A_963 = vector.broadcast %ge3A_962 : i32 to vector<16xi32>
    %ge3A_964 = arith.cmpi sge, %sub3A_961, %ge3A_963 : vector<16xi32>
    %lt3A_965 = arith.constant 488 : i32
    %lt3A_966 = vector.broadcast %lt3A_965 : i32 to vector<16xi32>
    %lt3A_967 = arith.cmpi slt, %sub3A_961, %lt3A_966 : vector<16xi32>
    %and3A_968 = arith.andi %ge3A_964, %lt3A_967 : vector<16xi1>
    tpu.vector_store_idx %arg6[%sub3A_961, %add3A_958], %broadcast_in_dim3A_6 masked %and3A_968 : memref<488x128xf32, #tpu.memory_space<vmem>>[vector<16xi32>, vector<16xi32>], vector<16xf32>, vector<16xi1>
    %get3A_969 = arith.constant 112 : index
    %get3A_970 = tpu.vector_load %arg4[%get3A_969] {strides = array<i32>} : memref<512xi32, #tpu.memory_space<vmem>>, vector<16xi32>,
    %add3A_971 = arith.constant 112 : i32
    %add3A_972 = vector.broadcast %add3A_971 : i32 to vector<16xi32>
    %add3A_973 = arith.addi %iota3A, %add3A_972 : vector<16xi32>
    %sub3A_974 = arith.constant 512 : i32
    %sub3A_975 = vector.broadcast %sub3A_974 : i32 to vector<16xi32>
    %sub3A_976 = arith.subi %get3A_970, %sub3A_975 : vector<16xi32>
    %ge3A_977 = arith.constant 384 : i32
    %ge3A_978 = vector.broadcast %ge3A_977 : i32 to vector<16xi32>
    %ge3A_979 = arith.cmpi sge, %sub3A_976, %ge3A_978 : vector<16xi32>
    %lt3A_980 = arith.constant 488 : i32
    %lt3A_981 = vector.broadcast %lt3A_980 : i32 to vector<16xi32>
    %lt3A_982 = arith.cmpi slt, %sub3A_976, %lt3A_981 : vector<16xi32>
    %and3A_983 = arith.andi %ge3A_979, %lt3A_982 : vector<16xi1>
    tpu.vector_store_idx %arg6[%sub3A_976, %add3A_973], %broadcast_in_dim3A_6 masked %and3A_983 : memref<488x128xf32, #tpu.memory_space<vmem>>[vector<16xi32>, vector<16xi32>], vector<16xf32>, vector<16xi1>
    %dma_start3A_984 = arith.constant 384 : i32
    %dma_start3A_985 = arith.constant 0 : i32
    %dma_start3A_986 = tpu.memref_slice %arg6[%dma_start3A_984, %dma_start3A_985] : memref<488x128xf32, #tpu.memory_space<vmem>> -> memref<104x128xf32, #tpu.memory_space<vmem>>
    %dma_start3A_987 = arith.constant 896 : i32
    %dma_start3A_988 = tpu.memref_slice %arg3[%dma_start3A_987, %mul3A_2] : memref<1000x16384xf32, #tpu.memory_space<hbm>> -> memref<104x128xf32, #tpu.memory_space<hbm>>
    %dma_start3A_989 = arith.constant 896 : i32
    %dma_start3A_990 = tpu.memref_slice %arg3[%dma_start3A_989, %mul3A_2] : memref<1000x16384xf32, #tpu.memory_space<hbm>> -> memref<104x128xf32, #tpu.memory_space<hbm>>
    %dma_start3A_991 = arith.constant 384 : i32
    %dma_start3A_992 = arith.constant 0 : i32
    %dma_start3A_993 = tpu.memref_slice %arg6[%dma_start3A_991, %dma_start3A_992] : memref<488x128xf32, #tpu.memory_space<vmem>> -> memref<104x128xf32, #tpu.memory_space<vmem>>
    tpu.enqueue_dma source(%dma_start3A_993 : memref<104x128xf32, #tpu.memory_space<vmem>>) target(%dma_start3A_990 : memref<104x128xf32, #tpu.memory_space<hbm>>) target_semaphore(%arg8 : memref<!tpu.dma_semaphore, #tpu.memory_space<semaphore_mem>>)
    %add3A_994 = arith.constant 0 : i32
    %add3A_995 = arith.addi %mul3A_2, %add3A_994 : i32
    %dma_wait3A_996 = arith.constant 0 : i32
    %dma_wait3A_997 = tpu.memref_slice %arg3[%dma_wait3A_996, %add3A_995] : memref<1000x16384xf32, #tpu.memory_space<hbm>> -> memref<512x128xf32, #tpu.memory_space<hbm>>
    %dma_wait3A_998 = arith.constant 0 : i32
    %dma_wait3A_999 = tpu.memref_slice %arg3[%dma_wait3A_998, %add3A_995] : memref<1000x16384xf32, #tpu.memory_space<hbm>> -> memref<512x128xf32, #tpu.memory_space<hbm>>
    tpu.wait_dma2 semaphore(%arg7 : memref<!tpu.dma_semaphore, #tpu.memory_space<semaphore_mem>>) src(%arg5 : memref<512x128xf32, #tpu.memory_space<vmem>>) dst(%dma_wait3A_999 : memref<512x128xf32, #tpu.memory_space<hbm>>)
    %get3A_1000 = arith.constant 0 : index
    %get3A_1001 = tpu.vector_load %arg4[%get3A_1000] {strides = array<i32>} : memref<512xi32, #tpu.memory_space<vmem>>, vector<16xi32>,
    %add3A_1002 = arith.constant 0 : i32
    %add3A_1003 = vector.broadcast %add3A_1002 : i32 to vector<16xi32>
    %add3A_1004 = arith.addi %iota3A, %add3A_1003 : vector<16xi32>
    %ge3A_1005 = arith.constant 0 : i32
    %ge3A_1006 = vector.broadcast %ge3A_1005 : i32 to vector<16xi32>
    %ge3A_1007 = arith.cmpi sge, %get3A_1001, %ge3A_1006 : vector<16xi32>
    %lt3A_1008 = arith.constant 512 : i32
    %lt3A_1009 = vector.broadcast %lt3A_1008 : i32 to vector<16xi32>
    %lt3A_1010 = arith.cmpi slt, %get3A_1001, %lt3A_1009 : vector<16xi32>
    %and3A_1011 = arith.andi %ge3A_1007, %lt3A_1010 : vector<16xi1>
    tpu.vector_store_idx %arg5[%get3A_1001, %add3A_1004], %broadcast_in_dim3A_4 masked %and3A_1011 : memref<512x128xf32, #tpu.memory_space<vmem>>[vector<16xi32>, vector<16xi32>], vector<16xf32>, vector<16xi1>
    %get3A_1012 = arith.constant 16 : index
    %get3A_1013 = tpu.vector_load %arg4[%get3A_1012] {strides = array<i32>} : memref<512xi32, #tpu.memory_space<vmem>>, vector<16xi32>,
    %add3A_1014 = arith.constant 16 : i32
    %add3A_1015 = vector.broadcast %add3A_1014 : i32 to vector<16xi32>
    %add3A_1016 = arith.addi %iota3A, %add3A_1015 : vector<16xi32>
    %ge3A_1017 = arith.constant 0 : i32
    %ge3A_1018 = vector.broadcast %ge3A_1017 : i32 to vector<16xi32>
    %ge3A_1019 = arith.cmpi sge, %get3A_1013, %ge3A_1018 : vector<16xi32>
    %lt3A_1020 = arith.constant 512 : i32
    %lt3A_1021 = vector.broadcast %lt3A_1020 : i32 to vector<16xi32>
    %lt3A_1022 = arith.cmpi slt, %get3A_1013, %lt3A_1021 : vector<16xi32>
    %and3A_1023 = arith.andi %ge3A_1019, %lt3A_1022 : vector<16xi1>
    tpu.vector_store_idx %arg5[%get3A_1013, %add3A_1016], %broadcast_in_dim3A_4 masked %and3A_1023 : memref<512x128xf32, #tpu.memory_space<vmem>>[vector<16xi32>, vector<16xi32>], vector<16xf32>, vector<16xi1>
    %get3A_1024 = arith.constant 32 : index
    %get3A_1025 = tpu.vector_load %arg4[%get3A_1024] {strides = array<i32>} : memref<512xi32, #tpu.memory_space<vmem>>, vector<16xi32>,
    %add3A_1026 = arith.constant 32 : i32
    %add3A_1027 = vector.broadcast %add3A_1026 : i32 to vector<16xi32>
    %add3A_1028 = arith.addi %iota3A, %add3A_1027 : vector<16xi32>
    %ge3A_1029 = arith.constant 0 : i32
    %ge3A_1030 = vector.broadcast %ge3A_1029 : i32 to vector<16xi32>
    %ge3A_1031 = arith.cmpi sge, %get3A_1025, %ge3A_1030 : vector<16xi32>
    %lt3A_1032 = arith.constant 512 : i32
    %lt3A_1033 = vector.broadcast %lt3A_1032 : i32 to vector<16xi32>
    %lt3A_1034 = arith.cmpi slt, %get3A_1025, %lt3A_1033 : vector<16xi32>
    %and3A_1035 = arith.andi %ge3A_1031, %lt3A_1034 : vector<16xi1>
    tpu.vector_store_idx %arg5[%get3A_1025, %add3A_1028], %broadcast_in_dim3A_4 masked %and3A_1035 : memref<512x128xf32, #tpu.memory_space<vmem>>[vector<16xi32>, vector<16xi32>], vector<16xf32>, vector<16xi1>
    %get3A_1036 = arith.constant 48 : index
    %get3A_1037 = tpu.vector_load %arg4[%get3A_1036] {strides = array<i32>} : memref<512xi32, #tpu.memory_space<vmem>>, vector<16xi32>,
    %add3A_1038 = arith.constant 48 : i32
    %add3A_1039 = vector.broadcast %add3A_1038 : i32 to vector<16xi32>
    %add3A_1040 = arith.addi %iota3A, %add3A_1039 : vector<16xi32>
    %ge3A_1041 = arith.constant 0 : i32
    %ge3A_1042 = vector.broadcast %ge3A_1041 : i32 to vector<16xi32>
    %ge3A_1043 = arith.cmpi sge, %get3A_1037, %ge3A_1042 : vector<16xi32>
    %lt3A_1044 = arith.constant 512 : i32
    %lt3A_1045 = vector.broadcast %lt3A_1044 : i32 to vector<16xi32>
    %lt3A_1046 = arith.cmpi slt, %get3A_1037, %lt3A_1045 : vector<16xi32>
    %and3A_1047 = arith.andi %ge3A_1043, %lt3A_1046 : vector<16xi1>
    tpu.vector_store_idx %arg5[%get3A_1037, %add3A_1040], %broadcast_in_dim3A_4 masked %and3A_1047 : memref<512x128xf32, #tpu.memory_space<vmem>>[vector<16xi32>, vector<16xi32>], vector<16xf32>, vector<16xi1>
    %get3A_1048 = arith.constant 64 : index
    %get3A_1049 = tpu.vector_load %arg4[%get3A_1048] {strides = array<i32>} : memref<512xi32, #tpu.memory_space<vmem>>, vector<16xi32>,
    %add3A_1050 = arith.constant 64 : i32
    %add3A_1051 = vector.broadcast %add3A_1050 : i32 to vector<16xi32>
    %add3A_1052 = arith.addi %iota3A, %add3A_1051 : vector<16xi32>
    %ge3A_1053 = arith.constant 0 : i32
    %ge3A_1054 = vector.broadcast %ge3A_1053 : i32 to vector<16xi32>
    %ge3A_1055 = arith.cmpi sge, %get3A_1049, %ge3A_1054 : vector<16xi32>
    %lt3A_1056 = arith.constant 512 : i32
    %lt3A_1057 = vector.broadcast %lt3A_1056 : i32 to vector<16xi32>
    %lt3A_1058 = arith.cmpi slt, %get3A_1049, %lt3A_1057 : vector<16xi32>
    %and3A_1059 = arith.andi %ge3A_1055, %lt3A_1058 : vector<16xi1>
    tpu.vector_store_idx %arg5[%get3A_1049, %add3A_1052], %broadcast_in_dim3A_4 masked %and3A_1059 : memref<512x128xf32, #tpu.memory_space<vmem>>[vector<16xi32>, vector<16xi32>], vector<16xf32>, vector<16xi1>
    %get3A_1060 = arith.constant 80 : index
    %get3A_1061 = tpu.vector_load %arg4[%get3A_1060] {strides = array<i32>} : memref<512xi32, #tpu.memory_space<vmem>>, vector<16xi32>,
    %add3A_1062 = arith.constant 80 : i32
    %add3A_1063 = vector.broadcast %add3A_1062 : i32 to vector<16xi32>
    %add3A_1064 = arith.addi %iota3A, %add3A_1063 : vector<16xi32>
    %ge3A_1065 = arith.constant 0 : i32
    %ge3A_1066 = vector.broadcast %ge3A_1065 : i32 to vector<16xi32>
    %ge3A_1067 = arith.cmpi sge, %get3A_1061, %ge3A_1066 : vector<16xi32>
    %lt3A_1068 = arith.constant 512 : i32
    %lt3A_1069 = vector.broadcast %lt3A_1068 : i32 to vector<16xi32>
    %lt3A_1070 = arith.cmpi slt, %get3A_1061, %lt3A_1069 : vector<16xi32>
    %and3A_1071 = arith.andi %ge3A_1067, %lt3A_1070 : vector<16xi1>
    tpu.vector_store_idx %arg5[%get3A_1061, %add3A_1064], %broadcast_in_dim3A_4 masked %and3A_1071 : memref<512x128xf32, #tpu.memory_space<vmem>>[vector<16xi32>, vector<16xi32>], vector<16xf32>, vector<16xi1>
    %get3A_1072 = arith.constant 96 : index
    %get3A_1073 = tpu.vector_load %arg4[%get3A_1072] {strides = array<i32>} : memref<512xi32, #tpu.memory_space<vmem>>, vector<16xi32>,
    %add3A_1074 = arith.constant 96 : i32
    %add3A_1075 = vector.broadcast %add3A_1074 : i32 to vector<16xi32>
    %add3A_1076 = arith.addi %iota3A, %add3A_1075 : vector<16xi32>
    %ge3A_1077 = arith.constant 0 : i32
    %ge3A_1078 = vector.broadcast %ge3A_1077 : i32 to vector<16xi32>
    %ge3A_1079 = arith.cmpi sge, %get3A_1073, %ge3A_1078 : vector<16xi32>
    %lt3A_1080 = arith.constant 512 : i32
    %lt3A_1081 = vector.broadcast %lt3A_1080 : i32 to vector<16xi32>
    %lt3A_1082 = arith.cmpi slt, %get3A_1073, %lt3A_1081 : vector<16xi32>
    %and3A_1083 = arith.andi %ge3A_1079, %lt3A_1082 : vector<16xi1>
    tpu.vector_store_idx %arg5[%get3A_1073, %add3A_1076], %broadcast_in_dim3A_4 masked %and3A_1083 : memref<512x128xf32, #tpu.memory_space<vmem>>[vector<16xi32>, vector<16xi32>], vector<16xf32>, vector<16xi1>
    %get3A_1084 = arith.constant 112 : index
    %get3A_1085 = tpu.vector_load %arg4[%get3A_1084] {strides = array<i32>} : memref<512xi32, #tpu.memory_space<vmem>>, vector<16xi32>,
    %add3A_1086 = arith.constant 112 : i32
    %add3A_1087 = vector.broadcast %add3A_1086 : i32 to vector<16xi32>
    %add3A_1088 = arith.addi %iota3A, %add3A_1087 : vector<16xi32>
    %ge3A_1089 = arith.constant 0 : i32
    %ge3A_1090 = vector.broadcast %ge3A_1089 : i32 to vector<16xi32>
    %ge3A_1091 = arith.cmpi sge, %get3A_1085, %ge3A_1090 : vector<16xi32>
    %lt3A_1092 = arith.constant 512 : i32
    %lt3A_1093 = vector.broadcast %lt3A_1092 : i32 to vector<16xi32>
    %lt3A_1094 = arith.cmpi slt, %get3A_1085, %lt3A_1093 : vector<16xi32>
    %and3A_1095 = arith.andi %ge3A_1091, %lt3A_1094 : vector<16xi1>
    tpu.vector_store_idx %arg5[%get3A_1085, %add3A_1088], %broadcast_in_dim3A_4 masked %and3A_1095 : memref<512x128xf32, #tpu.memory_space<vmem>>[vector<16xi32>, vector<16xi32>], vector<16xf32>, vector<16xi1>
    %get3A_1096 = arith.constant 128 : index
    %get3A_1097 = tpu.vector_load %arg4[%get3A_1096] {strides = array<i32>} : memref<512xi32, #tpu.memory_space<vmem>>, vector<16xi32>,
    %add3A_1098 = arith.constant 0 : i32
    %add3A_1099 = vector.broadcast %add3A_1098 : i32 to vector<16xi32>
    %add3A_1100 = arith.addi %iota3A, %add3A_1099 : vector<16xi32>
    %ge3A_1101 = arith.constant 0 : i32
    %ge3A_1102 = vector.broadcast %ge3A_1101 : i32 to vector<16xi32>
    %ge3A_1103 = arith.cmpi sge, %get3A_1097, %ge3A_1102 : vector<16xi32>
    %lt3A_1104 = arith.constant 512 : i32
    %lt3A_1105 = vector.broadcast %lt3A_1104 : i32 to vector<16xi32>
    %lt3A_1106 = arith.cmpi slt, %get3A_1097, %lt3A_1105 : vector<16xi32>
    %and3A_1107 = arith.andi %ge3A_1103, %lt3A_1106 : vector<16xi1>
    tpu.vector_store_idx %arg5[%get3A_1097, %add3A_1100], %broadcast_in_dim3A_6 masked %and3A_1107 : memref<512x128xf32, #tpu.memory_space<vmem>>[vector<16xi32>, vector<16xi32>], vector<16xf32>, vector<16xi1>
    %get3A_1108 = arith.constant 144 : index
    %get3A_1109 = tpu.vector_load %arg4[%get3A_1108] {strides = array<i32>} : memref<512xi32, #tpu.memory_space<vmem>>, vector<16xi32>,
    %add3A_1110 = arith.constant 16 : i32
    %add3A_1111 = vector.broadcast %add3A_1110 : i32 to vector<16xi32>
    %add3A_1112 = arith.addi %iota3A, %add3A_1111 : vector<16xi32>
    %ge3A_1113 = arith.constant 0 : i32
    %ge3A_1114 = vector.broadcast %ge3A_1113 : i32 to vector<16xi32>
    %ge3A_1115 = arith.cmpi sge, %get3A_1109, %ge3A_1114 : vector<16xi32>
    %lt3A_1116 = arith.constant 512 : i32
    %lt3A_1117 = vector.broadcast %lt3A_1116 : i32 to vector<16xi32>
    %lt3A_1118 = arith.cmpi slt, %get3A_1109, %lt3A_1117 : vector<16xi32>
    %and3A_1119 = arith.andi %ge3A_1115, %lt3A_1118 : vector<16xi1>
    tpu.vector_store_idx %arg5[%get3A_1109, %add3A_1112], %broadcast_in_dim3A_6 masked %and3A_1119 : memref<512x128xf32, #tpu.memory_space<vmem>>[vector<16xi32>, vector<16xi32>], vector<16xf32>, vector<16xi1>
    %get3A_1120 = arith.constant 160 : index
    %get3A_1121 = tpu.vector_load %arg4[%get3A_1120] {strides = array<i32>} : memref<512xi32, #tpu.memory_space<vmem>>, vector<16xi32>,
    %add3A_1122 = arith.constant 32 : i32
    %add3A_1123 = vector.broadcast %add3A_1122 : i32 to vector<16xi32>
    %add3A_1124 = arith.addi %iota3A, %add3A_1123 : vector<16xi32>
    %ge3A_1125 = arith.constant 0 : i32
    %ge3A_1126 = vector.broadcast %ge3A_1125 : i32 to vector<16xi32>
    %ge3A_1127 = arith.cmpi sge, %get3A_1121, %ge3A_1126 : vector<16xi32>
    %lt3A_1128 = arith.constant 512 : i32
    %lt3A_1129 = vector.broadcast %lt3A_1128 : i32 to vector<16xi32>
    %lt3A_1130 = arith.cmpi slt, %get3A_1121, %lt3A_1129 : vector<16xi32>
    %and3A_1131 = arith.andi %ge3A_1127, %lt3A_1130 : vector<16xi1>
    tpu.vector_store_idx %arg5[%get3A_1121, %add3A_1124], %broadcast_in_dim3A_6 masked %and3A_1131 : memref<512x128xf32, #tpu.memory_space<vmem>>[vector<16xi32>, vector<16xi32>], vector<16xf32>, vector<16xi1>
    %get3A_1132 = arith.constant 176 : index
    %get3A_1133 = tpu.vector_load %arg4[%get3A_1132] {strides = array<i32>} : memref<512xi32, #tpu.memory_space<vmem>>, vector<16xi32>,
    %add3A_1134 = arith.constant 48 : i32
    %add3A_1135 = vector.broadcast %add3A_1134 : i32 to vector<16xi32>
    %add3A_1136 = arith.addi %iota3A, %add3A_1135 : vector<16xi32>
    %ge3A_1137 = arith.constant 0 : i32
    %ge3A_1138 = vector.broadcast %ge3A_1137 : i32 to vector<16xi32>
    %ge3A_1139 = arith.cmpi sge, %get3A_1133, %ge3A_1138 : vector<16xi32>
    %lt3A_1140 = arith.constant 512 : i32
    %lt3A_1141 = vector.broadcast %lt3A_1140 : i32 to vector<16xi32>
    %lt3A_1142 = arith.cmpi slt, %get3A_1133, %lt3A_1141 : vector<16xi32>
    %and3A_1143 = arith.andi %ge3A_1139, %lt3A_1142 : vector<16xi1>
    tpu.vector_store_idx %arg5[%get3A_1133, %add3A_1136], %broadcast_in_dim3A_6 masked %and3A_1143 : memref<512x128xf32, #tpu.memory_space<vmem>>[vector<16xi32>, vector<16xi32>], vector<16xf32>, vector<16xi1>
    %get3A_1144 = arith.constant 192 : index
    %get3A_1145 = tpu.vector_load %arg4[%get3A_1144] {strides = array<i32>} : memref<512xi32, #tpu.memory_space<vmem>>, vector<16xi32>,
    %add3A_1146 = arith.constant 64 : i32
    %add3A_1147 = vector.broadcast %add3A_1146 : i32 to vector<16xi32>
    %add3A_1148 = arith.addi %iota3A, %add3A_1147 : vector<16xi32>
    %ge3A_1149 = arith.constant 0 : i32
    %ge3A_1150 = vector.broadcast %ge3A_1149 : i32 to vector<16xi32>
    %ge3A_1151 = arith.cmpi sge, %get3A_1145, %ge3A_1150 : vector<16xi32>
    %lt3A_1152 = arith.constant 512 : i32
    %lt3A_1153 = vector.broadcast %lt3A_1152 : i32 to vector<16xi32>
    %lt3A_1154 = arith.cmpi slt, %get3A_1145, %lt3A_1153 : vector<16xi32>
    %and3A_1155 = arith.andi %ge3A_1151, %lt3A_1154 : vector<16xi1>
    tpu.vector_store_idx %arg5[%get3A_1145, %add3A_1148], %broadcast_in_dim3A_6 masked %and3A_1155 : memref<512x128xf32, #tpu.memory_space<vmem>>[vector<16xi32>, vector<16xi32>], vector<16xf32>, vector<16xi1>
    %get3A_1156 = arith.constant 208 : index
    %get3A_1157 = tpu.vector_load %arg4[%get3A_1156] {strides = array<i32>} : memref<512xi32, #tpu.memory_space<vmem>>, vector<16xi32>,
    %add3A_1158 = arith.constant 80 : i32
    %add3A_1159 = vector.broadcast %add3A_1158 : i32 to vector<16xi32>
    %add3A_1160 = arith.addi %iota3A, %add3A_1159 : vector<16xi32>
    %ge3A_1161 = arith.constant 0 : i32
    %ge3A_1162 = vector.broadcast %ge3A_1161 : i32 to vector<16xi32>
    %ge3A_1163 = arith.cmpi sge, %get3A_1157, %ge3A_1162 : vector<16xi32>
    %lt3A_1164 = arith.constant 512 : i32
    %lt3A_1165 = vector.broadcast %lt3A_1164 : i32 to vector<16xi32>
    %lt3A_1166 = arith.cmpi slt, %get3A_1157, %lt3A_1165 : vector<16xi32>
    %and3A_1167 = arith.andi %ge3A_1163, %lt3A_1166 : vector<16xi1>
    tpu.vector_store_idx %arg5[%get3A_1157, %add3A_1160], %broadcast_in_dim3A_6 masked %and3A_1167 : memref<512x128xf32, #tpu.memory_space<vmem>>[vector<16xi32>, vector<16xi32>], vector<16xf32>, vector<16xi1>
    %get3A_1168 = arith.constant 224 : index
    %get3A_1169 = tpu.vector_load %arg4[%get3A_1168] {strides = array<i32>} : memref<512xi32, #tpu.memory_space<vmem>>, vector<16xi32>,
    %add3A_1170 = arith.constant 96 : i32
    %add3A_1171 = vector.broadcast %add3A_1170 : i32 to vector<16xi32>
    %add3A_1172 = arith.addi %iota3A, %add3A_1171 : vector<16xi32>
    %ge3A_1173 = arith.constant 0 : i32
    %ge3A_1174 = vector.broadcast %ge3A_1173 : i32 to vector<16xi32>
    %ge3A_1175 = arith.cmpi sge, %get3A_1169, %ge3A_1174 : vector<16xi32>
    %lt3A_1176 = arith.constant 512 : i32
    %lt3A_1177 = vector.broadcast %lt3A_1176 : i32 to vector<16xi32>
    %lt3A_1178 = arith.cmpi slt, %get3A_1169, %lt3A_1177 : vector<16xi32>
    %and3A_1179 = arith.andi %ge3A_1175, %lt3A_1178 : vector<16xi1>
    tpu.vector_store_idx %arg5[%get3A_1169, %add3A_1172], %broadcast_in_dim3A_6 masked %and3A_1179 : memref<512x128xf32, #tpu.memory_space<vmem>>[vector<16xi32>, vector<16xi32>], vector<16xf32>, vector<16xi1>
    %get3A_1180 = arith.constant 240 : index
    %get3A_1181 = tpu.vector_load %arg4[%get3A_1180] {strides = array<i32>} : memref<512xi32, #tpu.memory_space<vmem>>, vector<16xi32>,
    %add3A_1182 = arith.constant 112 : i32
    %add3A_1183 = vector.broadcast %add3A_1182 : i32 to vector<16xi32>
    %add3A_1184 = arith.addi %iota3A, %add3A_1183 : vector<16xi32>
    %ge3A_1185 = arith.constant 0 : i32
    %ge3A_1186 = vector.broadcast %ge3A_1185 : i32 to vector<16xi32>
    %ge3A_1187 = arith.cmpi sge, %get3A_1181, %ge3A_1186 : vector<16xi32>
    %lt3A_1188 = arith.constant 512 : i32
    %lt3A_1189 = vector.broadcast %lt3A_1188 : i32 to vector<16xi32>
    %lt3A_1190 = arith.cmpi slt, %get3A_1181, %lt3A_1189 : vector<16xi32>
    %and3A_1191 = arith.andi %ge3A_1187, %lt3A_1190 : vector<16xi1>
    tpu.vector_store_idx %arg5[%get3A_1181, %add3A_1184], %broadcast_in_dim3A_6 masked %and3A_1191 : memref<512x128xf32, #tpu.memory_space<vmem>>[vector<16xi32>, vector<16xi32>], vector<16xf32>, vector<16xi1>
    %add3A_1192 = arith.constant 128 : i32
    %add3A_1193 = arith.addi %mul3A_2, %add3A_1192 : i32
    %dma_start3A_1194 = arith.constant 0 : i32
    %dma_start3A_1195 = tpu.memref_slice %arg3[%dma_start3A_1194, %add3A_1193] : memref<1000x16384xf32, #tpu.memory_space<hbm>> -> memref<512x128xf32, #tpu.memory_space<hbm>>
    %dma_start3A_1196 = arith.constant 0 : i32
    %dma_start3A_1197 = tpu.memref_slice %arg3[%dma_start3A_1196, %add3A_1193] : memref<1000x16384xf32, #tpu.memory_space<hbm>> -> memref<512x128xf32, #tpu.memory_space<hbm>>
    tpu.enqueue_dma source(%arg5 : memref<512x128xf32, #tpu.memory_space<vmem>>) target(%dma_start3A_1197 : memref<512x128xf32, #tpu.memory_space<hbm>>) target_semaphore(%arg7 : memref<!tpu.dma_semaphore, #tpu.memory_space<semaphore_mem>>)
    %add3A_1198 = arith.constant 0 : i32
    %add3A_1199 = arith.addi %mul3A_2, %add3A_1198 : i32
    %dma_wait3A_1200 = arith.constant 512 : i32
    %dma_wait3A_1201 = tpu.memref_slice %arg3[%dma_wait3A_1200, %add3A_1199] : memref<1000x16384xf32, #tpu.memory_space<hbm>> -> memref<488x128xf32, #tpu.memory_space<hbm>>
    %dma_wait3A_1202 = arith.constant 512 : i32
    %dma_wait3A_1203 = tpu.memref_slice %arg3[%dma_wait3A_1202, %add3A_1199] : memref<1000x16384xf32, #tpu.memory_space<hbm>> -> memref<488x128xf32, #tpu.memory_space<hbm>>
    tpu.wait_dma2 semaphore(%arg8 : memref<!tpu.dma_semaphore, #tpu.memory_space<semaphore_mem>>) src(%arg6 : memref<488x128xf32, #tpu.memory_space<vmem>>) dst(%dma_wait3A_1203 : memref<488x128xf32, #tpu.memory_space<hbm>>)
    %get3A_1204 = arith.constant 0 : index
    %get3A_1205 = tpu.vector_load %arg4[%get3A_1204] {strides = array<i32>} : memref<512xi32, #tpu.memory_space<vmem>>, vector<16xi32>,
    %add3A_1206 = arith.constant 0 : i32
    %add3A_1207 = vector.broadcast %add3A_1206 : i32 to vector<16xi32>
    %add3A_1208 = arith.addi %iota3A, %add3A_1207 : vector<16xi32>
    %sub3A_1209 = arith.constant 512 : i32
    %sub3A_1210 = vector.broadcast %sub3A_1209 : i32 to vector<16xi32>
    %sub3A_1211 = arith.subi %get3A_1205, %sub3A_1210 : vector<16xi32>
    %ge3A_1212 = arith.constant 0 : i32
    %ge3A_1213 = vector.broadcast %ge3A_1212 : i32 to vector<16xi32>
    %ge3A_1214 = arith.cmpi sge, %sub3A_1211, %ge3A_1213 : vector<16xi32>
    %lt3A_1215 = arith.constant 488 : i32
    %lt3A_1216 = vector.broadcast %lt3A_1215 : i32 to vector<16xi32>
    %lt3A_1217 = arith.cmpi slt, %sub3A_1211, %lt3A_1216 : vector<16xi32>
    %and3A_1218 = arith.andi %ge3A_1214, %lt3A_1217 : vector<16xi1>
    tpu.vector_store_idx %arg6[%sub3A_1211, %add3A_1208], %broadcast_in_dim3A_4 masked %and3A_1218 : memref<488x128xf32, #tpu.memory_space<vmem>>[vector<16xi32>, vector<16xi32>], vector<16xf32>, vector<16xi1>
    %get3A_1219 = arith.constant 16 : index
    %get3A_1220 = tpu.vector_load %arg4[%get3A_1219] {strides = array<i32>} : memref<512xi32, #tpu.memory_space<vmem>>, vector<16xi32>,
    %add3A_1221 = arith.constant 16 : i32
    %add3A_1222 = vector.broadcast %add3A_1221 : i32 to vector<16xi32>
    %add3A_1223 = arith.addi %iota3A, %add3A_1222 : vector<16xi32>
    %sub3A_1224 = arith.constant 512 : i32
    %sub3A_1225 = vector.broadcast %sub3A_1224 : i32 to vector<16xi32>
    %sub3A_1226 = arith.subi %get3A_1220, %sub3A_1225 : vector<16xi32>
    %ge3A_1227 = arith.constant 0 : i32
    %ge3A_1228 = vector.broadcast %ge3A_1227 : i32 to vector<16xi32>
    %ge3A_1229 = arith.cmpi sge, %sub3A_1226, %ge3A_1228 : vector<16xi32>
    %lt3A_1230 = arith.constant 488 : i32
    %lt3A_1231 = vector.broadcast %lt3A_1230 : i32 to vector<16xi32>
    %lt3A_1232 = arith.cmpi slt, %sub3A_1226, %lt3A_1231 : vector<16xi32>
    %and3A_1233 = arith.andi %ge3A_1229, %lt3A_1232 : vector<16xi1>
    tpu.vector_store_idx %arg6[%sub3A_1226, %add3A_1223], %broadcast_in_dim3A_4 masked %and3A_1233 : memref<488x128xf32, #tpu.memory_space<vmem>>[vector<16xi32>, vector<16xi32>], vector<16xf32>, vector<16xi1>
    %get3A_1234 = arith.constant 32 : index
    %get3A_1235 = tpu.vector_load %arg4[%get3A_1234] {strides = array<i32>} : memref<512xi32, #tpu.memory_space<vmem>>, vector<16xi32>,
    %add3A_1236 = arith.constant 32 : i32
    %add3A_1237 = vector.broadcast %add3A_1236 : i32 to vector<16xi32>
    %add3A_1238 = arith.addi %iota3A, %add3A_1237 : vector<16xi32>
    %sub3A_1239 = arith.constant 512 : i32
    %sub3A_1240 = vector.broadcast %sub3A_1239 : i32 to vector<16xi32>
    %sub3A_1241 = arith.subi %get3A_1235, %sub3A_1240 : vector<16xi32>
    %ge3A_1242 = arith.constant 0 : i32
    %ge3A_1243 = vector.broadcast %ge3A_1242 : i32 to vector<16xi32>
    %ge3A_1244 = arith.cmpi sge, %sub3A_1241, %ge3A_1243 : vector<16xi32>
    %lt3A_1245 = arith.constant 488 : i32
    %lt3A_1246 = vector.broadcast %lt3A_1245 : i32 to vector<16xi32>
    %lt3A_1247 = arith.cmpi slt, %sub3A_1241, %lt3A_1246 : vector<16xi32>
    %and3A_1248 = arith.andi %ge3A_1244, %lt3A_1247 : vector<16xi1>
    tpu.vector_store_idx %arg6[%sub3A_1241, %add3A_1238], %broadcast_in_dim3A_4 masked %and3A_1248 : memref<488x128xf32, #tpu.memory_space<vmem>>[vector<16xi32>, vector<16xi32>], vector<16xf32>, vector<16xi1>
    %get3A_1249 = arith.constant 48 : index
    %get3A_1250 = tpu.vector_load %arg4[%get3A_1249] {strides = array<i32>} : memref<512xi32, #tpu.memory_space<vmem>>, vector<16xi32>,
    %add3A_1251 = arith.constant 48 : i32
    %add3A_1252 = vector.broadcast %add3A_1251 : i32 to vector<16xi32>
    %add3A_1253 = arith.addi %iota3A, %add3A_1252 : vector<16xi32>
    %sub3A_1254 = arith.constant 512 : i32
    %sub3A_1255 = vector.broadcast %sub3A_1254 : i32 to vector<16xi32>
    %sub3A_1256 = arith.subi %get3A_1250, %sub3A_1255 : vector<16xi32>
    %ge3A_1257 = arith.constant 0 : i32
    %ge3A_1258 = vector.broadcast %ge3A_1257 : i32 to vector<16xi32>
    %ge3A_1259 = arith.cmpi sge, %sub3A_1256, %ge3A_1258 : vector<16xi32>
    %lt3A_1260 = arith.constant 488 : i32
    %lt3A_1261 = vector.broadcast %lt3A_1260 : i32 to vector<16xi32>
    %lt3A_1262 = arith.cmpi slt, %sub3A_1256, %lt3A_1261 : vector<16xi32>
    %and3A_1263 = arith.andi %ge3A_1259, %lt3A_1262 : vector<16xi1>
    tpu.vector_store_idx %arg6[%sub3A_1256, %add3A_1253], %broadcast_in_dim3A_4 masked %and3A_1263 : memref<488x128xf32, #tpu.memory_space<vmem>>[vector<16xi32>, vector<16xi32>], vector<16xf32>, vector<16xi1>
    %get3A_1264 = arith.constant 64 : index
    %get3A_1265 = tpu.vector_load %arg4[%get3A_1264] {strides = array<i32>} : memref<512xi32, #tpu.memory_space<vmem>>, vector<16xi32>,
    %add3A_1266 = arith.constant 64 : i32
    %add3A_1267 = vector.broadcast %add3A_1266 : i32 to vector<16xi32>
    %add3A_1268 = arith.addi %iota3A, %add3A_1267 : vector<16xi32>
    %sub3A_1269 = arith.constant 512 : i32
    %sub3A_1270 = vector.broadcast %sub3A_1269 : i32 to vector<16xi32>
    %sub3A_1271 = arith.subi %get3A_1265, %sub3A_1270 : vector<16xi32>
    %ge3A_1272 = arith.constant 0 : i32
    %ge3A_1273 = vector.broadcast %ge3A_1272 : i32 to vector<16xi32>
    %ge3A_1274 = arith.cmpi sge, %sub3A_1271, %ge3A_1273 : vector<16xi32>
    %lt3A_1275 = arith.constant 488 : i32
    %lt3A_1276 = vector.broadcast %lt3A_1275 : i32 to vector<16xi32>
    %lt3A_1277 = arith.cmpi slt, %sub3A_1271, %lt3A_1276 : vector<16xi32>
    %and3A_1278 = arith.andi %ge3A_1274, %lt3A_1277 : vector<16xi1>
    tpu.vector_store_idx %arg6[%sub3A_1271, %add3A_1268], %broadcast_in_dim3A_4 masked %and3A_1278 : memref<488x128xf32, #tpu.memory_space<vmem>>[vector<16xi32>, vector<16xi32>], vector<16xf32>, vector<16xi1>
    %get3A_1279 = arith.constant 80 : index
    %get3A_1280 = tpu.vector_load %arg4[%get3A_1279] {strides = array<i32>} : memref<512xi32, #tpu.memory_space<vmem>>, vector<16xi32>,
    %add3A_1281 = arith.constant 80 : i32
    %add3A_1282 = vector.broadcast %add3A_1281 : i32 to vector<16xi32>
    %add3A_1283 = arith.addi %iota3A, %add3A_1282 : vector<16xi32>
    %sub3A_1284 = arith.constant 512 : i32
    %sub3A_1285 = vector.broadcast %sub3A_1284 : i32 to vector<16xi32>
    %sub3A_1286 = arith.subi %get3A_1280, %sub3A_1285 : vector<16xi32>
    %ge3A_1287 = arith.constant 0 : i32
    %ge3A_1288 = vector.broadcast %ge3A_1287 : i32 to vector<16xi32>
    %ge3A_1289 = arith.cmpi sge, %sub3A_1286, %ge3A_1288 : vector<16xi32>
    %lt3A_1290 = arith.constant 488 : i32
    %lt3A_1291 = vector.broadcast %lt3A_1290 : i32 to vector<16xi32>
    %lt3A_1292 = arith.cmpi slt, %sub3A_1286, %lt3A_1291 : vector<16xi32>
    %and3A_1293 = arith.andi %ge3A_1289, %lt3A_1292 : vector<16xi1>
    tpu.vector_store_idx %arg6[%sub3A_1286, %add3A_1283], %broadcast_in_dim3A_4 masked %and3A_1293 : memref<488x128xf32, #tpu.memory_space<vmem>>[vector<16xi32>, vector<16xi32>], vector<16xf32>, vector<16xi1>
    %get3A_1294 = arith.constant 96 : index
    %get3A_1295 = tpu.vector_load %arg4[%get3A_1294] {strides = array<i32>} : memref<512xi32, #tpu.memory_space<vmem>>, vector<16xi32>,
    %add3A_1296 = arith.constant 96 : i32
    %add3A_1297 = vector.broadcast %add3A_1296 : i32 to vector<16xi32>
    %add3A_1298 = arith.addi %iota3A, %add3A_1297 : vector<16xi32>
    %sub3A_1299 = arith.constant 512 : i32
    %sub3A_1300 = vector.broadcast %sub3A_1299 : i32 to vector<16xi32>
    %sub3A_1301 = arith.subi %get3A_1295, %sub3A_1300 : vector<16xi32>
    %ge3A_1302 = arith.constant 0 : i32
    %ge3A_1303 = vector.broadcast %ge3A_1302 : i32 to vector<16xi32>
    %ge3A_1304 = arith.cmpi sge, %sub3A_1301, %ge3A_1303 : vector<16xi32>
    %lt3A_1305 = arith.constant 488 : i32
    %lt3A_1306 = vector.broadcast %lt3A_1305 : i32 to vector<16xi32>
    %lt3A_1307 = arith.cmpi slt, %sub3A_1301, %lt3A_1306 : vector<16xi32>
    %and3A_1308 = arith.andi %ge3A_1304, %lt3A_1307 : vector<16xi1>
    tpu.vector_store_idx %arg6[%sub3A_1301, %add3A_1298], %broadcast_in_dim3A_4 masked %and3A_1308 : memref<488x128xf32, #tpu.memory_space<vmem>>[vector<16xi32>, vector<16xi32>], vector<16xf32>, vector<16xi1>
    %get3A_1309 = arith.constant 112 : index
    %get3A_1310 = tpu.vector_load %arg4[%get3A_1309] {strides = array<i32>} : memref<512xi32, #tpu.memory_space<vmem>>, vector<16xi32>,
    %add3A_1311 = arith.constant 112 : i32
    %add3A_1312 = vector.broadcast %add3A_1311 : i32 to vector<16xi32>
    %add3A_1313 = arith.addi %iota3A, %add3A_1312 : vector<16xi32>
    %sub3A_1314 = arith.constant 512 : i32
    %sub3A_1315 = vector.broadcast %sub3A_1314 : i32 to vector<16xi32>
    %sub3A_1316 = arith.subi %get3A_1310, %sub3A_1315 : vector<16xi32>
    %ge3A_1317 = arith.constant 0 : i32
    %ge3A_1318 = vector.broadcast %ge3A_1317 : i32 to vector<16xi32>
    %ge3A_1319 = arith.cmpi sge, %sub3A_1316, %ge3A_1318 : vector<16xi32>
    %lt3A_1320 = arith.constant 488 : i32
    %lt3A_1321 = vector.broadcast %lt3A_1320 : i32 to vector<16xi32>
    %lt3A_1322 = arith.cmpi slt, %sub3A_1316, %lt3A_1321 : vector<16xi32>
    %and3A_1323 = arith.andi %ge3A_1319, %lt3A_1322 : vector<16xi1>
    tpu.vector_store_idx %arg6[%sub3A_1316, %add3A_1313], %broadcast_in_dim3A_4 masked %and3A_1323 : memref<488x128xf32, #tpu.memory_space<vmem>>[vector<16xi32>, vector<16xi32>], vector<16xf32>, vector<16xi1>
    %get3A_1324 = arith.constant 128 : index
    %get3A_1325 = tpu.vector_load %arg4[%get3A_1324] {strides = array<i32>} : memref<512xi32, #tpu.memory_space<vmem>>, vector<16xi32>,
    %add3A_1326 = arith.constant 0 : i32
    %add3A_1327 = vector.broadcast %add3A_1326 : i32 to vector<16xi32>
    %add3A_1328 = arith.addi %iota3A, %add3A_1327 : vector<16xi32>
    %sub3A_1329 = arith.constant 512 : i32
    %sub3A_1330 = vector.broadcast %sub3A_1329 : i32 to vector<16xi32>
    %sub3A_1331 = arith.subi %get3A_1325, %sub3A_1330 : vector<16xi32>
    %ge3A_1332 = arith.constant 0 : i32
    %ge3A_1333 = vector.broadcast %ge3A_1332 : i32 to vector<16xi32>
    %ge3A_1334 = arith.cmpi sge, %sub3A_1331, %ge3A_1333 : vector<16xi32>
    %lt3A_1335 = arith.constant 488 : i32
    %lt3A_1336 = vector.broadcast %lt3A_1335 : i32 to vector<16xi32>
    %lt3A_1337 = arith.cmpi slt, %sub3A_1331, %lt3A_1336 : vector<16xi32>
    %and3A_1338 = arith.andi %ge3A_1334, %lt3A_1337 : vector<16xi1>
    tpu.vector_store_idx %arg6[%sub3A_1331, %add3A_1328], %broadcast_in_dim3A_6 masked %and3A_1338 : memref<488x128xf32, #tpu.memory_space<vmem>>[vector<16xi32>, vector<16xi32>], vector<16xf32>, vector<16xi1>
    %get3A_1339 = arith.constant 144 : index
    %get3A_1340 = tpu.vector_load %arg4[%get3A_1339] {strides = array<i32>} : memref<512xi32, #tpu.memory_space<vmem>>, vector<16xi32>,
    %add3A_1341 = arith.constant 16 : i32
    %add3A_1342 = vector.broadcast %add3A_1341 : i32 to vector<16xi32>
    %add3A_1343 = arith.addi %iota3A, %add3A_1342 : vector<16xi32>
    %sub3A_1344 = arith.constant 512 : i32
    %sub3A_1345 = vector.broadcast %sub3A_1344 : i32 to vector<16xi32>
    %sub3A_1346 = arith.subi %get3A_1340, %sub3A_1345 : vector<16xi32>
    %ge3A_1347 = arith.constant 0 : i32
    %ge3A_1348 = vector.broadcast %ge3A_1347 : i32 to vector<16xi32>
    %ge3A_1349 = arith.cmpi sge, %sub3A_1346, %ge3A_1348 : vector<16xi32>
    %lt3A_1350 = arith.constant 488 : i32
    %lt3A_1351 = vector.broadcast %lt3A_1350 : i32 to vector<16xi32>
    %lt3A_1352 = arith.cmpi slt, %sub3A_1346, %lt3A_1351 : vector<16xi32>
    %and3A_1353 = arith.andi %ge3A_1349, %lt3A_1352 : vector<16xi1>
    tpu.vector_store_idx %arg6[%sub3A_1346, %add3A_1343], %broadcast_in_dim3A_6 masked %and3A_1353 : memref<488x128xf32, #tpu.memory_space<vmem>>[vector<16xi32>, vector<16xi32>], vector<16xf32>, vector<16xi1>
    %get3A_1354 = arith.constant 160 : index
    %get3A_1355 = tpu.vector_load %arg4[%get3A_1354] {strides = array<i32>} : memref<512xi32, #tpu.memory_space<vmem>>, vector<16xi32>,
    %add3A_1356 = arith.constant 32 : i32
    %add3A_1357 = vector.broadcast %add3A_1356 : i32 to vector<16xi32>
    %add3A_1358 = arith.addi %iota3A, %add3A_1357 : vector<16xi32>
    %sub3A_1359 = arith.constant 512 : i32
    %sub3A_1360 = vector.broadcast %sub3A_1359 : i32 to vector<16xi32>
    %sub3A_1361 = arith.subi %get3A_1355, %sub3A_1360 : vector<16xi32>
    %ge3A_1362 = arith.constant 0 : i32
    %ge3A_1363 = vector.broadcast %ge3A_1362 : i32 to vector<16xi32>
    %ge3A_1364 = arith.cmpi sge, %sub3A_1361, %ge3A_1363 : vector<16xi32>
    %lt3A_1365 = arith.constant 488 : i32
    %lt3A_1366 = vector.broadcast %lt3A_1365 : i32 to vector<16xi32>
    %lt3A_1367 = arith.cmpi slt, %sub3A_1361, %lt3A_1366 : vector<16xi32>
    %and3A_1368 = arith.andi %ge3A_1364, %lt3A_1367 : vector<16xi1>
    tpu.vector_store_idx %arg6[%sub3A_1361, %add3A_1358], %broadcast_in_dim3A_6 masked %and3A_1368 : memref<488x128xf32, #tpu.memory_space<vmem>>[vector<16xi32>, vector<16xi32>], vector<16xf32>, vector<16xi1>
    %get3A_1369 = arith.constant 176 : index
    %get3A_1370 = tpu.vector_load %arg4[%get3A_1369] {strides = array<i32>} : memref<512xi32, #tpu.memory_space<vmem>>, vector<16xi32>,
    %add3A_1371 = arith.constant 48 : i32
    %add3A_1372 = vector.broadcast %add3A_1371 : i32 to vector<16xi32>
    %add3A_1373 = arith.addi %iota3A, %add3A_1372 : vector<16xi32>
    %sub3A_1374 = arith.constant 512 : i32
    %sub3A_1375 = vector.broadcast %sub3A_1374 : i32 to vector<16xi32>
    %sub3A_1376 = arith.subi %get3A_1370, %sub3A_1375 : vector<16xi32>
    %ge3A_1377 = arith.constant 0 : i32
    %ge3A_1378 = vector.broadcast %ge3A_1377 : i32 to vector<16xi32>
    %ge3A_1379 = arith.cmpi sge, %sub3A_1376, %ge3A_1378 : vector<16xi32>
    %lt3A_1380 = arith.constant 488 : i32
    %lt3A_1381 = vector.broadcast %lt3A_1380 : i32 to vector<16xi32>
    %lt3A_1382 = arith.cmpi slt, %sub3A_1376, %lt3A_1381 : vector<16xi32>
    %and3A_1383 = arith.andi %ge3A_1379, %lt3A_1382 : vector<16xi1>
    tpu.vector_store_idx %arg6[%sub3A_1376, %add3A_1373], %broadcast_in_dim3A_6 masked %and3A_1383 : memref<488x128xf32, #tpu.memory_space<vmem>>[vector<16xi32>, vector<16xi32>], vector<16xf32>, vector<16xi1>
    %get3A_1384 = arith.constant 192 : index
    %get3A_1385 = tpu.vector_load %arg4[%get3A_1384] {strides = array<i32>} : memref<512xi32, #tpu.memory_space<vmem>>, vector<16xi32>,
    %add3A_1386 = arith.constant 64 : i32
    %add3A_1387 = vector.broadcast %add3A_1386 : i32 to vector<16xi32>
    %add3A_1388 = arith.addi %iota3A, %add3A_1387 : vector<16xi32>
    %sub3A_1389 = arith.constant 512 : i32
    %sub3A_1390 = vector.broadcast %sub3A_1389 : i32 to vector<16xi32>
    %sub3A_1391 = arith.subi %get3A_1385, %sub3A_1390 : vector<16xi32>
    %ge3A_1392 = arith.constant 0 : i32
    %ge3A_1393 = vector.broadcast %ge3A_1392 : i32 to vector<16xi32>
    %ge3A_1394 = arith.cmpi sge, %sub3A_1391, %ge3A_1393 : vector<16xi32>
    %lt3A_1395 = arith.constant 488 : i32
    %lt3A_1396 = vector.broadcast %lt3A_1395 : i32 to vector<16xi32>
    %lt3A_1397 = arith.cmpi slt, %sub3A_1391, %lt3A_1396 : vector<16xi32>
    %and3A_1398 = arith.andi %ge3A_1394, %lt3A_1397 : vector<16xi1>
    tpu.vector_store_idx %arg6[%sub3A_1391, %add3A_1388], %broadcast_in_dim3A_6 masked %and3A_1398 : memref<488x128xf32, #tpu.memory_space<vmem>>[vector<16xi32>, vector<16xi32>], vector<16xf32>, vector<16xi1>
    %get3A_1399 = arith.constant 208 : index
    %get3A_1400 = tpu.vector_load %arg4[%get3A_1399] {strides = array<i32>} : memref<512xi32, #tpu.memory_space<vmem>>, vector<16xi32>,
    %add3A_1401 = arith.constant 80 : i32
    %add3A_1402 = vector.broadcast %add3A_1401 : i32 to vector<16xi32>
    %add3A_1403 = arith.addi %iota3A, %add3A_1402 : vector<16xi32>
    %sub3A_1404 = arith.constant 512 : i32
    %sub3A_1405 = vector.broadcast %sub3A_1404 : i32 to vector<16xi32>
    %sub3A_1406 = arith.subi %get3A_1400, %sub3A_1405 : vector<16xi32>
    %ge3A_1407 = arith.constant 0 : i32
    %ge3A_1408 = vector.broadcast %ge3A_1407 : i32 to vector<16xi32>
    %ge3A_1409 = arith.cmpi sge, %sub3A_1406, %ge3A_1408 : vector<16xi32>
    %lt3A_1410 = arith.constant 488 : i32
    %lt3A_1411 = vector.broadcast %lt3A_1410 : i32 to vector<16xi32>
    %lt3A_1412 = arith.cmpi slt, %sub3A_1406, %lt3A_1411 : vector<16xi32>
    %and3A_1413 = arith.andi %ge3A_1409, %lt3A_1412 : vector<16xi1>
    tpu.vector_store_idx %arg6[%sub3A_1406, %add3A_1403], %broadcast_in_dim3A_6 masked %and3A_1413 : memref<488x128xf32, #tpu.memory_space<vmem>>[vector<16xi32>, vector<16xi32>], vector<16xf32>, vector<16xi1>
    %get3A_1414 = arith.constant 224 : index
    %get3A_1415 = tpu.vector_load %arg4[%get3A_1414] {strides = array<i32>} : memref<512xi32, #tpu.memory_space<vmem>>, vector<16xi32>,
    %add3A_1416 = arith.constant 96 : i32
    %add3A_1417 = vector.broadcast %add3A_1416 : i32 to vector<16xi32>
    %add3A_1418 = arith.addi %iota3A, %add3A_1417 : vector<16xi32>
    %sub3A_1419 = arith.constant 512 : i32
    %sub3A_1420 = vector.broadcast %sub3A_1419 : i32 to vector<16xi32>
    %sub3A_1421 = arith.subi %get3A_1415, %sub3A_1420 : vector<16xi32>
    %ge3A_1422 = arith.constant 0 : i32
    %ge3A_1423 = vector.broadcast %ge3A_1422 : i32 to vector<16xi32>
    %ge3A_1424 = arith.cmpi sge, %sub3A_1421, %ge3A_1423 : vector<16xi32>
    %lt3A_1425 = arith.constant 488 : i32
    %lt3A_1426 = vector.broadcast %lt3A_1425 : i32 to vector<16xi32>
    %lt3A_1427 = arith.cmpi slt, %sub3A_1421, %lt3A_1426 : vector<16xi32>
    %and3A_1428 = arith.andi %ge3A_1424, %lt3A_1427 : vector<16xi1>
    tpu.vector_store_idx %arg6[%sub3A_1421, %add3A_1418], %broadcast_in_dim3A_6 masked %and3A_1428 : memref<488x128xf32, #tpu.memory_space<vmem>>[vector<16xi32>, vector<16xi32>], vector<16xf32>, vector<16xi1>
    %get3A_1429 = arith.constant 240 : index
    %get3A_1430 = tpu.vector_load %arg4[%get3A_1429] {strides = array<i32>} : memref<512xi32, #tpu.memory_space<vmem>>, vector<16xi32>,
    %add3A_1431 = arith.constant 112 : i32
    %add3A_1432 = vector.broadcast %add3A_1431 : i32 to vector<16xi32>
    %add3A_1433 = arith.addi %iota3A, %add3A_1432 : vector<16xi32>
    %sub3A_1434 = arith.constant 512 : i32
    %sub3A_1435 = vector.broadcast %sub3A_1434 : i32 to vector<16xi32>
    %sub3A_1436 = arith.subi %get3A_1430, %sub3A_1435 : vector<16xi32>
    %ge3A_1437 = arith.constant 0 : i32
    %ge3A_1438 = vector.broadcast %ge3A_1437 : i32 to vector<16xi32>
    %ge3A_1439 = arith.cmpi sge, %sub3A_1436, %ge3A_1438 : vector<16xi32>
    %lt3A_1440 = arith.constant 488 : i32
    %lt3A_1441 = vector.broadcast %lt3A_1440 : i32 to vector<16xi32>
    %lt3A_1442 = arith.cmpi slt, %sub3A_1436, %lt3A_1441 : vector<16xi32>
    %and3A_1443 = arith.andi %ge3A_1439, %lt3A_1442 : vector<16xi1>
    tpu.vector_store_idx %arg6[%sub3A_1436, %add3A_1433], %broadcast_in_dim3A_6 masked %and3A_1443 : memref<488x128xf32, #tpu.memory_space<vmem>>[vector<16xi32>, vector<16xi32>], vector<16xf32>, vector<16xi1>
    %add3A_1444 = arith.constant 128 : i32
    %add3A_1445 = arith.addi %mul3A_2, %add3A_1444 : i32
    %dma_start3A_1446 = arith.constant 512 : i32
    %dma_start3A_1447 = tpu.memref_slice %arg3[%dma_start3A_1446, %add3A_1445] : memref<1000x16384xf32, #tpu.memory_space<hbm>> -> memref<488x128xf32, #tpu.memory_space<hbm>>
    %dma_start3A_1448 = arith.constant 512 : i32
    %dma_start3A_1449 = tpu.memref_slice %arg3[%dma_start3A_1448, %add3A_1445] : memref<1000x16384xf32, #tpu.memory_space<hbm>> -> memref<488x128xf32, #tpu.memory_space<hbm>>
    tpu.enqueue_dma source(%arg6 : memref<488x128xf32, #tpu.memory_space<vmem>>) target(%dma_start3A_1449 : memref<488x128xf32, #tpu.memory_space<hbm>>) target_semaphore(%arg8 : memref<!tpu.dma_semaphore, #tpu.memory_space<semaphore_mem>>)
    %add3A_1450 = arith.constant 128 : i32
    %add3A_1451 = arith.addi %mul3A_2, %add3A_1450 : i32
    %dma_wait3A_1452 = arith.constant 0 : i32
    %dma_wait3A_1453 = tpu.memref_slice %arg3[%dma_wait3A_1452, %add3A_1451] : memref<1000x16384xf32, #tpu.memory_space<hbm>> -> memref<512x128xf32, #tpu.memory_space<hbm>>
    %dma_wait3A_1454 = arith.constant 0 : i32
    %dma_wait3A_1455 = tpu.memref_slice %arg3[%dma_wait3A_1454, %add3A_1451] : memref<1000x16384xf32, #tpu.memory_space<hbm>> -> memref<512x128xf32, #tpu.memory_space<hbm>>
    tpu.wait_dma2 semaphore(%arg7 : memref<!tpu.dma_semaphore, #tpu.memory_space<semaphore_mem>>) src(%arg5 : memref<512x128xf32, #tpu.memory_space<vmem>>) dst(%dma_wait3A_1455 : memref<512x128xf32, #tpu.memory_space<hbm>>)
    %get3A_1456 = arith.constant 128 : index
    %get3A_1457 = tpu.vector_load %arg4[%get3A_1456] {strides = array<i32>} : memref<512xi32, #tpu.memory_space<vmem>>, vector<16xi32>,
    %add3A_1458 = arith.constant 0 : i32
    %add3A_1459 = vector.broadcast %add3A_1458 : i32 to vector<16xi32>
    %add3A_1460 = arith.addi %iota3A, %add3A_1459 : vector<16xi32>
    %ge3A_1461 = arith.constant 0 : i32
    %ge3A_1462 = vector.broadcast %ge3A_1461 : i32 to vector<16xi32>
    %ge3A_1463 = arith.cmpi sge, %get3A_1457, %ge3A_1462 : vector<16xi32>
    %lt3A_1464 = arith.constant 512 : i32
    %lt3A_1465 = vector.broadcast %lt3A_1464 : i32 to vector<16xi32>
    %lt3A_1466 = arith.cmpi slt, %get3A_1457, %lt3A_1465 : vector<16xi32>
    %and3A_1467 = arith.andi %ge3A_1463, %lt3A_1466 : vector<16xi1>
    tpu.vector_store_idx %arg5[%get3A_1457, %add3A_1460], %broadcast_in_dim3A_4 masked %and3A_1467 : memref<512x128xf32, #tpu.memory_space<vmem>>[vector<16xi32>, vector<16xi32>], vector<16xf32>, vector<16xi1>
    %get3A_1468 = arith.constant 144 : index
    %get3A_1469 = tpu.vector_load %arg4[%get3A_1468] {strides = array<i32>} : memref<512xi32, #tpu.memory_space<vmem>>, vector<16xi32>,
    %add3A_1470 = arith.constant 16 : i32
    %add3A_1471 = vector.broadcast %add3A_1470 : i32 to vector<16xi32>
    %add3A_1472 = arith.addi %iota3A, %add3A_1471 : vector<16xi32>
    %ge3A_1473 = arith.constant 0 : i32
    %ge3A_1474 = vector.broadcast %ge3A_1473 : i32 to vector<16xi32>
    %ge3A_1475 = arith.cmpi sge, %get3A_1469, %ge3A_1474 : vector<16xi32>
    %lt3A_1476 = arith.constant 512 : i32
    %lt3A_1477 = vector.broadcast %lt3A_1476 : i32 to vector<16xi32>
    %lt3A_1478 = arith.cmpi slt, %get3A_1469, %lt3A_1477 : vector<16xi32>
    %and3A_1479 = arith.andi %ge3A_1475, %lt3A_1478 : vector<16xi1>
    tpu.vector_store_idx %arg5[%get3A_1469, %add3A_1472], %broadcast_in_dim3A_4 masked %and3A_1479 : memref<512x128xf32, #tpu.memory_space<vmem>>[vector<16xi32>, vector<16xi32>], vector<16xf32>, vector<16xi1>
    %get3A_1480 = arith.constant 160 : index
    %get3A_1481 = tpu.vector_load %arg4[%get3A_1480] {strides = array<i32>} : memref<512xi32, #tpu.memory_space<vmem>>, vector<16xi32>,
    %add3A_1482 = arith.constant 32 : i32
    %add3A_1483 = vector.broadcast %add3A_1482 : i32 to vector<16xi32>
    %add3A_1484 = arith.addi %iota3A, %add3A_1483 : vector<16xi32>
    %ge3A_1485 = arith.constant 0 : i32
    %ge3A_1486 = vector.broadcast %ge3A_1485 : i32 to vector<16xi32>
    %ge3A_1487 = arith.cmpi sge, %get3A_1481, %ge3A_1486 : vector<16xi32>
    %lt3A_1488 = arith.constant 512 : i32
    %lt3A_1489 = vector.broadcast %lt3A_1488 : i32 to vector<16xi32>
    %lt3A_1490 = arith.cmpi slt, %get3A_1481, %lt3A_1489 : vector<16xi32>
    %and3A_1491 = arith.andi %ge3A_1487, %lt3A_1490 : vector<16xi1>
    tpu.vector_store_idx %arg5[%get3A_1481, %add3A_1484], %broadcast_in_dim3A_4 masked %and3A_1491 : memref<512x128xf32, #tpu.memory_space<vmem>>[vector<16xi32>, vector<16xi32>], vector<16xf32>, vector<16xi1>
    %get3A_1492 = arith.constant 176 : index
    %get3A_1493 = tpu.vector_load %arg4[%get3A_1492] {strides = array<i32>} : memref<512xi32, #tpu.memory_space<vmem>>, vector<16xi32>,
    %add3A_1494 = arith.constant 48 : i32
    %add3A_1495 = vector.broadcast %add3A_1494 : i32 to vector<16xi32>
    %add3A_1496 = arith.addi %iota3A, %add3A_1495 : vector<16xi32>
    %ge3A_1497 = arith.constant 0 : i32
    %ge3A_1498 = vector.broadcast %ge3A_1497 : i32 to vector<16xi32>
    %ge3A_1499 = arith.cmpi sge, %get3A_1493, %ge3A_1498 : vector<16xi32>
    %lt3A_1500 = arith.constant 512 : i32
    %lt3A_1501 = vector.broadcast %lt3A_1500 : i32 to vector<16xi32>
    %lt3A_1502 = arith.cmpi slt, %get3A_1493, %lt3A_1501 : vector<16xi32>
    %and3A_1503 = arith.andi %ge3A_1499, %lt3A_1502 : vector<16xi1>
    tpu.vector_store_idx %arg5[%get3A_1493, %add3A_1496], %broadcast_in_dim3A_4 masked %and3A_1503 : memref<512x128xf32, #tpu.memory_space<vmem>>[vector<16xi32>, vector<16xi32>], vector<16xf32>, vector<16xi1>
    %get3A_1504 = arith.constant 192 : index
    %get3A_1505 = tpu.vector_load %arg4[%get3A_1504] {strides = array<i32>} : memref<512xi32, #tpu.memory_space<vmem>>, vector<16xi32>,
    %add3A_1506 = arith.constant 64 : i32
    %add3A_1507 = vector.broadcast %add3A_1506 : i32 to vector<16xi32>
    %add3A_1508 = arith.addi %iota3A, %add3A_1507 : vector<16xi32>
    %ge3A_1509 = arith.constant 0 : i32
    %ge3A_1510 = vector.broadcast %ge3A_1509 : i32 to vector<16xi32>
    %ge3A_1511 = arith.cmpi sge, %get3A_1505, %ge3A_1510 : vector<16xi32>
    %lt3A_1512 = arith.constant 512 : i32
    %lt3A_1513 = vector.broadcast %lt3A_1512 : i32 to vector<16xi32>
    %lt3A_1514 = arith.cmpi slt, %get3A_1505, %lt3A_1513 : vector<16xi32>
    %and3A_1515 = arith.andi %ge3A_1511, %lt3A_1514 : vector<16xi1>
    tpu.vector_store_idx %arg5[%get3A_1505, %add3A_1508], %broadcast_in_dim3A_4 masked %and3A_1515 : memref<512x128xf32, #tpu.memory_space<vmem>>[vector<16xi32>, vector<16xi32>], vector<16xf32>, vector<16xi1>
    %get3A_1516 = arith.constant 208 : index
    %get3A_1517 = tpu.vector_load %arg4[%get3A_1516] {strides = array<i32>} : memref<512xi32, #tpu.memory_space<vmem>>, vector<16xi32>,
    %add3A_1518 = arith.constant 80 : i32
    %add3A_1519 = vector.broadcast %add3A_1518 : i32 to vector<16xi32>
    %add3A_1520 = arith.addi %iota3A, %add3A_1519 : vector<16xi32>
    %ge3A_1521 = arith.constant 0 : i32
    %ge3A_1522 = vector.broadcast %ge3A_1521 : i32 to vector<16xi32>
    %ge3A_1523 = arith.cmpi sge, %get3A_1517, %ge3A_1522 : vector<16xi32>
    %lt3A_1524 = arith.constant 512 : i32
    %lt3A_1525 = vector.broadcast %lt3A_1524 : i32 to vector<16xi32>
    %lt3A_1526 = arith.cmpi slt, %get3A_1517, %lt3A_1525 : vector<16xi32>
    %and3A_1527 = arith.andi %ge3A_1523, %lt3A_1526 : vector<16xi1>
    tpu.vector_store_idx %arg5[%get3A_1517, %add3A_1520], %broadcast_in_dim3A_4 masked %and3A_1527 : memref<512x128xf32, #tpu.memory_space<vmem>>[vector<16xi32>, vector<16xi32>], vector<16xf32>, vector<16xi1>
    %get3A_1528 = arith.constant 224 : index
    %get3A_1529 = tpu.vector_load %arg4[%get3A_1528] {strides = array<i32>} : memref<512xi32, #tpu.memory_space<vmem>>, vector<16xi32>,
    %add3A_1530 = arith.constant 96 : i32
    %add3A_1531 = vector.broadcast %add3A_1530 : i32 to vector<16xi32>
    %add3A_1532 = arith.addi %iota3A, %add3A_1531 : vector<16xi32>
    %ge3A_1533 = arith.constant 0 : i32
    %ge3A_1534 = vector.broadcast %ge3A_1533 : i32 to vector<16xi32>
    %ge3A_1535 = arith.cmpi sge, %get3A_1529, %ge3A_1534 : vector<16xi32>
    %lt3A_1536 = arith.constant 512 : i32
    %lt3A_1537 = vector.broadcast %lt3A_1536 : i32 to vector<16xi32>
    %lt3A_1538 = arith.cmpi slt, %get3A_1529, %lt3A_1537 : vector<16xi32>
    %and3A_1539 = arith.andi %ge3A_1535, %lt3A_1538 : vector<16xi1>
    tpu.vector_store_idx %arg5[%get3A_1529, %add3A_1532], %broadcast_in_dim3A_4 masked %and3A_1539 : memref<512x128xf32, #tpu.memory_space<vmem>>[vector<16xi32>, vector<16xi32>], vector<16xf32>, vector<16xi1>
    %get3A_1540 = arith.constant 240 : index
    %get3A_1541 = tpu.vector_load %arg4[%get3A_1540] {strides = array<i32>} : memref<512xi32, #tpu.memory_space<vmem>>, vector<16xi32>,
    %add3A_1542 = arith.constant 112 : i32
    %add3A_1543 = vector.broadcast %add3A_1542 : i32 to vector<16xi32>
    %add3A_1544 = arith.addi %iota3A, %add3A_1543 : vector<16xi32>
    %ge3A_1545 = arith.constant 0 : i32
    %ge3A_1546 = vector.broadcast %ge3A_1545 : i32 to vector<16xi32>
    %ge3A_1547 = arith.cmpi sge, %get3A_1541, %ge3A_1546 : vector<16xi32>
    %lt3A_1548 = arith.constant 512 : i32
    %lt3A_1549 = vector.broadcast %lt3A_1548 : i32 to vector<16xi32>
    %lt3A_1550 = arith.cmpi slt, %get3A_1541, %lt3A_1549 : vector<16xi32>
    %and3A_1551 = arith.andi %ge3A_1547, %lt3A_1550 : vector<16xi1>
    tpu.vector_store_idx %arg5[%get3A_1541, %add3A_1544], %broadcast_in_dim3A_4 masked %and3A_1551 : memref<512x128xf32, #tpu.memory_space<vmem>>[vector<16xi32>, vector<16xi32>], vector<16xf32>, vector<16xi1>
    %get3A_1552 = arith.constant 256 : index
    %get3A_1553 = tpu.vector_load %arg4[%get3A_1552] {strides = array<i32>} : memref<512xi32, #tpu.memory_space<vmem>>, vector<16xi32>,
    %add3A_1554 = arith.constant 0 : i32
    %add3A_1555 = vector.broadcast %add3A_1554 : i32 to vector<16xi32>
    %add3A_1556 = arith.addi %iota3A, %add3A_1555 : vector<16xi32>
    %ge3A_1557 = arith.constant 0 : i32
    %ge3A_1558 = vector.broadcast %ge3A_1557 : i32 to vector<16xi32>
    %ge3A_1559 = arith.cmpi sge, %get3A_1553, %ge3A_1558 : vector<16xi32>
    %lt3A_1560 = arith.constant 512 : i32
    %lt3A_1561 = vector.broadcast %lt3A_1560 : i32 to vector<16xi32>
    %lt3A_1562 = arith.cmpi slt, %get3A_1553, %lt3A_1561 : vector<16xi32>
    %and3A_1563 = arith.andi %ge3A_1559, %lt3A_1562 : vector<16xi1>
    tpu.vector_store_idx %arg5[%get3A_1553, %add3A_1556], %broadcast_in_dim3A_6 masked %and3A_1563 : memref<512x128xf32, #tpu.memory_space<vmem>>[vector<16xi32>, vector<16xi32>], vector<16xf32>, vector<16xi1>
    %get3A_1564 = arith.constant 272 : index
    %get3A_1565 = tpu.vector_load %arg4[%get3A_1564] {strides = array<i32>} : memref<512xi32, #tpu.memory_space<vmem>>, vector<16xi32>,
    %add3A_1566 = arith.constant 16 : i32
    %add3A_1567 = vector.broadcast %add3A_1566 : i32 to vector<16xi32>
    %add3A_1568 = arith.addi %iota3A, %add3A_1567 : vector<16xi32>
    %ge3A_1569 = arith.constant 0 : i32
    %ge3A_1570 = vector.broadcast %ge3A_1569 : i32 to vector<16xi32>
    %ge3A_1571 = arith.cmpi sge, %get3A_1565, %ge3A_1570 : vector<16xi32>
    %lt3A_1572 = arith.constant 512 : i32
    %lt3A_1573 = vector.broadcast %lt3A_1572 : i32 to vector<16xi32>
    %lt3A_1574 = arith.cmpi slt, %get3A_1565, %lt3A_1573 : vector<16xi32>
    %and3A_1575 = arith.andi %ge3A_1571, %lt3A_1574 : vector<16xi1>
    tpu.vector_store_idx %arg5[%get3A_1565, %add3A_1568], %broadcast_in_dim3A_6 masked %and3A_1575 : memref<512x128xf32, #tpu.memory_space<vmem>>[vector<16xi32>, vector<16xi32>], vector<16xf32>, vector<16xi1>
    %get3A_1576 = arith.constant 288 : index
    %get3A_1577 = tpu.vector_load %arg4[%get3A_1576] {strides = array<i32>} : memref<512xi32, #tpu.memory_space<vmem>>, vector<16xi32>,
    %add3A_1578 = arith.constant 32 : i32
    %add3A_1579 = vector.broadcast %add3A_1578 : i32 to vector<16xi32>
    %add3A_1580 = arith.addi %iota3A, %add3A_1579 : vector<16xi32>
    %ge3A_1581 = arith.constant 0 : i32
    %ge3A_1582 = vector.broadcast %ge3A_1581 : i32 to vector<16xi32>
    %ge3A_1583 = arith.cmpi sge, %get3A_1577, %ge3A_1582 : vector<16xi32>
    %lt3A_1584 = arith.constant 512 : i32
    %lt3A_1585 = vector.broadcast %lt3A_1584 : i32 to vector<16xi32>
    %lt3A_1586 = arith.cmpi slt, %get3A_1577, %lt3A_1585 : vector<16xi32>
    %and3A_1587 = arith.andi %ge3A_1583, %lt3A_1586 : vector<16xi1>
    tpu.vector_store_idx %arg5[%get3A_1577, %add3A_1580], %broadcast_in_dim3A_6 masked %and3A_1587 : memref<512x128xf32, #tpu.memory_space<vmem>>[vector<16xi32>, vector<16xi32>], vector<16xf32>, vector<16xi1>
    %get3A_1588 = arith.constant 304 : index
    %get3A_1589 = tpu.vector_load %arg4[%get3A_1588] {strides = array<i32>} : memref<512xi32, #tpu.memory_space<vmem>>, vector<16xi32>,
    %add3A_1590 = arith.constant 48 : i32
    %add3A_1591 = vector.broadcast %add3A_1590 : i32 to vector<16xi32>
    %add3A_1592 = arith.addi %iota3A, %add3A_1591 : vector<16xi32>
    %ge3A_1593 = arith.constant 0 : i32
    %ge3A_1594 = vector.broadcast %ge3A_1593 : i32 to vector<16xi32>
    %ge3A_1595 = arith.cmpi sge, %get3A_1589, %ge3A_1594 : vector<16xi32>
    %lt3A_1596 = arith.constant 512 : i32
    %lt3A_1597 = vector.broadcast %lt3A_1596 : i32 to vector<16xi32>
    %lt3A_1598 = arith.cmpi slt, %get3A_1589, %lt3A_1597 : vector<16xi32>
    %and3A_1599 = arith.andi %ge3A_1595, %lt3A_1598 : vector<16xi1>
    tpu.vector_store_idx %arg5[%get3A_1589, %add3A_1592], %broadcast_in_dim3A_6 masked %and3A_1599 : memref<512x128xf32, #tpu.memory_space<vmem>>[vector<16xi32>, vector<16xi32>], vector<16xf32>, vector<16xi1>
    %get3A_1600 = arith.constant 320 : index
    %get3A_1601 = tpu.vector_load %arg4[%get3A_1600] {strides = array<i32>} : memref<512xi32, #tpu.memory_space<vmem>>, vector<16xi32>,
    %add3A_1602 = arith.constant 64 : i32
    %add3A_1603 = vector.broadcast %add3A_1602 : i32 to vector<16xi32>
    %add3A_1604 = arith.addi %iota3A, %add3A_1603 : vector<16xi32>
    %ge3A_1605 = arith.constant 0 : i32
    %ge3A_1606 = vector.broadcast %ge3A_1605 : i32 to vector<16xi32>
    %ge3A_1607 = arith.cmpi sge, %get3A_1601, %ge3A_1606 : vector<16xi32>
    %lt3A_1608 = arith.constant 512 : i32
    %lt3A_1609 = vector.broadcast %lt3A_1608 : i32 to vector<16xi32>
    %lt3A_1610 = arith.cmpi slt, %get3A_1601, %lt3A_1609 : vector<16xi32>
    %and3A_1611 = arith.andi %ge3A_1607, %lt3A_1610 : vector<16xi1>
    tpu.vector_store_idx %arg5[%get3A_1601, %add3A_1604], %broadcast_in_dim3A_6 masked %and3A_1611 : memref<512x128xf32, #tpu.memory_space<vmem>>[vector<16xi32>, vector<16xi32>], vector<16xf32>, vector<16xi1>
    %get3A_1612 = arith.constant 336 : index
    %get3A_1613 = tpu.vector_load %arg4[%get3A_1612] {strides = array<i32>} : memref<512xi32, #tpu.memory_space<vmem>>, vector<16xi32>,
    %add3A_1614 = arith.constant 80 : i32
    %add3A_1615 = vector.broadcast %add3A_1614 : i32 to vector<16xi32>
    %add3A_1616 = arith.addi %iota3A, %add3A_1615 : vector<16xi32>
    %ge3A_1617 = arith.constant 0 : i32
    %ge3A_1618 = vector.broadcast %ge3A_1617 : i32 to vector<16xi32>
    %ge3A_1619 = arith.cmpi sge, %get3A_1613, %ge3A_1618 : vector<16xi32>
    %lt3A_1620 = arith.constant 512 : i32
    %lt3A_1621 = vector.broadcast %lt3A_1620 : i32 to vector<16xi32>
    %lt3A_1622 = arith.cmpi slt, %get3A_1613, %lt3A_1621 : vector<16xi32>
    %and3A_1623 = arith.andi %ge3A_1619, %lt3A_1622 : vector<16xi1>
    tpu.vector_store_idx %arg5[%get3A_1613, %add3A_1616], %broadcast_in_dim3A_6 masked %and3A_1623 : memref<512x128xf32, #tpu.memory_space<vmem>>[vector<16xi32>, vector<16xi32>], vector<16xf32>, vector<16xi1>
    %get3A_1624 = arith.constant 352 : index
    %get3A_1625 = tpu.vector_load %arg4[%get3A_1624] {strides = array<i32>} : memref<512xi32, #tpu.memory_space<vmem>>, vector<16xi32>,
    %add3A_1626 = arith.constant 96 : i32
    %add3A_1627 = vector.broadcast %add3A_1626 : i32 to vector<16xi32>
    %add3A_1628 = arith.addi %iota3A, %add3A_1627 : vector<16xi32>
    %ge3A_1629 = arith.constant 0 : i32
    %ge3A_1630 = vector.broadcast %ge3A_1629 : i32 to vector<16xi32>
    %ge3A_1631 = arith.cmpi sge, %get3A_1625, %ge3A_1630 : vector<16xi32>
    %lt3A_1632 = arith.constant 512 : i32
    %lt3A_1633 = vector.broadcast %lt3A_1632 : i32 to vector<16xi32>
    %lt3A_1634 = arith.cmpi slt, %get3A_1625, %lt3A_1633 : vector<16xi32>
    %and3A_1635 = arith.andi %ge3A_1631, %lt3A_1634 : vector<16xi1>
    tpu.vector_store_idx %arg5[%get3A_1625, %add3A_1628], %broadcast_in_dim3A_6 masked %and3A_1635 : memref<512x128xf32, #tpu.memory_space<vmem>>[vector<16xi32>, vector<16xi32>], vector<16xf32>, vector<16xi1>
    %get3A_1636 = arith.constant 368 : index
    %get3A_1637 = tpu.vector_load %arg4[%get3A_1636] {strides = array<i32>} : memref<512xi32, #tpu.memory_space<vmem>>, vector<16xi32>,
    %add3A_1638 = arith.constant 112 : i32
    %add3A_1639 = vector.broadcast %add3A_1638 : i32 to vector<16xi32>
    %add3A_1640 = arith.addi %iota3A, %add3A_1639 : vector<16xi32>
    %ge3A_1641 = arith.constant 0 : i32
    %ge3A_1642 = vector.broadcast %ge3A_1641 : i32 to vector<16xi32>
    %ge3A_1643 = arith.cmpi sge, %get3A_1637, %ge3A_1642 : vector<16xi32>
    %lt3A_1644 = arith.constant 512 : i32
    %lt3A_1645 = vector.broadcast %lt3A_1644 : i32 to vector<16xi32>
    %lt3A_1646 = arith.cmpi slt, %get3A_1637, %lt3A_1645 : vector<16xi32>
    %and3A_1647 = arith.andi %ge3A_1643, %lt3A_1646 : vector<16xi1>
    tpu.vector_store_idx %arg5[%get3A_1637, %add3A_1640], %broadcast_in_dim3A_6 masked %and3A_1647 : memref<512x128xf32, #tpu.memory_space<vmem>>[vector<16xi32>, vector<16xi32>], vector<16xf32>, vector<16xi1>
    %add3A_1648 = arith.constant 256 : i32
    %add3A_1649 = arith.addi %mul3A_2, %add3A_1648 : i32
    %dma_start3A_1650 = arith.constant 0 : i32
    %dma_start3A_1651 = tpu.memref_slice %arg3[%dma_start3A_1650, %add3A_1649] : memref<1000x16384xf32, #tpu.memory_space<hbm>> -> memref<512x128xf32, #tpu.memory_space<hbm>>
    %dma_start3A_1652 = arith.constant 0 : i32
    %dma_start3A_1653 = tpu.memref_slice %arg3[%dma_start3A_1652, %add3A_1649] : memref<1000x16384xf32, #tpu.memory_space<hbm>> -> memref<512x128xf32, #tpu.memory_space<hbm>>
    tpu.enqueue_dma source(%arg5 : memref<512x128xf32, #tpu.memory_space<vmem>>) target(%dma_start3A_1653 : memref<512x128xf32, #tpu.memory_space<hbm>>) target_semaphore(%arg7 : memref<!tpu.dma_semaphore, #tpu.memory_space<semaphore_mem>>)
    %add3A_1654 = arith.constant 128 : i32
    %add3A_1655 = arith.addi %mul3A_2, %add3A_1654 : i32
    %dma_wait3A_1656 = arith.constant 512 : i32
    %dma_wait3A_1657 = tpu.memref_slice %arg3[%dma_wait3A_1656, %add3A_1655] : memref<1000x16384xf32, #tpu.memory_space<hbm>> -> memref<488x128xf32, #tpu.memory_space<hbm>>
    %dma_wait3A_1658 = arith.constant 512 : i32
    %dma_wait3A_1659 = tpu.memref_slice %arg3[%dma_wait3A_1658, %add3A_1655] : memref<1000x16384xf32, #tpu.memory_space<hbm>> -> memref<488x128xf32, #tpu.memory_space<hbm>>
    tpu.wait_dma2 semaphore(%arg8 : memref<!tpu.dma_semaphore, #tpu.memory_space<semaphore_mem>>) src(%arg6 : memref<488x128xf32, #tpu.memory_space<vmem>>) dst(%dma_wait3A_1659 : memref<488x128xf32, #tpu.memory_space<hbm>>)
    %get3A_1660 = arith.constant 128 : index
    %get3A_1661 = tpu.vector_load %arg4[%get3A_1660] {strides = array<i32>} : memref<512xi32, #tpu.memory_space<vmem>>, vector<16xi32>,
    %add3A_1662 = arith.constant 0 : i32
    %add3A_1663 = vector.broadcast %add3A_1662 : i32 to vector<16xi32>
    %add3A_1664 = arith.addi %iota3A, %add3A_1663 : vector<16xi32>
    %sub3A_1665 = arith.constant 512 : i32
    %sub3A_1666 = vector.broadcast %sub3A_1665 : i32 to vector<16xi32>
    %sub3A_1667 = arith.subi %get3A_1661, %sub3A_1666 : vector<16xi32>
    %ge3A_1668 = arith.constant 0 : i32
    %ge3A_1669 = vector.broadcast %ge3A_1668 : i32 to vector<16xi32>
    %ge3A_1670 = arith.cmpi sge, %sub3A_1667, %ge3A_1669 : vector<16xi32>
    %lt3A_1671 = arith.constant 488 : i32
    %lt3A_1672 = vector.broadcast %lt3A_1671 : i32 to vector<16xi32>
    %lt3A_1673 = arith.cmpi slt, %sub3A_1667, %lt3A_1672 : vector<16xi32>
    %and3A_1674 = arith.andi %ge3A_1670, %lt3A_1673 : vector<16xi1>
    tpu.vector_store_idx %arg6[%sub3A_1667, %add3A_1664], %broadcast_in_dim3A_4 masked %and3A_1674 : memref<488x128xf32, #tpu.memory_space<vmem>>[vector<16xi32>, vector<16xi32>], vector<16xf32>, vector<16xi1>
    %get3A_1675 = arith.constant 144 : index
    %get3A_1676 = tpu.vector_load %arg4[%get3A_1675] {strides = array<i32>} : memref<512xi32, #tpu.memory_space<vmem>>, vector<16xi32>,
    %add3A_1677 = arith.constant 16 : i32
    %add3A_1678 = vector.broadcast %add3A_1677 : i32 to vector<16xi32>
    %add3A_1679 = arith.addi %iota3A, %add3A_1678 : vector<16xi32>
    %sub3A_1680 = arith.constant 512 : i32
    %sub3A_1681 = vector.broadcast %sub3A_1680 : i32 to vector<16xi32>
    %sub3A_1682 = arith.subi %get3A_1676, %sub3A_1681 : vector<16xi32>
    %ge3A_1683 = arith.constant 0 : i32
    %ge3A_1684 = vector.broadcast %ge3A_1683 : i32 to vector<16xi32>
    %ge3A_1685 = arith.cmpi sge, %sub3A_1682, %ge3A_1684 : vector<16xi32>
    %lt3A_1686 = arith.constant 488 : i32
    %lt3A_1687 = vector.broadcast %lt3A_1686 : i32 to vector<16xi32>
    %lt3A_1688 = arith.cmpi slt, %sub3A_1682, %lt3A_1687 : vector<16xi32>
    %and3A_1689 = arith.andi %ge3A_1685, %lt3A_1688 : vector<16xi1>
    tpu.vector_store_idx %arg6[%sub3A_1682, %add3A_1679], %broadcast_in_dim3A_4 masked %and3A_1689 : memref<488x128xf32, #tpu.memory_space<vmem>>[vector<16xi32>, vector<16xi32>], vector<16xf32>, vector<16xi1>
    %get3A_1690 = arith.constant 160 : index
    %get3A_1691 = tpu.vector_load %arg4[%get3A_1690] {strides = array<i32>} : memref<512xi32, #tpu.memory_space<vmem>>, vector<16xi32>,
    %add3A_1692 = arith.constant 32 : i32
    %add3A_1693 = vector.broadcast %add3A_1692 : i32 to vector<16xi32>
    %add3A_1694 = arith.addi %iota3A, %add3A_1693 : vector<16xi32>
    %sub3A_1695 = arith.constant 512 : i32
    %sub3A_1696 = vector.broadcast %sub3A_1695 : i32 to vector<16xi32>
    %sub3A_1697 = arith.subi %get3A_1691, %sub3A_1696 : vector<16xi32>
    %ge3A_1698 = arith.constant 0 : i32
    %ge3A_1699 = vector.broadcast %ge3A_1698 : i32 to vector<16xi32>
    %ge3A_1700 = arith.cmpi sge, %sub3A_1697, %ge3A_1699 : vector<16xi32>
    %lt3A_1701 = arith.constant 488 : i32
    %lt3A_1702 = vector.broadcast %lt3A_1701 : i32 to vector<16xi32>
    %lt3A_1703 = arith.cmpi slt, %sub3A_1697, %lt3A_1702 : vector<16xi32>
    %and3A_1704 = arith.andi %ge3A_1700, %lt3A_1703 : vector<16xi1>
    tpu.vector_store_idx %arg6[%sub3A_1697, %add3A_1694], %broadcast_in_dim3A_4 masked %and3A_1704 : memref<488x128xf32, #tpu.memory_space<vmem>>[vector<16xi32>, vector<16xi32>], vector<16xf32>, vector<16xi1>
    %get3A_1705 = arith.constant 176 : index
    %get3A_1706 = tpu.vector_load %arg4[%get3A_1705] {strides = array<i32>} : memref<512xi32, #tpu.memory_space<vmem>>, vector<16xi32>,
    %add3A_1707 = arith.constant 48 : i32
    %add3A_1708 = vector.broadcast %add3A_1707 : i32 to vector<16xi32>
    %add3A_1709 = arith.addi %iota3A, %add3A_1708 : vector<16xi32>
    %sub3A_1710 = arith.constant 512 : i32
    %sub3A_1711 = vector.broadcast %sub3A_1710 : i32 to vector<16xi32>
    %sub3A_1712 = arith.subi %get3A_1706, %sub3A_1711 : vector<16xi32>
    %ge3A_1713 = arith.constant 0 : i32
    %ge3A_1714 = vector.broadcast %ge3A_1713 : i32 to vector<16xi32>
    %ge3A_1715 = arith.cmpi sge, %sub3A_1712, %ge3A_1714 : vector<16xi32>
    %lt3A_1716 = arith.constant 488 : i32
    %lt3A_1717 = vector.broadcast %lt3A_1716 : i32 to vector<16xi32>
    %lt3A_1718 = arith.cmpi slt, %sub3A_1712, %lt3A_1717 : vector<16xi32>
    %and3A_1719 = arith.andi %ge3A_1715, %lt3A_1718 : vector<16xi1>
    tpu.vector_store_idx %arg6[%sub3A_1712, %add3A_1709], %broadcast_in_dim3A_4 masked %and3A_1719 : memref<488x128xf32, #tpu.memory_space<vmem>>[vector<16xi32>, vector<16xi32>], vector<16xf32>, vector<16xi1>
    %get3A_1720 = arith.constant 192 : index
    %get3A_1721 = tpu.vector_load %arg4[%get3A_1720] {strides = array<i32>} : memref<512xi32, #tpu.memory_space<vmem>>, vector<16xi32>,
    %add3A_1722 = arith.constant 64 : i32
    %add3A_1723 = vector.broadcast %add3A_1722 : i32 to vector<16xi32>
    %add3A_1724 = arith.addi %iota3A, %add3A_1723 : vector<16xi32>
    %sub3A_1725 = arith.constant 512 : i32
    %sub3A_1726 = vector.broadcast %sub3A_1725 : i32 to vector<16xi32>
    %sub3A_1727 = arith.subi %get3A_1721, %sub3A_1726 : vector<16xi32>
    %ge3A_1728 = arith.constant 0 : i32
    %ge3A_1729 = vector.broadcast %ge3A_1728 : i32 to vector<16xi32>
    %ge3A_1730 = arith.cmpi sge, %sub3A_1727, %ge3A_1729 : vector<16xi32>
    %lt3A_1731 = arith.constant 488 : i32
    %lt3A_1732 = vector.broadcast %lt3A_1731 : i32 to vector<16xi32>
    %lt3A_1733 = arith.cmpi slt, %sub3A_1727, %lt3A_1732 : vector<16xi32>
    %and3A_1734 = arith.andi %ge3A_1730, %lt3A_1733 : vector<16xi1>
    tpu.vector_store_idx %arg6[%sub3A_1727, %add3A_1724], %broadcast_in_dim3A_4 masked %and3A_1734 : memref<488x128xf32, #tpu.memory_space<vmem>>[vector<16xi32>, vector<16xi32>], vector<16xf32>, vector<16xi1>
    %get3A_1735 = arith.constant 208 : index
    %get3A_1736 = tpu.vector_load %arg4[%get3A_1735] {strides = array<i32>} : memref<512xi32, #tpu.memory_space<vmem>>, vector<16xi32>,
    %add3A_1737 = arith.constant 80 : i32
    %add3A_1738 = vector.broadcast %add3A_1737 : i32 to vector<16xi32>
    %add3A_1739 = arith.addi %iota3A, %add3A_1738 : vector<16xi32>
    %sub3A_1740 = arith.constant 512 : i32
    %sub3A_1741 = vector.broadcast %sub3A_1740 : i32 to vector<16xi32>
    %sub3A_1742 = arith.subi %get3A_1736, %sub3A_1741 : vector<16xi32>
    %ge3A_1743 = arith.constant 0 : i32
    %ge3A_1744 = vector.broadcast %ge3A_1743 : i32 to vector<16xi32>
    %ge3A_1745 = arith.cmpi sge, %sub3A_1742, %ge3A_1744 : vector<16xi32>
    %lt3A_1746 = arith.constant 488 : i32
    %lt3A_1747 = vector.broadcast %lt3A_1746 : i32 to vector<16xi32>
    %lt3A_1748 = arith.cmpi slt, %sub3A_1742, %lt3A_1747 : vector<16xi32>
    %and3A_1749 = arith.andi %ge3A_1745, %lt3A_1748 : vector<16xi1>
    tpu.vector_store_idx %arg6[%sub3A_1742, %add3A_1739], %broadcast_in_dim3A_4 masked %and3A_1749 : memref<488x128xf32, #tpu.memory_space<vmem>>[vector<16xi32>, vector<16xi32>], vector<16xf32>, vector<16xi1>
    %get3A_1750 = arith.constant 224 : index
    %get3A_1751 = tpu.vector_load %arg4[%get3A_1750] {strides = array<i32>} : memref<512xi32, #tpu.memory_space<vmem>>, vector<16xi32>,
    %add3A_1752 = arith.constant 96 : i32
    %add3A_1753 = vector.broadcast %add3A_1752 : i32 to vector<16xi32>
    %add3A_1754 = arith.addi %iota3A, %add3A_1753 : vector<16xi32>
    %sub3A_1755 = arith.constant 512 : i32
    %sub3A_1756 = vector.broadcast %sub3A_1755 : i32 to vector<16xi32>
    %sub3A_1757 = arith.subi %get3A_1751, %sub3A_1756 : vector<16xi32>
    %ge3A_1758 = arith.constant 0 : i32
    %ge3A_1759 = vector.broadcast %ge3A_1758 : i32 to vector<16xi32>
    %ge3A_1760 = arith.cmpi sge, %sub3A_1757, %ge3A_1759 : vector<16xi32>
    %lt3A_1761 = arith.constant 488 : i32
    %lt3A_1762 = vector.broadcast %lt3A_1761 : i32 to vector<16xi32>
    %lt3A_1763 = arith.cmpi slt, %sub3A_1757, %lt3A_1762 : vector<16xi32>
    %and3A_1764 = arith.andi %ge3A_1760, %lt3A_1763 : vector<16xi1>
    tpu.vector_store_idx %arg6[%sub3A_1757, %add3A_1754], %broadcast_in_dim3A_4 masked %and3A_1764 : memref<488x128xf32, #tpu.memory_space<vmem>>[vector<16xi32>, vector<16xi32>], vector<16xf32>, vector<16xi1>
    %get3A_1765 = arith.constant 240 : index
    %get3A_1766 = tpu.vector_load %arg4[%get3A_1765] {strides = array<i32>} : memref<512xi32, #tpu.memory_space<vmem>>, vector<16xi32>,
    %add3A_1767 = arith.constant 112 : i32
    %add3A_1768 = vector.broadcast %add3A_1767 : i32 to vector<16xi32>
    %add3A_1769 = arith.addi %iota3A, %add3A_1768 : vector<16xi32>
    %sub3A_1770 = arith.constant 512 : i32
    %sub3A_1771 = vector.broadcast %sub3A_1770 : i32 to vector<16xi32>
    %sub3A_1772 = arith.subi %get3A_1766, %sub3A_1771 : vector<16xi32>
    %ge3A_1773 = arith.constant 0 : i32
    %ge3A_1774 = vector.broadcast %ge3A_1773 : i32 to vector<16xi32>
    %ge3A_1775 = arith.cmpi sge, %sub3A_1772, %ge3A_1774 : vector<16xi32>
    %lt3A_1776 = arith.constant 488 : i32
    %lt3A_1777 = vector.broadcast %lt3A_1776 : i32 to vector<16xi32>
    %lt3A_1778 = arith.cmpi slt, %sub3A_1772, %lt3A_1777 : vector<16xi32>
    %and3A_1779 = arith.andi %ge3A_1775, %lt3A_1778 : vector<16xi1>
    tpu.vector_store_idx %arg6[%sub3A_1772, %add3A_1769], %broadcast_in_dim3A_4 masked %and3A_1779 : memref<488x128xf32, #tpu.memory_space<vmem>>[vector<16xi32>, vector<16xi32>], vector<16xf32>, vector<16xi1>
    %get3A_1780 = arith.constant 256 : index
    %get3A_1781 = tpu.vector_load %arg4[%get3A_1780] {strides = array<i32>} : memref<512xi32, #tpu.memory_space<vmem>>, vector<16xi32>,
    %add3A_1782 = arith.constant 0 : i32
    %add3A_1783 = vector.broadcast %add3A_1782 : i32 to vector<16xi32>
    %add3A_1784 = arith.addi %iota3A, %add3A_1783 : vector<16xi32>
    %sub3A_1785 = arith.constant 512 : i32
    %sub3A_1786 = vector.broadcast %sub3A_1785 : i32 to vector<16xi32>
    %sub3A_1787 = arith.subi %get3A_1781, %sub3A_1786 : vector<16xi32>
    %ge3A_1788 = arith.constant 0 : i32
    %ge3A_1789 = vector.broadcast %ge3A_1788 : i32 to vector<16xi32>
    %ge3A_1790 = arith.cmpi sge, %sub3A_1787, %ge3A_1789 : vector<16xi32>
    %lt3A_1791 = arith.constant 488 : i32
    %lt3A_1792 = vector.broadcast %lt3A_1791 : i32 to vector<16xi32>
    %lt3A_1793 = arith.cmpi slt, %sub3A_1787, %lt3A_1792 : vector<16xi32>
    %and3A_1794 = arith.andi %ge3A_1790, %lt3A_1793 : vector<16xi1>
    tpu.vector_store_idx %arg6[%sub3A_1787, %add3A_1784], %broadcast_in_dim3A_6 masked %and3A_1794 : memref<488x128xf32, #tpu.memory_space<vmem>>[vector<16xi32>, vector<16xi32>], vector<16xf32>, vector<16xi1>
    %get3A_1795 = arith.constant 272 : index
    %get3A_1796 = tpu.vector_load %arg4[%get3A_1795] {strides = array<i32>} : memref<512xi32, #tpu.memory_space<vmem>>, vector<16xi32>,
    %add3A_1797 = arith.constant 16 : i32
    %add3A_1798 = vector.broadcast %add3A_1797 : i32 to vector<16xi32>
    %add3A_1799 = arith.addi %iota3A, %add3A_1798 : vector<16xi32>
    %sub3A_1800 = arith.constant 512 : i32
    %sub3A_1801 = vector.broadcast %sub3A_1800 : i32 to vector<16xi32>
    %sub3A_1802 = arith.subi %get3A_1796, %sub3A_1801 : vector<16xi32>
    %ge3A_1803 = arith.constant 0 : i32
    %ge3A_1804 = vector.broadcast %ge3A_1803 : i32 to vector<16xi32>
    %ge3A_1805 = arith.cmpi sge, %sub3A_1802, %ge3A_1804 : vector<16xi32>
    %lt3A_1806 = arith.constant 488 : i32
    %lt3A_1807 = vector.broadcast %lt3A_1806 : i32 to vector<16xi32>
    %lt3A_1808 = arith.cmpi slt, %sub3A_1802, %lt3A_1807 : vector<16xi32>
    %and3A_1809 = arith.andi %ge3A_1805, %lt3A_1808 : vector<16xi1>
    tpu.vector_store_idx %arg6[%sub3A_1802, %add3A_1799], %broadcast_in_dim3A_6 masked %and3A_1809 : memref<488x128xf32, #tpu.memory_space<vmem>>[vector<16xi32>, vector<16xi32>], vector<16xf32>, vector<16xi1>
    %get3A_1810 = arith.constant 288 : index
    %get3A_1811 = tpu.vector_load %arg4[%get3A_1810] {strides = array<i32>} : memref<512xi32, #tpu.memory_space<vmem>>, vector<16xi32>,
    %add3A_1812 = arith.constant 32 : i32
    %add3A_1813 = vector.broadcast %add3A_1812 : i32 to vector<16xi32>
    %add3A_1814 = arith.addi %iota3A, %add3A_1813 : vector<16xi32>
    %sub3A_1815 = arith.constant 512 : i32
    %sub3A_1816 = vector.broadcast %sub3A_1815 : i32 to vector<16xi32>
    %sub3A_1817 = arith.subi %get3A_1811, %sub3A_1816 : vector<16xi32>
    %ge3A_1818 = arith.constant 0 : i32
    %ge3A_1819 = vector.broadcast %ge3A_1818 : i32 to vector<16xi32>
    %ge3A_1820 = arith.cmpi sge, %sub3A_1817, %ge3A_1819 : vector<16xi32>
    %lt3A_1821 = arith.constant 488 : i32
    %lt3A_1822 = vector.broadcast %lt3A_1821 : i32 to vector<16xi32>
    %lt3A_1823 = arith.cmpi slt, %sub3A_1817, %lt3A_1822 : vector<16xi32>
    %and3A_1824 = arith.andi %ge3A_1820, %lt3A_1823 : vector<16xi1>
    tpu.vector_store_idx %arg6[%sub3A_1817, %add3A_1814], %broadcast_in_dim3A_6 masked %and3A_1824 : memref<488x128xf32, #tpu.memory_space<vmem>>[vector<16xi32>, vector<16xi32>], vector<16xf32>, vector<16xi1>
    %get3A_1825 = arith.constant 304 : index
    %get3A_1826 = tpu.vector_load %arg4[%get3A_1825] {strides = array<i32>} : memref<512xi32, #tpu.memory_space<vmem>>, vector<16xi32>,
    %add3A_1827 = arith.constant 48 : i32
    %add3A_1828 = vector.broadcast %add3A_1827 : i32 to vector<16xi32>
    %add3A_1829 = arith.addi %iota3A, %add3A_1828 : vector<16xi32>
    %sub3A_1830 = arith.constant 512 : i32
    %sub3A_1831 = vector.broadcast %sub3A_1830 : i32 to vector<16xi32>
    %sub3A_1832 = arith.subi %get3A_1826, %sub3A_1831 : vector<16xi32>
    %ge3A_1833 = arith.constant 0 : i32
    %ge3A_1834 = vector.broadcast %ge3A_1833 : i32 to vector<16xi32>
    %ge3A_1835 = arith.cmpi sge, %sub3A_1832, %ge3A_1834 : vector<16xi32>
    %lt3A_1836 = arith.constant 488 : i32
    %lt3A_1837 = vector.broadcast %lt3A_1836 : i32 to vector<16xi32>
    %lt3A_1838 = arith.cmpi slt, %sub3A_1832, %lt3A_1837 : vector<16xi32>
    %and3A_1839 = arith.andi %ge3A_1835, %lt3A_1838 : vector<16xi1>
    tpu.vector_store_idx %arg6[%sub3A_1832, %add3A_1829], %broadcast_in_dim3A_6 masked %and3A_1839 : memref<488x128xf32, #tpu.memory_space<vmem>>[vector<16xi32>, vector<16xi32>], vector<16xf32>, vector<16xi1>
    %get3A_1840 = arith.constant 320 : index
    %get3A_1841 = tpu.vector_load %arg4[%get3A_1840] {strides = array<i32>} : memref<512xi32, #tpu.memory_space<vmem>>, vector<16xi32>,
    %add3A_1842 = arith.constant 64 : i32
    %add3A_1843 = vector.broadcast %add3A_1842 : i32 to vector<16xi32>
    %add3A_1844 = arith.addi %iota3A, %add3A_1843 : vector<16xi32>
    %sub3A_1845 = arith.constant 512 : i32
    %sub3A_1846 = vector.broadcast %sub3A_1845 : i32 to vector<16xi32>
    %sub3A_1847 = arith.subi %get3A_1841, %sub3A_1846 : vector<16xi32>
    %ge3A_1848 = arith.constant 0 : i32
    %ge3A_1849 = vector.broadcast %ge3A_1848 : i32 to vector<16xi32>
    %ge3A_1850 = arith.cmpi sge, %sub3A_1847, %ge3A_1849 : vector<16xi32>
    %lt3A_1851 = arith.constant 488 : i32
    %lt3A_1852 = vector.broadcast %lt3A_1851 : i32 to vector<16xi32>
    %lt3A_1853 = arith.cmpi slt, %sub3A_1847, %lt3A_1852 : vector<16xi32>
    %and3A_1854 = arith.andi %ge3A_1850, %lt3A_1853 : vector<16xi1>
    tpu.vector_store_idx %arg6[%sub3A_1847, %add3A_1844], %broadcast_in_dim3A_6 masked %and3A_1854 : memref<488x128xf32, #tpu.memory_space<vmem>>[vector<16xi32>, vector<16xi32>], vector<16xf32>, vector<16xi1>
    %get3A_1855 = arith.constant 336 : index
    %get3A_1856 = tpu.vector_load %arg4[%get3A_1855] {strides = array<i32>} : memref<512xi32, #tpu.memory_space<vmem>>, vector<16xi32>,
    %add3A_1857 = arith.constant 80 : i32
    %add3A_1858 = vector.broadcast %add3A_1857 : i32 to vector<16xi32>
    %add3A_1859 = arith.addi %iota3A, %add3A_1858 : vector<16xi32>
    %sub3A_1860 = arith.constant 512 : i32
    %sub3A_1861 = vector.broadcast %sub3A_1860 : i32 to vector<16xi32>
    %sub3A_1862 = arith.subi %get3A_1856, %sub3A_1861 : vector<16xi32>
    %ge3A_1863 = arith.constant 0 : i32
    %ge3A_1864 = vector.broadcast %ge3A_1863 : i32 to vector<16xi32>
    %ge3A_1865 = arith.cmpi sge, %sub3A_1862, %ge3A_1864 : vector<16xi32>
    %lt3A_1866 = arith.constant 488 : i32
    %lt3A_1867 = vector.broadcast %lt3A_1866 : i32 to vector<16xi32>
    %lt3A_1868 = arith.cmpi slt, %sub3A_1862, %lt3A_1867 : vector<16xi32>
    %and3A_1869 = arith.andi %ge3A_1865, %lt3A_1868 : vector<16xi1>
    tpu.vector_store_idx %arg6[%sub3A_1862, %add3A_1859], %broadcast_in_dim3A_6 masked %and3A_1869 : memref<488x128xf32, #tpu.memory_space<vmem>>[vector<16xi32>, vector<16xi32>], vector<16xf32>, vector<16xi1>
    %get3A_1870 = arith.constant 352 : index
    %get3A_1871 = tpu.vector_load %arg4[%get3A_1870] {strides = array<i32>} : memref<512xi32, #tpu.memory_space<vmem>>, vector<16xi32>,
    %add3A_1872 = arith.constant 96 : i32
    %add3A_1873 = vector.broadcast %add3A_1872 : i32 to vector<16xi32>
    %add3A_1874 = arith.addi %iota3A, %add3A_1873 : vector<16xi32>
    %sub3A_1875 = arith.constant 512 : i32
    %sub3A_1876 = vector.broadcast %sub3A_1875 : i32 to vector<16xi32>
    %sub3A_1877 = arith.subi %get3A_1871, %sub3A_1876 : vector<16xi32>
    %ge3A_1878 = arith.constant 0 : i32
    %ge3A_1879 = vector.broadcast %ge3A_1878 : i32 to vector<16xi32>
    %ge3A_1880 = arith.cmpi sge, %sub3A_1877, %ge3A_1879 : vector<16xi32>
    %lt3A_1881 = arith.constant 488 : i32
    %lt3A_1882 = vector.broadcast %lt3A_1881 : i32 to vector<16xi32>
    %lt3A_1883 = arith.cmpi slt, %sub3A_1877, %lt3A_1882 : vector<16xi32>
    %and3A_1884 = arith.andi %ge3A_1880, %lt3A_1883 : vector<16xi1>
    tpu.vector_store_idx %arg6[%sub3A_1877, %add3A_1874], %broadcast_in_dim3A_6 masked %and3A_1884 : memref<488x128xf32, #tpu.memory_space<vmem>>[vector<16xi32>, vector<16xi32>], vector<16xf32>, vector<16xi1>
    %get3A_1885 = arith.constant 368 : index
    %get3A_1886 = tpu.vector_load %arg4[%get3A_1885] {strides = array<i32>} : memref<512xi32, #tpu.memory_space<vmem>>, vector<16xi32>,
    %add3A_1887 = arith.constant 112 : i32
    %add3A_1888 = vector.broadcast %add3A_1887 : i32 to vector<16xi32>
    %add3A_1889 = arith.addi %iota3A, %add3A_1888 : vector<16xi32>
    %sub3A_1890 = arith.constant 512 : i32
    %sub3A_1891 = vector.broadcast %sub3A_1890 : i32 to vector<16xi32>
    %sub3A_1892 = arith.subi %get3A_1886, %sub3A_1891 : vector<16xi32>
    %ge3A_1893 = arith.constant 0 : i32
    %ge3A_1894 = vector.broadcast %ge3A_1893 : i32 to vector<16xi32>
    %ge3A_1895 = arith.cmpi sge, %sub3A_1892, %ge3A_1894 : vector<16xi32>
    %lt3A_1896 = arith.constant 488 : i32
    %lt3A_1897 = vector.broadcast %lt3A_1896 : i32 to vector<16xi32>
    %lt3A_1898 = arith.cmpi slt, %sub3A_1892, %lt3A_1897 : vector<16xi32>
    %and3A_1899 = arith.andi %ge3A_1895, %lt3A_1898 : vector<16xi1>
    tpu.vector_store_idx %arg6[%sub3A_1892, %add3A_1889], %broadcast_in_dim3A_6 masked %and3A_1899 : memref<488x128xf32, #tpu.memory_space<vmem>>[vector<16xi32>, vector<16xi32>], vector<16xf32>, vector<16xi1>
    %add3A_1900 = arith.constant 256 : i32
    %add3A_1901 = arith.addi %mul3A_2, %add3A_1900 : i32
    %dma_start3A_1902 = arith.constant 512 : i32
    %dma_start3A_1903 = tpu.memref_slice %arg3[%dma_start3A_1902, %add3A_1901] : memref<1000x16384xf32, #tpu.memory_space<hbm>> -> memref<488x128xf32, #tpu.memory_space<hbm>>
    %dma_start3A_1904 = arith.constant 512 : i32
    %dma_start3A_1905 = tpu.memref_slice %arg3[%dma_start3A_1904, %add3A_1901] : memref<1000x16384xf32, #tpu.memory_space<hbm>> -> memref<488x128xf32, #tpu.memory_space<hbm>>
    tpu.enqueue_dma source(%arg6 : memref<488x128xf32, #tpu.memory_space<vmem>>) target(%dma_start3A_1905 : memref<488x128xf32, #tpu.memory_space<hbm>>) target_semaphore(%arg8 : memref<!tpu.dma_semaphore, #tpu.memory_space<semaphore_mem>>)
    %add3A_1906 = arith.constant 256 : i32
    %add3A_1907 = arith.addi %mul3A_2, %add3A_1906 : i32
    %dma_wait3A_1908 = arith.constant 0 : i32
    %dma_wait3A_1909 = tpu.memref_slice %arg3[%dma_wait3A_1908, %add3A_1907] : memref<1000x16384xf32, #tpu.memory_space<hbm>> -> memref<512x128xf32, #tpu.memory_space<hbm>>
    %dma_wait3A_1910 = arith.constant 0 : i32
    %dma_wait3A_1911 = tpu.memref_slice %arg3[%dma_wait3A_1910, %add3A_1907] : memref<1000x16384xf32, #tpu.memory_space<hbm>> -> memref<512x128xf32, #tpu.memory_space<hbm>>
    tpu.wait_dma2 semaphore(%arg7 : memref<!tpu.dma_semaphore, #tpu.memory_space<semaphore_mem>>) src(%arg5 : memref<512x128xf32, #tpu.memory_space<vmem>>) dst(%dma_wait3A_1911 : memref<512x128xf32, #tpu.memory_space<hbm>>)
    %get3A_1912 = arith.constant 256 : index
    %get3A_1913 = tpu.vector_load %arg4[%get3A_1912] {strides = array<i32>} : memref<512xi32, #tpu.memory_space<vmem>>, vector<16xi32>,
    %add3A_1914 = arith.constant 0 : i32
    %add3A_1915 = vector.broadcast %add3A_1914 : i32 to vector<16xi32>
    %add3A_1916 = arith.addi %iota3A, %add3A_1915 : vector<16xi32>
    %ge3A_1917 = arith.constant 0 : i32
    %ge3A_1918 = vector.broadcast %ge3A_1917 : i32 to vector<16xi32>
    %ge3A_1919 = arith.cmpi sge, %get3A_1913, %ge3A_1918 : vector<16xi32>
    %lt3A_1920 = arith.constant 512 : i32
    %lt3A_1921 = vector.broadcast %lt3A_1920 : i32 to vector<16xi32>
    %lt3A_1922 = arith.cmpi slt, %get3A_1913, %lt3A_1921 : vector<16xi32>
    %and3A_1923 = arith.andi %ge3A_1919, %lt3A_1922 : vector<16xi1>
    tpu.vector_store_idx %arg5[%get3A_1913, %add3A_1916], %broadcast_in_dim3A_4 masked %and3A_1923 : memref<512x128xf32, #tpu.memory_space<vmem>>[vector<16xi32>, vector<16xi32>], vector<16xf32>, vector<16xi1>
    %get3A_1924 = arith.constant 272 : index
    %get3A_1925 = tpu.vector_load %arg4[%get3A_1924] {strides = array<i32>} : memref<512xi32, #tpu.memory_space<vmem>>, vector<16xi32>,
    %add3A_1926 = arith.constant 16 : i32
    %add3A_1927 = vector.broadcast %add3A_1926 : i32 to vector<16xi32>
    %add3A_1928 = arith.addi %iota3A, %add3A_1927 : vector<16xi32>
    %ge3A_1929 = arith.constant 0 : i32
    %ge3A_1930 = vector.broadcast %ge3A_1929 : i32 to vector<16xi32>
    %ge3A_1931 = arith.cmpi sge, %get3A_1925, %ge3A_1930 : vector<16xi32>
    %lt3A_1932 = arith.constant 512 : i32
    %lt3A_1933 = vector.broadcast %lt3A_1932 : i32 to vector<16xi32>
    %lt3A_1934 = arith.cmpi slt, %get3A_1925, %lt3A_1933 : vector<16xi32>
    %and3A_1935 = arith.andi %ge3A_1931, %lt3A_1934 : vector<16xi1>
    tpu.vector_store_idx %arg5[%get3A_1925, %add3A_1928], %broadcast_in_dim3A_4 masked %and3A_1935 : memref<512x128xf32, #tpu.memory_space<vmem>>[vector<16xi32>, vector<16xi32>], vector<16xf32>, vector<16xi1>
    %get3A_1936 = arith.constant 288 : index
    %get3A_1937 = tpu.vector_load %arg4[%get3A_1936] {strides = array<i32>} : memref<512xi32, #tpu.memory_space<vmem>>, vector<16xi32>,
    %add3A_1938 = arith.constant 32 : i32
    %add3A_1939 = vector.broadcast %add3A_1938 : i32 to vector<16xi32>
    %add3A_1940 = arith.addi %iota3A, %add3A_1939 : vector<16xi32>
    %ge3A_1941 = arith.constant 0 : i32
    %ge3A_1942 = vector.broadcast %ge3A_1941 : i32 to vector<16xi32>
    %ge3A_1943 = arith.cmpi sge, %get3A_1937, %ge3A_1942 : vector<16xi32>
    %lt3A_1944 = arith.constant 512 : i32
    %lt3A_1945 = vector.broadcast %lt3A_1944 : i32 to vector<16xi32>
    %lt3A_1946 = arith.cmpi slt, %get3A_1937, %lt3A_1945 : vector<16xi32>
    %and3A_1947 = arith.andi %ge3A_1943, %lt3A_1946 : vector<16xi1>
    tpu.vector_store_idx %arg5[%get3A_1937, %add3A_1940], %broadcast_in_dim3A_4 masked %and3A_1947 : memref<512x128xf32, #tpu.memory_space<vmem>>[vector<16xi32>, vector<16xi32>], vector<16xf32>, vector<16xi1>
    %get3A_1948 = arith.constant 304 : index
    %get3A_1949 = tpu.vector_load %arg4[%get3A_1948] {strides = array<i32>} : memref<512xi32, #tpu.memory_space<vmem>>, vector<16xi32>,
    %add3A_1950 = arith.constant 48 : i32
    %add3A_1951 = vector.broadcast %add3A_1950 : i32 to vector<16xi32>
    %add3A_1952 = arith.addi %iota3A, %add3A_1951 : vector<16xi32>
    %ge3A_1953 = arith.constant 0 : i32
    %ge3A_1954 = vector.broadcast %ge3A_1953 : i32 to vector<16xi32>
    %ge3A_1955 = arith.cmpi sge, %get3A_1949, %ge3A_1954 : vector<16xi32>
    %lt3A_1956 = arith.constant 512 : i32
    %lt3A_1957 = vector.broadcast %lt3A_1956 : i32 to vector<16xi32>
    %lt3A_1958 = arith.cmpi slt, %get3A_1949, %lt3A_1957 : vector<16xi32>
    %and3A_1959 = arith.andi %ge3A_1955, %lt3A_1958 : vector<16xi1>
    tpu.vector_store_idx %arg5[%get3A_1949, %add3A_1952], %broadcast_in_dim3A_4 masked %and3A_1959 : memref<512x128xf32, #tpu.memory_space<vmem>>[vector<16xi32>, vector<16xi32>], vector<16xf32>, vector<16xi1>
    %get3A_1960 = arith.constant 320 : index
    %get3A_1961 = tpu.vector_load %arg4[%get3A_1960] {strides = array<i32>} : memref<512xi32, #tpu.memory_space<vmem>>, vector<16xi32>,
    %add3A_1962 = arith.constant 64 : i32
    %add3A_1963 = vector.broadcast %add3A_1962 : i32 to vector<16xi32>
    %add3A_1964 = arith.addi %iota3A, %add3A_1963 : vector<16xi32>
    %ge3A_1965 = arith.constant 0 : i32
    %ge3A_1966 = vector.broadcast %ge3A_1965 : i32 to vector<16xi32>
    %ge3A_1967 = arith.cmpi sge, %get3A_1961, %ge3A_1966 : vector<16xi32>
    %lt3A_1968 = arith.constant 512 : i32
    %lt3A_1969 = vector.broadcast %lt3A_1968 : i32 to vector<16xi32>
    %lt3A_1970 = arith.cmpi slt, %get3A_1961, %lt3A_1969 : vector<16xi32>
    %and3A_1971 = arith.andi %ge3A_1967, %lt3A_1970 : vector<16xi1>
    tpu.vector_store_idx %arg5[%get3A_1961, %add3A_1964], %broadcast_in_dim3A_4 masked %and3A_1971 : memref<512x128xf32, #tpu.memory_space<vmem>>[vector<16xi32>, vector<16xi32>], vector<16xf32>, vector<16xi1>
    %get3A_1972 = arith.constant 336 : index
    %get3A_1973 = tpu.vector_load %arg4[%get3A_1972] {strides = array<i32>} : memref<512xi32, #tpu.memory_space<vmem>>, vector<16xi32>,
    %add3A_1974 = arith.constant 80 : i32
    %add3A_1975 = vector.broadcast %add3A_1974 : i32 to vector<16xi32>
    %add3A_1976 = arith.addi %iota3A, %add3A_1975 : vector<16xi32>
    %ge3A_1977 = arith.constant 0 : i32
    %ge3A_1978 = vector.broadcast %ge3A_1977 : i32 to vector<16xi32>
    %ge3A_1979 = arith.cmpi sge, %get3A_1973, %ge3A_1978 : vector<16xi32>
    %lt3A_1980 = arith.constant 512 : i32
    %lt3A_1981 = vector.broadcast %lt3A_1980 : i32 to vector<16xi32>
    %lt3A_1982 = arith.cmpi slt, %get3A_1973, %lt3A_1981 : vector<16xi32>
    %and3A_1983 = arith.andi %ge3A_1979, %lt3A_1982 : vector<16xi1>
    tpu.vector_store_idx %arg5[%get3A_1973, %add3A_1976], %broadcast_in_dim3A_4 masked %and3A_1983 : memref<512x128xf32, #tpu.memory_space<vmem>>[vector<16xi32>, vector<16xi32>], vector<16xf32>, vector<16xi1>
    %get3A_1984 = arith.constant 352 : index
    %get3A_1985 = tpu.vector_load %arg4[%get3A_1984] {strides = array<i32>} : memref<512xi32, #tpu.memory_space<vmem>>, vector<16xi32>,
    %add3A_1986 = arith.constant 96 : i32
    %add3A_1987 = vector.broadcast %add3A_1986 : i32 to vector<16xi32>
    %add3A_1988 = arith.addi %iota3A, %add3A_1987 : vector<16xi32>
    %ge3A_1989 = arith.constant 0 : i32
    %ge3A_1990 = vector.broadcast %ge3A_1989 : i32 to vector<16xi32>
    %ge3A_1991 = arith.cmpi sge, %get3A_1985, %ge3A_1990 : vector<16xi32>
    %lt3A_1992 = arith.constant 512 : i32
    %lt3A_1993 = vector.broadcast %lt3A_1992 : i32 to vector<16xi32>
    %lt3A_1994 = arith.cmpi slt, %get3A_1985, %lt3A_1993 : vector<16xi32>
    %and3A_1995 = arith.andi %ge3A_1991, %lt3A_1994 : vector<16xi1>
    tpu.vector_store_idx %arg5[%get3A_1985, %add3A_1988], %broadcast_in_dim3A_4 masked %and3A_1995 : memref<512x128xf32, #tpu.memory_space<vmem>>[vector<16xi32>, vector<16xi32>], vector<16xf32>, vector<16xi1>
    %get3A_1996 = arith.constant 368 : index
    %get3A_1997 = tpu.vector_load %arg4[%get3A_1996] {strides = array<i32>} : memref<512xi32, #tpu.memory_space<vmem>>, vector<16xi32>,
    %add3A_1998 = arith.constant 112 : i32
    %add3A_1999 = vector.broadcast %add3A_1998 : i32 to vector<16xi32>
    %add3A_2000 = arith.addi %iota3A, %add3A_1999 : vector<16xi32>
    %ge3A_2001 = arith.constant 0 : i32
    %ge3A_2002 = vector.broadcast %ge3A_2001 : i32 to vector<16xi32>
    %ge3A_2003 = arith.cmpi sge, %get3A_1997, %ge3A_2002 : vector<16xi32>
    %lt3A_2004 = arith.constant 512 : i32
    %lt3A_2005 = vector.broadcast %lt3A_2004 : i32 to vector<16xi32>
    %lt3A_2006 = arith.cmpi slt, %get3A_1997, %lt3A_2005 : vector<16xi32>
    %and3A_2007 = arith.andi %ge3A_2003, %lt3A_2006 : vector<16xi1>
    tpu.vector_store_idx %arg5[%get3A_1997, %add3A_2000], %broadcast_in_dim3A_4 masked %and3A_2007 : memref<512x128xf32, #tpu.memory_space<vmem>>[vector<16xi32>, vector<16xi32>], vector<16xf32>, vector<16xi1>
    %get3A_2008 = arith.constant 384 : index
    %get3A_2009 = tpu.vector_load %arg4[%get3A_2008] {strides = array<i32>} : memref<512xi32, #tpu.memory_space<vmem>>, vector<16xi32>,
    %add3A_2010 = arith.constant 0 : i32
    %add3A_2011 = vector.broadcast %add3A_2010 : i32 to vector<16xi32>
    %add3A_2012 = arith.addi %iota3A, %add3A_2011 : vector<16xi32>
    %ge3A_2013 = arith.constant 0 : i32
    %ge3A_2014 = vector.broadcast %ge3A_2013 : i32 to vector<16xi32>
    %ge3A_2015 = arith.cmpi sge, %get3A_2009, %ge3A_2014 : vector<16xi32>
    %lt3A_2016 = arith.constant 512 : i32
    %lt3A_2017 = vector.broadcast %lt3A_2016 : i32 to vector<16xi32>
    %lt3A_2018 = arith.cmpi slt, %get3A_2009, %lt3A_2017 : vector<16xi32>
    %and3A_2019 = arith.andi %ge3A_2015, %lt3A_2018 : vector<16xi1>
    tpu.vector_store_idx %arg5[%get3A_2009, %add3A_2012], %broadcast_in_dim3A_6 masked %and3A_2019 : memref<512x128xf32, #tpu.memory_space<vmem>>[vector<16xi32>, vector<16xi32>], vector<16xf32>, vector<16xi1>
    %get3A_2020 = arith.constant 400 : index
    %get3A_2021 = tpu.vector_load %arg4[%get3A_2020] {strides = array<i32>} : memref<512xi32, #tpu.memory_space<vmem>>, vector<16xi32>,
    %add3A_2022 = arith.constant 16 : i32
    %add3A_2023 = vector.broadcast %add3A_2022 : i32 to vector<16xi32>
    %add3A_2024 = arith.addi %iota3A, %add3A_2023 : vector<16xi32>
    %ge3A_2025 = arith.constant 0 : i32
    %ge3A_2026 = vector.broadcast %ge3A_2025 : i32 to vector<16xi32>
    %ge3A_2027 = arith.cmpi sge, %get3A_2021, %ge3A_2026 : vector<16xi32>
    %lt3A_2028 = arith.constant 512 : i32
    %lt3A_2029 = vector.broadcast %lt3A_2028 : i32 to vector<16xi32>
    %lt3A_2030 = arith.cmpi slt, %get3A_2021, %lt3A_2029 : vector<16xi32>
    %and3A_2031 = arith.andi %ge3A_2027, %lt3A_2030 : vector<16xi1>
    tpu.vector_store_idx %arg5[%get3A_2021, %add3A_2024], %broadcast_in_dim3A_6 masked %and3A_2031 : memref<512x128xf32, #tpu.memory_space<vmem>>[vector<16xi32>, vector<16xi32>], vector<16xf32>, vector<16xi1>
    %get3A_2032 = arith.constant 416 : index
    %get3A_2033 = tpu.vector_load %arg4[%get3A_2032] {strides = array<i32>} : memref<512xi32, #tpu.memory_space<vmem>>, vector<16xi32>,
    %add3A_2034 = arith.constant 32 : i32
    %add3A_2035 = vector.broadcast %add3A_2034 : i32 to vector<16xi32>
    %add3A_2036 = arith.addi %iota3A, %add3A_2035 : vector<16xi32>
    %ge3A_2037 = arith.constant 0 : i32
    %ge3A_2038 = vector.broadcast %ge3A_2037 : i32 to vector<16xi32>
    %ge3A_2039 = arith.cmpi sge, %get3A_2033, %ge3A_2038 : vector<16xi32>
    %lt3A_2040 = arith.constant 512 : i32
    %lt3A_2041 = vector.broadcast %lt3A_2040 : i32 to vector<16xi32>
    %lt3A_2042 = arith.cmpi slt, %get3A_2033, %lt3A_2041 : vector<16xi32>
    %and3A_2043 = arith.andi %ge3A_2039, %lt3A_2042 : vector<16xi1>
    tpu.vector_store_idx %arg5[%get3A_2033, %add3A_2036], %broadcast_in_dim3A_6 masked %and3A_2043 : memref<512x128xf32, #tpu.memory_space<vmem>>[vector<16xi32>, vector<16xi32>], vector<16xf32>, vector<16xi1>
    %get3A_2044 = arith.constant 432 : index
    %get3A_2045 = tpu.vector_load %arg4[%get3A_2044] {strides = array<i32>} : memref<512xi32, #tpu.memory_space<vmem>>, vector<16xi32>,
    %add3A_2046 = arith.constant 48 : i32
    %add3A_2047 = vector.broadcast %add3A_2046 : i32 to vector<16xi32>
    %add3A_2048 = arith.addi %iota3A, %add3A_2047 : vector<16xi32>
    %ge3A_2049 = arith.constant 0 : i32
    %ge3A_2050 = vector.broadcast %ge3A_2049 : i32 to vector<16xi32>
    %ge3A_2051 = arith.cmpi sge, %get3A_2045, %ge3A_2050 : vector<16xi32>
    %lt3A_2052 = arith.constant 512 : i32
    %lt3A_2053 = vector.broadcast %lt3A_2052 : i32 to vector<16xi32>
    %lt3A_2054 = arith.cmpi slt, %get3A_2045, %lt3A_2053 : vector<16xi32>
    %and3A_2055 = arith.andi %ge3A_2051, %lt3A_2054 : vector<16xi1>
    tpu.vector_store_idx %arg5[%get3A_2045, %add3A_2048], %broadcast_in_dim3A_6 masked %and3A_2055 : memref<512x128xf32, #tpu.memory_space<vmem>>[vector<16xi32>, vector<16xi32>], vector<16xf32>, vector<16xi1>
    %get3A_2056 = arith.constant 448 : index
    %get3A_2057 = tpu.vector_load %arg4[%get3A_2056] {strides = array<i32>} : memref<512xi32, #tpu.memory_space<vmem>>, vector<16xi32>,
    %add3A_2058 = arith.constant 64 : i32
    %add3A_2059 = vector.broadcast %add3A_2058 : i32 to vector<16xi32>
    %add3A_2060 = arith.addi %iota3A, %add3A_2059 : vector<16xi32>
    %ge3A_2061 = arith.constant 0 : i32
    %ge3A_2062 = vector.broadcast %ge3A_2061 : i32 to vector<16xi32>
    %ge3A_2063 = arith.cmpi sge, %get3A_2057, %ge3A_2062 : vector<16xi32>
    %lt3A_2064 = arith.constant 512 : i32
    %lt3A_2065 = vector.broadcast %lt3A_2064 : i32 to vector<16xi32>
    %lt3A_2066 = arith.cmpi slt, %get3A_2057, %lt3A_2065 : vector<16xi32>
    %and3A_2067 = arith.andi %ge3A_2063, %lt3A_2066 : vector<16xi1>
    tpu.vector_store_idx %arg5[%get3A_2057, %add3A_2060], %broadcast_in_dim3A_6 masked %and3A_2067 : memref<512x128xf32, #tpu.memory_space<vmem>>[vector<16xi32>, vector<16xi32>], vector<16xf32>, vector<16xi1>
    %get3A_2068 = arith.constant 464 : index
    %get3A_2069 = tpu.vector_load %arg4[%get3A_2068] {strides = array<i32>} : memref<512xi32, #tpu.memory_space<vmem>>, vector<16xi32>,
    %add3A_2070 = arith.constant 80 : i32
    %add3A_2071 = vector.broadcast %add3A_2070 : i32 to vector<16xi32>
    %add3A_2072 = arith.addi %iota3A, %add3A_2071 : vector<16xi32>
    %ge3A_2073 = arith.constant 0 : i32
    %ge3A_2074 = vector.broadcast %ge3A_2073 : i32 to vector<16xi32>
    %ge3A_2075 = arith.cmpi sge, %get3A_2069, %ge3A_2074 : vector<16xi32>
    %lt3A_2076 = arith.constant 512 : i32
    %lt3A_2077 = vector.broadcast %lt3A_2076 : i32 to vector<16xi32>
    %lt3A_2078 = arith.cmpi slt, %get3A_2069, %lt3A_2077 : vector<16xi32>
    %and3A_2079 = arith.andi %ge3A_2075, %lt3A_2078 : vector<16xi1>
    tpu.vector_store_idx %arg5[%get3A_2069, %add3A_2072], %broadcast_in_dim3A_6 masked %and3A_2079 : memref<512x128xf32, #tpu.memory_space<vmem>>[vector<16xi32>, vector<16xi32>], vector<16xf32>, vector<16xi1>
    %get3A_2080 = arith.constant 480 : index
    %get3A_2081 = tpu.vector_load %arg4[%get3A_2080] {strides = array<i32>} : memref<512xi32, #tpu.memory_space<vmem>>, vector<16xi32>,
    %add3A_2082 = arith.constant 96 : i32
    %add3A_2083 = vector.broadcast %add3A_2082 : i32 to vector<16xi32>
    %add3A_2084 = arith.addi %iota3A, %add3A_2083 : vector<16xi32>
    %ge3A_2085 = arith.constant 0 : i32
    %ge3A_2086 = vector.broadcast %ge3A_2085 : i32 to vector<16xi32>
    %ge3A_2087 = arith.cmpi sge, %get3A_2081, %ge3A_2086 : vector<16xi32>
    %lt3A_2088 = arith.constant 512 : i32
    %lt3A_2089 = vector.broadcast %lt3A_2088 : i32 to vector<16xi32>
    %lt3A_2090 = arith.cmpi slt, %get3A_2081, %lt3A_2089 : vector<16xi32>
    %and3A_2091 = arith.andi %ge3A_2087, %lt3A_2090 : vector<16xi1>
    tpu.vector_store_idx %arg5[%get3A_2081, %add3A_2084], %broadcast_in_dim3A_6 masked %and3A_2091 : memref<512x128xf32, #tpu.memory_space<vmem>>[vector<16xi32>, vector<16xi32>], vector<16xf32>, vector<16xi1>
    %get3A_2092 = arith.constant 496 : index
    %get3A_2093 = tpu.vector_load %arg4[%get3A_2092] {strides = array<i32>} : memref<512xi32, #tpu.memory_space<vmem>>, vector<16xi32>,
    %add3A_2094 = arith.constant 112 : i32
    %add3A_2095 = vector.broadcast %add3A_2094 : i32 to vector<16xi32>
    %add3A_2096 = arith.addi %iota3A, %add3A_2095 : vector<16xi32>
    %ge3A_2097 = arith.constant 0 : i32
    %ge3A_2098 = vector.broadcast %ge3A_2097 : i32 to vector<16xi32>
    %ge3A_2099 = arith.cmpi sge, %get3A_2093, %ge3A_2098 : vector<16xi32>
    %lt3A_2100 = arith.constant 512 : i32
    %lt3A_2101 = vector.broadcast %lt3A_2100 : i32 to vector<16xi32>
    %lt3A_2102 = arith.cmpi slt, %get3A_2093, %lt3A_2101 : vector<16xi32>
    %and3A_2103 = arith.andi %ge3A_2099, %lt3A_2102 : vector<16xi1>
    tpu.vector_store_idx %arg5[%get3A_2093, %add3A_2096], %broadcast_in_dim3A_6 masked %and3A_2103 : memref<512x128xf32, #tpu.memory_space<vmem>>[vector<16xi32>, vector<16xi32>], vector<16xf32>, vector<16xi1>
    %add3A_2104 = arith.constant 384 : i32
    %add3A_2105 = arith.addi %mul3A_2, %add3A_2104 : i32
    %dma_start3A_2106 = arith.constant 0 : i32
    %dma_start3A_2107 = tpu.memref_slice %arg3[%dma_start3A_2106, %add3A_2105] : memref<1000x16384xf32, #tpu.memory_space<hbm>> -> memref<512x128xf32, #tpu.memory_space<hbm>>
    %dma_start3A_2108 = arith.constant 0 : i32
    %dma_start3A_2109 = tpu.memref_slice %arg3[%dma_start3A_2108, %add3A_2105] : memref<1000x16384xf32, #tpu.memory_space<hbm>> -> memref<512x128xf32, #tpu.memory_space<hbm>>
    tpu.enqueue_dma source(%arg5 : memref<512x128xf32, #tpu.memory_space<vmem>>) target(%dma_start3A_2109 : memref<512x128xf32, #tpu.memory_space<hbm>>) target_semaphore(%arg7 : memref<!tpu.dma_semaphore, #tpu.memory_space<semaphore_mem>>)
    %add3A_2110 = arith.constant 256 : i32
    %add3A_2111 = arith.addi %mul3A_2, %add3A_2110 : i32
    %dma_wait3A_2112 = arith.constant 512 : i32
    %dma_wait3A_2113 = tpu.memref_slice %arg3[%dma_wait3A_2112, %add3A_2111] : memref<1000x16384xf32, #tpu.memory_space<hbm>> -> memref<488x128xf32, #tpu.memory_space<hbm>>
    %dma_wait3A_2114 = arith.constant 512 : i32
    %dma_wait3A_2115 = tpu.memref_slice %arg3[%dma_wait3A_2114, %add3A_2111] : memref<1000x16384xf32, #tpu.memory_space<hbm>> -> memref<488x128xf32, #tpu.memory_space<hbm>>
    tpu.wait_dma2 semaphore(%arg8 : memref<!tpu.dma_semaphore, #tpu.memory_space<semaphore_mem>>) src(%arg6 : memref<488x128xf32, #tpu.memory_space<vmem>>) dst(%dma_wait3A_2115 : memref<488x128xf32, #tpu.memory_space<hbm>>)
    %get3A_2116 = arith.constant 256 : index
    %get3A_2117 = tpu.vector_load %arg4[%get3A_2116] {strides = array<i32>} : memref<512xi32, #tpu.memory_space<vmem>>, vector<16xi32>,
    %add3A_2118 = arith.constant 0 : i32
    %add3A_2119 = vector.broadcast %add3A_2118 : i32 to vector<16xi32>
    %add3A_2120 = arith.addi %iota3A, %add3A_2119 : vector<16xi32>
    %sub3A_2121 = arith.constant 512 : i32
    %sub3A_2122 = vector.broadcast %sub3A_2121 : i32 to vector<16xi32>
    %sub3A_2123 = arith.subi %get3A_2117, %sub3A_2122 : vector<16xi32>
    %ge3A_2124 = arith.constant 0 : i32
    %ge3A_2125 = vector.broadcast %ge3A_2124 : i32 to vector<16xi32>
    %ge3A_2126 = arith.cmpi sge, %sub3A_2123, %ge3A_2125 : vector<16xi32>
    %lt3A_2127 = arith.constant 488 : i32
    %lt3A_2128 = vector.broadcast %lt3A_2127 : i32 to vector<16xi32>
    %lt3A_2129 = arith.cmpi slt, %sub3A_2123, %lt3A_2128 : vector<16xi32>
    %and3A_2130 = arith.andi %ge3A_2126, %lt3A_2129 : vector<16xi1>
    tpu.vector_store_idx %arg6[%sub3A_2123, %add3A_2120], %broadcast_in_dim3A_4 masked %and3A_2130 : memref<488x128xf32, #tpu.memory_space<vmem>>[vector<16xi32>, vector<16xi32>], vector<16xf32>, vector<16xi1>
    %get3A_2131 = arith.constant 272 : index
    %get3A_2132 = tpu.vector_load %arg4[%get3A_2131] {strides = array<i32>} : memref<512xi32, #tpu.memory_space<vmem>>, vector<16xi32>,
    %add3A_2133 = arith.constant 16 : i32
    %add3A_2134 = vector.broadcast %add3A_2133 : i32 to vector<16xi32>
    %add3A_2135 = arith.addi %iota3A, %add3A_2134 : vector<16xi32>
    %sub3A_2136 = arith.constant 512 : i32
    %sub3A_2137 = vector.broadcast %sub3A_2136 : i32 to vector<16xi32>
    %sub3A_2138 = arith.subi %get3A_2132, %sub3A_2137 : vector<16xi32>
    %ge3A_2139 = arith.constant 0 : i32
    %ge3A_2140 = vector.broadcast %ge3A_2139 : i32 to vector<16xi32>
    %ge3A_2141 = arith.cmpi sge, %sub3A_2138, %ge3A_2140 : vector<16xi32>
    %lt3A_2142 = arith.constant 488 : i32
    %lt3A_2143 = vector.broadcast %lt3A_2142 : i32 to vector<16xi32>
    %lt3A_2144 = arith.cmpi slt, %sub3A_2138, %lt3A_2143 : vector<16xi32>
    %and3A_2145 = arith.andi %ge3A_2141, %lt3A_2144 : vector<16xi1>
    tpu.vector_store_idx %arg6[%sub3A_2138, %add3A_2135], %broadcast_in_dim3A_4 masked %and3A_2145 : memref<488x128xf32, #tpu.memory_space<vmem>>[vector<16xi32>, vector<16xi32>], vector<16xf32>, vector<16xi1>
    %get3A_2146 = arith.constant 288 : index
    %get3A_2147 = tpu.vector_load %arg4[%get3A_2146] {strides = array<i32>} : memref<512xi32, #tpu.memory_space<vmem>>, vector<16xi32>,
    %add3A_2148 = arith.constant 32 : i32
    %add3A_2149 = vector.broadcast %add3A_2148 : i32 to vector<16xi32>
    %add3A_2150 = arith.addi %iota3A, %add3A_2149 : vector<16xi32>
    %sub3A_2151 = arith.constant 512 : i32
    %sub3A_2152 = vector.broadcast %sub3A_2151 : i32 to vector<16xi32>
    %sub3A_2153 = arith.subi %get3A_2147, %sub3A_2152 : vector<16xi32>
    %ge3A_2154 = arith.constant 0 : i32
    %ge3A_2155 = vector.broadcast %ge3A_2154 : i32 to vector<16xi32>
    %ge3A_2156 = arith.cmpi sge, %sub3A_2153, %ge3A_2155 : vector<16xi32>
    %lt3A_2157 = arith.constant 488 : i32
    %lt3A_2158 = vector.broadcast %lt3A_2157 : i32 to vector<16xi32>
    %lt3A_2159 = arith.cmpi slt, %sub3A_2153, %lt3A_2158 : vector<16xi32>
    %and3A_2160 = arith.andi %ge3A_2156, %lt3A_2159 : vector<16xi1>
    tpu.vector_store_idx %arg6[%sub3A_2153, %add3A_2150], %broadcast_in_dim3A_4 masked %and3A_2160 : memref<488x128xf32, #tpu.memory_space<vmem>>[vector<16xi32>, vector<16xi32>], vector<16xf32>, vector<16xi1>
    %get3A_2161 = arith.constant 304 : index
    %get3A_2162 = tpu.vector_load %arg4[%get3A_2161] {strides = array<i32>} : memref<512xi32, #tpu.memory_space<vmem>>, vector<16xi32>,
    %add3A_2163 = arith.constant 48 : i32
    %add3A_2164 = vector.broadcast %add3A_2163 : i32 to vector<16xi32>
    %add3A_2165 = arith.addi %iota3A, %add3A_2164 : vector<16xi32>
    %sub3A_2166 = arith.constant 512 : i32
    %sub3A_2167 = vector.broadcast %sub3A_2166 : i32 to vector<16xi32>
    %sub3A_2168 = arith.subi %get3A_2162, %sub3A_2167 : vector<16xi32>
    %ge3A_2169 = arith.constant 0 : i32
    %ge3A_2170 = vector.broadcast %ge3A_2169 : i32 to vector<16xi32>
    %ge3A_2171 = arith.cmpi sge, %sub3A_2168, %ge3A_2170 : vector<16xi32>
    %lt3A_2172 = arith.constant 488 : i32
    %lt3A_2173 = vector.broadcast %lt3A_2172 : i32 to vector<16xi32>
    %lt3A_2174 = arith.cmpi slt, %sub3A_2168, %lt3A_2173 : vector<16xi32>
    %and3A_2175 = arith.andi %ge3A_2171, %lt3A_2174 : vector<16xi1>
    tpu.vector_store_idx %arg6[%sub3A_2168, %add3A_2165], %broadcast_in_dim3A_4 masked %and3A_2175 : memref<488x128xf32, #tpu.memory_space<vmem>>[vector<16xi32>, vector<16xi32>], vector<16xf32>, vector<16xi1>
    %get3A_2176 = arith.constant 320 : index
    %get3A_2177 = tpu.vector_load %arg4[%get3A_2176] {strides = array<i32>} : memref<512xi32, #tpu.memory_space<vmem>>, vector<16xi32>,
    %add3A_2178 = arith.constant 64 : i32
    %add3A_2179 = vector.broadcast %add3A_2178 : i32 to vector<16xi32>
    %add3A_2180 = arith.addi %iota3A, %add3A_2179 : vector<16xi32>
    %sub3A_2181 = arith.constant 512 : i32
    %sub3A_2182 = vector.broadcast %sub3A_2181 : i32 to vector<16xi32>
    %sub3A_2183 = arith.subi %get3A_2177, %sub3A_2182 : vector<16xi32>
    %ge3A_2184 = arith.constant 0 : i32
    %ge3A_2185 = vector.broadcast %ge3A_2184 : i32 to vector<16xi32>
    %ge3A_2186 = arith.cmpi sge, %sub3A_2183, %ge3A_2185 : vector<16xi32>
    %lt3A_2187 = arith.constant 488 : i32
    %lt3A_2188 = vector.broadcast %lt3A_2187 : i32 to vector<16xi32>
    %lt3A_2189 = arith.cmpi slt, %sub3A_2183, %lt3A_2188 : vector<16xi32>
    %and3A_2190 = arith.andi %ge3A_2186, %lt3A_2189 : vector<16xi1>
    tpu.vector_store_idx %arg6[%sub3A_2183, %add3A_2180], %broadcast_in_dim3A_4 masked %and3A_2190 : memref<488x128xf32, #tpu.memory_space<vmem>>[vector<16xi32>, vector<16xi32>], vector<16xf32>, vector<16xi1>
    %get3A_2191 = arith.constant 336 : index
    %get3A_2192 = tpu.vector_load %arg4[%get3A_2191] {strides = array<i32>} : memref<512xi32, #tpu.memory_space<vmem>>, vector<16xi32>,
    %add3A_2193 = arith.constant 80 : i32
    %add3A_2194 = vector.broadcast %add3A_2193 : i32 to vector<16xi32>
    %add3A_2195 = arith.addi %iota3A, %add3A_2194 : vector<16xi32>
    %sub3A_2196 = arith.constant 512 : i32
    %sub3A_2197 = vector.broadcast %sub3A_2196 : i32 to vector<16xi32>
    %sub3A_2198 = arith.subi %get3A_2192, %sub3A_2197 : vector<16xi32>
    %ge3A_2199 = arith.constant 0 : i32
    %ge3A_2200 = vector.broadcast %ge3A_2199 : i32 to vector<16xi32>
    %ge3A_2201 = arith.cmpi sge, %sub3A_2198, %ge3A_2200 : vector<16xi32>
    %lt3A_2202 = arith.constant 488 : i32
    %lt3A_2203 = vector.broadcast %lt3A_2202 : i32 to vector<16xi32>
    %lt3A_2204 = arith.cmpi slt, %sub3A_2198, %lt3A_2203 : vector<16xi32>
    %and3A_2205 = arith.andi %ge3A_2201, %lt3A_2204 : vector<16xi1>
    tpu.vector_store_idx %arg6[%sub3A_2198, %add3A_2195], %broadcast_in_dim3A_4 masked %and3A_2205 : memref<488x128xf32, #tpu.memory_space<vmem>>[vector<16xi32>, vector<16xi32>], vector<16xf32>, vector<16xi1>
    %get3A_2206 = arith.constant 352 : index
    %get3A_2207 = tpu.vector_load %arg4[%get3A_2206] {strides = array<i32>} : memref<512xi32, #tpu.memory_space<vmem>>, vector<16xi32>,
    %add3A_2208 = arith.constant 96 : i32
    %add3A_2209 = vector.broadcast %add3A_2208 : i32 to vector<16xi32>
    %add3A_2210 = arith.addi %iota3A, %add3A_2209 : vector<16xi32>
    %sub3A_2211 = arith.constant 512 : i32
    %sub3A_2212 = vector.broadcast %sub3A_2211 : i32 to vector<16xi32>
    %sub3A_2213 = arith.subi %get3A_2207, %sub3A_2212 : vector<16xi32>
    %ge3A_2214 = arith.constant 0 : i32
    %ge3A_2215 = vector.broadcast %ge3A_2214 : i32 to vector<16xi32>
    %ge3A_2216 = arith.cmpi sge, %sub3A_2213, %ge3A_2215 : vector<16xi32>
    %lt3A_2217 = arith.constant 488 : i32
    %lt3A_2218 = vector.broadcast %lt3A_2217 : i32 to vector<16xi32>
    %lt3A_2219 = arith.cmpi slt, %sub3A_2213, %lt3A_2218 : vector<16xi32>
    %and3A_2220 = arith.andi %ge3A_2216, %lt3A_2219 : vector<16xi1>
    tpu.vector_store_idx %arg6[%sub3A_2213, %add3A_2210], %broadcast_in_dim3A_4 masked %and3A_2220 : memref<488x128xf32, #tpu.memory_space<vmem>>[vector<16xi32>, vector<16xi32>], vector<16xf32>, vector<16xi1>
    %get3A_2221 = arith.constant 368 : index
    %get3A_2222 = tpu.vector_load %arg4[%get3A_2221] {strides = array<i32>} : memref<512xi32, #tpu.memory_space<vmem>>, vector<16xi32>,
    %add3A_2223 = arith.constant 112 : i32
    %add3A_2224 = vector.broadcast %add3A_2223 : i32 to vector<16xi32>
    %add3A_2225 = arith.addi %iota3A, %add3A_2224 : vector<16xi32>
    %sub3A_2226 = arith.constant 512 : i32
    %sub3A_2227 = vector.broadcast %sub3A_2226 : i32 to vector<16xi32>
    %sub3A_2228 = arith.subi %get3A_2222, %sub3A_2227 : vector<16xi32>
    %ge3A_2229 = arith.constant 0 : i32
    %ge3A_2230 = vector.broadcast %ge3A_2229 : i32 to vector<16xi32>
    %ge3A_2231 = arith.cmpi sge, %sub3A_2228, %ge3A_2230 : vector<16xi32>
    %lt3A_2232 = arith.constant 488 : i32
    %lt3A_2233 = vector.broadcast %lt3A_2232 : i32 to vector<16xi32>
    %lt3A_2234 = arith.cmpi slt, %sub3A_2228, %lt3A_2233 : vector<16xi32>
    %and3A_2235 = arith.andi %ge3A_2231, %lt3A_2234 : vector<16xi1>
    tpu.vector_store_idx %arg6[%sub3A_2228, %add3A_2225], %broadcast_in_dim3A_4 masked %and3A_2235 : memref<488x128xf32, #tpu.memory_space<vmem>>[vector<16xi32>, vector<16xi32>], vector<16xf32>, vector<16xi1>
    %get3A_2236 = arith.constant 384 : index
    %get3A_2237 = tpu.vector_load %arg4[%get3A_2236] {strides = array<i32>} : memref<512xi32, #tpu.memory_space<vmem>>, vector<16xi32>,
    %add3A_2238 = arith.constant 0 : i32
    %add3A_2239 = vector.broadcast %add3A_2238 : i32 to vector<16xi32>
    %add3A_2240 = arith.addi %iota3A, %add3A_2239 : vector<16xi32>
    %sub3A_2241 = arith.constant 512 : i32
    %sub3A_2242 = vector.broadcast %sub3A_2241 : i32 to vector<16xi32>
    %sub3A_2243 = arith.subi %get3A_2237, %sub3A_2242 : vector<16xi32>
    %ge3A_2244 = arith.constant 0 : i32
    %ge3A_2245 = vector.broadcast %ge3A_2244 : i32 to vector<16xi32>
    %ge3A_2246 = arith.cmpi sge, %sub3A_2243, %ge3A_2245 : vector<16xi32>
    %lt3A_2247 = arith.constant 488 : i32
    %lt3A_2248 = vector.broadcast %lt3A_2247 : i32 to vector<16xi32>
    %lt3A_2249 = arith.cmpi slt, %sub3A_2243, %lt3A_2248 : vector<16xi32>
    %and3A_2250 = arith.andi %ge3A_2246, %lt3A_2249 : vector<16xi1>
    tpu.vector_store_idx %arg6[%sub3A_2243, %add3A_2240], %broadcast_in_dim3A_6 masked %and3A_2250 : memref<488x128xf32, #tpu.memory_space<vmem>>[vector<16xi32>, vector<16xi32>], vector<16xf32>, vector<16xi1>
    %get3A_2251 = arith.constant 400 : index
    %get3A_2252 = tpu.vector_load %arg4[%get3A_2251] {strides = array<i32>} : memref<512xi32, #tpu.memory_space<vmem>>, vector<16xi32>,
    %add3A_2253 = arith.constant 16 : i32
    %add3A_2254 = vector.broadcast %add3A_2253 : i32 to vector<16xi32>
    %add3A_2255 = arith.addi %iota3A, %add3A_2254 : vector<16xi32>
    %sub3A_2256 = arith.constant 512 : i32
    %sub3A_2257 = vector.broadcast %sub3A_2256 : i32 to vector<16xi32>
    %sub3A_2258 = arith.subi %get3A_2252, %sub3A_2257 : vector<16xi32>
    %ge3A_2259 = arith.constant 0 : i32
    %ge3A_2260 = vector.broadcast %ge3A_2259 : i32 to vector<16xi32>
    %ge3A_2261 = arith.cmpi sge, %sub3A_2258, %ge3A_2260 : vector<16xi32>
    %lt3A_2262 = arith.constant 488 : i32
    %lt3A_2263 = vector.broadcast %lt3A_2262 : i32 to vector<16xi32>
    %lt3A_2264 = arith.cmpi slt, %sub3A_2258, %lt3A_2263 : vector<16xi32>
    %and3A_2265 = arith.andi %ge3A_2261, %lt3A_2264 : vector<16xi1>
    tpu.vector_store_idx %arg6[%sub3A_2258, %add3A_2255], %broadcast_in_dim3A_6 masked %and3A_2265 : memref<488x128xf32, #tpu.memory_space<vmem>>[vector<16xi32>, vector<16xi32>], vector<16xf32>, vector<16xi1>
    %get3A_2266 = arith.constant 416 : index
    %get3A_2267 = tpu.vector_load %arg4[%get3A_2266] {strides = array<i32>} : memref<512xi32, #tpu.memory_space<vmem>>, vector<16xi32>,
    %add3A_2268 = arith.constant 32 : i32
    %add3A_2269 = vector.broadcast %add3A_2268 : i32 to vector<16xi32>
    %add3A_2270 = arith.addi %iota3A, %add3A_2269 : vector<16xi32>
    %sub3A_2271 = arith.constant 512 : i32
    %sub3A_2272 = vector.broadcast %sub3A_2271 : i32 to vector<16xi32>
    %sub3A_2273 = arith.subi %get3A_2267, %sub3A_2272 : vector<16xi32>
    %ge3A_2274 = arith.constant 0 : i32
    %ge3A_2275 = vector.broadcast %ge3A_2274 : i32 to vector<16xi32>
    %ge3A_2276 = arith.cmpi sge, %sub3A_2273, %ge3A_2275 : vector<16xi32>
    %lt3A_2277 = arith.constant 488 : i32
    %lt3A_2278 = vector.broadcast %lt3A_2277 : i32 to vector<16xi32>
    %lt3A_2279 = arith.cmpi slt, %sub3A_2273, %lt3A_2278 : vector<16xi32>
    %and3A_2280 = arith.andi %ge3A_2276, %lt3A_2279 : vector<16xi1>
    tpu.vector_store_idx %arg6[%sub3A_2273, %add3A_2270], %broadcast_in_dim3A_6 masked %and3A_2280 : memref<488x128xf32, #tpu.memory_space<vmem>>[vector<16xi32>, vector<16xi32>], vector<16xf32>, vector<16xi1>
    %get3A_2281 = arith.constant 432 : index
    %get3A_2282 = tpu.vector_load %arg4[%get3A_2281] {strides = array<i32>} : memref<512xi32, #tpu.memory_space<vmem>>, vector<16xi32>,
    %add3A_2283 = arith.constant 48 : i32
    %add3A_2284 = vector.broadcast %add3A_2283 : i32 to vector<16xi32>
    %add3A_2285 = arith.addi %iota3A, %add3A_2284 : vector<16xi32>
    %sub3A_2286 = arith.constant 512 : i32
    %sub3A_2287 = vector.broadcast %sub3A_2286 : i32 to vector<16xi32>
    %sub3A_2288 = arith.subi %get3A_2282, %sub3A_2287 : vector<16xi32>
    %ge3A_2289 = arith.constant 0 : i32
    %ge3A_2290 = vector.broadcast %ge3A_2289 : i32 to vector<16xi32>
    %ge3A_2291 = arith.cmpi sge, %sub3A_2288, %ge3A_2290 : vector<16xi32>
    %lt3A_2292 = arith.constant 488 : i32
    %lt3A_2293 = vector.broadcast %lt3A_2292 : i32 to vector<16xi32>
    %lt3A_2294 = arith.cmpi slt, %sub3A_2288, %lt3A_2293 : vector<16xi32>
    %and3A_2295 = arith.andi %ge3A_2291, %lt3A_2294 : vector<16xi1>
    tpu.vector_store_idx %arg6[%sub3A_2288, %add3A_2285], %broadcast_in_dim3A_6 masked %and3A_2295 : memref<488x128xf32, #tpu.memory_space<vmem>>[vector<16xi32>, vector<16xi32>], vector<16xf32>, vector<16xi1>
    %get3A_2296 = arith.constant 448 : index
    %get3A_2297 = tpu.vector_load %arg4[%get3A_2296] {strides = array<i32>} : memref<512xi32, #tpu.memory_space<vmem>>, vector<16xi32>,
    %add3A_2298 = arith.constant 64 : i32
    %add3A_2299 = vector.broadcast %add3A_2298 : i32 to vector<16xi32>
    %add3A_2300 = arith.addi %iota3A, %add3A_2299 : vector<16xi32>
    %sub3A_2301 = arith.constant 512 : i32
    %sub3A_2302 = vector.broadcast %sub3A_2301 : i32 to vector<16xi32>
    %sub3A_2303 = arith.subi %get3A_2297, %sub3A_2302 : vector<16xi32>
    %ge3A_2304 = arith.constant 0 : i32
    %ge3A_2305 = vector.broadcast %ge3A_2304 : i32 to vector<16xi32>
    %ge3A_2306 = arith.cmpi sge, %sub3A_2303, %ge3A_2305 : vector<16xi32>
    %lt3A_2307 = arith.constant 488 : i32
    %lt3A_2308 = vector.broadcast %lt3A_2307 : i32 to vector<16xi32>
    %lt3A_2309 = arith.cmpi slt, %sub3A_2303, %lt3A_2308 : vector<16xi32>
    %and3A_2310 = arith.andi %ge3A_2306, %lt3A_2309 : vector<16xi1>
    tpu.vector_store_idx %arg6[%sub3A_2303, %add3A_2300], %broadcast_in_dim3A_6 masked %and3A_2310 : memref<488x128xf32, #tpu.memory_space<vmem>>[vector<16xi32>, vector<16xi32>], vector<16xf32>, vector<16xi1>
    %get3A_2311 = arith.constant 464 : index
    %get3A_2312 = tpu.vector_load %arg4[%get3A_2311] {strides = array<i32>} : memref<512xi32, #tpu.memory_space<vmem>>, vector<16xi32>,
    %add3A_2313 = arith.constant 80 : i32
    %add3A_2314 = vector.broadcast %add3A_2313 : i32 to vector<16xi32>
    %add3A_2315 = arith.addi %iota3A, %add3A_2314 : vector<16xi32>
    %sub3A_2316 = arith.constant 512 : i32
    %sub3A_2317 = vector.broadcast %sub3A_2316 : i32 to vector<16xi32>
    %sub3A_2318 = arith.subi %get3A_2312, %sub3A_2317 : vector<16xi32>
    %ge3A_2319 = arith.constant 0 : i32
    %ge3A_2320 = vector.broadcast %ge3A_2319 : i32 to vector<16xi32>
    %ge3A_2321 = arith.cmpi sge, %sub3A_2318, %ge3A_2320 : vector<16xi32>
    %lt3A_2322 = arith.constant 488 : i32
    %lt3A_2323 = vector.broadcast %lt3A_2322 : i32 to vector<16xi32>
    %lt3A_2324 = arith.cmpi slt, %sub3A_2318, %lt3A_2323 : vector<16xi32>
    %and3A_2325 = arith.andi %ge3A_2321, %lt3A_2324 : vector<16xi1>
    tpu.vector_store_idx %arg6[%sub3A_2318, %add3A_2315], %broadcast_in_dim3A_6 masked %and3A_2325 : memref<488x128xf32, #tpu.memory_space<vmem>>[vector<16xi32>, vector<16xi32>], vector<16xf32>, vector<16xi1>
    %get3A_2326 = arith.constant 480 : index
    %get3A_2327 = tpu.vector_load %arg4[%get3A_2326] {strides = array<i32>} : memref<512xi32, #tpu.memory_space<vmem>>, vector<16xi32>,
    %add3A_2328 = arith.constant 96 : i32
    %add3A_2329 = vector.broadcast %add3A_2328 : i32 to vector<16xi32>
    %add3A_2330 = arith.addi %iota3A, %add3A_2329 : vector<16xi32>
    %sub3A_2331 = arith.constant 512 : i32
    %sub3A_2332 = vector.broadcast %sub3A_2331 : i32 to vector<16xi32>
    %sub3A_2333 = arith.subi %get3A_2327, %sub3A_2332 : vector<16xi32>
    %ge3A_2334 = arith.constant 0 : i32
    %ge3A_2335 = vector.broadcast %ge3A_2334 : i32 to vector<16xi32>
    %ge3A_2336 = arith.cmpi sge, %sub3A_2333, %ge3A_2335 : vector<16xi32>
    %lt3A_2337 = arith.constant 488 : i32
    %lt3A_2338 = vector.broadcast %lt3A_2337 : i32 to vector<16xi32>
    %lt3A_2339 = arith.cmpi slt, %sub3A_2333, %lt3A_2338 : vector<16xi32>
    %and3A_2340 = arith.andi %ge3A_2336, %lt3A_2339 : vector<16xi1>
    tpu.vector_store_idx %arg6[%sub3A_2333, %add3A_2330], %broadcast_in_dim3A_6 masked %and3A_2340 : memref<488x128xf32, #tpu.memory_space<vmem>>[vector<16xi32>, vector<16xi32>], vector<16xf32>, vector<16xi1>
    %get3A_2341 = arith.constant 496 : index
    %get3A_2342 = tpu.vector_load %arg4[%get3A_2341] {strides = array<i32>} : memref<512xi32, #tpu.memory_space<vmem>>, vector<16xi32>,
    %add3A_2343 = arith.constant 112 : i32
    %add3A_2344 = vector.broadcast %add3A_2343 : i32 to vector<16xi32>
    %add3A_2345 = arith.addi %iota3A, %add3A_2344 : vector<16xi32>
    %sub3A_2346 = arith.constant 512 : i32
    %sub3A_2347 = vector.broadcast %sub3A_2346 : i32 to vector<16xi32>
    %sub3A_2348 = arith.subi %get3A_2342, %sub3A_2347 : vector<16xi32>
    %ge3A_2349 = arith.constant 0 : i32
    %ge3A_2350 = vector.broadcast %ge3A_2349 : i32 to vector<16xi32>
    %ge3A_2351 = arith.cmpi sge, %sub3A_2348, %ge3A_2350 : vector<16xi32>
    %lt3A_2352 = arith.constant 488 : i32
    %lt3A_2353 = vector.broadcast %lt3A_2352 : i32 to vector<16xi32>
    %lt3A_2354 = arith.cmpi slt, %sub3A_2348, %lt3A_2353 : vector<16xi32>
    %and3A_2355 = arith.andi %ge3A_2351, %lt3A_2354 : vector<16xi1>
    tpu.vector_store_idx %arg6[%sub3A_2348, %add3A_2345], %broadcast_in_dim3A_6 masked %and3A_2355 : memref<488x128xf32, #tpu.memory_space<vmem>>[vector<16xi32>, vector<16xi32>], vector<16xf32>, vector<16xi1>
    %add3A_2356 = arith.constant 384 : i32
    %add3A_2357 = arith.addi %mul3A_2, %add3A_2356 : i32
    %dma_start3A_2358 = arith.constant 512 : i32
    %dma_start3A_2359 = tpu.memref_slice %arg3[%dma_start3A_2358, %add3A_2357] : memref<1000x16384xf32, #tpu.memory_space<hbm>> -> memref<488x128xf32, #tpu.memory_space<hbm>>
    %dma_start3A_2360 = arith.constant 512 : i32
    %dma_start3A_2361 = tpu.memref_slice %arg3[%dma_start3A_2360, %add3A_2357] : memref<1000x16384xf32, #tpu.memory_space<hbm>> -> memref<488x128xf32, #tpu.memory_space<hbm>>
    tpu.enqueue_dma source(%arg6 : memref<488x128xf32, #tpu.memory_space<vmem>>) target(%dma_start3A_2361 : memref<488x128xf32, #tpu.memory_space<hbm>>) target_semaphore(%arg8 : memref<!tpu.dma_semaphore, #tpu.memory_space<semaphore_mem>>)
    %add3A_2362 = arith.constant 384 : i32
    %add3A_2363 = arith.addi %mul3A_2, %add3A_2362 : i32
    %dma_wait3A_2364 = arith.constant 0 : i32
    %dma_wait3A_2365 = tpu.memref_slice %arg3[%dma_wait3A_2364, %add3A_2363] : memref<1000x16384xf32, #tpu.memory_space<hbm>> -> memref<512x128xf32, #tpu.memory_space<hbm>>
    %dma_wait3A_2366 = arith.constant 0 : i32
    %dma_wait3A_2367 = tpu.memref_slice %arg3[%dma_wait3A_2366, %add3A_2363] : memref<1000x16384xf32, #tpu.memory_space<hbm>> -> memref<512x128xf32, #tpu.memory_space<hbm>>
    tpu.wait_dma2 semaphore(%arg7 : memref<!tpu.dma_semaphore, #tpu.memory_space<semaphore_mem>>) src(%arg5 : memref<512x128xf32, #tpu.memory_space<vmem>>) dst(%dma_wait3A_2367 : memref<512x128xf32, #tpu.memory_space<hbm>>)
    %add3A_2368 = arith.constant 384 : i32
    %add3A_2369 = arith.addi %mul3A_2, %add3A_2368 : i32
    %dma_wait3A_2370 = arith.constant 512 : i32
    %dma_wait3A_2371 = tpu.memref_slice %arg3[%dma_wait3A_2370, %add3A_2369] : memref<1000x16384xf32, #tpu.memory_space<hbm>> -> memref<488x128xf32, #tpu.memory_space<hbm>>
    %dma_wait3A_2372 = arith.constant 512 : i32
    %dma_wait3A_2373 = tpu.memref_slice %arg3[%dma_wait3A_2372, %add3A_2369] : memref<1000x16384xf32, #tpu.memory_space<hbm>> -> memref<488x128xf32, #tpu.memory_space<hbm>>
    tpu.wait_dma2 semaphore(%arg8 : memref<!tpu.dma_semaphore, #tpu.memory_space<semaphore_mem>>) src(%arg6 : memref<488x128xf32, #tpu.memory_space<vmem>>) dst(%dma_wait3A_2373 : memref<488x128xf32, #tpu.memory_space<hbm>>)
    return
  }
}

</mosaic_0001>

<sc_bundles>
// kernel: kernel.3.cloned.1.call-start
scs
__scs_entry_jumppad:
0x0: {  	(pc) =	sbr.rel $0x88, $3  }
0x1: {  	(tag) =	ssettag $0x0;
	lr =	simm.s32 $0x1  }
0x2: {  	[smem:$0x3FA0] =	sst lr;
	_ =	strace $0xD0000000  }
0x3: {  	_ = 	snop  }
0x4: {  	_ = 	snop  }
0x5: {  	_ = 	snop  }
0x6: {  	_ = 	snop  }
0x7: {  	_ = 	snop  }
__scs_overlays_trampoline_lowered:
0x8: {  	[smem:$0x3FAF] =	sst s0  }
0x9: {  	[smem:$0x3FB0] =	sst s1  }
0xa: {  	[smem:$0x3FB1] =	sst s2  }
0xb: {  	[smem:$0x3FB2] =	sst s3  }
0xc: {  	[smem:$0x3FB3] =	sst s4  }
0xd: {  	[smem:$0x3FB4] =	sst s5  }
0xe: {  	[smem:$0x3FB5] =	sst s6  }
0xf: {  	[smem:$0x3FB6] =	sst s7  }
0x10: {  	[smem:$0x3FB7] =	sst s8  }
0x11: {  	[smem:$0x3FB8] =	sst s9;
	s0 =	simm.s32 @!p0 $0x0  }
0x12: {  	s1 =	sld [smem:$0x3F9E];
	s0 =	simm.s32 @p0 $0x1  }
0x13: {  	[smem:$0x3FB9] =	sst s0;
	s0 =	simm.s32 @!p1 $0x0  }
0x14: {  	s2 =	sld [smem:$0x3F9D];
	s0 =	simm.s32 @p1 $0x1  }
0x15: {  	[smem:$0x3FBA] =	sst s0;
	s0 =	simm.s32 @!p2 $0x0  }
0x16: {  	s3 =	sld [smem:$0x3FDB];
	s0 =	simm.s32 @p2 $0x1  }
0x17: {  	s4 =	simm.s32 $0x1BF5;
	[smem:$0x3FBC] =	sst s0  }
0x18: {  	s0 =	sld [smem:$0x3F9F];
	_ =	swait.ge [sflag:s4], $0x0  }
0x19: {  	s7 =	sld [smem:$0x3FA0]  }
0x1a: {  	s8 =	sadd.s32 $0xFFFFE003, lr  }
0x1b: {  	s9 =	sadd.s32 $0xFFFFFEF7, lr;
	s5 =	simm.s32 $0xFFFFFFFF;
	p2 =	slt.u32 s8, $0xFFFFF086  }
0x1c: {  	p1 =	slt.u32 s9, $0xF7A;
	s5 =	simm.s32 @!p2 $0x0  }
0x1d: {  	s5 =	simm.s32 @p1 $0x1;
	p0 =	seq.s32 s7, s2  }
0x1e: {  	s7 =	smul.u32 @!p0 $0xF7A, s2;
	p2 =	seq.s32 @!p0 s5, $0x0  }
0x1f: {  	s9 =	smul.u32 $0xF7A, s1;
	s8 =	simm.s32 @!p0 $0x1BF5;
	p2 =	por !p2, p0  }
0x20: {  	[sflag:s8] =	ssyncset.s32 @!p0 $0xFFFFF086;
	s6 =	sadd.s32 @!p0 s3, s7;
	s7 =	simm.s32 @!p0 $0x108  }
0x21: {  	s3 =	sadd.s32 s3, s9;
	s6 =	sadd.s32 @!p0 $0x88, s6;
	s7 =	simm.s32 @p2 $0x1082  }
0x22: {  	[simem:s7], [sflag:s8] =	dma.local @!p0 [hbm:s6], $0xF7A  }
0x23: {  	s9 =	sor.u32 $0xD0000000, s2;
	s6 =	simm.s32 $0x108;
	_ =	swait.ge @!p0 [sflag:s8], $0x0  }
0x24: {  	s3 =	sadd.s32 $0x88, s3;
	s6 =	simm.s32 @!p1 $0x1082;
	[sflag:s4] =	ssyncset.s32 $0xFFFFF086  }
0x25: {  	[simem:s6], [sflag:s4] =	dma.local [hbm:s3], $0xF7A  }
0x26: {  	[smem:$0x3FA0] =	sst s1;
	(tag) =	ssettag s2;
	_ =	strace s9  }
0x27: {  	s1 =	sld [smem:$0x3FB0]  }
0x28: {  	s2 =	sld [smem:$0x3FB1]  }
0x29: {  	s4 =	sld [smem:$0x3FB3]  }
0x2a: {  	p0 =	seq.s32 s5, $0x0;
	s5 =	sld [smem:$0x3FB4]  }
0x2b: {  	s6 =	sld [smem:$0x3FB5]  }
0x2c: {  	s7 =	sld [smem:$0x3FB6]  }
0x2d: {  	s3 =	simm.s32 $0x108;
	s8 =	sld [smem:$0x3FB7]  }
0x2e: {  	s3 =	simm.s32 @!p0 $0x1082;
	s9 =	sld [smem:$0x3FB8]  }
0x2f: {  	lr =	sadd.s32 s0, s3;
	s0 =	sld [smem:$0x3FAF]  }
0x30: {  	s3 =	sld [smem:$0x3FB2]  }
0x31: {  	[smem:$0x3FBB] =	sst s10  }
0x32: {  	s10 =	sld [smem:$0x3FB9];
	_ =	sdelay $0x3  }
0x33: {  	p0 =	seq.s32 s10, $0x1;
	s10 =	sld [smem:$0x3FBB];
	_ =	sdelay $0x3  }
0x34: {  	[smem:$0x3FBB] =	sst s10  }
0x35: {  	s10 =	sld [smem:$0x3FBA];
	_ =	sdelay $0x3  }
0x36: {  	p1 =	seq.s32 s10, $0x1;
	s10 =	sld [smem:$0x3FBB];
	_ =	sdelay $0x3  }
0x37: {  	[smem:$0x3FBB] =	sst s10  }
0x38: {  	s10 =	sld [smem:$0x3FBC]  }
0x39: {  	_ = 	snop;
	(pc) =	sbr.ind lr, $3  }
0x3a: {  	_ = 	snop  }
0x3b: {  	_ = 	snop  }
0x3c: {  	p2 =	seq.s32 s10, $0x1;
	s10 =	sld [smem:$0x3FBB]  }
0x3d: {  	_ =	shalt  }
0x3e: {  	_ =	shalt  }
0x3f: {  	_ =	shalt  }
0x40: {  	_ =	shalt  }
0x41: {  	_ =	shalt  }
0x42: {  	_ =	shalt  }
0x43: {  	_ =	shalt  }
0x44: {  	_ =	shalt  }
0x45: {  	_ =	shalt  }
0x46: {  	_ =	shalt  }
0x47: {  	_ =	shalt  }
0x48: {  	_ =	shalt  }
0x49: {  	_ =	shalt  }
0x4a: {  	_ =	shalt  }
0x4b: {  	_ =	shalt  }
0x4c: {  	_ =	shalt  }
0x4d: {  	_ =	shalt  }
0x4e: {  	_ =	shalt  }
0x4f: {  	_ =	shalt  }
0x50: {  	_ =	shalt  }
0x51: {  	_ =	shalt  }
0x52: {  	_ =	shalt  }
0x53: {  	_ =	shalt  }
0x54: {  	_ =	shalt  }
0x55: {  	_ =	shalt  }
0x56: {  	_ =	shalt  }
0x57: {  	_ =	shalt  }
0x58: {  	_ =	shalt  }
0x59: {  	_ =	shalt  }
0x5a: {  	_ =	shalt  }
0x5b: {  	_ =	shalt  }
0x5c: {  	_ =	shalt  }
0x5d: {  	_ =	shalt  }
0x5e: {  	_ =	shalt  }
0x5f: {  	_ =	shalt  }
0x60: {  	_ =	shalt  }
0x61: {  	_ =	shalt  }
0x62: {  	_ =	shalt  }
0x63: {  	_ =	shalt  }
0x64: {  	_ =	shalt  }
0x65: {  	_ =	shalt  }
0x66: {  	_ =	shalt  }
0x67: {  	_ =	shalt  }
0x68: {  	_ =	shalt  }
0x69: {  	_ =	shalt  }
0x6a: {  	_ =	shalt  }
0x6b: {  	_ =	shalt  }
0x6c: {  	_ =	shalt  }
0x6d: {  	_ =	shalt  }
0x6e: {  	_ =	shalt  }
0x6f: {  	_ =	shalt  }
0x70: {  	_ =	shalt  }
0x71: {  	_ =	shalt  }
0x72: {  	_ =	shalt  }
0x73: {  	_ =	shalt  }
0x74: {  	_ =	shalt  }
0x75: {  	_ =	shalt  }
0x76: {  	_ =	shalt  }
0x77: {  	_ =	shalt  }
0x78: {  	_ =	shalt  }
0x79: {  	_ =	shalt  }
0x7a: {  	_ =	shalt  }
0x7b: {  	_ =	shalt  }
0x7c: {  	_ =	shalt  }
0x7d: {  	_ =	shalt  }
0x7e: {  	_ =	shalt  }
0x7f: {  	_ =	shalt  }
0x80: {  	_ =	shalt  }
0x81: {  	_ =	shalt  }
0x82: {  	_ =	shalt  }
0x83: {  	_ =	shalt  }
0x84: {  	_ =	shalt  }
0x85: {  	_ =	shalt  }
0x86: {  	_ =	shalt  }
0x87: {  	_ =	shalt  }
.Lfunc_end0:
.L_simem_size_0:
called_computation_lowered:
.L_overlay_start_0:
0x88: {  	s2 =	sld [smem:$0x3FD9]  }
0x89: {  	s3 =	sld [smem:$0x3FFE];
	_ =	sdelay $0x1  }
0x8a: {  	s1 =	srdreg.scid  }
0x8b: {  	s0 =	sand.u32 $0x1, s1  }
0x8c: {  	s18 =	sshll.u32 s0, $0xA;
	s2 =	sadd.s32 s3, s2  }
0x8d: {  	s2 =	sadd.s32 s2, s18  }
0x8e: {  	[smem:$0x3FC7] =	sst s2  }
0x8f: {  	_ = 	snop  }
0x90: {  	s2 =	sld [smem:$0x3FC9]  }
0x91: {  	s19 =	sld [smem:$0x3FD0];
	(tm) =	ssettm $0x1  }
0x92: {  	s4 =	sld [smem:$0x3FFB];
	_ =	sdelay $0x3  }
0x93: {  	_ =	strace s4  }
0x94: {  	s4 =	sld [smem:$0x3FFC];
	_ =	sdelay $0x3  }
0x95: {  	_ =	strace s4  }
0x96: {  	s4 =	sld [smem:$0x3FFD];
	_ =	sdelay $0x3  }
0x97: {  	_ =	strace s4  }
0x98: {  	_ =	strace $0x8FFFFFFF  }
0x99: {  	s20 =	sld [smem:$0x3FDB];
	_ =	sdelay $0x1  }
0x9a: {  	s5 =	simm.s32 $_scs_section_size  }
0x9b: {  	s6 =	simm.s32 $_size__tile_overlayer_lowered;
	s7 =	simm.s32 $_tile_overlayer_lowered  }
0x9c: {  	s23 =	simm.s32 $0x1BFF;
	s22 =	sshll.u32 s7, $0x1;
	s4 =	sadd.s32 s5, s20  }
0x9d: {  	s8 =	simm.s32 $0x0;
	s21 =	sshll.u32 s6, $0x1;
	s6 =	sadd.s32 s22, s4  }
0x9e: {  	[timem:s8], [sflag:s23] =	dma.local [hbm:s6], s21  }
0x9f: {  	_ =	swait.ge [sflag:s23], s21  }
0xa0: {  	s5 =	ssub.s32 $0x0, s21;
	[sflag:s23] =	ssyncset.done $0x0  }
0xa1: {  	[sflag:s23] =	ssyncadd.s32 s5;
	_ =	sdelay $0x1  }
0xa2: {  	s24 =	simm.s32 $0x1B8B  }
0xa3: {  	_ =	swait.ge [sflag:s24], $0x1  }
0xa4: {  	[sflag:s24] =	ssyncset.done $0x0  }
0xa5: {  	s25 =	simm.s32 $0x1B8E;
	[sflag:s24] =	ssyncadd.s32 $0xFFFFFFFF  }
0xa6: {  	s26 =	simm.s32 $execute0_lowered;
	[smem:$0x3FD2] =	sst s25  }
0xa7: {  	s5 =	sshll.u32 s26, $0x1;
	_ =	strace $0x80000046;
	[dreg:$0x1] =	wrdreg $0xFFFFFFFF  }
0xa8: {  	s28 =	simm.s32 $_size_execute0_lowered;
	s4 =	sadd.s32 s4, s5;
	[dreg:$0x0] =	wrdreg $0x0  }
0xa9: {  	s5 =	sshll.u32 s28, $0x1;
	[dreg:$0x2] =	wrdreg s4  }
0xaa: {  	[dreg:$0x3] =	wrdreg s5  }
0xab: {  	[dreg:$0x4] =	wrdreg $0xC0  }
0xac: {  	_ =	task [dreg:s8], $0x5FFFF  }
0xad: {  	[dreg:$0x1] =	wrdreg $0xFFFFFFFF  }
0xae: {  	[dreg:$0x0] =	wrdreg $0x60  }
0xaf: {  	[dreg:$0x2] =	wrdreg s2  }
0xb0: {  	[dreg:$0x3] =	wrdreg s19  }
0xb1: {  	[dreg:$0x4] =	wrdreg $0x9  }
0xb2: {  	_ =	task.clear_ibuf [dreg:s8], $0x5FFFF;
	_ =	strace $0x90000046  }
0xb3: {  	s29 =	simm.s32 $0x9;
	_ =	strace $0x80000048  }
0xb4: {  	_ =	swait.ge [sflag:s29], $0x1  }
0xb5: {  	[sflag:s29] =	ssyncadd.s32 $0xFFFFFFFF  }
0xb6: {  	_ =	strace $0x90000048  }
0xb7: {  	_ =	sfence  }
0xb8: {  	s30 =	sld [smem:$0x0];
	_ =	sdelay $0x2  }
0xb9: {  	s31 =	sshll.u32 s1, $0xD;
	s1 =	sshrl.u32 s1, $0x2  }
0xba: {  	s3 =	sand.u32 $0x4000, s31;
	s1 =	sadd.s32 s1, s30  }
0xbb: {  	s0 =	sor.u32 s3, s0;
	s1 =	sshll.u32 s1, $0x11  }
0xbc: {  	s0 =	sor.u32 s1, s0  }
0xbd: {  	s0 =	sadd.s32 $0x8F2B, s0  }
0xbe: {  	[sflag:s0] =	ssyncadd.remote.s32 $0x1  }
0xbf: {  	_ =	sfence.sel $0xFFFF  }
0xc0: {  	[dreg:$0x0] =	wrdreg $0xFFFFFFFF;
	(pc) =	sbr.abs _section_cstart, $3  }
0xc1: {  	[dreg:$0x1] =	wrdreg $0xFFFFFFFF  }
0xc2: {  	_ =	task.clear_ibuf [dreg:s8], $0x2FFFF;
	_ =	strace $0x9FFFFFFF  }
0xc3: {  	(tm) =	ssettm $0x7FFFFFFF  }
tec
execute0_lowered:
.L_overlay_start_1:
0x0: {  	(tag) =	ssettag $0x1  }
0x1: {  	s0 =	rddreg [dreg:$0x0]  }
0x2: {  	s1 =	rddreg [dreg:$0x1]  }
0x3: {  	s2 =	srdreg.scid;
	s4 =	stileid.u32  }
0x4: {  	s19 =	simm.s32 $0x1;
	s20 =	simm.s32 $0x200;
	s21 =	simm.s32 $0x400  }
0x5: {  	s22 =	simm.s32 $0x20000;
	s24 =	simm.s32 $0x8200;
	s25 =	simm.s32 $0xC200  }
0x6: {  	s28 =	simm.s32 $0x14200;
	s29 =	simm.s32 $0x18200;
	s30 =	simm.s32 $0x1C200  }
0x7: {  	s31 =	simm.s32 $0x2;
	s3 =	sand.u32 $0x1, s2;
	s2 =	simm.s32 $0x0  }
0x8: {  	s4 =	sshll.u32 s4, $0xA;
	s5 =	sshll.u32 s3, $0x9;
	s3 =	ssub.s32 $0x2, s3  }
0x9: {  	[smem:$0x7FF] =	sst s2;
	s4 =	sor.u32 s5, s4;
	s26 =	sshrl.u32 s3, $0x1  }
0xa: {  	_ =	strace $0x80000047;
	s6 =	sshrl.u32 s4, $0x3;
	s18 =	ssub.s32 s3, s26  }
0xb: {  	v0 =	vimm.f32 $0.0e+00;
	v1 =	vlaneseq.u32;
	v2 =	vimm.f32 $1.000000000e+00;
	s4 =	sadd.s32 s1, s4;
	s26 =	simm.s32 $0x10200;
	s3 =	sadd.s32 s0, s6  }
0xc: {  	v3 =	vor.u32 $0x10, v1;
	v4 =	vor.u32 $0x20, v1;
	v5 =	vor.u32 $0x30, v1;
	s5 =	sadd.s32 $0x40000, s4;
	s6 =	sadd.s32 $0x80000, s4;
	s7 =	sadd.s32 $0xC0000, s4  }
0xd: {  	v6 =	vor.u32 $0x40, v1;
	v7 =	vor.u32 $0x50, v1;
	v8 =	vor.u32 $0x60, v1;
	s8 =	sadd.s32 $0x100000, s4;
	s9 =	sadd.s32 $0x140000, s4;
	s10 =	sadd.s32 $0x180000, s4  }
0xe: {  	v9 =	vor.u32 $0x70, v1;
	v10 =	vor.u32 $0xFFFF0000, v1;
	v11 =	vor.u32 $0xFFFF0010, v1;
	s11 =	sadd.s32 $0x1C0000, s4;
	s12 =	sadd.s32 $0x80, s4;
	s13 =	sadd.s32 $0x100080, s4  }
0xf: {  	v12 =	vor.u32 $0xFFFF0020, v1;
	v13 =	vor.u32 $0xFFFF0030, v1;
	v14 =	vor.u32 $0xFFFF0040, v1;
	s14 =	sadd.s32 $0x100, s4;
	s15 =	sadd.s32 $0x100100, s4;
	s16 =	sadd.s32 $0x180, s4  }
0x10: {  	v15 =	vor.u32 $0xFFFF0050, v1;
	v16 =	vor.u32 $0xFFFF0060, v1;
	v17 =	vor.u32 $0xFFFF0070, v1;
	s17 =	sadd.s32 $0x100180, s4;
	s18 =	smax.u32 s18, $0x1;
	s0 =	simm.s32 $0x0  }
.LBB2_1:
0x11: {  	[tilespmem:s2], [sflag:$0x1] =	stream.linear.gather [hbm4b:s3+s2], $0x200, $0x38;
	[tilespmem:$0x1F600] =	vst v63  }
0x12: {  	s1 =	simm.s32 $0x0;
	s23 =	simm.s32 $0x400  }
.LBB2_2:
0x13: {  	p0 =	sne.s32 s23, $0xFC00;
	[tilespmem:s1+$0x2F0] =	vst v0  }
0x14: {  	[tilespmem:s1+$0x200] =	vst v0  }
0x15: {  	[tilespmem:s1+$0x210] =	vst v0  }
0x16: {  	[tilespmem:s1+$0x220] =	vst v0  }
0x17: {  	[tilespmem:s1+$0x230] =	vst v0  }
0x18: {  	[tilespmem:s1+$0x240] =	vst v0  }
0x19: {  	[tilespmem:s1+$0x250] =	vst v0  }
0x1a: {  	[tilespmem:s1+$0x260] =	vst v0  }
0x1b: {  	[tilespmem:s1+$0x270] =	vst v0  }
0x1c: {  	[tilespmem:s1+$0x280] =	vst v0  }
0x1d: {  	[tilespmem:s1+$0x290] =	vst v0  }
.Ltmp0:
0x1e: {  	[tilespmem:s1+$0x2A0] =	vst v0;
	(pc) =	sbr.rel @p0 .LBB2_2-.Ltmp0, $4  }
0x1f: {  	[tilespmem:s1+$0x2B0] =	vst v0  }
0x20: {  	[tilespmem:s1+$0x2C0] =	vst v0  }
0x21: {  	[tilespmem:s1+$0x2D0] =	vst v0  }
0x22: {  	[tilespmem:s1+$0x2E0] =	vst v0;
	s1 =	sshra.s32 s23, $0x2;
	s23 =	sadd.s32 $0x400, s23  }
0x23: {  	[tilespmem:s1+$0x2F0] =	vst v0  }
0x24: {  	[tilespmem:s1+$0x200] =	vst v0  }
0x25: {  	[tilespmem:s1+$0x210] =	vst v0  }
0x26: {  	[tilespmem:s1+$0x220] =	vst v0  }
0x27: {  	[tilespmem:s1+$0x230] =	vst v0  }
0x28: {  	[tilespmem:s1+$0x240] =	vst v0  }
0x29: {  	[tilespmem:s1+$0x250] =	vst v0  }
0x2a: {  	[tilespmem:s1+$0x260] =	vst v0  }
0x2b: {  	[tilespmem:s1+$0x270] =	vst v0  }
0x2c: {  	[tilespmem:s1+$0x280] =	vst v0  }
0x2d: {  	[tilespmem:s1+$0x290] =	vst v0  }
0x2e: {  	[tilespmem:s1+$0x2A0] =	vst v0  }
0x2f: {  	[tilespmem:s1+$0x2B0] =	vst v0  }
0x30: {  	[tilespmem:s1+$0x2C0] =	vst v0  }
0x31: {  	[tilespmem:s1+$0x2D0] =	vst v0  }
0x32: {  	[tilespmem:s1+$0x2E0] =	vst v0  }
0x33: {  	_ =	swait.ge [sflag:s19], $0x200  }
0x34: {  	[sflag:s19] =	ssyncset.done $0x0  }
0x35: {  	[sflag:s19] =	ssyncadd.s32 $0xFFFFFE00  }
0x36: {  	v18 =	vld [tilespmem:$0x0];
	_ =	sdelay $0x4  }
0x37: {  	vm0 =	vlt.u32 v18, $0x80;
	v18 =	vshll.u32 v18, $0x7  }
0x38: {  	v18 =	vor.u32 v1, v18;
	_ =	sdelay $0x4  }
0x39: {  	[tilespmem:v18+s20+$0x0] =	vst.idx.msk vm0, v2  }
0x3a: {  	v18 =	vld [tilespmem:$0x10];
	_ =	sdelay $0x4  }
0x3b: {  	vm9 =	vlt.u32 v18, $0x80;
	v18 =	vshll.u32 v18, $0x7  }
0x3c: {  	v18 =	vor.u32 v3, v18;
	_ =	sdelay $0x4  }
0x3d: {  	[tilespmem:v18+s20+$0x0] =	vst.idx.msk vm9, v2  }
0x3e: {  	v18 =	vld [tilespmem:$0x20];
	_ =	sdelay $0x4  }
0x3f: {  	vm10 =	vlt.u32 v18, $0x80;
	v18 =	vshll.u32 v18, $0x7  }
0x40: {  	v18 =	vor.u32 v4, v18;
	_ =	sdelay $0x4  }
0x41: {  	[tilespmem:v18+s20+$0x0] =	vst.idx.msk vm10, v2  }
0x42: {  	v18 =	vld [tilespmem:$0x30];
	_ =	sdelay $0x4  }
0x43: {  	vm11 =	vlt.u32 v18, $0x80;
	v18 =	vshll.u32 v18, $0x7  }
0x44: {  	v18 =	vor.u32 v5, v18;
	_ =	sdelay $0x4  }
0x45: {  	[tilespmem:v18+s20+$0x0] =	vst.idx.msk vm11, v2  }
0x46: {  	v18 =	vld [tilespmem:$0x40];
	_ =	sdelay $0x4  }
0x47: {  	vm12 =	vlt.u32 v18, $0x80;
	v18 =	vshll.u32 v18, $0x7  }
0x48: {  	v18 =	vor.u32 v6, v18;
	_ =	sdelay $0x4  }
0x49: {  	[tilespmem:v18+s20+$0x0] =	vst.idx.msk vm12, v2  }
0x4a: {  	v18 =	vld [tilespmem:$0x50];
	_ =	sdelay $0x4  }
0x4b: {  	vm13 =	vlt.u32 v18, $0x80;
	v18 =	vshll.u32 v18, $0x7  }
0x4c: {  	v18 =	vor.u32 v7, v18;
	_ =	sdelay $0x4  }
0x4d: {  	[tilespmem:v18+s20+$0x0] =	vst.idx.msk vm13, v2  }
0x4e: {  	v18 =	vld [tilespmem:$0x60];
	_ =	sdelay $0x4  }
0x4f: {  	vm14 =	vlt.u32 v18, $0x80;
	v18 =	vshll.u32 v18, $0x7  }
0x50: {  	v18 =	vor.u32 v8, v18;
	_ =	sdelay $0x4  }
0x51: {  	[tilespmem:v18+s20+$0x0] =	vst.idx.msk vm14, v2  }
0x52: {  	v18 =	vld [tilespmem:$0x70];
	_ =	sdelay $0x4  }
0x53: {  	vm15 =	vlt.u32 v18, $0x80;
	v18 =	vshll.u32 v18, $0x7  }
0x54: {  	v18 =	vor.u32 v9, v18;
	_ =	sdelay $0x4  }
0x55: {  	s1 =	simm.s32 $0x0;
	s23 =	simm.s32 $0x400;
	[tilespmem:v18+s20+$0x0] =	vst.idx.msk vm15, v2  }
0x56: {  	[hbm4b:s4+s21] =	stream.strided.scatter [tilespmem:s20], [sflag:$0x1], $0x4000, s22, s21, $0x38;
	[tilespmem:$0x1F600] =	vst v63  }
.LBB2_4:
0x57: {  	p0 =	sne.s32 s23, $0xFC00;
	[tilespmem:s1+$0x42F0] =	vst v0  }
0x58: {  	[tilespmem:s1+$0x4200] =	vst v0  }
0x59: {  	[tilespmem:s1+$0x4210] =	vst v0  }
0x5a: {  	[tilespmem:s1+$0x4220] =	vst v0  }
0x5b: {  	[tilespmem:s1+$0x4230] =	vst v0  }
0x5c: {  	[tilespmem:s1+$0x4240] =	vst v0  }
0x5d: {  	[tilespmem:s1+$0x4250] =	vst v0  }
0x5e: {  	[tilespmem:s1+$0x4260] =	vst v0  }
0x5f: {  	[tilespmem:s1+$0x4270] =	vst v0  }
0x60: {  	[tilespmem:s1+$0x4280] =	vst v0  }
0x61: {  	[tilespmem:s1+$0x4290] =	vst v0  }
.Ltmp1:
0x62: {  	[tilespmem:s1+$0x42A0] =	vst v0;
	(pc) =	sbr.rel @p0 .LBB2_4-.Ltmp1, $4  }
0x63: {  	[tilespmem:s1+$0x42B0] =	vst v0  }
0x64: {  	[tilespmem:s1+$0x42C0] =	vst v0  }
0x65: {  	[tilespmem:s1+$0x42D0] =	vst v0  }
0x66: {  	[tilespmem:s1+$0x42E0] =	vst v0;
	s1 =	sshra.s32 s23, $0x2;
	s23 =	sadd.s32 $0x400, s23  }
0x67: {  	[tilespmem:s1+$0x42F0] =	vst v0  }
0x68: {  	[tilespmem:s1+$0x4200] =	vst v0  }
0x69: {  	[tilespmem:s1+$0x4210] =	vst v0  }
0x6a: {  	[tilespmem:s1+$0x4220] =	vst v0  }
0x6b: {  	[tilespmem:s1+$0x4230] =	vst v0  }
0x6c: {  	[tilespmem:s1+$0x4240] =	vst v0  }
0x6d: {  	[tilespmem:s1+$0x4250] =	vst v0  }
0x6e: {  	[tilespmem:s1+$0x4260] =	vst v0  }
0x6f: {  	[tilespmem:s1+$0x4270] =	vst v0  }
0x70: {  	[tilespmem:s1+$0x4280] =	vst v0  }
0x71: {  	[tilespmem:s1+$0x4290] =	vst v0  }
0x72: {  	[tilespmem:s1+$0x42A0] =	vst v0  }
0x73: {  	[tilespmem:s1+$0x42B0] =	vst v0  }
0x74: {  	[tilespmem:s1+$0x42C0] =	vst v0  }
0x75: {  	[tilespmem:s1+$0x42D0] =	vst v0  }
0x76: {  	[tilespmem:s1+$0x42E0] =	vst v0  }
0x77: {  	v18 =	vld [tilespmem:$0x0];
	_ =	sdelay $0x4  }
0x78: {  	v19 =	vand.u32 $0xFFFFFF80, v18  }
0x79: {  	v18 =	vshll.u32 v18, $0x7;
	vm0 =	veq.s32 v19, $0x80  }
0x7a: {  	v18 =	vor.u32 v1, v18;
	_ =	sdelay $0x4  }
0x7b: {  	[tilespmem:v18+s20+$0x0] =	vst.idx.msk vm0, v2  }
0x7c: {  	v18 =	vld [tilespmem:$0x10];
	_ =	sdelay $0x4  }
0x7d: {  	v19 =	vand.u32 $0xFFFFFF80, v18  }
0x7e: {  	v18 =	vshll.u32 v18, $0x7;
	vm9 =	veq.s32 v19, $0x80  }
0x7f: {  	v18 =	vor.u32 v3, v18;
	_ =	sdelay $0x4  }
0x80: {  	[tilespmem:v18+s20+$0x0] =	vst.idx.msk vm9, v2  }
0x81: {  	v18 =	vld [tilespmem:$0x20];
	_ =	sdelay $0x4  }
0x82: {  	v19 =	vand.u32 $0xFFFFFF80, v18  }
0x83: {  	v18 =	vshll.u32 v18, $0x7;
	vm10 =	veq.s32 v19, $0x80  }
0x84: {  	v18 =	vor.u32 v4, v18;
	_ =	sdelay $0x4  }
0x85: {  	[tilespmem:v18+s20+$0x0] =	vst.idx.msk vm10, v2  }
0x86: {  	v18 =	vld [tilespmem:$0x30];
	_ =	sdelay $0x4  }
0x87: {  	v19 =	vand.u32 $0xFFFFFF80, v18  }
0x88: {  	v18 =	vshll.u32 v18, $0x7;
	vm11 =	veq.s32 v19, $0x80  }
0x89: {  	v18 =	vor.u32 v5, v18;
	_ =	sdelay $0x4  }
0x8a: {  	[tilespmem:v18+s20+$0x0] =	vst.idx.msk vm11, v2  }
0x8b: {  	v18 =	vld [tilespmem:$0x40];
	_ =	sdelay $0x4  }
0x8c: {  	v19 =	vand.u32 $0xFFFFFF80, v18  }
0x8d: {  	v18 =	vshll.u32 v18, $0x7;
	vm12 =	veq.s32 v19, $0x80  }
0x8e: {  	v18 =	vor.u32 v6, v18;
	_ =	sdelay $0x4  }
0x8f: {  	[tilespmem:v18+s20+$0x0] =	vst.idx.msk vm12, v2  }
0x90: {  	v18 =	vld [tilespmem:$0x50];
	_ =	sdelay $0x4  }
0x91: {  	v19 =	vand.u32 $0xFFFFFF80, v18  }
0x92: {  	v18 =	vshll.u32 v18, $0x7;
	vm13 =	veq.s32 v19, $0x80  }
0x93: {  	v18 =	vor.u32 v7, v18;
	_ =	sdelay $0x4  }
0x94: {  	[tilespmem:v18+s20+$0x0] =	vst.idx.msk vm13, v2  }
0x95: {  	v18 =	vld [tilespmem:$0x60];
	_ =	sdelay $0x4  }
0x96: {  	v19 =	vand.u32 $0xFFFFFF80, v18  }
0x97: {  	v18 =	vshll.u32 v18, $0x7;
	vm14 =	veq.s32 v19, $0x80  }
0x98: {  	v18 =	vor.u32 v8, v18;
	_ =	sdelay $0x4  }
0x99: {  	[tilespmem:v18+s20+$0x0] =	vst.idx.msk vm14, v2  }
0x9a: {  	v18 =	vld [tilespmem:$0x70];
	_ =	sdelay $0x4  }
0x9b: {  	v19 =	vand.u32 $0xFFFFFF80, v18  }
0x9c: {  	v18 =	vshll.u32 v18, $0x7;
	vm15 =	veq.s32 v19, $0x80  }
0x9d: {  	v18 =	vor.u32 v9, v18;
	_ =	sdelay $0x4  }
0x9e: {  	s23 =	simm.s32 $0x4200;
	[tilespmem:v18+s20+$0x0] =	vst.idx.msk vm15, v2  }
0x9f: {  	[hbm4b:s5+s21] =	stream.strided.scatter [tilespmem:s23], [sflag:$0x1], $0x4000, s22, s21, $0x38;
	[tilespmem:$0x1F600] =	vst v63  }
0xa0: {  	s1 =	simm.s32 $0x0;
	s23 =	simm.s32 $0x400  }
.LBB2_6:
0xa1: {  	p0 =	sne.s32 s23, $0xFC00;
	[tilespmem:s1+$0x82F0] =	vst v0  }
0xa2: {  	[tilespmem:s1+$0x8200] =	vst v0  }
0xa3: {  	[tilespmem:s1+$0x8210] =	vst v0  }
0xa4: {  	[tilespmem:s1+$0x8220] =	vst v0  }
0xa5: {  	[tilespmem:s1+$0x8230] =	vst v0  }
0xa6: {  	[tilespmem:s1+$0x8240] =	vst v0  }
0xa7: {  	[tilespmem:s1+$0x8250] =	vst v0  }
0xa8: {  	[tilespmem:s1+$0x8260] =	vst v0  }
0xa9: {  	[tilespmem:s1+$0x8270] =	vst v0  }
0xaa: {  	[tilespmem:s1+$0x8280] =	vst v0  }
0xab: {  	[tilespmem:s1+$0x8290] =	vst v0  }
.Ltmp2:
0xac: {  	[tilespmem:s1+$0x82A0] =	vst v0;
	(pc) =	sbr.rel @p0 .LBB2_6-.Ltmp2, $4  }
0xad: {  	[tilespmem:s1+$0x82B0] =	vst v0  }
0xae: {  	[tilespmem:s1+$0x82C0] =	vst v0  }
0xaf: {  	[tilespmem:s1+$0x82D0] =	vst v0  }
0xb0: {  	[tilespmem:s1+$0x82E0] =	vst v0;
	s1 =	sshra.s32 s23, $0x2;
	s23 =	sadd.s32 $0x400, s23  }
0xb1: {  	[tilespmem:s1+$0x82F0] =	vst v0  }
0xb2: {  	[tilespmem:s1+$0x8200] =	vst v0  }
0xb3: {  	[tilespmem:s1+$0x8210] =	vst v0  }
0xb4: {  	[tilespmem:s1+$0x8220] =	vst v0  }
0xb5: {  	[tilespmem:s1+$0x8230] =	vst v0  }
0xb6: {  	[tilespmem:s1+$0x8240] =	vst v0  }
0xb7: {  	[tilespmem:s1+$0x8250] =	vst v0  }
0xb8: {  	[tilespmem:s1+$0x8260] =	vst v0  }
0xb9: {  	[tilespmem:s1+$0x8270] =	vst v0  }
0xba: {  	[tilespmem:s1+$0x8280] =	vst v0  }
0xbb: {  	[tilespmem:s1+$0x8290] =	vst v0  }
0xbc: {  	[tilespmem:s1+$0x82A0] =	vst v0  }
0xbd: {  	[tilespmem:s1+$0x82B0] =	vst v0  }
0xbe: {  	[tilespmem:s1+$0x82C0] =	vst v0  }
0xbf: {  	[tilespmem:s1+$0x82D0] =	vst v0  }
0xc0: {  	[tilespmem:s1+$0x82E0] =	vst v0  }
0xc1: {  	v18 =	vld [tilespmem:$0x0];
	_ =	sdelay $0x4  }
0xc2: {  	v19 =	vand.u32 $0xFFFFFF80, v18  }
0xc3: {  	v18 =	vshll.u32 v18, $0x7;
	vm0 =	veq.s32 v19, $0x100  }
0xc4: {  	v18 =	vor.u32 v1, v18;
	_ =	sdelay $0x4  }
0xc5: {  	[tilespmem:v18+s20+$0x0] =	vst.idx.msk vm0, v2  }
0xc6: {  	v18 =	vld [tilespmem:$0x10];
	_ =	sdelay $0x4  }
0xc7: {  	v19 =	vand.u32 $0xFFFFFF80, v18  }
0xc8: {  	v18 =	vshll.u32 v18, $0x7;
	vm9 =	veq.s32 v19, $0x100  }
0xc9: {  	v18 =	vor.u32 v3, v18;
	_ =	sdelay $0x4  }
0xca: {  	[tilespmem:v18+s20+$0x0] =	vst.idx.msk vm9, v2  }
0xcb: {  	v18 =	vld [tilespmem:$0x20];
	_ =	sdelay $0x4  }
0xcc: {  	v19 =	vand.u32 $0xFFFFFF80, v18  }
0xcd: {  	v18 =	vshll.u32 v18, $0x7;
	vm10 =	veq.s32 v19, $0x100  }
0xce: {  	v18 =	vor.u32 v4, v18;
	_ =	sdelay $0x4  }
0xcf: {  	[tilespmem:v18+s20+$0x0] =	vst.idx.msk vm10, v2  }
0xd0: {  	v18 =	vld [tilespmem:$0x30];
	_ =	sdelay $0x4  }
0xd1: {  	v19 =	vand.u32 $0xFFFFFF80, v18  }
0xd2: {  	v18 =	vshll.u32 v18, $0x7;
	vm11 =	veq.s32 v19, $0x100  }
0xd3: {  	v18 =	vor.u32 v5, v18;
	_ =	sdelay $0x4  }
0xd4: {  	[tilespmem:v18+s20+$0x0] =	vst.idx.msk vm11, v2  }
0xd5: {  	v18 =	vld [tilespmem:$0x40];
	_ =	sdelay $0x4  }
0xd6: {  	v19 =	vand.u32 $0xFFFFFF80, v18  }
0xd7: {  	v18 =	vshll.u32 v18, $0x7;
	vm12 =	veq.s32 v19, $0x100  }
0xd8: {  	v18 =	vor.u32 v6, v18;
	_ =	sdelay $0x4  }
0xd9: {  	[tilespmem:v18+s20+$0x0] =	vst.idx.msk vm12, v2  }
0xda: {  	v18 =	vld [tilespmem:$0x50];
	_ =	sdelay $0x4  }
0xdb: {  	v19 =	vand.u32 $0xFFFFFF80, v18  }
0xdc: {  	v18 =	vshll.u32 v18, $0x7;
	vm13 =	veq.s32 v19, $0x100  }
0xdd: {  	v18 =	vor.u32 v7, v18;
	_ =	sdelay $0x4  }
0xde: {  	[tilespmem:v18+s20+$0x0] =	vst.idx.msk vm13, v2  }
0xdf: {  	v18 =	vld [tilespmem:$0x60];
	_ =	sdelay $0x4  }
0xe0: {  	v19 =	vand.u32 $0xFFFFFF80, v18  }
0xe1: {  	v18 =	vshll.u32 v18, $0x7;
	vm14 =	veq.s32 v19, $0x100  }
0xe2: {  	v18 =	vor.u32 v8, v18;
	_ =	sdelay $0x4  }
0xe3: {  	[tilespmem:v18+s20+$0x0] =	vst.idx.msk vm14, v2  }
0xe4: {  	v18 =	vld [tilespmem:$0x70];
	_ =	sdelay $0x4  }
0xe5: {  	v19 =	vand.u32 $0xFFFFFF80, v18  }
0xe6: {  	v18 =	vshll.u32 v18, $0x7;
	vm15 =	veq.s32 v19, $0x100  }
0xe7: {  	v18 =	vor.u32 v9, v18;
	_ =	sdelay $0x4  }
0xe8: {  	s1 =	simm.s32 $0x0;
	s23 =	simm.s32 $0x400;
	[tilespmem:v18+s20+$0x0] =	vst.idx.msk vm15, v2  }
0xe9: {  	[hbm4b:s6+s21] =	stream.strided.scatter [tilespmem:s24], [sflag:$0x1], $0x4000, s22, s21, $0x38;
	[tilespmem:$0x1F600] =	vst v63  }
.LBB2_8:
0xea: {  	p0 =	sne.s32 s23, $0xFC00;
	[tilespmem:s1+$0xC2F0] =	vst v0  }
0xeb: {  	[tilespmem:s1+$0xC200] =	vst v0  }
0xec: {  	[tilespmem:s1+$0xC210] =	vst v0  }
0xed: {  	[tilespmem:s1+$0xC220] =	vst v0  }
0xee: {  	[tilespmem:s1+$0xC230] =	vst v0  }
0xef: {  	[tilespmem:s1+$0xC240] =	vst v0  }
0xf0: {  	[tilespmem:s1+$0xC250] =	vst v0  }
0xf1: {  	[tilespmem:s1+$0xC260] =	vst v0  }
0xf2: {  	[tilespmem:s1+$0xC270] =	vst v0  }
0xf3: {  	[tilespmem:s1+$0xC280] =	vst v0  }
0xf4: {  	[tilespmem:s1+$0xC290] =	vst v0  }
.Ltmp3:
0xf5: {  	[tilespmem:s1+$0xC2A0] =	vst v0;
	(pc) =	sbr.rel @p0 .LBB2_8-.Ltmp3, $4  }
0xf6: {  	[tilespmem:s1+$0xC2B0] =	vst v0  }
0xf7: {  	[tilespmem:s1+$0xC2C0] =	vst v0  }
0xf8: {  	[tilespmem:s1+$0xC2D0] =	vst v0  }
0xf9: {  	[tilespmem:s1+$0xC2E0] =	vst v0;
	s1 =	sshra.s32 s23, $0x2;
	s23 =	sadd.s32 $0x400, s23  }
0xfa: {  	[tilespmem:s1+$0xC2F0] =	vst v0  }
0xfb: {  	[tilespmem:s1+$0xC200] =	vst v0  }
0xfc: {  	[tilespmem:s1+$0xC210] =	vst v0  }
0xfd: {  	[tilespmem:s1+$0xC220] =	vst v0  }
0xfe: {  	[tilespmem:s1+$0xC230] =	vst v0  }
0xff: {  	[tilespmem:s1+$0xC240] =	vst v0  }
0x100: {  	[tilespmem:s1+$0xC250] =	vst v0  }
0x101: {  	[tilespmem:s1+$0xC260] =	vst v0  }
0x102: {  	[tilespmem:s1+$0xC270] =	vst v0  }
0x103: {  	[tilespmem:s1+$0xC280] =	vst v0  }
0x104: {  	[tilespmem:s1+$0xC290] =	vst v0  }
0x105: {  	[tilespmem:s1+$0xC2A0] =	vst v0  }
0x106: {  	[tilespmem:s1+$0xC2B0] =	vst v0  }
0x107: {  	[tilespmem:s1+$0xC2C0] =	vst v0  }
0x108: {  	[tilespmem:s1+$0xC2D0] =	vst v0  }
0x109: {  	[tilespmem:s1+$0xC2E0] =	vst v0  }
0x10a: {  	v18 =	vld [tilespmem:$0x0];
	_ =	sdelay $0x4  }
0x10b: {  	v19 =	vand.u32 $0xFFFFFF80, v18  }
0x10c: {  	v18 =	vshll.u32 v18, $0x7;
	vm0 =	veq.s32 v19, $0x180  }
0x10d: {  	v18 =	vor.u32 v1, v18;
	_ =	sdelay $0x4  }
0x10e: {  	[tilespmem:v18+s20+$0x0] =	vst.idx.msk vm0, v2  }
0x10f: {  	v18 =	vld [tilespmem:$0x10];
	_ =	sdelay $0x4  }
0x110: {  	v19 =	vand.u32 $0xFFFFFF80, v18  }
0x111: {  	v18 =	vshll.u32 v18, $0x7;
	vm9 =	veq.s32 v19, $0x180  }
0x112: {  	v18 =	vor.u32 v3, v18;
	_ =	sdelay $0x4  }
0x113: {  	[tilespmem:v18+s20+$0x0] =	vst.idx.msk vm9, v2  }
0x114: {  	v18 =	vld [tilespmem:$0x20];
	_ =	sdelay $0x4  }
0x115: {  	v19 =	vand.u32 $0xFFFFFF80, v18  }
0x116: {  	v18 =	vshll.u32 v18, $0x7;
	vm10 =	veq.s32 v19, $0x180  }
0x117: {  	v18 =	vor.u32 v4, v18;
	_ =	sdelay $0x4  }
0x118: {  	[tilespmem:v18+s20+$0x0] =	vst.idx.msk vm10, v2  }
0x119: {  	v18 =	vld [tilespmem:$0x30];
	_ =	sdelay $0x4  }
0x11a: {  	v19 =	vand.u32 $0xFFFFFF80, v18  }
0x11b: {  	v18 =	vshll.u32 v18, $0x7;
	vm11 =	veq.s32 v19, $0x180  }
0x11c: {  	v18 =	vor.u32 v5, v18;
	_ =	sdelay $0x4  }
0x11d: {  	[tilespmem:v18+s20+$0x0] =	vst.idx.msk vm11, v2  }
0x11e: {  	v18 =	vld [tilespmem:$0x40];
	_ =	sdelay $0x4  }
0x11f: {  	v19 =	vand.u32 $0xFFFFFF80, v18  }
0x120: {  	v18 =	vshll.u32 v18, $0x7;
	vm12 =	veq.s32 v19, $0x180  }
0x121: {  	v18 =	vor.u32 v6, v18;
	_ =	sdelay $0x4  }
0x122: {  	[tilespmem:v18+s20+$0x0] =	vst.idx.msk vm12, v2  }
0x123: {  	v18 =	vld [tilespmem:$0x50];
	_ =	sdelay $0x4  }
0x124: {  	v19 =	vand.u32 $0xFFFFFF80, v18  }
0x125: {  	v18 =	vshll.u32 v18, $0x7;
	vm13 =	veq.s32 v19, $0x180  }
0x126: {  	v18 =	vor.u32 v7, v18;
	_ =	sdelay $0x4  }
0x127: {  	[tilespmem:v18+s20+$0x0] =	vst.idx.msk vm13, v2  }
0x128: {  	v18 =	vld [tilespmem:$0x60];
	_ =	sdelay $0x4  }
0x129: {  	v19 =	vand.u32 $0xFFFFFF80, v18  }
0x12a: {  	v18 =	vshll.u32 v18, $0x7;
	vm14 =	veq.s32 v19, $0x180  }
0x12b: {  	v18 =	vor.u32 v8, v18;
	_ =	sdelay $0x4  }
0x12c: {  	[tilespmem:v18+s20+$0x0] =	vst.idx.msk vm14, v2  }
0x12d: {  	v18 =	vld [tilespmem:$0x70];
	_ =	sdelay $0x4  }
0x12e: {  	v19 =	vand.u32 $0xFFFFFF80, v18  }
0x12f: {  	v18 =	vshll.u32 v18, $0x7;
	vm15 =	veq.s32 v19, $0x180  }
0x130: {  	v18 =	vor.u32 v9, v18;
	_ =	sdelay $0x4  }
0x131: {  	s1 =	simm.s32 $0x0;
	s23 =	simm.s32 $0x400;
	[tilespmem:v18+s20+$0x0] =	vst.idx.msk vm15, v2  }
0x132: {  	[hbm4b:s7+s21] =	stream.strided.scatter [tilespmem:s25], [sflag:$0x1], $0x4000, s22, s21, $0x38;
	[tilespmem:$0x1F600] =	vst v63  }
.LBB2_10:
0x133: {  	p0 =	sne.s32 s23, $0xFC00;
	[tilespmem:s1+$0x102F0] =	vst v0  }
0x134: {  	[tilespmem:s1+$0x10200] =	vst v0  }
0x135: {  	[tilespmem:s1+$0x10210] =	vst v0  }
0x136: {  	[tilespmem:s1+$0x10220] =	vst v0  }
0x137: {  	[tilespmem:s1+$0x10230] =	vst v0  }
0x138: {  	[tilespmem:s1+$0x10240] =	vst v0  }
0x139: {  	[tilespmem:s1+$0x10250] =	vst v0  }
0x13a: {  	[tilespmem:s1+$0x10260] =	vst v0  }
0x13b: {  	[tilespmem:s1+$0x10270] =	vst v0  }
0x13c: {  	[tilespmem:s1+$0x10280] =	vst v0  }
0x13d: {  	[tilespmem:s1+$0x10290] =	vst v0  }
.Ltmp4:
0x13e: {  	[tilespmem:s1+$0x102A0] =	vst v0;
	(pc) =	sbr.rel @p0 .LBB2_10-.Ltmp4, $4  }
0x13f: {  	[tilespmem:s1+$0x102B0] =	vst v0  }
0x140: {  	[tilespmem:s1+$0x102C0] =	vst v0  }
0x141: {  	[tilespmem:s1+$0x102D0] =	vst v0  }
0x142: {  	[tilespmem:s1+$0x102E0] =	vst v0;
	s1 =	sshra.s32 s23, $0x2;
	s23 =	sadd.s32 $0x400, s23  }
0x143: {  	[tilespmem:s1+$0x102F0] =	vst v0  }
0x144: {  	[tilespmem:s1+$0x10200] =	vst v0  }
0x145: {  	[tilespmem:s1+$0x10210] =	vst v0  }
0x146: {  	[tilespmem:s1+$0x10220] =	vst v0  }
0x147: {  	[tilespmem:s1+$0x10230] =	vst v0  }
0x148: {  	[tilespmem:s1+$0x10240] =	vst v0  }
0x149: {  	[tilespmem:s1+$0x10250] =	vst v0  }
0x14a: {  	[tilespmem:s1+$0x10260] =	vst v0  }
0x14b: {  	[tilespmem:s1+$0x10270] =	vst v0  }
0x14c: {  	[tilespmem:s1+$0x10280] =	vst v0  }
0x14d: {  	[tilespmem:s1+$0x10290] =	vst v0  }
0x14e: {  	[tilespmem:s1+$0x102A0] =	vst v0  }
0x14f: {  	[tilespmem:s1+$0x102B0] =	vst v0  }
0x150: {  	[tilespmem:s1+$0x102C0] =	vst v0  }
0x151: {  	[tilespmem:s1+$0x102D0] =	vst v0  }
0x152: {  	[tilespmem:s1+$0x102E0] =	vst v0  }
0x153: {  	v18 =	vld [tilespmem:$0x0];
	_ =	sdelay $0x4  }
0x154: {  	v19 =	vand.u32 $0xFFFFFF80, v18  }
0x155: {  	v18 =	vshll.u32 v18, $0x7;
	vm0 =	veq.s32 v19, $0x200  }
0x156: {  	v18 =	vadd.s32 v10, v18;
	_ =	sdelay $0x4  }
0x157: {  	[tilespmem:v18+s26+$0x0] =	vst.idx.msk vm0, v2  }
0x158: {  	v18 =	vld [tilespmem:$0x10];
	_ =	sdelay $0x4  }
0x159: {  	v19 =	vand.u32 $0xFFFFFF80, v18  }
0x15a: {  	v18 =	vshll.u32 v18, $0x7;
	vm9 =	veq.s32 v19, $0x200  }
0x15b: {  	v18 =	vadd.s32 v11, v18;
	_ =	sdelay $0x4  }
0x15c: {  	[tilespmem:v18+s26+$0x0] =	vst.idx.msk vm9, v2  }
0x15d: {  	v18 =	vld [tilespmem:$0x20];
	_ =	sdelay $0x4  }
0x15e: {  	v19 =	vand.u32 $0xFFFFFF80, v18  }
0x15f: {  	v18 =	vshll.u32 v18, $0x7;
	vm10 =	veq.s32 v19, $0x200  }
0x160: {  	v18 =	vadd.s32 v12, v18;
	_ =	sdelay $0x4  }
0x161: {  	[tilespmem:v18+s26+$0x0] =	vst.idx.msk vm10, v2  }
0x162: {  	v18 =	vld [tilespmem:$0x30];
	_ =	sdelay $0x4  }
0x163: {  	v19 =	vand.u32 $0xFFFFFF80, v18  }
0x164: {  	v18 =	vshll.u32 v18, $0x7;
	vm11 =	veq.s32 v19, $0x200  }
0x165: {  	v18 =	vadd.s32 v13, v18;
	_ =	sdelay $0x4  }
0x166: {  	[tilespmem:v18+s26+$0x0] =	vst.idx.msk vm11, v2  }
0x167: {  	v18 =	vld [tilespmem:$0x40];
	_ =	sdelay $0x4  }
0x168: {  	v19 =	vand.u32 $0xFFFFFF80, v18  }
0x169: {  	v18 =	vshll.u32 v18, $0x7;
	vm12 =	veq.s32 v19, $0x200  }
0x16a: {  	v18 =	vadd.s32 v14, v18;
	_ =	sdelay $0x4  }
0x16b: {  	[tilespmem:v18+s26+$0x0] =	vst.idx.msk vm12, v2  }
0x16c: {  	v18 =	vld [tilespmem:$0x50];
	_ =	sdelay $0x4  }
0x16d: {  	v19 =	vand.u32 $0xFFFFFF80, v18  }
0x16e: {  	v18 =	vshll.u32 v18, $0x7;
	vm13 =	veq.s32 v19, $0x200  }
0x16f: {  	v18 =	vadd.s32 v15, v18;
	_ =	sdelay $0x4  }
0x170: {  	[tilespmem:v18+s26+$0x0] =	vst.idx.msk vm13, v2  }
0x171: {  	v18 =	vld [tilespmem:$0x60];
	_ =	sdelay $0x4  }
0x172: {  	v19 =	vand.u32 $0xFFFFFF80, v18  }
0x173: {  	v18 =	vshll.u32 v18, $0x7;
	vm14 =	veq.s32 v19, $0x200  }
0x174: {  	v18 =	vadd.s32 v16, v18;
	_ =	sdelay $0x4  }
0x175: {  	[tilespmem:v18+s26+$0x0] =	vst.idx.msk vm14, v2  }
0x176: {  	v18 =	vld [tilespmem:$0x70];
	_ =	sdelay $0x4  }
0x177: {  	v19 =	vand.u32 $0xFFFFFF80, v18  }
0x178: {  	v18 =	vshll.u32 v18, $0x7;
	vm15 =	veq.s32 v19, $0x200  }
0x179: {  	v18 =	vadd.s32 v17, v18;
	_ =	sdelay $0x4  }
0x17a: {  	s1 =	simm.s32 $0x0;
	s23 =	simm.s32 $0x400;
	[tilespmem:v18+s26+$0x0] =	vst.idx.msk vm15, v2  }
0x17b: {  	[hbm4b:s8+s21] =	stream.strided.scatter [tilespmem:s26], [sflag:$0x2], $0x4000, s22, s21, $0x38;
	[tilespmem:$0x1F600] =	vst v63  }
.LBB2_12:
0x17c: {  	p0 =	sne.s32 s23, $0xFC00;
	[tilespmem:s1+$0x142F0] =	vst v0  }
0x17d: {  	[tilespmem:s1+$0x14200] =	vst v0  }
0x17e: {  	[tilespmem:s1+$0x14210] =	vst v0  }
0x17f: {  	[tilespmem:s1+$0x14220] =	vst v0  }
0x180: {  	[tilespmem:s1+$0x14230] =	vst v0  }
0x181: {  	[tilespmem:s1+$0x14240] =	vst v0  }
0x182: {  	[tilespmem:s1+$0x14250] =	vst v0  }
0x183: {  	[tilespmem:s1+$0x14260] =	vst v0  }
0x184: {  	[tilespmem:s1+$0x14270] =	vst v0  }
0x185: {  	[tilespmem:s1+$0x14280] =	vst v0  }
0x186: {  	[tilespmem:s1+$0x14290] =	vst v0  }
.Ltmp5:
0x187: {  	[tilespmem:s1+$0x142A0] =	vst v0;
	(pc) =	sbr.rel @p0 .LBB2_12-.Ltmp5, $4  }
0x188: {  	[tilespmem:s1+$0x142B0] =	vst v0  }
0x189: {  	[tilespmem:s1+$0x142C0] =	vst v0  }
0x18a: {  	[tilespmem:s1+$0x142D0] =	vst v0  }
0x18b: {  	[tilespmem:s1+$0x142E0] =	vst v0;
	s1 =	sshra.s32 s23, $0x2;
	s23 =	sadd.s32 $0x400, s23  }
0x18c: {  	[tilespmem:s1+$0x142F0] =	vst v0  }
0x18d: {  	[tilespmem:s1+$0x14200] =	vst v0  }
0x18e: {  	[tilespmem:s1+$0x14210] =	vst v0  }
0x18f: {  	[tilespmem:s1+$0x14220] =	vst v0  }
0x190: {  	[tilespmem:s1+$0x14230] =	vst v0  }
0x191: {  	[tilespmem:s1+$0x14240] =	vst v0  }
0x192: {  	[tilespmem:s1+$0x14250] =	vst v0  }
0x193: {  	[tilespmem:s1+$0x14260] =	vst v0  }
0x194: {  	[tilespmem:s1+$0x14270] =	vst v0  }
0x195: {  	[tilespmem:s1+$0x14280] =	vst v0  }
0x196: {  	[tilespmem:s1+$0x14290] =	vst v0  }
0x197: {  	[tilespmem:s1+$0x142A0] =	vst v0  }
0x198: {  	[tilespmem:s1+$0x142B0] =	vst v0  }
0x199: {  	[tilespmem:s1+$0x142C0] =	vst v0  }
0x19a: {  	[tilespmem:s1+$0x142D0] =	vst v0  }
0x19b: {  	[tilespmem:s1+$0x142E0] =	vst v0  }
0x19c: {  	v18 =	vld [tilespmem:$0x0];
	_ =	sdelay $0x4  }
0x19d: {  	v19 =	vand.u32 $0xFFFFFF80, v18  }
0x19e: {  	v18 =	vshll.u32 v18, $0x7;
	vm0 =	veq.s32 v19, $0x280  }
0x19f: {  	v18 =	vadd.s32 v10, v18;
	_ =	sdelay $0x4  }
0x1a0: {  	[tilespmem:v18+s26+$0x0] =	vst.idx.msk vm0, v2  }
0x1a1: {  	v18 =	vld [tilespmem:$0x10];
	_ =	sdelay $0x4  }
0x1a2: {  	v19 =	vand.u32 $0xFFFFFF80, v18  }
0x1a3: {  	v18 =	vshll.u32 v18, $0x7;
	vm9 =	veq.s32 v19, $0x280  }
0x1a4: {  	v18 =	vadd.s32 v11, v18;
	_ =	sdelay $0x4  }
0x1a5: {  	[tilespmem:v18+s26+$0x0] =	vst.idx.msk vm9, v2  }
0x1a6: {  	v18 =	vld [tilespmem:$0x20];
	_ =	sdelay $0x4  }
0x1a7: {  	v19 =	vand.u32 $0xFFFFFF80, v18  }
0x1a8: {  	v18 =	vshll.u32 v18, $0x7;
	vm10 =	veq.s32 v19, $0x280  }
0x1a9: {  	v18 =	vadd.s32 v12, v18;
	_ =	sdelay $0x4  }
0x1aa: {  	[tilespmem:v18+s26+$0x0] =	vst.idx.msk vm10, v2  }
0x1ab: {  	v18 =	vld [tilespmem:$0x30];
	_ =	sdelay $0x4  }
0x1ac: {  	v19 =	vand.u32 $0xFFFFFF80, v18  }
0x1ad: {  	v18 =	vshll.u32 v18, $0x7;
	vm11 =	veq.s32 v19, $0x280  }
0x1ae: {  	v18 =	vadd.s32 v13, v18;
	_ =	sdelay $0x4  }
0x1af: {  	[tilespmem:v18+s26+$0x0] =	vst.idx.msk vm11, v2  }
0x1b0: {  	v18 =	vld [tilespmem:$0x40];
	_ =	sdelay $0x4  }
0x1b1: {  	v19 =	vand.u32 $0xFFFFFF80, v18  }
0x1b2: {  	v18 =	vshll.u32 v18, $0x7;
	vm12 =	veq.s32 v19, $0x280  }
0x1b3: {  	v18 =	vadd.s32 v14, v18;
	_ =	sdelay $0x4  }
0x1b4: {  	[tilespmem:v18+s26+$0x0] =	vst.idx.msk vm12, v2  }
0x1b5: {  	v18 =	vld [tilespmem:$0x50];
	_ =	sdelay $0x4  }
0x1b6: {  	v19 =	vand.u32 $0xFFFFFF80, v18  }
0x1b7: {  	v18 =	vshll.u32 v18, $0x7;
	vm13 =	veq.s32 v19, $0x280  }
0x1b8: {  	v18 =	vadd.s32 v15, v18;
	_ =	sdelay $0x4  }
0x1b9: {  	[tilespmem:v18+s26+$0x0] =	vst.idx.msk vm13, v2  }
0x1ba: {  	v18 =	vld [tilespmem:$0x60];
	_ =	sdelay $0x4  }
0x1bb: {  	v19 =	vand.u32 $0xFFFFFF80, v18  }
0x1bc: {  	v18 =	vshll.u32 v18, $0x7;
	vm14 =	veq.s32 v19, $0x280  }
0x1bd: {  	v18 =	vadd.s32 v16, v18;
	_ =	sdelay $0x4  }
0x1be: {  	[tilespmem:v18+s26+$0x0] =	vst.idx.msk vm14, v2  }
0x1bf: {  	v18 =	vld [tilespmem:$0x70];
	_ =	sdelay $0x4  }
0x1c0: {  	v19 =	vand.u32 $0xFFFFFF80, v18  }
0x1c1: {  	v18 =	vshll.u32 v18, $0x7;
	vm15 =	veq.s32 v19, $0x280  }
0x1c2: {  	v18 =	vadd.s32 v17, v18;
	_ =	sdelay $0x4  }
0x1c3: {  	s1 =	simm.s32 $0x0;
	s23 =	simm.s32 $0x400;
	[tilespmem:v18+s26+$0x0] =	vst.idx.msk vm15, v2  }
0x1c4: {  	[hbm4b:s9+s21] =	stream.strided.scatter [tilespmem:s28], [sflag:$0x2], $0x4000, s22, s21, $0x38;
	[tilespmem:$0x1F600] =	vst v63  }
.LBB2_14:
0x1c5: {  	p0 =	sne.s32 s23, $0xFC00;
	[tilespmem:s1+$0x182F0] =	vst v0  }
0x1c6: {  	[tilespmem:s1+$0x18200] =	vst v0  }
0x1c7: {  	[tilespmem:s1+$0x18210] =	vst v0  }
0x1c8: {  	[tilespmem:s1+$0x18220] =	vst v0  }
0x1c9: {  	[tilespmem:s1+$0x18230] =	vst v0  }
0x1ca: {  	[tilespmem:s1+$0x18240] =	vst v0  }
0x1cb: {  	[tilespmem:s1+$0x18250] =	vst v0  }
0x1cc: {  	[tilespmem:s1+$0x18260] =	vst v0  }
0x1cd: {  	[tilespmem:s1+$0x18270] =	vst v0  }
0x1ce: {  	[tilespmem:s1+$0x18280] =	vst v0  }
0x1cf: {  	[tilespmem:s1+$0x18290] =	vst v0  }
.Ltmp6:
0x1d0: {  	[tilespmem:s1+$0x182A0] =	vst v0;
	(pc) =	sbr.rel @p0 .LBB2_14-.Ltmp6, $4  }
0x1d1: {  	[tilespmem:s1+$0x182B0] =	vst v0  }
0x1d2: {  	[tilespmem:s1+$0x182C0] =	vst v0  }
0x1d3: {  	[tilespmem:s1+$0x182D0] =	vst v0  }
0x1d4: {  	[tilespmem:s1+$0x182E0] =	vst v0;
	s1 =	sshra.s32 s23, $0x2;
	s23 =	sadd.s32 $0x400, s23  }
0x1d5: {  	[tilespmem:s1+$0x182F0] =	vst v0  }
0x1d6: {  	[tilespmem:s1+$0x18200] =	vst v0  }
0x1d7: {  	[tilespmem:s1+$0x18210] =	vst v0  }
0x1d8: {  	[tilespmem:s1+$0x18220] =	vst v0  }
0x1d9: {  	[tilespmem:s1+$0x18230] =	vst v0  }
0x1da: {  	[tilespmem:s1+$0x18240] =	vst v0  }
0x1db: {  	[tilespmem:s1+$0x18250] =	vst v0  }
0x1dc: {  	[tilespmem:s1+$0x18260] =	vst v0  }
0x1dd: {  	[tilespmem:s1+$0x18270] =	vst v0  }
0x1de: {  	[tilespmem:s1+$0x18280] =	vst v0  }
0x1df: {  	[tilespmem:s1+$0x18290] =	vst v0  }
0x1e0: {  	[tilespmem:s1+$0x182A0] =	vst v0  }
0x1e1: {  	[tilespmem:s1+$0x182B0] =	vst v0  }
0x1e2: {  	[tilespmem:s1+$0x182C0] =	vst v0  }
0x1e3: {  	[tilespmem:s1+$0x182D0] =	vst v0  }
0x1e4: {  	[tilespmem:s1+$0x182E0] =	vst v0  }
0x1e5: {  	v18 =	vld [tilespmem:$0x0];
	_ =	sdelay $0x4  }
0x1e6: {  	v19 =	vand.u32 $0xFFFFFF80, v18  }
0x1e7: {  	v18 =	vshll.u32 v18, $0x7;
	vm0 =	veq.s32 v19, $0x300  }
0x1e8: {  	v18 =	vadd.s32 v10, v18;
	_ =	sdelay $0x4  }
0x1e9: {  	[tilespmem:v18+s26+$0x0] =	vst.idx.msk vm0, v2  }
0x1ea: {  	v18 =	vld [tilespmem:$0x10];
	_ =	sdelay $0x4  }
0x1eb: {  	v19 =	vand.u32 $0xFFFFFF80, v18  }
0x1ec: {  	v18 =	vshll.u32 v18, $0x7;
	vm9 =	veq.s32 v19, $0x300  }
0x1ed: {  	v18 =	vadd.s32 v11, v18;
	_ =	sdelay $0x4  }
0x1ee: {  	[tilespmem:v18+s26+$0x0] =	vst.idx.msk vm9, v2  }
0x1ef: {  	v18 =	vld [tilespmem:$0x20];
	_ =	sdelay $0x4  }
0x1f0: {  	v19 =	vand.u32 $0xFFFFFF80, v18  }
0x1f1: {  	v18 =	vshll.u32 v18, $0x7;
	vm10 =	veq.s32 v19, $0x300  }
0x1f2: {  	v18 =	vadd.s32 v12, v18;
	_ =	sdelay $0x4  }
0x1f3: {  	[tilespmem:v18+s26+$0x0] =	vst.idx.msk vm10, v2  }
0x1f4: {  	v18 =	vld [tilespmem:$0x30];
	_ =	sdelay $0x4  }
0x1f5: {  	v19 =	vand.u32 $0xFFFFFF80, v18  }
0x1f6: {  	v18 =	vshll.u32 v18, $0x7;
	vm11 =	veq.s32 v19, $0x300  }
0x1f7: {  	v18 =	vadd.s32 v13, v18;
	_ =	sdelay $0x4  }
0x1f8: {  	[tilespmem:v18+s26+$0x0] =	vst.idx.msk vm11, v2  }
0x1f9: {  	v18 =	vld [tilespmem:$0x40];
	_ =	sdelay $0x4  }
0x1fa: {  	v19 =	vand.u32 $0xFFFFFF80, v18  }
0x1fb: {  	v18 =	vshll.u32 v18, $0x7;
	vm12 =	veq.s32 v19, $0x300  }
0x1fc: {  	v18 =	vadd.s32 v14, v18;
	_ =	sdelay $0x4  }
0x1fd: {  	[tilespmem:v18+s26+$0x0] =	vst.idx.msk vm12, v2  }
0x1fe: {  	v18 =	vld [tilespmem:$0x50];
	_ =	sdelay $0x4  }
0x1ff: {  	v19 =	vand.u32 $0xFFFFFF80, v18  }
0x200: {  	v18 =	vshll.u32 v18, $0x7;
	vm13 =	veq.s32 v19, $0x300  }
0x201: {  	v18 =	vadd.s32 v15, v18;
	_ =	sdelay $0x4  }
0x202: {  	[tilespmem:v18+s26+$0x0] =	vst.idx.msk vm13, v2  }
0x203: {  	v18 =	vld [tilespmem:$0x60];
	_ =	sdelay $0x4  }
0x204: {  	v19 =	vand.u32 $0xFFFFFF80, v18  }
0x205: {  	v18 =	vshll.u32 v18, $0x7;
	vm14 =	veq.s32 v19, $0x300  }
0x206: {  	v18 =	vadd.s32 v16, v18;
	_ =	sdelay $0x4  }
0x207: {  	[tilespmem:v18+s26+$0x0] =	vst.idx.msk vm14, v2  }
0x208: {  	v18 =	vld [tilespmem:$0x70];
	_ =	sdelay $0x4  }
0x209: {  	v19 =	vand.u32 $0xFFFFFF80, v18  }
0x20a: {  	v18 =	vshll.u32 v18, $0x7;
	vm15 =	veq.s32 v19, $0x300  }
0x20b: {  	v18 =	vadd.s32 v17, v18;
	_ =	sdelay $0x4  }
0x20c: {  	s1 =	simm.s32 $0x0;
	s23 =	simm.s32 $0x400;
	[tilespmem:v18+s26+$0x0] =	vst.idx.msk vm15, v2  }
0x20d: {  	[hbm4b:s10+s21] =	stream.strided.scatter [tilespmem:s29], [sflag:$0x2], $0x4000, s22, s21, $0x38;
	[tilespmem:$0x1F600] =	vst v63  }
.LBB2_16:
0x20e: {  	p0 =	sne.s32 s23, $0xCC00;
	[tilespmem:s1+$0x1C2F0] =	vst v0  }
0x20f: {  	[tilespmem:s1+$0x1C200] =	vst v0  }
0x210: {  	[tilespmem:s1+$0x1C210] =	vst v0  }
0x211: {  	[tilespmem:s1+$0x1C220] =	vst v0  }
0x212: {  	[tilespmem:s1+$0x1C230] =	vst v0  }
0x213: {  	[tilespmem:s1+$0x1C240] =	vst v0  }
0x214: {  	[tilespmem:s1+$0x1C250] =	vst v0  }
0x215: {  	[tilespmem:s1+$0x1C260] =	vst v0  }
0x216: {  	[tilespmem:s1+$0x1C270] =	vst v0  }
0x217: {  	[tilespmem:s1+$0x1C280] =	vst v0  }
0x218: {  	[tilespmem:s1+$0x1C290] =	vst v0  }
.Ltmp7:
0x219: {  	[tilespmem:s1+$0x1C2A0] =	vst v0;
	(pc) =	sbr.rel @p0 .LBB2_16-.Ltmp7, $4  }
0x21a: {  	[tilespmem:s1+$0x1C2B0] =	vst v0  }
0x21b: {  	[tilespmem:s1+$0x1C2C0] =	vst v0  }
0x21c: {  	[tilespmem:s1+$0x1C2D0] =	vst v0  }
0x21d: {  	[tilespmem:s1+$0x1C2E0] =	vst v0;
	s1 =	sshra.s32 s23, $0x2;
	s23 =	sadd.s32 $0x400, s23  }
0x21e: {  	[tilespmem:s1+$0x1C2F0] =	vst v0  }
0x21f: {  	[tilespmem:s1+$0x1C200] =	vst v0  }
0x220: {  	[tilespmem:s1+$0x1C210] =	vst v0  }
0x221: {  	[tilespmem:s1+$0x1C220] =	vst v0  }
0x222: {  	[tilespmem:s1+$0x1C230] =	vst v0  }
0x223: {  	[tilespmem:s1+$0x1C240] =	vst v0  }
0x224: {  	[tilespmem:s1+$0x1C250] =	vst v0  }
0x225: {  	[tilespmem:s1+$0x1C260] =	vst v0  }
0x226: {  	[tilespmem:s1+$0x1C270] =	vst v0  }
0x227: {  	[tilespmem:s1+$0x1C280] =	vst v0  }
0x228: {  	[tilespmem:s1+$0x1C290] =	vst v0  }
0x229: {  	[tilespmem:s1+$0x1C2A0] =	vst v0  }
0x22a: {  	[tilespmem:s1+$0x1C2B0] =	vst v0  }
0x22b: {  	[tilespmem:s1+$0x1C2C0] =	vst v0  }
0x22c: {  	[tilespmem:s1+$0x1C2D0] =	vst v0  }
0x22d: {  	[tilespmem:s1+$0x1C2E0] =	vst v0  }
0x22e: {  	v18 =	vld [tilespmem:$0x0];
	_ =	sdelay $0x4  }
0x22f: {  	v19 =	vadd.s32 $0xFFFFFC80, v18  }
0x230: {  	v18 =	vshll.u32 v18, $0x7;
	vm0 =	vlt.u32 v19, $0x68  }
0x231: {  	v18 =	vadd.s32 v10, v18;
	_ =	sdelay $0x4  }
0x232: {  	[tilespmem:v18+s26+$0x0] =	vst.idx.msk vm0, v2  }
0x233: {  	v18 =	vld [tilespmem:$0x10];
	_ =	sdelay $0x4  }
0x234: {  	v19 =	vadd.s32 $0xFFFFFC80, v18  }
0x235: {  	v18 =	vshll.u32 v18, $0x7;
	vm9 =	vlt.u32 v19, $0x68  }
0x236: {  	v18 =	vadd.s32 v11, v18;
	_ =	sdelay $0x4  }
0x237: {  	[tilespmem:v18+s26+$0x0] =	vst.idx.msk vm9, v2  }
0x238: {  	v18 =	vld [tilespmem:$0x20];
	_ =	sdelay $0x4  }
0x239: {  	v19 =	vadd.s32 $0xFFFFFC80, v18  }
0x23a: {  	v18 =	vshll.u32 v18, $0x7;
	vm10 =	vlt.u32 v19, $0x68  }
0x23b: {  	v18 =	vadd.s32 v12, v18;
	_ =	sdelay $0x4  }
0x23c: {  	[tilespmem:v18+s26+$0x0] =	vst.idx.msk vm10, v2  }
0x23d: {  	v18 =	vld [tilespmem:$0x30];
	_ =	sdelay $0x4  }
0x23e: {  	v19 =	vadd.s32 $0xFFFFFC80, v18  }
0x23f: {  	v18 =	vshll.u32 v18, $0x7;
	vm11 =	vlt.u32 v19, $0x68  }
0x240: {  	v18 =	vadd.s32 v13, v18;
	_ =	sdelay $0x4  }
0x241: {  	[tilespmem:v18+s26+$0x0] =	vst.idx.msk vm11, v2  }
0x242: {  	v18 =	vld [tilespmem:$0x40];
	_ =	sdelay $0x4  }
0x243: {  	v19 =	vadd.s32 $0xFFFFFC80, v18  }
0x244: {  	v18 =	vshll.u32 v18, $0x7;
	vm12 =	vlt.u32 v19, $0x68  }
0x245: {  	v18 =	vadd.s32 v14, v18;
	_ =	sdelay $0x4  }
0x246: {  	[tilespmem:v18+s26+$0x0] =	vst.idx.msk vm12, v2  }
0x247: {  	v18 =	vld [tilespmem:$0x50];
	_ =	sdelay $0x4  }
0x248: {  	v19 =	vadd.s32 $0xFFFFFC80, v18  }
0x249: {  	v18 =	vshll.u32 v18, $0x7;
	vm13 =	vlt.u32 v19, $0x68  }
0x24a: {  	v18 =	vadd.s32 v15, v18;
	_ =	sdelay $0x4  }
0x24b: {  	[tilespmem:v18+s26+$0x0] =	vst.idx.msk vm13, v2  }
0x24c: {  	v18 =	vld [tilespmem:$0x60];
	_ =	sdelay $0x4  }
0x24d: {  	v19 =	vadd.s32 $0xFFFFFC80, v18  }
0x24e: {  	v18 =	vshll.u32 v18, $0x7;
	vm14 =	vlt.u32 v19, $0x68  }
0x24f: {  	v18 =	vadd.s32 v16, v18;
	_ =	sdelay $0x4  }
0x250: {  	[tilespmem:v18+s26+$0x0] =	vst.idx.msk vm14, v2  }
0x251: {  	v18 =	vld [tilespmem:$0x70];
	_ =	sdelay $0x4  }
0x252: {  	v19 =	vadd.s32 $0xFFFFFC80, v18  }
0x253: {  	v18 =	vshll.u32 v18, $0x7;
	vm15 =	vlt.u32 v19, $0x68  }
0x254: {  	v18 =	vadd.s32 v17, v18;
	_ =	sdelay $0x4  }
0x255: {  	[tilespmem:v18+s26+$0x0] =	vst.idx.msk vm15, v2  }
0x256: {  	[hbm4b:s11+s21] =	stream.strided.scatter [tilespmem:s30], [sflag:$0x2], $0x3400, s22, s21, $0x38;
	[tilespmem:$0x1F600] =	vst v63  }
0x257: {  	_ =	swait.ge [sflag:s19], $0x10000  }
0x258: {  	[sflag:s19] =	ssyncset.done $0x0  }
0x259: {  	[sflag:s19] =	ssyncadd.s32 $0xFFFF0000  }
0x25a: {  	v18 =	vld [tilespmem:$0x0];
	_ =	sdelay $0x4  }
0x25b: {  	vm4 =	vlt.u32 v18, $0x200;
	v18 =	vshll.u32 v18, $0x7  }
0x25c: {  	v18 =	vor.u32 v1, v18;
	_ =	sdelay $0x4  }
0x25d: {  	[tilespmem:v18+s20+$0x0] =	vst.idx.msk vm4, v0  }
0x25e: {  	v18 =	vld [tilespmem:$0x10];
	_ =	sdelay $0x4  }
0x25f: {  	vm5 =	vlt.u32 v18, $0x200;
	v18 =	vshll.u32 v18, $0x7  }
0x260: {  	v18 =	vor.u32 v3, v18;
	_ =	sdelay $0x4  }
0x261: {  	[tilespmem:v18+s20+$0x0] =	vst.idx.msk vm5, v0  }
0x262: {  	v18 =	vld [tilespmem:$0x20];
	_ =	sdelay $0x4  }
0x263: {  	vm6 =	vlt.u32 v18, $0x200;
	v18 =	vshll.u32 v18, $0x7  }
0x264: {  	v18 =	vor.u32 v4, v18;
	_ =	sdelay $0x4  }
0x265: {  	[tilespmem:v18+s20+$0x0] =	vst.idx.msk vm6, v0  }
0x266: {  	v18 =	vld [tilespmem:$0x30];
	_ =	sdelay $0x4  }
0x267: {  	vm7 =	vlt.u32 v18, $0x200;
	v18 =	vshll.u32 v18, $0x7  }
0x268: {  	v18 =	vor.u32 v5, v18;
	_ =	sdelay $0x4  }
0x269: {  	[tilespmem:v18+s20+$0x0] =	vst.idx.msk vm7, v0  }
0x26a: {  	v18 =	vld [tilespmem:$0x40];
	_ =	sdelay $0x4  }
0x26b: {  	vm8 =	vlt.u32 v18, $0x200;
	v18 =	vshll.u32 v18, $0x7  }
0x26c: {  	v18 =	vor.u32 v6, v18;
	_ =	sdelay $0x4  }
0x26d: {  	[tilespmem:v18+s20+$0x0] =	vst.idx.msk vm8, v0  }
0x26e: {  	v18 =	vld [tilespmem:$0x50];
	_ =	sdelay $0x4  }
0x26f: {  	vm9 =	vlt.u32 v18, $0x200;
	v18 =	vshll.u32 v18, $0x7  }
0x270: {  	v18 =	vor.u32 v7, v18;
	_ =	sdelay $0x4  }
0x271: {  	[tilespmem:v18+s20+$0x0] =	vst.idx.msk vm9, v0  }
0x272: {  	v18 =	vld [tilespmem:$0x60];
	_ =	sdelay $0x4  }
0x273: {  	vm10 =	vlt.u32 v18, $0x200;
	v18 =	vshll.u32 v18, $0x7  }
0x274: {  	v18 =	vor.u32 v8, v18;
	_ =	sdelay $0x4  }
0x275: {  	[tilespmem:v18+s20+$0x0] =	vst.idx.msk vm10, v0  }
0x276: {  	v18 =	vld [tilespmem:$0x70];
	_ =	sdelay $0x4  }
0x277: {  	vm11 =	vlt.u32 v18, $0x200;
	v18 =	vshll.u32 v18, $0x7  }
0x278: {  	v18 =	vor.u32 v9, v18;
	_ =	sdelay $0x4  }
0x279: {  	[tilespmem:v18+s20+$0x0] =	vst.idx.msk vm11, v0  }
0x27a: {  	v18 =	vld [tilespmem:$0x80];
	_ =	sdelay $0x4  }
0x27b: {  	vm12 =	vlt.u32 v18, $0x200;
	v18 =	vshll.u32 v18, $0x7  }
0x27c: {  	v18 =	vor.u32 v1, v18;
	_ =	sdelay $0x4  }
0x27d: {  	[tilespmem:v18+s20+$0x0] =	vst.idx.msk vm12, v2  }
0x27e: {  	v18 =	vld [tilespmem:$0x90];
	_ =	sdelay $0x4  }
0x27f: {  	vm13 =	vlt.u32 v18, $0x200;
	v18 =	vshll.u32 v18, $0x7  }
0x280: {  	v18 =	vor.u32 v3, v18;
	_ =	sdelay $0x4  }
0x281: {  	[tilespmem:v18+s20+$0x0] =	vst.idx.msk vm13, v2  }
0x282: {  	v18 =	vld [tilespmem:$0xA0];
	_ =	sdelay $0x4  }
0x283: {  	vm14 =	vlt.u32 v18, $0x200;
	v18 =	vshll.u32 v18, $0x7  }
0x284: {  	v18 =	vor.u32 v4, v18;
	_ =	sdelay $0x4  }
0x285: {  	[tilespmem:v18+s20+$0x0] =	vst.idx.msk vm14, v2  }
0x286: {  	v18 =	vld [tilespmem:$0xB0];
	_ =	sdelay $0x4  }
0x287: {  	vm15 =	vlt.u32 v18, $0x200;
	v18 =	vshll.u32 v18, $0x7  }
0x288: {  	v18 =	vor.u32 v5, v18;
	_ =	sdelay $0x4  }
0x289: {  	[tilespmem:v18+s20+$0x0] =	vst.idx.msk vm15, v2  }
0x28a: {  	v18 =	vld [tilespmem:$0xC0];
	_ =	sdelay $0x4  }
0x28b: {  	vm4 =	vlt.u32 v18, $0x200;
	v18 =	vshll.u32 v18, $0x7  }
0x28c: {  	v18 =	vor.u32 v6, v18;
	_ =	sdelay $0x4  }
0x28d: {  	[tilespmem:v18+s20+$0x0] =	vst.idx.msk vm4, v2  }
0x28e: {  	v18 =	vld [tilespmem:$0xD0];
	_ =	sdelay $0x4  }
0x28f: {  	vm5 =	vlt.u32 v18, $0x200;
	v18 =	vshll.u32 v18, $0x7  }
0x290: {  	v18 =	vor.u32 v7, v18;
	_ =	sdelay $0x4  }
0x291: {  	[tilespmem:v18+s20+$0x0] =	vst.idx.msk vm5, v2  }
0x292: {  	v18 =	vld [tilespmem:$0xE0];
	_ =	sdelay $0x4  }
0x293: {  	vm6 =	vlt.u32 v18, $0x200;
	v18 =	vshll.u32 v18, $0x7  }
0x294: {  	v18 =	vor.u32 v8, v18;
	_ =	sdelay $0x4  }
0x295: {  	[tilespmem:v18+s20+$0x0] =	vst.idx.msk vm6, v2  }
0x296: {  	v18 =	vld [tilespmem:$0xF0];
	_ =	sdelay $0x4  }
0x297: {  	vm7 =	vlt.u32 v18, $0x200;
	v18 =	vshll.u32 v18, $0x7  }
0x298: {  	v18 =	vor.u32 v9, v18;
	_ =	sdelay $0x4  }
0x299: {  	[tilespmem:v18+s20+$0x0] =	vst.idx.msk vm7, v2  }
0x29a: {  	[hbm4b:s12+s21] =	stream.strided.scatter [tilespmem:s20], [sflag:$0x1], $0x10000, s22, s21, $0x38;
	[tilespmem:$0x1F600] =	vst v63  }
0x29b: {  	_ =	swait.ge [sflag:s31], $0xF400  }
0x29c: {  	[sflag:s31] =	ssyncset.done $0x0  }
0x29d: {  	[sflag:s31] =	ssyncadd.s32 $0xFFFF0C00  }
0x29e: {  	v18 =	vld [tilespmem:$0x0];
	_ =	sdelay $0x4  }
0x29f: {  	v19 =	vadd.s32 $0xFFFFFE00, v18  }
0x2a0: {  	v18 =	vshll.u32 v18, $0x7;
	vm8 =	vlt.u32 v19, $0x1E8  }
0x2a1: {  	v18 =	vadd.s32 v10, v18;
	_ =	sdelay $0x4  }
0x2a2: {  	[tilespmem:v18+s26+$0x0] =	vst.idx.msk vm8, v0  }
0x2a3: {  	v18 =	vld [tilespmem:$0x10];
	_ =	sdelay $0x4  }
0x2a4: {  	v19 =	vadd.s32 $0xFFFFFE00, v18  }
0x2a5: {  	v18 =	vshll.u32 v18, $0x7;
	vm9 =	vlt.u32 v19, $0x1E8  }
0x2a6: {  	v18 =	vadd.s32 v11, v18;
	_ =	sdelay $0x4  }
0x2a7: {  	[tilespmem:v18+s26+$0x0] =	vst.idx.msk vm9, v0  }
0x2a8: {  	v18 =	vld [tilespmem:$0x20];
	_ =	sdelay $0x4  }
0x2a9: {  	v19 =	vadd.s32 $0xFFFFFE00, v18  }
0x2aa: {  	v18 =	vshll.u32 v18, $0x7;
	vm10 =	vlt.u32 v19, $0x1E8  }
0x2ab: {  	v18 =	vadd.s32 v12, v18;
	_ =	sdelay $0x4  }
0x2ac: {  	[tilespmem:v18+s26+$0x0] =	vst.idx.msk vm10, v0  }
0x2ad: {  	v18 =	vld [tilespmem:$0x30];
	_ =	sdelay $0x4  }
0x2ae: {  	v19 =	vadd.s32 $0xFFFFFE00, v18  }
0x2af: {  	v18 =	vshll.u32 v18, $0x7;
	vm11 =	vlt.u32 v19, $0x1E8  }
0x2b0: {  	v18 =	vadd.s32 v13, v18;
	_ =	sdelay $0x4  }
0x2b1: {  	[tilespmem:v18+s26+$0x0] =	vst.idx.msk vm11, v0  }
0x2b2: {  	v18 =	vld [tilespmem:$0x40];
	_ =	sdelay $0x4  }
0x2b3: {  	v19 =	vadd.s32 $0xFFFFFE00, v18  }
0x2b4: {  	v18 =	vshll.u32 v18, $0x7;
	vm12 =	vlt.u32 v19, $0x1E8  }
0x2b5: {  	v18 =	vadd.s32 v14, v18;
	_ =	sdelay $0x4  }
0x2b6: {  	[tilespmem:v18+s26+$0x0] =	vst.idx.msk vm12, v0  }
0x2b7: {  	v18 =	vld [tilespmem:$0x50];
	_ =	sdelay $0x4  }
0x2b8: {  	v19 =	vadd.s32 $0xFFFFFE00, v18  }
0x2b9: {  	v18 =	vshll.u32 v18, $0x7;
	vm13 =	vlt.u32 v19, $0x1E8  }
0x2ba: {  	v18 =	vadd.s32 v15, v18;
	_ =	sdelay $0x4  }
0x2bb: {  	[tilespmem:v18+s26+$0x0] =	vst.idx.msk vm13, v0  }
0x2bc: {  	v18 =	vld [tilespmem:$0x60];
	_ =	sdelay $0x4  }
0x2bd: {  	v19 =	vadd.s32 $0xFFFFFE00, v18  }
0x2be: {  	v18 =	vshll.u32 v18, $0x7;
	vm14 =	vlt.u32 v19, $0x1E8  }
0x2bf: {  	v18 =	vadd.s32 v16, v18;
	_ =	sdelay $0x4  }
0x2c0: {  	[tilespmem:v18+s26+$0x0] =	vst.idx.msk vm14, v0  }
0x2c1: {  	v18 =	vld [tilespmem:$0x70];
	_ =	sdelay $0x4  }
0x2c2: {  	v19 =	vadd.s32 $0xFFFFFE00, v18  }
0x2c3: {  	v18 =	vshll.u32 v18, $0x7;
	vm15 =	vlt.u32 v19, $0x1E8  }
0x2c4: {  	v18 =	vadd.s32 v17, v18;
	_ =	sdelay $0x4  }
0x2c5: {  	[tilespmem:v18+s26+$0x0] =	vst.idx.msk vm15, v0  }
0x2c6: {  	v18 =	vld [tilespmem:$0x80];
	_ =	sdelay $0x4  }
0x2c7: {  	v19 =	vadd.s32 $0xFFFFFE00, v18  }
0x2c8: {  	v18 =	vshll.u32 v18, $0x7;
	vm4 =	vlt.u32 v19, $0x1E8  }
0x2c9: {  	v18 =	vadd.s32 v10, v18;
	_ =	sdelay $0x4  }
0x2ca: {  	[tilespmem:v18+s26+$0x0] =	vst.idx.msk vm4, v2  }
0x2cb: {  	v18 =	vld [tilespmem:$0x90];
	_ =	sdelay $0x4  }
0x2cc: {  	v19 =	vadd.s32 $0xFFFFFE00, v18  }
0x2cd: {  	v18 =	vshll.u32 v18, $0x7;
	vm5 =	vlt.u32 v19, $0x1E8  }
0x2ce: {  	v18 =	vadd.s32 v11, v18;
	_ =	sdelay $0x4  }
0x2cf: {  	[tilespmem:v18+s26+$0x0] =	vst.idx.msk vm5, v2  }
0x2d0: {  	v18 =	vld [tilespmem:$0xA0];
	_ =	sdelay $0x4  }
0x2d1: {  	v19 =	vadd.s32 $0xFFFFFE00, v18  }
0x2d2: {  	v18 =	vshll.u32 v18, $0x7;
	vm6 =	vlt.u32 v19, $0x1E8  }
0x2d3: {  	v18 =	vadd.s32 v12, v18;
	_ =	sdelay $0x4  }
0x2d4: {  	[tilespmem:v18+s26+$0x0] =	vst.idx.msk vm6, v2  }
0x2d5: {  	v18 =	vld [tilespmem:$0xB0];
	_ =	sdelay $0x4  }
0x2d6: {  	v19 =	vadd.s32 $0xFFFFFE00, v18  }
0x2d7: {  	v18 =	vshll.u32 v18, $0x7;
	vm7 =	vlt.u32 v19, $0x1E8  }
0x2d8: {  	v18 =	vadd.s32 v13, v18;
	_ =	sdelay $0x4  }
0x2d9: {  	[tilespmem:v18+s26+$0x0] =	vst.idx.msk vm7, v2  }
0x2da: {  	v18 =	vld [tilespmem:$0xC0];
	_ =	sdelay $0x4  }
0x2db: {  	v19 =	vadd.s32 $0xFFFFFE00, v18  }
0x2dc: {  	v18 =	vshll.u32 v18, $0x7;
	vm8 =	vlt.u32 v19, $0x1E8  }
0x2dd: {  	v18 =	vadd.s32 v14, v18;
	_ =	sdelay $0x4  }
0x2de: {  	[tilespmem:v18+s26+$0x0] =	vst.idx.msk vm8, v2  }
0x2df: {  	v18 =	vld [tilespmem:$0xD0];
	_ =	sdelay $0x4  }
0x2e0: {  	v19 =	vadd.s32 $0xFFFFFE00, v18  }
0x2e1: {  	v18 =	vshll.u32 v18, $0x7;
	vm9 =	vlt.u32 v19, $0x1E8  }
0x2e2: {  	v18 =	vadd.s32 v15, v18;
	_ =	sdelay $0x4  }
0x2e3: {  	[tilespmem:v18+s26+$0x0] =	vst.idx.msk vm9, v2  }
0x2e4: {  	v18 =	vld [tilespmem:$0xE0];
	_ =	sdelay $0x4  }
0x2e5: {  	v19 =	vadd.s32 $0xFFFFFE00, v18  }
0x2e6: {  	v18 =	vshll.u32 v18, $0x7;
	vm10 =	vlt.u32 v19, $0x1E8  }
0x2e7: {  	v18 =	vadd.s32 v16, v18;
	_ =	sdelay $0x4  }
0x2e8: {  	[tilespmem:v18+s26+$0x0] =	vst.idx.msk vm10, v2  }
0x2e9: {  	v18 =	vld [tilespmem:$0xF0];
	_ =	sdelay $0x4  }
0x2ea: {  	v19 =	vadd.s32 $0xFFFFFE00, v18  }
0x2eb: {  	v18 =	vshll.u32 v18, $0x7;
	vm11 =	vlt.u32 v19, $0x1E8  }
0x2ec: {  	v18 =	vadd.s32 v17, v18;
	_ =	sdelay $0x4  }
0x2ed: {  	[tilespmem:v18+s26+$0x0] =	vst.idx.msk vm11, v2  }
0x2ee: {  	[hbm4b:s13+s21] =	stream.strided.scatter [tilespmem:s26], [sflag:$0x2], $0xF400, s22, s21, $0x38;
	[tilespmem:$0x1F600] =	vst v63  }
0x2ef: {  	_ =	swait.ge [sflag:s19], $0x10000  }
0x2f0: {  	[sflag:s19] =	ssyncset.done $0x0  }
0x2f1: {  	[sflag:s19] =	ssyncadd.s32 $0xFFFF0000  }
0x2f2: {  	v18 =	vld [tilespmem:$0x80];
	_ =	sdelay $0x4  }
0x2f3: {  	vm12 =	vlt.u32 v18, $0x200;
	v18 =	vshll.u32 v18, $0x7  }
0x2f4: {  	v18 =	vor.u32 v1, v18;
	_ =	sdelay $0x4  }
0x2f5: {  	[tilespmem:v18+s20+$0x0] =	vst.idx.msk vm12, v0  }
0x2f6: {  	v18 =	vld [tilespmem:$0x90];
	_ =	sdelay $0x4  }
0x2f7: {  	vm13 =	vlt.u32 v18, $0x200;
	v18 =	vshll.u32 v18, $0x7  }
0x2f8: {  	v18 =	vor.u32 v3, v18;
	_ =	sdelay $0x4  }
0x2f9: {  	[tilespmem:v18+s20+$0x0] =	vst.idx.msk vm13, v0  }
0x2fa: {  	v18 =	vld [tilespmem:$0xA0];
	_ =	sdelay $0x4  }
0x2fb: {  	vm14 =	vlt.u32 v18, $0x200;
	v18 =	vshll.u32 v18, $0x7  }
0x2fc: {  	v18 =	vor.u32 v4, v18;
	_ =	sdelay $0x4  }
0x2fd: {  	[tilespmem:v18+s20+$0x0] =	vst.idx.msk vm14, v0  }
0x2fe: {  	v18 =	vld [tilespmem:$0xB0];
	_ =	sdelay $0x4  }
0x2ff: {  	vm15 =	vlt.u32 v18, $0x200;
	v18 =	vshll.u32 v18, $0x7  }
0x300: {  	v18 =	vor.u32 v5, v18;
	_ =	sdelay $0x4  }
0x301: {  	[tilespmem:v18+s20+$0x0] =	vst.idx.msk vm15, v0  }
0x302: {  	v18 =	vld [tilespmem:$0xC0];
	_ =	sdelay $0x4  }
0x303: {  	vm4 =	vlt.u32 v18, $0x200;
	v18 =	vshll.u32 v18, $0x7  }
0x304: {  	v18 =	vor.u32 v6, v18;
	_ =	sdelay $0x4  }
0x305: {  	[tilespmem:v18+s20+$0x0] =	vst.idx.msk vm4, v0  }
0x306: {  	v18 =	vld [tilespmem:$0xD0];
	_ =	sdelay $0x4  }
0x307: {  	vm5 =	vlt.u32 v18, $0x200;
	v18 =	vshll.u32 v18, $0x7  }
0x308: {  	v18 =	vor.u32 v7, v18;
	_ =	sdelay $0x4  }
0x309: {  	[tilespmem:v18+s20+$0x0] =	vst.idx.msk vm5, v0  }
0x30a: {  	v18 =	vld [tilespmem:$0xE0];
	_ =	sdelay $0x4  }
0x30b: {  	vm6 =	vlt.u32 v18, $0x200;
	v18 =	vshll.u32 v18, $0x7  }
0x30c: {  	v18 =	vor.u32 v8, v18;
	_ =	sdelay $0x4  }
0x30d: {  	[tilespmem:v18+s20+$0x0] =	vst.idx.msk vm6, v0  }
0x30e: {  	v18 =	vld [tilespmem:$0xF0];
	_ =	sdelay $0x4  }
0x30f: {  	vm7 =	vlt.u32 v18, $0x200;
	v18 =	vshll.u32 v18, $0x7  }
0x310: {  	v18 =	vor.u32 v9, v18;
	_ =	sdelay $0x4  }
0x311: {  	[tilespmem:v18+s20+$0x0] =	vst.idx.msk vm7, v0  }
0x312: {  	v18 =	vld [tilespmem:$0x100];
	_ =	sdelay $0x4  }
0x313: {  	vm8 =	vlt.u32 v18, $0x200;
	v18 =	vshll.u32 v18, $0x7  }
0x314: {  	v18 =	vor.u32 v1, v18;
	_ =	sdelay $0x4  }
0x315: {  	[tilespmem:v18+s20+$0x0] =	vst.idx.msk vm8, v2  }
0x316: {  	v18 =	vld [tilespmem:$0x110];
	_ =	sdelay $0x4  }
0x317: {  	vm9 =	vlt.u32 v18, $0x200;
	v18 =	vshll.u32 v18, $0x7  }
0x318: {  	v18 =	vor.u32 v3, v18;
	_ =	sdelay $0x4  }
0x319: {  	[tilespmem:v18+s20+$0x0] =	vst.idx.msk vm9, v2  }
0x31a: {  	v18 =	vld [tilespmem:$0x120];
	_ =	sdelay $0x4  }
0x31b: {  	vm10 =	vlt.u32 v18, $0x200;
	v18 =	vshll.u32 v18, $0x7  }
0x31c: {  	v18 =	vor.u32 v4, v18;
	_ =	sdelay $0x4  }
0x31d: {  	[tilespmem:v18+s20+$0x0] =	vst.idx.msk vm10, v2  }
0x31e: {  	v18 =	vld [tilespmem:$0x130];
	_ =	sdelay $0x4  }
0x31f: {  	vm11 =	vlt.u32 v18, $0x200;
	v18 =	vshll.u32 v18, $0x7  }
0x320: {  	v18 =	vor.u32 v5, v18;
	_ =	sdelay $0x4  }
0x321: {  	[tilespmem:v18+s20+$0x0] =	vst.idx.msk vm11, v2  }
0x322: {  	v18 =	vld [tilespmem:$0x140];
	_ =	sdelay $0x4  }
0x323: {  	vm12 =	vlt.u32 v18, $0x200;
	v18 =	vshll.u32 v18, $0x7  }
0x324: {  	v18 =	vor.u32 v6, v18;
	_ =	sdelay $0x4  }
0x325: {  	[tilespmem:v18+s20+$0x0] =	vst.idx.msk vm12, v2  }
0x326: {  	v18 =	vld [tilespmem:$0x150];
	_ =	sdelay $0x4  }
0x327: {  	vm13 =	vlt.u32 v18, $0x200;
	v18 =	vshll.u32 v18, $0x7  }
0x328: {  	v18 =	vor.u32 v7, v18;
	_ =	sdelay $0x4  }
0x329: {  	[tilespmem:v18+s20+$0x0] =	vst.idx.msk vm13, v2  }
0x32a: {  	v18 =	vld [tilespmem:$0x160];
	_ =	sdelay $0x4  }
0x32b: {  	vm14 =	vlt.u32 v18, $0x200;
	v18 =	vshll.u32 v18, $0x7  }
0x32c: {  	v18 =	vor.u32 v8, v18;
	_ =	sdelay $0x4  }
0x32d: {  	[tilespmem:v18+s20+$0x0] =	vst.idx.msk vm14, v2  }
0x32e: {  	v18 =	vld [tilespmem:$0x170];
	_ =	sdelay $0x4  }
0x32f: {  	vm15 =	vlt.u32 v18, $0x200;
	v18 =	vshll.u32 v18, $0x7  }
0x330: {  	v18 =	vor.u32 v9, v18;
	_ =	sdelay $0x4  }
0x331: {  	[tilespmem:v18+s20+$0x0] =	vst.idx.msk vm15, v2  }
0x332: {  	[hbm4b:s14+s21] =	stream.strided.scatter [tilespmem:s20], [sflag:$0x1], $0x10000, s22, s21, $0x38;
	[tilespmem:$0x1F600] =	vst v63  }
0x333: {  	_ =	swait.ge [sflag:s31], $0xF400  }
0x334: {  	[sflag:s31] =	ssyncset.done $0x0  }
0x335: {  	[sflag:s31] =	ssyncadd.s32 $0xFFFF0C00  }
0x336: {  	v18 =	vld [tilespmem:$0x80];
	_ =	sdelay $0x4  }
0x337: {  	v19 =	vadd.s32 $0xFFFFFE00, v18  }
0x338: {  	v18 =	vshll.u32 v18, $0x7;
	vm4 =	vlt.u32 v19, $0x1E8  }
0x339: {  	v18 =	vadd.s32 v10, v18;
	_ =	sdelay $0x4  }
0x33a: {  	[tilespmem:v18+s26+$0x0] =	vst.idx.msk vm4, v0  }
0x33b: {  	v18 =	vld [tilespmem:$0x90];
	_ =	sdelay $0x4  }
0x33c: {  	v19 =	vadd.s32 $0xFFFFFE00, v18  }
0x33d: {  	v18 =	vshll.u32 v18, $0x7;
	vm5 =	vlt.u32 v19, $0x1E8  }
0x33e: {  	v18 =	vadd.s32 v11, v18;
	_ =	sdelay $0x4  }
0x33f: {  	[tilespmem:v18+s26+$0x0] =	vst.idx.msk vm5, v0  }
0x340: {  	v18 =	vld [tilespmem:$0xA0];
	_ =	sdelay $0x4  }
0x341: {  	v19 =	vadd.s32 $0xFFFFFE00, v18  }
0x342: {  	v18 =	vshll.u32 v18, $0x7;
	vm6 =	vlt.u32 v19, $0x1E8  }
0x343: {  	v18 =	vadd.s32 v12, v18;
	_ =	sdelay $0x4  }
0x344: {  	[tilespmem:v18+s26+$0x0] =	vst.idx.msk vm6, v0  }
0x345: {  	v18 =	vld [tilespmem:$0xB0];
	_ =	sdelay $0x4  }
0x346: {  	v19 =	vadd.s32 $0xFFFFFE00, v18  }
0x347: {  	v18 =	vshll.u32 v18, $0x7;
	vm7 =	vlt.u32 v19, $0x1E8  }
0x348: {  	v18 =	vadd.s32 v13, v18;
	_ =	sdelay $0x4  }
0x349: {  	[tilespmem:v18+s26+$0x0] =	vst.idx.msk vm7, v0  }
0x34a: {  	v18 =	vld [tilespmem:$0xC0];
	_ =	sdelay $0x4  }
0x34b: {  	v19 =	vadd.s32 $0xFFFFFE00, v18  }
0x34c: {  	v18 =	vshll.u32 v18, $0x7;
	vm8 =	vlt.u32 v19, $0x1E8  }
0x34d: {  	v18 =	vadd.s32 v14, v18;
	_ =	sdelay $0x4  }
0x34e: {  	[tilespmem:v18+s26+$0x0] =	vst.idx.msk vm8, v0  }
0x34f: {  	v18 =	vld [tilespmem:$0xD0];
	_ =	sdelay $0x4  }
0x350: {  	v19 =	vadd.s32 $0xFFFFFE00, v18  }
0x351: {  	v18 =	vshll.u32 v18, $0x7;
	vm9 =	vlt.u32 v19, $0x1E8  }
0x352: {  	v18 =	vadd.s32 v15, v18;
	_ =	sdelay $0x4  }
0x353: {  	[tilespmem:v18+s26+$0x0] =	vst.idx.msk vm9, v0  }
0x354: {  	v18 =	vld [tilespmem:$0xE0];
	_ =	sdelay $0x4  }
0x355: {  	v19 =	vadd.s32 $0xFFFFFE00, v18  }
0x356: {  	v18 =	vshll.u32 v18, $0x7;
	vm10 =	vlt.u32 v19, $0x1E8  }
0x357: {  	v18 =	vadd.s32 v16, v18;
	_ =	sdelay $0x4  }
0x358: {  	[tilespmem:v18+s26+$0x0] =	vst.idx.msk vm10, v0  }
0x359: {  	v18 =	vld [tilespmem:$0xF0];
	_ =	sdelay $0x4  }
0x35a: {  	v19 =	vadd.s32 $0xFFFFFE00, v18  }
0x35b: {  	v18 =	vshll.u32 v18, $0x7;
	vm11 =	vlt.u32 v19, $0x1E8  }
0x35c: {  	v18 =	vadd.s32 v17, v18;
	_ =	sdelay $0x4  }
0x35d: {  	[tilespmem:v18+s26+$0x0] =	vst.idx.msk vm11, v0  }
0x35e: {  	v18 =	vld [tilespmem:$0x100];
	_ =	sdelay $0x4  }
0x35f: {  	v19 =	vadd.s32 $0xFFFFFE00, v18  }
0x360: {  	v18 =	vshll.u32 v18, $0x7;
	vm12 =	vlt.u32 v19, $0x1E8  }
0x361: {  	v18 =	vadd.s32 v10, v18;
	_ =	sdelay $0x4  }
0x362: {  	[tilespmem:v18+s26+$0x0] =	vst.idx.msk vm12, v2  }
0x363: {  	v18 =	vld [tilespmem:$0x110];
	_ =	sdelay $0x4  }
0x364: {  	v19 =	vadd.s32 $0xFFFFFE00, v18  }
0x365: {  	v18 =	vshll.u32 v18, $0x7;
	vm13 =	vlt.u32 v19, $0x1E8  }
0x366: {  	v18 =	vadd.s32 v11, v18;
	_ =	sdelay $0x4  }
0x367: {  	[tilespmem:v18+s26+$0x0] =	vst.idx.msk vm13, v2  }
0x368: {  	v18 =	vld [tilespmem:$0x120];
	_ =	sdelay $0x4  }
0x369: {  	v19 =	vadd.s32 $0xFFFFFE00, v18  }
0x36a: {  	v18 =	vshll.u32 v18, $0x7;
	vm14 =	vlt.u32 v19, $0x1E8  }
0x36b: {  	v18 =	vadd.s32 v12, v18;
	_ =	sdelay $0x4  }
0x36c: {  	[tilespmem:v18+s26+$0x0] =	vst.idx.msk vm14, v2  }
0x36d: {  	v18 =	vld [tilespmem:$0x130];
	_ =	sdelay $0x4  }
0x36e: {  	v19 =	vadd.s32 $0xFFFFFE00, v18  }
0x36f: {  	v18 =	vshll.u32 v18, $0x7;
	vm15 =	vlt.u32 v19, $0x1E8  }
0x370: {  	v18 =	vadd.s32 v13, v18;
	_ =	sdelay $0x4  }
0x371: {  	[tilespmem:v18+s26+$0x0] =	vst.idx.msk vm15, v2  }
0x372: {  	v18 =	vld [tilespmem:$0x140];
	_ =	sdelay $0x4  }
0x373: {  	v19 =	vadd.s32 $0xFFFFFE00, v18  }
0x374: {  	v18 =	vshll.u32 v18, $0x7;
	vm4 =	vlt.u32 v19, $0x1E8  }
0x375: {  	v18 =	vadd.s32 v14, v18;
	_ =	sdelay $0x4  }
0x376: {  	[tilespmem:v18+s26+$0x0] =	vst.idx.msk vm4, v2  }
0x377: {  	v18 =	vld [tilespmem:$0x150];
	_ =	sdelay $0x4  }
0x378: {  	v19 =	vadd.s32 $0xFFFFFE00, v18  }
0x379: {  	v18 =	vshll.u32 v18, $0x7;
	vm5 =	vlt.u32 v19, $0x1E8  }
0x37a: {  	v18 =	vadd.s32 v15, v18;
	_ =	sdelay $0x4  }
0x37b: {  	[tilespmem:v18+s26+$0x0] =	vst.idx.msk vm5, v2  }
0x37c: {  	v18 =	vld [tilespmem:$0x160];
	_ =	sdelay $0x4  }
0x37d: {  	v19 =	vadd.s32 $0xFFFFFE00, v18  }
0x37e: {  	v18 =	vshll.u32 v18, $0x7;
	vm6 =	vlt.u32 v19, $0x1E8  }
0x37f: {  	v18 =	vadd.s32 v16, v18;
	_ =	sdelay $0x4  }
0x380: {  	[tilespmem:v18+s26+$0x0] =	vst.idx.msk vm6, v2  }
0x381: {  	v18 =	vld [tilespmem:$0x170];
	_ =	sdelay $0x4  }
0x382: {  	v19 =	vadd.s32 $0xFFFFFE00, v18  }
0x383: {  	v18 =	vshll.u32 v18, $0x7;
	vm7 =	vlt.u32 v19, $0x1E8  }
0x384: {  	v18 =	vadd.s32 v17, v18;
	_ =	sdelay $0x4  }
0x385: {  	[tilespmem:v18+s26+$0x0] =	vst.idx.msk vm7, v2  }
0x386: {  	[hbm4b:s15+s21] =	stream.strided.scatter [tilespmem:s26], [sflag:$0x2], $0xF400, s22, s21, $0x38;
	[tilespmem:$0x1F600] =	vst v63  }
0x387: {  	_ =	swait.ge [sflag:s19], $0x10000  }
0x388: {  	[sflag:s19] =	ssyncset.done $0x0  }
0x389: {  	[sflag:s19] =	ssyncadd.s32 $0xFFFF0000  }
0x38a: {  	v18 =	vld [tilespmem:$0x100];
	_ =	sdelay $0x4  }
0x38b: {  	vm8 =	vlt.u32 v18, $0x200;
	v18 =	vshll.u32 v18, $0x7  }
0x38c: {  	v18 =	vor.u32 v1, v18;
	_ =	sdelay $0x4  }
0x38d: {  	[tilespmem:v18+s20+$0x0] =	vst.idx.msk vm8, v0  }
0x38e: {  	v18 =	vld [tilespmem:$0x110];
	_ =	sdelay $0x4  }
0x38f: {  	vm9 =	vlt.u32 v18, $0x200;
	v18 =	vshll.u32 v18, $0x7  }
0x390: {  	v18 =	vor.u32 v3, v18;
	_ =	sdelay $0x4  }
0x391: {  	[tilespmem:v18+s20+$0x0] =	vst.idx.msk vm9, v0  }
0x392: {  	v18 =	vld [tilespmem:$0x120];
	_ =	sdelay $0x4  }
0x393: {  	vm10 =	vlt.u32 v18, $0x200;
	v18 =	vshll.u32 v18, $0x7  }
0x394: {  	v18 =	vor.u32 v4, v18;
	_ =	sdelay $0x4  }
0x395: {  	[tilespmem:v18+s20+$0x0] =	vst.idx.msk vm10, v0  }
0x396: {  	v18 =	vld [tilespmem:$0x130];
	_ =	sdelay $0x4  }
0x397: {  	vm11 =	vlt.u32 v18, $0x200;
	v18 =	vshll.u32 v18, $0x7  }
0x398: {  	v18 =	vor.u32 v5, v18;
	_ =	sdelay $0x4  }
0x399: {  	[tilespmem:v18+s20+$0x0] =	vst.idx.msk vm11, v0  }
0x39a: {  	v18 =	vld [tilespmem:$0x140];
	_ =	sdelay $0x4  }
0x39b: {  	vm12 =	vlt.u32 v18, $0x200;
	v18 =	vshll.u32 v18, $0x7  }
0x39c: {  	v18 =	vor.u32 v6, v18;
	_ =	sdelay $0x4  }
0x39d: {  	[tilespmem:v18+s20+$0x0] =	vst.idx.msk vm12, v0  }
0x39e: {  	v18 =	vld [tilespmem:$0x150];
	_ =	sdelay $0x4  }
0x39f: {  	vm13 =	vlt.u32 v18, $0x200;
	v18 =	vshll.u32 v18, $0x7  }
0x3a0: {  	v18 =	vor.u32 v7, v18;
	_ =	sdelay $0x4  }
0x3a1: {  	[tilespmem:v18+s20+$0x0] =	vst.idx.msk vm13, v0  }
0x3a2: {  	v18 =	vld [tilespmem:$0x160];
	_ =	sdelay $0x4  }
0x3a3: {  	vm14 =	vlt.u32 v18, $0x200;
	v18 =	vshll.u32 v18, $0x7  }
0x3a4: {  	v18 =	vor.u32 v8, v18;
	_ =	sdelay $0x4  }
0x3a5: {  	[tilespmem:v18+s20+$0x0] =	vst.idx.msk vm14, v0  }
0x3a6: {  	v18 =	vld [tilespmem:$0x170];
	_ =	sdelay $0x4  }
0x3a7: {  	vm15 =	vlt.u32 v18, $0x200;
	v18 =	vshll.u32 v18, $0x7  }
0x3a8: {  	v18 =	vor.u32 v9, v18;
	_ =	sdelay $0x4  }
0x3a9: {  	[tilespmem:v18+s20+$0x0] =	vst.idx.msk vm15, v0  }
0x3aa: {  	v18 =	vld [tilespmem:$0x180];
	_ =	sdelay $0x4  }
0x3ab: {  	vm4 =	vlt.u32 v18, $0x200;
	v18 =	vshll.u32 v18, $0x7  }
0x3ac: {  	v18 =	vor.u32 v1, v18;
	_ =	sdelay $0x4  }
0x3ad: {  	[tilespmem:v18+s20+$0x0] =	vst.idx.msk vm4, v2  }
0x3ae: {  	v18 =	vld [tilespmem:$0x190];
	_ =	sdelay $0x4  }
0x3af: {  	vm5 =	vlt.u32 v18, $0x200;
	v18 =	vshll.u32 v18, $0x7  }
0x3b0: {  	v18 =	vor.u32 v3, v18;
	_ =	sdelay $0x4  }
0x3b1: {  	[tilespmem:v18+s20+$0x0] =	vst.idx.msk vm5, v2  }
0x3b2: {  	v18 =	vld [tilespmem:$0x1A0];
	_ =	sdelay $0x4  }
0x3b3: {  	vm6 =	vlt.u32 v18, $0x200;
	v18 =	vshll.u32 v18, $0x7  }
0x3b4: {  	v18 =	vor.u32 v4, v18;
	_ =	sdelay $0x4  }
0x3b5: {  	[tilespmem:v18+s20+$0x0] =	vst.idx.msk vm6, v2  }
0x3b6: {  	v18 =	vld [tilespmem:$0x1B0];
	_ =	sdelay $0x4  }
0x3b7: {  	vm7 =	vlt.u32 v18, $0x200;
	v18 =	vshll.u32 v18, $0x7  }
0x3b8: {  	v18 =	vor.u32 v5, v18;
	_ =	sdelay $0x4  }
0x3b9: {  	[tilespmem:v18+s20+$0x0] =	vst.idx.msk vm7, v2  }
0x3ba: {  	v18 =	vld [tilespmem:$0x1C0];
	_ =	sdelay $0x4  }
0x3bb: {  	vm8 =	vlt.u32 v18, $0x200;
	v18 =	vshll.u32 v18, $0x7  }
0x3bc: {  	v18 =	vor.u32 v6, v18;
	_ =	sdelay $0x4  }
0x3bd: {  	[tilespmem:v18+s20+$0x0] =	vst.idx.msk vm8, v2  }
0x3be: {  	v18 =	vld [tilespmem:$0x1D0];
	_ =	sdelay $0x4  }
0x3bf: {  	vm9 =	vlt.u32 v18, $0x200;
	v18 =	vshll.u32 v18, $0x7  }
0x3c0: {  	v18 =	vor.u32 v7, v18;
	_ =	sdelay $0x4  }
0x3c1: {  	[tilespmem:v18+s20+$0x0] =	vst.idx.msk vm9, v2  }
0x3c2: {  	v18 =	vld [tilespmem:$0x1E0];
	_ =	sdelay $0x4  }
0x3c3: {  	vm10 =	vlt.u32 v18, $0x200;
	v18 =	vshll.u32 v18, $0x7  }
0x3c4: {  	v18 =	vor.u32 v8, v18;
	_ =	sdelay $0x4  }
0x3c5: {  	[tilespmem:v18+s20+$0x0] =	vst.idx.msk vm10, v2  }
0x3c6: {  	v18 =	vld [tilespmem:$0x1F0];
	_ =	sdelay $0x4  }
0x3c7: {  	vm11 =	vlt.u32 v18, $0x200;
	v18 =	vshll.u32 v18, $0x7  }
0x3c8: {  	v18 =	vor.u32 v9, v18;
	_ =	sdelay $0x4  }
0x3c9: {  	[tilespmem:v18+s20+$0x0] =	vst.idx.msk vm11, v2  }
0x3ca: {  	[hbm4b:s16+s21] =	stream.strided.scatter [tilespmem:s20], [sflag:$0x1], $0x10000, s22, s21, $0x38;
	[tilespmem:$0x1F600] =	vst v63  }
0x3cb: {  	_ =	swait.ge [sflag:s31], $0xF400  }
0x3cc: {  	[sflag:s31] =	ssyncset.done $0x0  }
0x3cd: {  	[sflag:s31] =	ssyncadd.s32 $0xFFFF0C00  }
0x3ce: {  	v18 =	vld [tilespmem:$0x100];
	_ =	sdelay $0x4  }
0x3cf: {  	v19 =	vadd.s32 $0xFFFFFE00, v18  }
0x3d0: {  	v18 =	vshll.u32 v18, $0x7;
	vm12 =	vlt.u32 v19, $0x1E8  }
0x3d1: {  	v18 =	vadd.s32 v10, v18;
	_ =	sdelay $0x4  }
0x3d2: {  	[tilespmem:v18+s26+$0x0] =	vst.idx.msk vm12, v0  }
0x3d3: {  	v18 =	vld [tilespmem:$0x110];
	_ =	sdelay $0x4  }
0x3d4: {  	v19 =	vadd.s32 $0xFFFFFE00, v18  }
0x3d5: {  	v18 =	vshll.u32 v18, $0x7;
	vm13 =	vlt.u32 v19, $0x1E8  }
0x3d6: {  	v18 =	vadd.s32 v11, v18;
	_ =	sdelay $0x4  }
0x3d7: {  	[tilespmem:v18+s26+$0x0] =	vst.idx.msk vm13, v0  }
0x3d8: {  	v18 =	vld [tilespmem:$0x120];
	_ =	sdelay $0x4  }
0x3d9: {  	v19 =	vadd.s32 $0xFFFFFE00, v18  }
0x3da: {  	v18 =	vshll.u32 v18, $0x7;
	vm14 =	vlt.u32 v19, $0x1E8  }
0x3db: {  	v18 =	vadd.s32 v12, v18;
	_ =	sdelay $0x4  }
0x3dc: {  	[tilespmem:v18+s26+$0x0] =	vst.idx.msk vm14, v0  }
0x3dd: {  	v18 =	vld [tilespmem:$0x130];
	_ =	sdelay $0x4  }
0x3de: {  	v19 =	vadd.s32 $0xFFFFFE00, v18  }
0x3df: {  	v18 =	vshll.u32 v18, $0x7;
	vm15 =	vlt.u32 v19, $0x1E8  }
0x3e0: {  	v18 =	vadd.s32 v13, v18;
	_ =	sdelay $0x4  }
0x3e1: {  	[tilespmem:v18+s26+$0x0] =	vst.idx.msk vm15, v0  }
0x3e2: {  	v18 =	vld [tilespmem:$0x140];
	_ =	sdelay $0x4  }
0x3e3: {  	v19 =	vadd.s32 $0xFFFFFE00, v18  }
0x3e4: {  	v18 =	vshll.u32 v18, $0x7;
	vm4 =	vlt.u32 v19, $0x1E8  }
0x3e5: {  	v18 =	vadd.s32 v14, v18;
	_ =	sdelay $0x4  }
0x3e6: {  	[tilespmem:v18+s26+$0x0] =	vst.idx.msk vm4, v0  }
0x3e7: {  	v18 =	vld [tilespmem:$0x150];
	_ =	sdelay $0x4  }
0x3e8: {  	v19 =	vadd.s32 $0xFFFFFE00, v18  }
0x3e9: {  	v18 =	vshll.u32 v18, $0x7;
	vm5 =	vlt.u32 v19, $0x1E8  }
0x3ea: {  	v18 =	vadd.s32 v15, v18;
	_ =	sdelay $0x4  }
0x3eb: {  	[tilespmem:v18+s26+$0x0] =	vst.idx.msk vm5, v0  }
0x3ec: {  	v18 =	vld [tilespmem:$0x160];
	_ =	sdelay $0x4  }
0x3ed: {  	v19 =	vadd.s32 $0xFFFFFE00, v18  }
0x3ee: {  	v18 =	vshll.u32 v18, $0x7;
	vm6 =	vlt.u32 v19, $0x1E8  }
0x3ef: {  	v18 =	vadd.s32 v16, v18;
	_ =	sdelay $0x4  }
0x3f0: {  	[tilespmem:v18+s26+$0x0] =	vst.idx.msk vm6, v0  }
0x3f1: {  	v18 =	vld [tilespmem:$0x170];
	_ =	sdelay $0x4  }
0x3f2: {  	v19 =	vadd.s32 $0xFFFFFE00, v18  }
0x3f3: {  	v18 =	vshll.u32 v18, $0x7;
	vm7 =	vlt.u32 v19, $0x1E8  }
0x3f4: {  	v18 =	vadd.s32 v17, v18;
	_ =	sdelay $0x4  }
0x3f5: {  	[tilespmem:v18+s26+$0x0] =	vst.idx.msk vm7, v0  }
0x3f6: {  	v18 =	vld [tilespmem:$0x180];
	_ =	sdelay $0x4  }
0x3f7: {  	v19 =	vadd.s32 $0xFFFFFE00, v18  }
0x3f8: {  	v18 =	vshll.u32 v18, $0x7;
	vm8 =	vlt.u32 v19, $0x1E8  }
0x3f9: {  	v18 =	vadd.s32 v10, v18;
	_ =	sdelay $0x4  }
0x3fa: {  	[tilespmem:v18+s26+$0x0] =	vst.idx.msk vm8, v2  }
0x3fb: {  	v18 =	vld [tilespmem:$0x190];
	_ =	sdelay $0x4  }
0x3fc: {  	v19 =	vadd.s32 $0xFFFFFE00, v18  }
0x3fd: {  	v18 =	vshll.u32 v18, $0x7;
	vm9 =	vlt.u32 v19, $0x1E8  }
0x3fe: {  	v18 =	vadd.s32 v11, v18;
	_ =	sdelay $0x4  }
0x3ff: {  	[tilespmem:v18+s26+$0x0] =	vst.idx.msk vm9, v2  }
0x400: {  	v18 =	vld [tilespmem:$0x1A0];
	_ =	sdelay $0x4  }
0x401: {  	v19 =	vadd.s32 $0xFFFFFE00, v18  }
0x402: {  	v18 =	vshll.u32 v18, $0x7;
	vm10 =	vlt.u32 v19, $0x1E8  }
0x403: {  	v18 =	vadd.s32 v12, v18;
	_ =	sdelay $0x4  }
0x404: {  	[tilespmem:v18+s26+$0x0] =	vst.idx.msk vm10, v2  }
0x405: {  	v18 =	vld [tilespmem:$0x1B0];
	_ =	sdelay $0x4  }
0x406: {  	v19 =	vadd.s32 $0xFFFFFE00, v18  }
0x407: {  	v18 =	vshll.u32 v18, $0x7;
	vm11 =	vlt.u32 v19, $0x1E8  }
0x408: {  	v18 =	vadd.s32 v13, v18;
	_ =	sdelay $0x4  }
0x409: {  	[tilespmem:v18+s26+$0x0] =	vst.idx.msk vm11, v2  }
0x40a: {  	v18 =	vld [tilespmem:$0x1C0];
	_ =	sdelay $0x4  }
0x40b: {  	v19 =	vadd.s32 $0xFFFFFE00, v18  }
0x40c: {  	v18 =	vshll.u32 v18, $0x7;
	vm12 =	vlt.u32 v19, $0x1E8  }
0x40d: {  	v18 =	vadd.s32 v14, v18;
	_ =	sdelay $0x4  }
0x40e: {  	[tilespmem:v18+s26+$0x0] =	vst.idx.msk vm12, v2  }
0x40f: {  	v18 =	vld [tilespmem:$0x1D0];
	_ =	sdelay $0x4  }
0x410: {  	v19 =	vadd.s32 $0xFFFFFE00, v18  }
0x411: {  	v18 =	vshll.u32 v18, $0x7;
	vm13 =	vlt.u32 v19, $0x1E8  }
0x412: {  	v18 =	vadd.s32 v15, v18;
	_ =	sdelay $0x4  }
0x413: {  	[tilespmem:v18+s26+$0x0] =	vst.idx.msk vm13, v2  }
0x414: {  	v18 =	vld [tilespmem:$0x1E0];
	_ =	sdelay $0x4  }
0x415: {  	v19 =	vadd.s32 $0xFFFFFE00, v18  }
0x416: {  	v18 =	vshll.u32 v18, $0x7;
	vm14 =	vlt.u32 v19, $0x1E8  }
0x417: {  	v18 =	vadd.s32 v16, v18;
	_ =	sdelay $0x4  }
0x418: {  	[tilespmem:v18+s26+$0x0] =	vst.idx.msk vm14, v2  }
0x419: {  	v18 =	vld [tilespmem:$0x1F0];
	_ =	sdelay $0x4  }
0x41a: {  	v19 =	vadd.s32 $0xFFFFFE00, v18  }
0x41b: {  	v18 =	vshll.u32 v18, $0x7;
	vm15 =	vlt.u32 v19, $0x1E8  }
0x41c: {  	v18 =	vadd.s32 v17, v18;
	_ =	sdelay $0x4  }
0x41d: {  	s0 =	sadd.s32 $0x1, s0;
	[tilespmem:v18+s26+$0x0] =	vst.idx.msk vm15, v2  }
0x41e: {  	[hbm4b:s17+s21] =	stream.strided.scatter [tilespmem:s26], [sflag:$0x2], $0xF400, s22, s21, $0x38;
	[tilespmem:$0x1F600] =	vst v63  }
0x41f: {  	p0 =	sne.s32 s0, s18;
	_ =	swait.ge [sflag:s19], $0x10000  }
.Ltmp8:
0x420: {  	[sflag:s19] =	ssyncset.done $0x0;
	(pc) =	sbr.rel @p0 .LBB2_1-.Ltmp8, $4  }
0x421: {  	[sflag:s19] =	ssyncadd.s32 $0xFFFF0000  }
0x422: {  	_ =	swait.ge [sflag:s31], $0xF400  }
0x423: {  	[sflag:s31] =	ssyncset.done $0x0  }
0x424: {  	[sflag:s31] =	ssyncadd.s32 $0xFFFF0C00  }
0x425: {  	_ =	sfence.sel $0x180000  }
0x426: {  	[bflag:$0x0] =	sbarrier.arrive $0xFFFF  }
0x427: {  	_ =	strace $0x90000047  }
0x428: {  	s0 =	stileid.u32;
	[bflag:$0x2] =	sbarrier.arrive $0xFFFF  }
0x429: {  	p0 =	sne.s32 s0, $0x0;
	s0 =	rddreg [dreg:$0x2]  }
0x42a: {  	s0 =	sadd.s32 @!p0 $0x100000, s0  }
0x42b: {  	[sflag:s0] =	ssyncadd.tile.s32 @!p0 $0x1;
	_ =	shalt  }
.Lfunc_end2:
_tile_overlayer_lowered:
.L_overlay_start_2:
0x42c: {  	(tag) =	ssettag $0x2  }
0x42d: {  	s0 =	rddreg [dreg:$0x0];
	s2 =	stileid.u32  }
0x42e: {  	s1 =	rddreg [dreg:$0x1];
	p0 =	sne.s32 s2, $0x0  }
0x42f: {  	s3 =	rddreg [dreg:$0x2];
	[bflag:$0x3] =	sbarrier.arrive $0xFFFF;
	s2 =	simm.s32 @!p0 $0x1C03  }
0x430: {  	[timem:s3], [sflag:s2] =	dma.local @!p0 [hbm:s0], s1  }
0x431: {  	s0 =	simm.s32 @!p0 $0x3  }
0x432: {  	_ =	swait.ge @!p0 [sflag:s0], s1  }
0x433: {  	s1 =	ssub.s32 @!p0 $0x0, s1;
	[sflag:s0] =	ssyncset.done @!p0 $0x0  }
0x434: {  	[sflag:s0] =	ssyncadd.s32 @!p0 s1  }
0x435: {  	[bflag:$0x3] =	sbarrier.arrive $0xFFFF  }
0x436: {  	_ =	shalt  }

</sc_bundles>
